<compile_context>
chip_gen: v7x
topology: tpu7x:2x2x1
jax: 0.10.2.dev20260603
libtpu: 0.0.44.dev20260713+nightly
codegen_flags: <defaults>
</compile_context>

<pallas_src>
import functools

import jax
import jax.numpy as jnp
from jax.experimental import pallas as pl
from jax.experimental.pallas import tpu as pltpu
from jax.experimental.pallas import tpu_sc as plsc

_LEAF_START = 131071
_RANK = 32
_N8 = 262144
_TBLK = 16384
_NW = 32
_KROWS = 4
_CHUNK = _KROWS * 128


def _transform_body(t_ref, w1_ref, b1_ref, w2_ref, b2_ref, o_ref):
    i = pl.program_id(0)
    x = t_ref[...]
    xb = x.astype(jnp.bfloat16)
    h = jax.lax.dot_general(w1_ref[...], xb, (((1,), (0,)), ((), ())),
                            preferred_element_type=jnp.float32)
    h = jnp.maximum(h + b1_ref[...], 0.0).astype(jnp.bfloat16)
    h2 = jax.lax.dot_general(w2_ref[...], h, (((1,), (0,)), ((), ())),
                             preferred_element_type=jnp.float32)
    h2 = h2 + b2_ref[...]
    cols = i * _TBLK + jax.lax.broadcasted_iota(jnp.int32, (1, _TBLK), 1)
    out_t = jnp.where(cols < _LEAF_START, h2, x)
    out = out_t.T
    o_ref[...] = jnp.concatenate(
        [out, jnp.zeros((_TBLK, 2 * _RANK), jnp.float32)], axis=1)


def _transform_table(table_t, w1t, b1col, w2t, b2col):
    return pl.pallas_call(
        _transform_body,
        grid=(_N8 // _TBLK,),
        in_specs=[
            pl.BlockSpec((2 * _RANK, _TBLK), lambda i: (0, i)),
            pl.BlockSpec((2 * _RANK, 2 * _RANK), lambda i: (0, 0)),
            pl.BlockSpec((2 * _RANK, 1), lambda i: (0, 0)),
            pl.BlockSpec((2 * _RANK, 2 * _RANK), lambda i: (0, 0)),
            pl.BlockSpec((2 * _RANK, 1), lambda i: (0, 0)),
        ],
        out_specs=pl.BlockSpec((_TBLK, 128), lambda i: (i, 0)),
        out_shape=jax.ShapeDtypeStruct((_N8, 128), jnp.float32),
    )(table_t, w1t, b1col, w2t, b2col)


def _sc_gather(tp, idx3d):
    m = idx3d.shape[0] * _CHUNK
    n_chunks = m // _CHUNK
    per_w = n_chunks // _NW
    mesh = plsc.VectorSubcoreMesh(core_axis_name="c", subcore_axis_name="s")

    @functools.partial(
        pl.kernel,
        mesh=mesh,
        out_type=jax.ShapeDtypeStruct((m, 128), jnp.float32),
        scratch_types=[
            pltpu.VMEM((per_w, _KROWS, 128), jnp.int32),
            pltpu.VMEM((_CHUNK, 128), jnp.float32),
            pltpu.SemaphoreType.DMA,
        ],
        compiler_params=pltpu.CompilerParams(use_tc_tiling_on_sc=True),
    )
    def k(tp_hbm, idx_hbm, g_hbm, idx_v, r_v, sem):
        wid = jax.lax.axis_index("s") * 2 + jax.lax.axis_index("c")
        base = wid * per_w
        pltpu.sync_copy(idx_hbm.at[pl.ds(base, per_w)], idx_v)

        @pl.loop(0, per_w)
        def _(ci):
            c = base + ci
            copies = []
            for j in range(_KROWS):
                copies.append(pltpu.async_copy(
                    tp_hbm.at[idx_v.at[ci, j]],
                    r_v.at[pl.ds(j * 128, 128)], sem))
            for cp in copies:
                cp.wait()
            pltpu.sync_copy(r_v, g_hbm.at[pl.ds(c * _CHUNK, _CHUNK)])

    return k(tp, idx3d)


_BBLK = 32
_NSLICE = 4


def _extract_body(g_ref, o0_ref, o1_ref):
    x = g_ref[...]
    for q in range(_BBLK):
        xt = x[q * 512:(q + 1) * 512, :2 * _RANK].T
        o0_ref[q] = xt[:_RANK]
        o1_ref[q] = xt[_RANK:]


def _extract_first_body(g_ref, o0_ref, o1_ref):
    _extract_body(g_ref, o0_ref, o1_ref)


def _extract_slice_body(g_ref, p0_ref, p1_ref, o0_ref, o1_ref):
    del p0_ref, p1_ref
    _extract_body(g_ref, o0_ref, o1_ref)


def _extract_first(g0, b, n, bs):
    return pl.pallas_call(
        _extract_first_body,
        grid=(bs // _BBLK,),
        compiler_params=pltpu.CompilerParams(
            dimension_semantics=("arbitrary",)),
        in_specs=[pl.BlockSpec((_BBLK * n, 128), lambda i: (i, 0))],
        out_specs=[
            pl.BlockSpec((_BBLK, _RANK, n), lambda i: (i, 0, 0)),
            pl.BlockSpec((_BBLK, _RANK, n), lambda i: (i, 0, 0)),
        ],
        out_shape=[
            jax.ShapeDtypeStruct((b, _RANK, n), jnp.float32),
            jax.ShapeDtypeStruct((b, _RANK, n), jnp.float32),
        ],
    )(g0)


def _extract_slice(g_s, p0, p1, off_blocks, n, bs):
    off = off_blocks
    return pl.pallas_call(
        _extract_slice_body,
        grid=(bs // _BBLK,),
        in_specs=[
            pl.BlockSpec((_BBLK * n, 128), lambda i: (i, 0)),
            pl.BlockSpec((1, 8, 128), lambda i: (0, 0, 0)),
            pl.BlockSpec((1, 8, 128), lambda i: (0, 0, 0)),
        ],
        out_specs=[
            pl.BlockSpec((_BBLK, _RANK, n), lambda i, o=off: (o + i, 0, 0)),
            pl.BlockSpec((_BBLK, _RANK, n), lambda i, o=off: (o + i, 0, 0)),
        ],
        out_shape=[
            jax.ShapeDtypeStruct(p0.shape, jnp.float32),
            jax.ShapeDtypeStruct(p1.shape, jnp.float32),
        ],
        input_output_aliases={1: 0, 2: 1},
    )(g_s, p0, p1)


def kernel(nodeIdx, table, W1_0, b1_0, W2_0, b2_0, W1_1, b1_1, W2_1, b2_1):
    r = _RANK
    w1bd = jnp.zeros((2 * r, 2 * r), jnp.float32)
    w1bd = w1bd.at[:r, :r].set(W1_0).at[r:, r:].set(W1_1)
    w2bd = jnp.zeros((2 * r, 2 * r), jnp.float32)
    w2bd = w2bd.at[:r, :r].set(W2_0).at[r:, r:].set(W2_1)
    w1t = w1bd.T.astype(jnp.bfloat16)
    w2t = w2bd.T.astype(jnp.bfloat16)
    b1col = jnp.concatenate([b1_0, b1_1]).reshape(2 * r, 1)
    b2col = jnp.concatenate([b2_0, b2_1]).reshape(2 * r, 1)

    tp = _transform_table(table.T, w1t, b1col, w2t, b2col)

    b, n = nodeIdx.shape
    idx3d = nodeIdx.reshape(b * n // _CHUNK, _KROWS, 128)
    slice_b = (320, 320, 320, 64)
    cpb = n // _CHUNK
    offs = [sum(slice_b[:s]) for s in range(len(slice_b))]
    gs = [_sc_gather(tp, idx3d[o * cpb:(o + sb) * cpb])
          for o, sb in zip(offs, slice_b)]
    o0t, o1t = _extract_first(gs[0], b, n, slice_b[0])
    for s in range(1, len(slice_b)):
        o0t, o1t = _extract_slice(gs[s], o0t, o1t, offs[s] // _BBLK, n,
                                  slice_b[s])
    return (jnp.transpose(o0t, (0, 2, 1)), jnp.transpose(o1t, (0, 2, 1)))

# --- scband reference (transcript-rebuilt; emitter-appended) ---
"""Pipeline reference for scband-left-12893491822862 (READ-ONLY COPY).

The authoritative reference and input builder live on the scoring server;
editing this copy changes nothing except your own understanding.
"""

import jax, jax.numpy as jnp
import numpy as np

NUM_TREE_NODES = 262143
LEAF_START = 131071
RANK = 32
CHUNKS = 2


def setup_inputs(seed: int = 0) -> dict:
    key = jax.random.key(seed)
    ks = jax.random.split(key, 12)
    nodeIdx = jax.random.randint(ks[0], (1024, 512), 0, NUM_TREE_NODES)
    table = jax.random.normal(ks[1], (NUM_TREE_NODES, RANK * CHUNKS), dtype=jnp.float32) * 0.02

    def lin(k, fan_in, fan_out):
        return jax.random.normal(k, (fan_in, fan_out), dtype=jnp.float32) * (1.0 / np.sqrt(fan_in))

    inp = {"nodeIdx": nodeIdx, "table": table}
    for c in range(CHUNKS):
        inp[f"W1_{c}"] = lin(ks[2 + 4 * c], RANK, RANK)
        inp[f"b1_{c}"] = jnp.zeros((RANK,), jnp.float32)
        inp[f"W2_{c}"] = lin(ks[3 + 4 * c], RANK, RANK)
        inp[f"b2_{c}"] = jnp.zeros((RANK,), jnp.float32)
    return inp


def reference(nodeIdx, table, W1_0, b1_0, W2_0, b2_0, W1_1, b1_1, W2_1, b2_1):
    # TreeNodeEmbeddings.forward(nodeIdx, query=None):
    # embedding gather -> chunk -> per-chunk MLP applied only to non-leaf tree nodes
    embeds = jnp.take(table, nodeIdx, axis=0)            # [B, N, rank*chunks]
    chunks = jnp.split(embeds, CHUNKS, axis=-1)          # CHUNKS x [B, N, rank]
    nonleaf = (nodeIdx < LEAF_START)[..., None]          # leaf_mask == 0
    params = [(W1_0, b1_0, W2_0, b2_0), (W1_1, b1_1, W2_1, b2_1)]
    outs = []
    for c in range(CHUNKS):
        W1, b1, W2, b2 = params[c]
        h = jax.nn.relu(chunks[c] @ W1 + b1) @ W2 + b2
        outs.append(jnp.where(nonleaf, h, chunks[c]))
    return tuple(outs)

if __name__ == "__main__":
    import jax
    _d = setup_inputs()
    print(jax.jit(kernel)(*tuple(_d.values())))

</pallas_src>

<mosaic_0001>
#map = affine_map<(d0, d1) -> (0, 0)>
#map1 = affine_map<(d0, d1) -> (0, 0, 0)>
module attributes {stable_mosaic.version = 14 : i64} {
  func.func @k(%arg0: i32, %arg1: i32, %arg2: memref<262144x128xf32, #tpu.memory_space<hbm>>, %arg3: memref<320x4x128xi32, #tpu.memory_space<hbm>>, %arg4: memref<163840x128xf32, #tpu.memory_space<hbm>>, %arg5: memref<10x4x128xi32, #tpu.memory_space<vmem>>, %arg6: memref<512x128xf32, #tpu.memory_space<vmem>>, %arg7: memref<!tpu.dma_semaphore, #tpu.memory_space<semaphore_mem>>) attributes {dimension_semantics = [#tpu.dimension_semantics<core_parallel>, #tpu.dimension_semantics<subcore_parallel>], iteration_bounds = array<i64: 2, 16>, scalar_prefetch = 0 : i64, scratch_operands = 3 : i64, tpu.core_type = #tpu.core_type<sc_vector_subcore>, window_params = [{transform_indices = #map}, {transform_indices = #map1}, {transform_indices = #map}]} {
    %mul3A = arith.constant 2 : i32
    %mul3A_0 = arith.muli %arg1, %mul3A : i32
    %add3A = arith.addi %mul3A_0, %arg0 : i32
    %mul3A_1 = arith.constant 10 : i32
    %mul3A_2 = arith.muli %add3A, %mul3A_1 : i32
    "tpu.region"() ({
      %run_scoped3A = tpu.sem_alloc : memref<!tpu.dma_semaphore, #tpu.memory_space<semaphore_mem>>
      %dma_start3A = arith.constant 0 : i32
      %dma_start3A_7 = arith.constant 0 : i32
      %dma_start3A_8 = tpu.memref_slice %arg3[%mul3A_2, %dma_start3A, %dma_start3A_7] : memref<320x4x128xi32, #tpu.memory_space<hbm>> -> memref<10x4x128xi32, #tpu.memory_space<hbm>>
      %dma_start3A_9 = arith.constant 0 : i32
      %dma_start3A_10 = arith.constant 0 : i32
      %dma_start3A_11 = tpu.memref_slice %arg3[%mul3A_2, %dma_start3A_9, %dma_start3A_10] : memref<320x4x128xi32, #tpu.memory_space<hbm>> -> memref<10x4x128xi32, #tpu.memory_space<hbm>>
      tpu.enqueue_dma source(%dma_start3A_11 : memref<10x4x128xi32, #tpu.memory_space<hbm>>) target(%arg5 : memref<10x4x128xi32, #tpu.memory_space<vmem>>) target_semaphore(%run_scoped3A : memref<!tpu.dma_semaphore, #tpu.memory_space<semaphore_mem>>)
      %dma_wait3A = arith.constant 0 : i32
      %dma_wait3A_12 = arith.constant 0 : i32
      %dma_wait3A_13 = tpu.memref_slice %arg3[%mul3A_2, %dma_wait3A, %dma_wait3A_12] : memref<320x4x128xi32, #tpu.memory_space<hbm>> -> memref<10x4x128xi32, #tpu.memory_space<hbm>>
      %dma_wait3A_14 = arith.constant 0 : i32
      %dma_wait3A_15 = arith.constant 0 : i32
      %dma_wait3A_16 = tpu.memref_slice %arg3[%mul3A_2, %dma_wait3A_14, %dma_wait3A_15] : memref<320x4x128xi32, #tpu.memory_space<hbm>> -> memref<10x4x128xi32, #tpu.memory_space<hbm>>
      tpu.wait_dma2 semaphore(%run_scoped3A : memref<!tpu.dma_semaphore, #tpu.memory_space<semaphore_mem>>) src(%dma_wait3A_16 : memref<10x4x128xi32, #tpu.memory_space<hbm>>) dst(%arg5 : memref<10x4x128xi32, #tpu.memory_space<vmem>>)
      tpu.yield
    }) : () -> ()
    %scan3A = arith.constant 0 : i32
    %scan3A_3 = arith.constant 10 : i32
    %scan3A_4 = arith.addi %scan3A, %scan3A_3 : i32
    %scan3A_5 = arith.constant 1 : i32
    scf.for %scan3A_7 = %scan3A to %scan3A_4 step %scan3A_5  : i32 {
      %mul3A_8 = arith.constant 1 : i32
      %mul3A_9 = arith.muli %scan3A_7, %mul3A_8 : i32
      %add3A_10 = arith.constant 0 : i32
      %add3A_11 = arith.addi %add3A_10, %mul3A_9 : i32
      %add3A_12 = arith.addi %mul3A_2, %add3A_11 : i32
      %dma_start3A = arith.constant 0 : i32
      %dma_start3A_13 = arith.constant 0 : i32
      %dma_start3A_14 = arith.constant 0 : i32
      %dma_start3A_15 = tpu.memref_slice %arg6[%dma_start3A_13, %dma_start3A_14] : memref<512x128xf32, #tpu.memory_space<vmem>> -> memref<128x128xf32, #tpu.memory_space<vmem>>
      %dma_start3A_16 = arith.constant 0 : i32
      %dma_start3A_17 = tpu.memref_slice %arg5[%add3A_11, %dma_start3A, %dma_start3A_16] : memref<10x4x128xi32, #tpu.memory_space<vmem>> -> memref<1x1x128xi32, #tpu.memory_space<vmem>>
      %dma_start3A_18 = tpu.memref_squeeze %dma_start3A_17 : memref<1x1x128xi32, #tpu.memory_space<vmem>> -> memref<128xi32, #tpu.memory_space<vmem>>
      %dma_start3A_19 = arith.constant 0 : i32
      %dma_start3A_20 = arith.constant 0 : i32
      %dma_start3A_21 = tpu.memref_slice %arg2[%dma_start3A_19, %dma_start3A_20] : memref<262144x128xf32, #tpu.memory_space<hbm>> -> memref<262144x128xf32, #tpu.memory_space<hbm>>
      tpu.enqueue_indirect_dma source(%dma_start3A_21 : memref<262144x128xf32, #tpu.memory_space<hbm>>) target(%dma_start3A_15 : memref<128x128xf32, #tpu.memory_space<vmem>>) offsets(%dma_start3A_18 : memref<128xi32, #tpu.memory_space<vmem>>) semaphore(%arg7 : memref<!tpu.dma_semaphore, #tpu.memory_space<semaphore_mem>>)
      %dma_start3A_22 = arith.constant 1 : i32
      %dma_start3A_23 = arith.constant 128 : i32
      %dma_start3A_24 = arith.constant 0 : i32
      %dma_start3A_25 = tpu.memref_slice %arg6[%dma_start3A_23, %dma_start3A_24] : memref<512x128xf32, #tpu.memory_space<vmem>> -> memref<128x128xf32, #tpu.memory_space<vmem>>
      %dma_start3A_26 = arith.constant 0 : i32
      %dma_start3A_27 = tpu.memref_slice %arg5[%add3A_11, %dma_start3A_22, %dma_start3A_26] : memref<10x4x128xi32, #tpu.memory_space<vmem>> -> memref<1x1x128xi32, #tpu.memory_space<vmem>>
      %dma_start3A_28 = tpu.memref_squeeze %dma_start3A_27 : memref<1x1x128xi32, #tpu.memory_space<vmem>> -> memref<128xi32, #tpu.memory_space<vmem>>
      %dma_start3A_29 = arith.constant 0 : i32
      %dma_start3A_30 = arith.constant 0 : i32
      %dma_start3A_31 = tpu.memref_slice %arg2[%dma_start3A_29, %dma_start3A_30] : memref<262144x128xf32, #tpu.memory_space<hbm>> -> memref<262144x128xf32, #tpu.memory_space<hbm>>
      tpu.enqueue_indirect_dma source(%dma_start3A_31 : memref<262144x128xf32, #tpu.memory_space<hbm>>) target(%dma_start3A_25 : memref<128x128xf32, #tpu.memory_space<vmem>>) offsets(%dma_start3A_28 : memref<128xi32, #tpu.memory_space<vmem>>) semaphore(%arg7 : memref<!tpu.dma_semaphore, #tpu.memory_space<semaphore_mem>>)
      %dma_start3A_32 = arith.constant 2 : i32
      %dma_start3A_33 = arith.constant 256 : i32
      %dma_start3A_34 = arith.constant 0 : i32
      %dma_start3A_35 = tpu.memref_slice %arg6[%dma_start3A_33, %dma_start3A_34] : memref<512x128xf32, #tpu.memory_space<vmem>> -> memref<128x128xf32, #tpu.memory_space<vmem>>
      %dma_start3A_36 = arith.constant 0 : i32
      %dma_start3A_37 = tpu.memref_slice %arg5[%add3A_11, %dma_start3A_32, %dma_start3A_36] : memref<10x4x128xi32, #tpu.memory_space<vmem>> -> memref<1x1x128xi32, #tpu.memory_space<vmem>>
      %dma_start3A_38 = tpu.memref_squeeze %dma_start3A_37 : memref<1x1x128xi32, #tpu.memory_space<vmem>> -> memref<128xi32, #tpu.memory_space<vmem>>
      %dma_start3A_39 = arith.constant 0 : i32
      %dma_start3A_40 = arith.constant 0 : i32
      %dma_start3A_41 = tpu.memref_slice %arg2[%dma_start3A_39, %dma_start3A_40] : memref<262144x128xf32, #tpu.memory_space<hbm>> -> memref<262144x128xf32, #tpu.memory_space<hbm>>
      tpu.enqueue_indirect_dma source(%dma_start3A_41 : memref<262144x128xf32, #tpu.memory_space<hbm>>) target(%dma_start3A_35 : memref<128x128xf32, #tpu.memory_space<vmem>>) offsets(%dma_start3A_38 : memref<128xi32, #tpu.memory_space<vmem>>) semaphore(%arg7 : memref<!tpu.dma_semaphore, #tpu.memory_space<semaphore_mem>>)
      %dma_start3A_42 = arith.constant 3 : i32
      %dma_start3A_43 = arith.constant 384 : i32
      %dma_start3A_44 = arith.constant 0 : i32
      %dma_start3A_45 = tpu.memref_slice %arg6[%dma_start3A_43, %dma_start3A_44] : memref<512x128xf32, #tpu.memory_space<vmem>> -> memref<128x128xf32, #tpu.memory_space<vmem>>
      %dma_start3A_46 = arith.constant 0 : i32
      %dma_start3A_47 = tpu.memref_slice %arg5[%add3A_11, %dma_start3A_42, %dma_start3A_46] : memref<10x4x128xi32, #tpu.memory_space<vmem>> -> memref<1x1x128xi32, #tpu.memory_space<vmem>>
      %dma_start3A_48 = tpu.memref_squeeze %dma_start3A_47 : memref<1x1x128xi32, #tpu.memory_space<vmem>> -> memref<128xi32, #tpu.memory_space<vmem>>
      %dma_start3A_49 = arith.constant 0 : i32
      %dma_start3A_50 = arith.constant 0 : i32
      %dma_start3A_51 = tpu.memref_slice %arg2[%dma_start3A_49, %dma_start3A_50] : memref<262144x128xf32, #tpu.memory_space<hbm>> -> memref<262144x128xf32, #tpu.memory_space<hbm>>
      tpu.enqueue_indirect_dma source(%dma_start3A_51 : memref<262144x128xf32, #tpu.memory_space<hbm>>) target(%dma_start3A_45 : memref<128x128xf32, #tpu.memory_space<vmem>>) offsets(%dma_start3A_48 : memref<128xi32, #tpu.memory_space<vmem>>) semaphore(%arg7 : memref<!tpu.dma_semaphore, #tpu.memory_space<semaphore_mem>>)
      %dma_wait3A = arith.constant 0 : i32
      %dma_wait3A_52 = arith.constant 0 : i32
      %dma_wait3A_53 = arith.constant 0 : i32
      %dma_wait3A_54 = tpu.memref_slice %arg6[%dma_wait3A_52, %dma_wait3A_53] : memref<512x128xf32, #tpu.memory_space<vmem>> -> memref<128x128xf32, #tpu.memory_space<vmem>>
      %dma_wait3A_55 = arith.constant 0 : i32
      %dma_wait3A_56 = tpu.memref_slice %arg5[%add3A_11, %dma_wait3A, %dma_wait3A_55] : memref<10x4x128xi32, #tpu.memory_space<vmem>> -> memref<1x1x128xi32, #tpu.memory_space<vmem>>
      %dma_wait3A_57 = tpu.memref_squeeze %dma_wait3A_56 : memref<1x1x128xi32, #tpu.memory_space<vmem>> -> memref<128xi32, #tpu.memory_space<vmem>>
      %dma_wait3A_58 = arith.constant 0 : i32
      %dma_wait3A_59 = arith.constant 0 : i32
      %dma_wait3A_60 = tpu.memref_slice %arg2[%dma_wait3A_58, %dma_wait3A_59] : memref<262144x128xf32, #tpu.memory_space<hbm>> -> memref<262144x128xf32, #tpu.memory_space<hbm>>
      tpu.wait_indirect_dma semaphore(%arg7 : memref<!tpu.dma_semaphore, #tpu.memory_space<semaphore_mem>>) src(%dma_wait3A_60 : memref<262144x128xf32, #tpu.memory_space<hbm>>) dst(%dma_wait3A_54 : memref<128x128xf32, #tpu.memory_space<vmem>>)
      %dma_wait3A_61 = arith.constant 1 : i32
      %dma_wait3A_62 = arith.constant 128 : i32
      %dma_wait3A_63 = arith.constant 0 : i32
      %dma_wait3A_64 = tpu.memref_slice %arg6[%dma_wait3A_62, %dma_wait3A_63] : memref<512x128xf32, #tpu.memory_space<vmem>> -> memref<128x128xf32, #tpu.memory_space<vmem>>
      %dma_wait3A_65 = arith.constant 0 : i32
      %dma_wait3A_66 = tpu.memref_slice %arg5[%add3A_11, %dma_wait3A_61, %dma_wait3A_65] : memref<10x4x128xi32, #tpu.memory_space<vmem>> -> memref<1x1x128xi32, #tpu.memory_space<vmem>>
      %dma_wait3A_67 = tpu.memref_squeeze %dma_wait3A_66 : memref<1x1x128xi32, #tpu.memory_space<vmem>> -> memref<128xi32, #tpu.memory_space<vmem>>
      %dma_wait3A_68 = arith.constant 0 : i32
      %dma_wait3A_69 = arith.constant 0 : i32
      %dma_wait3A_70 = tpu.memref_slice %arg2[%dma_wait3A_68, %dma_wait3A_69] : memref<262144x128xf32, #tpu.memory_space<hbm>> -> memref<262144x128xf32, #tpu.memory_space<hbm>>
      tpu.wait_indirect_dma semaphore(%arg7 : memref<!tpu.dma_semaphore, #tpu.memory_space<semaphore_mem>>) src(%dma_wait3A_70 : memref<262144x128xf32, #tpu.memory_space<hbm>>) dst(%dma_wait3A_64 : memref<128x128xf32, #tpu.memory_space<vmem>>)
      %dma_wait3A_71 = arith.constant 2 : i32
      %dma_wait3A_72 = arith.constant 256 : i32
      %dma_wait3A_73 = arith.constant 0 : i32
      %dma_wait3A_74 = tpu.memref_slice %arg6[%dma_wait3A_72, %dma_wait3A_73] : memref<512x128xf32, #tpu.memory_space<vmem>> -> memref<128x128xf32, #tpu.memory_space<vmem>>
      %dma_wait3A_75 = arith.constant 0 : i32
      %dma_wait3A_76 = tpu.memref_slice %arg5[%add3A_11, %dma_wait3A_71, %dma_wait3A_75] : memref<10x4x128xi32, #tpu.memory_space<vmem>> -> memref<1x1x128xi32, #tpu.memory_space<vmem>>
      %dma_wait3A_77 = tpu.memref_squeeze %dma_wait3A_76 : memref<1x1x128xi32, #tpu.memory_space<vmem>> -> memref<128xi32, #tpu.memory_space<vmem>>
      %dma_wait3A_78 = arith.constant 0 : i32
      %dma_wait3A_79 = arith.constant 0 : i32
      %dma_wait3A_80 = tpu.memref_slice %arg2[%dma_wait3A_78, %dma_wait3A_79] : memref<262144x128xf32, #tpu.memory_space<hbm>> -> memref<262144x128xf32, #tpu.memory_space<hbm>>
      tpu.wait_indirect_dma semaphore(%arg7 : memref<!tpu.dma_semaphore, #tpu.memory_space<semaphore_mem>>) src(%dma_wait3A_80 : memref<262144x128xf32, #tpu.memory_space<hbm>>) dst(%dma_wait3A_74 : memref<128x128xf32, #tpu.memory_space<vmem>>)
      %dma_wait3A_81 = arith.constant 3 : i32
      %dma_wait3A_82 = arith.constant 384 : i32
      %dma_wait3A_83 = arith.constant 0 : i32
      %dma_wait3A_84 = tpu.memref_slice %arg6[%dma_wait3A_82, %dma_wait3A_83] : memref<512x128xf32, #tpu.memory_space<vmem>> -> memref<128x128xf32, #tpu.memory_space<vmem>>
      %dma_wait3A_85 = arith.constant 0 : i32
      %dma_wait3A_86 = tpu.memref_slice %arg5[%add3A_11, %dma_wait3A_81, %dma_wait3A_85] : memref<10x4x128xi32, #tpu.memory_space<vmem>> -> memref<1x1x128xi32, #tpu.memory_space<vmem>>
      %dma_wait3A_87 = tpu.memref_squeeze %dma_wait3A_86 : memref<1x1x128xi32, #tpu.memory_space<vmem>> -> memref<128xi32, #tpu.memory_space<vmem>>
      %dma_wait3A_88 = arith.constant 0 : i32
      %dma_wait3A_89 = arith.constant 0 : i32
      %dma_wait3A_90 = tpu.memref_slice %arg2[%dma_wait3A_88, %dma_wait3A_89] : memref<262144x128xf32, #tpu.memory_space<hbm>> -> memref<262144x128xf32, #tpu.memory_space<hbm>>
      tpu.wait_indirect_dma semaphore(%arg7 : memref<!tpu.dma_semaphore, #tpu.memory_space<semaphore_mem>>) src(%dma_wait3A_90 : memref<262144x128xf32, #tpu.memory_space<hbm>>) dst(%dma_wait3A_84 : memref<128x128xf32, #tpu.memory_space<vmem>>)
      %mul3A_91 = arith.constant 512 : i32
      %mul3A_92 = arith.muli %add3A_12, %mul3A_91 : i32
      "tpu.region"() ({
        %run_scoped3A = tpu.sem_alloc : memref<!tpu.dma_semaphore, #tpu.memory_space<semaphore_mem>>
        %dma_start3A_93 = arith.constant 0 : i32
        %dma_start3A_94 = tpu.memref_slice %arg4[%mul3A_92, %dma_start3A_93] : memref<163840x128xf32, #tpu.memory_space<hbm>> -> memref<512x128xf32, #tpu.memory_space<hbm>>
        %dma_start3A_95 = arith.constant 0 : i32
        %dma_start3A_96 = tpu.memref_slice %arg4[%mul3A_92, %dma_start3A_95] : memref<163840x128xf32, #tpu.memory_space<hbm>> -> memref<512x128xf32, #tpu.memory_space<hbm>>
        tpu.enqueue_dma source(%arg6 : memref<512x128xf32, #tpu.memory_space<vmem>>) target(%dma_start3A_96 : memref<512x128xf32, #tpu.memory_space<hbm>>) target_semaphore(%run_scoped3A : memref<!tpu.dma_semaphore, #tpu.memory_space<semaphore_mem>>)
        %dma_wait3A_97 = arith.constant 0 : i32
        %dma_wait3A_98 = tpu.memref_slice %arg4[%mul3A_92, %dma_wait3A_97] : memref<163840x128xf32, #tpu.memory_space<hbm>> -> memref<512x128xf32, #tpu.memory_space<hbm>>
        %dma_wait3A_99 = arith.constant 0 : i32
        %dma_wait3A_100 = tpu.memref_slice %arg4[%mul3A_92, %dma_wait3A_99] : memref<163840x128xf32, #tpu.memory_space<hbm>> -> memref<512x128xf32, #tpu.memory_space<hbm>>
        tpu.wait_dma2 semaphore(%run_scoped3A : memref<!tpu.dma_semaphore, #tpu.memory_space<semaphore_mem>>) src(%arg6 : memref<512x128xf32, #tpu.memory_space<vmem>>) dst(%dma_wait3A_100 : memref<512x128xf32, #tpu.memory_space<hbm>>)
        tpu.yield
      }) : () -> ()
    }
    %scan3A_6 = arith.constant 10 : i32
    return
  }
}

#map = affine_map<(d0, d1) -> (0, 0)>
#map1 = affine_map<(d0, d1) -> (0, 0, 0)>
module attributes {stable_mosaic.version = 14 : i64} {
  func.func @k(%arg0: i32, %arg1: i32, %arg2: memref<262144x128xf32, #tpu.memory_space<hbm>>, %arg3: memref<320x4x128xi32, #tpu.memory_space<hbm>>, %arg4: memref<163840x128xf32, #tpu.memory_space<hbm>>, %arg5: memref<10x4x128xi32, #tpu.memory_space<vmem>>, %arg6: memref<512x128xf32, #tpu.memory_space<vmem>>, %arg7: memref<!tpu.dma_semaphore, #tpu.memory_space<semaphore_mem>>) attributes {dimension_semantics = [#tpu.dimension_semantics<core_parallel>, #tpu.dimension_semantics<subcore_parallel>], iteration_bounds = array<i64: 2, 16>, scalar_prefetch = 0 : i64, scratch_operands = 3 : i64, tpu.core_type = #tpu.core_type<sc_vector_subcore>, window_params = [{transform_indices = #map}, {transform_indices = #map1}, {transform_indices = #map}]} {
    %mul3A = arith.constant 2 : i32
    %mul3A_0 = arith.muli %arg1, %mul3A : i32
    %add3A = arith.addi %mul3A_0, %arg0 : i32
    %mul3A_1 = arith.constant 10 : i32
    %mul3A_2 = arith.muli %add3A, %mul3A_1 : i32
    "tpu.region"() ({
      %run_scoped3A = tpu.sem_alloc : memref<!tpu.dma_semaphore, #tpu.memory_space<semaphore_mem>>
      %dma_start3A = arith.constant 0 : i32
      %dma_start3A_7 = arith.constant 0 : i32
      %dma_start3A_8 = tpu.memref_slice %arg3[%mul3A_2, %dma_start3A, %dma_start3A_7] : memref<320x4x128xi32, #tpu.memory_space<hbm>> -> memref<10x4x128xi32, #tpu.memory_space<hbm>>
      %dma_start3A_9 = arith.constant 0 : i32
      %dma_start3A_10 = arith.constant 0 : i32
      %dma_start3A_11 = tpu.memref_slice %arg3[%mul3A_2, %dma_start3A_9, %dma_start3A_10] : memref<320x4x128xi32, #tpu.memory_space<hbm>> -> memref<10x4x128xi32, #tpu.memory_space<hbm>>
      tpu.enqueue_dma source(%dma_start3A_11 : memref<10x4x128xi32, #tpu.memory_space<hbm>>) target(%arg5 : memref<10x4x128xi32, #tpu.memory_space<vmem>>) target_semaphore(%run_scoped3A : memref<!tpu.dma_semaphore, #tpu.memory_space<semaphore_mem>>)
      %dma_wait3A = arith.constant 0 : i32
      %dma_wait3A_12 = arith.constant 0 : i32
      %dma_wait3A_13 = tpu.memref_slice %arg3[%mul3A_2, %dma_wait3A, %dma_wait3A_12] : memref<320x4x128xi32, #tpu.memory_space<hbm>> -> memref<10x4x128xi32, #tpu.memory_space<hbm>>
      %dma_wait3A_14 = arith.constant 0 : i32
      %dma_wait3A_15 = arith.constant 0 : i32
      %dma_wait3A_16 = tpu.memref_slice %arg3[%mul3A_2, %dma_wait3A_14, %dma_wait3A_15] : memref<320x4x128xi32, #tpu.memory_space<hbm>> -> memref<10x4x128xi32, #tpu.memory_space<hbm>>
      tpu.wait_dma2 semaphore(%run_scoped3A : memref<!tpu.dma_semaphore, #tpu.memory_space<semaphore_mem>>) src(%dma_wait3A_16 : memref<10x4x128xi32, #tpu.memory_space<hbm>>) dst(%arg5 : memref<10x4x128xi32, #tpu.memory_space<vmem>>)
      tpu.yield
    }) : () -> ()
    %scan3A = arith.constant 0 : i32
    %scan3A_3 = arith.constant 10 : i32
    %scan3A_4 = arith.addi %scan3A, %scan3A_3 : i32
    %scan3A_5 = arith.constant 1 : i32
    scf.for %scan3A_7 = %scan3A to %scan3A_4 step %scan3A_5  : i32 {
      %mul3A_8 = arith.constant 1 : i32
      %mul3A_9 = arith.muli %scan3A_7, %mul3A_8 : i32
      %add3A_10 = arith.constant 0 : i32
      %add3A_11 = arith.addi %add3A_10, %mul3A_9 : i32
      %add3A_12 = arith.addi %mul3A_2, %add3A_11 : i32
      %dma_start3A = arith.constant 0 : i32
      %dma_start3A_13 = arith.constant 0 : i32
      %dma_start3A_14 = arith.constant 0 : i32
      %dma_start3A_15 = tpu.memref_slice %arg6[%dma_start3A_13, %dma_start3A_14] : memref<512x128xf32, #tpu.memory_space<vmem>> -> memref<128x128xf32, #tpu.memory_space<vmem>>
      %dma_start3A_16 = arith.constant 0 : i32
      %dma_start3A_17 = tpu.memref_slice %arg5[%add3A_11, %dma_start3A, %dma_start3A_16] : memref<10x4x128xi32, #tpu.memory_space<vmem>> -> memref<1x1x128xi32, #tpu.memory_space<vmem>>
      %dma_start3A_18 = tpu.memref_squeeze %dma_start3A_17 : memref<1x1x128xi32, #tpu.memory_space<vmem>> -> memref<128xi32, #tpu.memory_space<vmem>>
      %dma_start3A_19 = arith.constant 0 : i32
      %dma_start3A_20 = arith.constant 0 : i32
      %dma_start3A_21 = tpu.memref_slice %arg2[%dma_start3A_19, %dma_start3A_20] : memref<262144x128xf32, #tpu.memory_space<hbm>> -> memref<262144x128xf32, #tpu.memory_space<hbm>>
      tpu.enqueue_indirect_dma source(%dma_start3A_21 : memref<262144x128xf32, #tpu.memory_space<hbm>>) target(%dma_start3A_15 : memref<128x128xf32, #tpu.memory_space<vmem>>) offsets(%dma_start3A_18 : memref<128xi32, #tpu.memory_space<vmem>>) semaphore(%arg7 : memref<!tpu.dma_semaphore, #tpu.memory_space<semaphore_mem>>)
      %dma_start3A_22 = arith.constant 1 : i32
      %dma_start3A_23 = arith.constant 128 : i32
      %dma_start3A_24 = arith.constant 0 : i32
      %dma_start3A_25 = tpu.memref_slice %arg6[%dma_start3A_23, %dma_start3A_24] : memref<512x128xf32, #tpu.memory_space<vmem>> -> memref<128x128xf32, #tpu.memory_space<vmem>>
      %dma_start3A_26 = arith.constant 0 : i32
      %dma_start3A_27 = tpu.memref_slice %arg5[%add3A_11, %dma_start3A_22, %dma_start3A_26] : memref<10x4x128xi32, #tpu.memory_space<vmem>> -> memref<1x1x128xi32, #tpu.memory_space<vmem>>
      %dma_start3A_28 = tpu.memref_squeeze %dma_start3A_27 : memref<1x1x128xi32, #tpu.memory_space<vmem>> -> memref<128xi32, #tpu.memory_space<vmem>>
      %dma_start3A_29 = arith.constant 0 : i32
      %dma_start3A_30 = arith.constant 0 : i32
      %dma_start3A_31 = tpu.memref_slice %arg2[%dma_start3A_29, %dma_start3A_30] : memref<262144x128xf32, #tpu.memory_space<hbm>> -> memref<262144x128xf32, #tpu.memory_space<hbm>>
      tpu.enqueue_indirect_dma source(%dma_start3A_31 : memref<262144x128xf32, #tpu.memory_space<hbm>>) target(%dma_start3A_25 : memref<128x128xf32, #tpu.memory_space<vmem>>) offsets(%dma_start3A_28 : memref<128xi32, #tpu.memory_space<vmem>>) semaphore(%arg7 : memref<!tpu.dma_semaphore, #tpu.memory_space<semaphore_mem>>)
      %dma_start3A_32 = arith.constant 2 : i32
      %dma_start3A_33 = arith.constant 256 : i32
      %dma_start3A_34 = arith.constant 0 : i32
      %dma_start3A_35 = tpu.memref_slice %arg6[%dma_start3A_33, %dma_start3A_34] : memref<512x128xf32, #tpu.memory_space<vmem>> -> memref<128x128xf32, #tpu.memory_space<vmem>>
      %dma_start3A_36 = arith.constant 0 : i32
      %dma_start3A_37 = tpu.memref_slice %arg5[%add3A_11, %dma_start3A_32, %dma_start3A_36] : memref<10x4x128xi32, #tpu.memory_space<vmem>> -> memref<1x1x128xi32, #tpu.memory_space<vmem>>
      %dma_start3A_38 = tpu.memref_squeeze %dma_start3A_37 : memref<1x1x128xi32, #tpu.memory_space<vmem>> -> memref<128xi32, #tpu.memory_space<vmem>>
      %dma_start3A_39 = arith.constant 0 : i32
      %dma_start3A_40 = arith.constant 0 : i32
      %dma_start3A_41 = tpu.memref_slice %arg2[%dma_start3A_39, %dma_start3A_40] : memref<262144x128xf32, #tpu.memory_space<hbm>> -> memref<262144x128xf32, #tpu.memory_space<hbm>>
      tpu.enqueue_indirect_dma source(%dma_start3A_41 : memref<262144x128xf32, #tpu.memory_space<hbm>>) target(%dma_start3A_35 : memref<128x128xf32, #tpu.memory_space<vmem>>) offsets(%dma_start3A_38 : memref<128xi32, #tpu.memory_space<vmem>>) semaphore(%arg7 : memref<!tpu.dma_semaphore, #tpu.memory_space<semaphore_mem>>)
      %dma_start3A_42 = arith.constant 3 : i32
      %dma_start3A_43 = arith.constant 384 : i32
      %dma_start3A_44 = arith.constant 0 : i32
      %dma_start3A_45 = tpu.memref_slice %arg6[%dma_start3A_43, %dma_start3A_44] : memref<512x128xf32, #tpu.memory_space<vmem>> -> memref<128x128xf32, #tpu.memory_space<vmem>>
      %dma_start3A_46 = arith.constant 0 : i32
      %dma_start3A_47 = tpu.memref_slice %arg5[%add3A_11, %dma_start3A_42, %dma_start3A_46] : memref<10x4x128xi32, #tpu.memory_space<vmem>> -> memref<1x1x128xi32, #tpu.memory_space<vmem>>
      %dma_start3A_48 = tpu.memref_squeeze %dma_start3A_47 : memref<1x1x128xi32, #tpu.memory_space<vmem>> -> memref<128xi32, #tpu.memory_space<vmem>>
      %dma_start3A_49 = arith.constant 0 : i32
      %dma_start3A_50 = arith.constant 0 : i32
      %dma_start3A_51 = tpu.memref_slice %arg2[%dma_start3A_49, %dma_start3A_50] : memref<262144x128xf32, #tpu.memory_space<hbm>> -> memref<262144x128xf32, #tpu.memory_space<hbm>>
      tpu.enqueue_indirect_dma source(%dma_start3A_51 : memref<262144x128xf32, #tpu.memory_space<hbm>>) target(%dma_start3A_45 : memref<128x128xf32, #tpu.memory_space<vmem>>) offsets(%dma_start3A_48 : memref<128xi32, #tpu.memory_space<vmem>>) semaphore(%arg7 : memref<!tpu.dma_semaphore, #tpu.memory_space<semaphore_mem>>)
      %dma_wait3A = arith.constant 0 : i32
      %dma_wait3A_52 = arith.constant 0 : i32
      %dma_wait3A_53 = arith.constant 0 : i32
      %dma_wait3A_54 = tpu.memref_slice %arg6[%dma_wait3A_52, %dma_wait3A_53] : memref<512x128xf32, #tpu.memory_space<vmem>> -> memref<128x128xf32, #tpu.memory_space<vmem>>
      %dma_wait3A_55 = arith.constant 0 : i32
      %dma_wait3A_56 = tpu.memref_slice %arg5[%add3A_11, %dma_wait3A, %dma_wait3A_55] : memref<10x4x128xi32, #tpu.memory_space<vmem>> -> memref<1x1x128xi32, #tpu.memory_space<vmem>>
      %dma_wait3A_57 = tpu.memref_squeeze %dma_wait3A_56 : memref<1x1x128xi32, #tpu.memory_space<vmem>> -> memref<128xi32, #tpu.memory_space<vmem>>
      %dma_wait3A_58 = arith.constant 0 : i32
      %dma_wait3A_59 = arith.constant 0 : i32
      %dma_wait3A_60 = tpu.memref_slice %arg2[%dma_wait3A_58, %dma_wait3A_59] : memref<262144x128xf32, #tpu.memory_space<hbm>> -> memref<262144x128xf32, #tpu.memory_space<hbm>>
      tpu.wait_indirect_dma semaphore(%arg7 : memref<!tpu.dma_semaphore, #tpu.memory_space<semaphore_mem>>) src(%dma_wait3A_60 : memref<262144x128xf32, #tpu.memory_space<hbm>>) dst(%dma_wait3A_54 : memref<128x128xf32, #tpu.memory_space<vmem>>)
      %dma_wait3A_61 = arith.constant 1 : i32
      %dma_wait3A_62 = arith.constant 128 : i32
      %dma_wait3A_63 = arith.constant 0 : i32
      %dma_wait3A_64 = tpu.memref_slice %arg6[%dma_wait3A_62, %dma_wait3A_63] : memref<512x128xf32, #tpu.memory_space<vmem>> -> memref<128x128xf32, #tpu.memory_space<vmem>>
      %dma_wait3A_65 = arith.constant 0 : i32
      %dma_wait3A_66 = tpu.memref_slice %arg5[%add3A_11, %dma_wait3A_61, %dma_wait3A_65] : memref<10x4x128xi32, #tpu.memory_space<vmem>> -> memref<1x1x128xi32, #tpu.memory_space<vmem>>
      %dma_wait3A_67 = tpu.memref_squeeze %dma_wait3A_66 : memref<1x1x128xi32, #tpu.memory_space<vmem>> -> memref<128xi32, #tpu.memory_space<vmem>>
      %dma_wait3A_68 = arith.constant 0 : i32
      %dma_wait3A_69 = arith.constant 0 : i32
      %dma_wait3A_70 = tpu.memref_slice %arg2[%dma_wait3A_68, %dma_wait3A_69] : memref<262144x128xf32, #tpu.memory_space<hbm>> -> memref<262144x128xf32, #tpu.memory_space<hbm>>
      tpu.wait_indirect_dma semaphore(%arg7 : memref<!tpu.dma_semaphore, #tpu.memory_space<semaphore_mem>>) src(%dma_wait3A_70 : memref<262144x128xf32, #tpu.memory_space<hbm>>) dst(%dma_wait3A_64 : memref<128x128xf32, #tpu.memory_space<vmem>>)
      %dma_wait3A_71 = arith.constant 2 : i32
      %dma_wait3A_72 = arith.constant 256 : i32
      %dma_wait3A_73 = arith.constant 0 : i32
      %dma_wait3A_74 = tpu.memref_slice %arg6[%dma_wait3A_72, %dma_wait3A_73] : memref<512x128xf32, #tpu.memory_space<vmem>> -> memref<128x128xf32, #tpu.memory_space<vmem>>
      %dma_wait3A_75 = arith.constant 0 : i32
      %dma_wait3A_76 = tpu.memref_slice %arg5[%add3A_11, %dma_wait3A_71, %dma_wait3A_75] : memref<10x4x128xi32, #tpu.memory_space<vmem>> -> memref<1x1x128xi32, #tpu.memory_space<vmem>>
      %dma_wait3A_77 = tpu.memref_squeeze %dma_wait3A_76 : memref<1x1x128xi32, #tpu.memory_space<vmem>> -> memref<128xi32, #tpu.memory_space<vmem>>
      %dma_wait3A_78 = arith.constant 0 : i32
      %dma_wait3A_79 = arith.constant 0 : i32
      %dma_wait3A_80 = tpu.memref_slice %arg2[%dma_wait3A_78, %dma_wait3A_79] : memref<262144x128xf32, #tpu.memory_space<hbm>> -> memref<262144x128xf32, #tpu.memory_space<hbm>>
      tpu.wait_indirect_dma semaphore(%arg7 : memref<!tpu.dma_semaphore, #tpu.memory_space<semaphore_mem>>) src(%dma_wait3A_80 : memref<262144x128xf32, #tpu.memory_space<hbm>>) dst(%dma_wait3A_74 : memref<128x128xf32, #tpu.memory_space<vmem>>)
      %dma_wait3A_81 = arith.constant 3 : i32
      %dma_wait3A_82 = arith.constant 384 : i32
      %dma_wait3A_83 = arith.constant 0 : i32
      %dma_wait3A_84 = tpu.memref_slice %arg6[%dma_wait3A_82, %dma_wait3A_83] : memref<512x128xf32, #tpu.memory_space<vmem>> -> memref<128x128xf32, #tpu.memory_space<vmem>>
      %dma_wait3A_85 = arith.constant 0 : i32
      %dma_wait3A_86 = tpu.memref_slice %arg5[%add3A_11, %dma_wait3A_81, %dma_wait3A_85] : memref<10x4x128xi32, #tpu.memory_space<vmem>> -> memref<1x1x128xi32, #tpu.memory_space<vmem>>
      %dma_wait3A_87 = tpu.memref_squeeze %dma_wait3A_86 : memref<1x1x128xi32, #tpu.memory_space<vmem>> -> memref<128xi32, #tpu.memory_space<vmem>>
      %dma_wait3A_88 = arith.constant 0 : i32
      %dma_wait3A_89 = arith.constant 0 : i32
      %dma_wait3A_90 = tpu.memref_slice %arg2[%dma_wait3A_88, %dma_wait3A_89] : memref<262144x128xf32, #tpu.memory_space<hbm>> -> memref<262144x128xf32, #tpu.memory_space<hbm>>
      tpu.wait_indirect_dma semaphore(%arg7 : memref<!tpu.dma_semaphore, #tpu.memory_space<semaphore_mem>>) src(%dma_wait3A_90 : memref<262144x128xf32, #tpu.memory_space<hbm>>) dst(%dma_wait3A_84 : memref<128x128xf32, #tpu.memory_space<vmem>>)
      %mul3A_91 = arith.constant 512 : i32
      %mul3A_92 = arith.muli %add3A_12, %mul3A_91 : i32
      "tpu.region"() ({
        %run_scoped3A = tpu.sem_alloc : memref<!tpu.dma_semaphore, #tpu.memory_space<semaphore_mem>>
        %dma_start3A_93 = arith.constant 0 : i32
        %dma_start3A_94 = tpu.memref_slice %arg4[%mul3A_92, %dma_start3A_93] : memref<163840x128xf32, #tpu.memory_space<hbm>> -> memref<512x128xf32, #tpu.memory_space<hbm>>
        %dma_start3A_95 = arith.constant 0 : i32
        %dma_start3A_96 = tpu.memref_slice %arg4[%mul3A_92, %dma_start3A_95] : memref<163840x128xf32, #tpu.memory_space<hbm>> -> memref<512x128xf32, #tpu.memory_space<hbm>>
        tpu.enqueue_dma source(%arg6 : memref<512x128xf32, #tpu.memory_space<vmem>>) target(%dma_start3A_96 : memref<512x128xf32, #tpu.memory_space<hbm>>) target_semaphore(%run_scoped3A : memref<!tpu.dma_semaphore, #tpu.memory_space<semaphore_mem>>)
        %dma_wait3A_97 = arith.constant 0 : i32
        %dma_wait3A_98 = tpu.memref_slice %arg4[%mul3A_92, %dma_wait3A_97] : memref<163840x128xf32, #tpu.memory_space<hbm>> -> memref<512x128xf32, #tpu.memory_space<hbm>>
        %dma_wait3A_99 = arith.constant 0 : i32
        %dma_wait3A_100 = tpu.memref_slice %arg4[%mul3A_92, %dma_wait3A_99] : memref<163840x128xf32, #tpu.memory_space<hbm>> -> memref<512x128xf32, #tpu.memory_space<hbm>>
        tpu.wait_dma2 semaphore(%run_scoped3A : memref<!tpu.dma_semaphore, #tpu.memory_space<semaphore_mem>>) src(%arg6 : memref<512x128xf32, #tpu.memory_space<vmem>>) dst(%dma_wait3A_100 : memref<512x128xf32, #tpu.memory_space<hbm>>)
        tpu.yield
      }) : () -> ()
    }
    %scan3A_6 = arith.constant 10 : i32
    return
  }
}

#map = affine_map<(d0, d1) -> (0, 0)>
#map1 = affine_map<(d0, d1) -> (0, 0, 0)>
module attributes {stable_mosaic.version = 14 : i64} {
  func.func @k(%arg0: i32, %arg1: i32, %arg2: memref<262144x128xf32, #tpu.memory_space<hbm>>, %arg3: memref<64x4x128xi32, #tpu.memory_space<hbm>>, %arg4: memref<32768x128xf32, #tpu.memory_space<hbm>>, %arg5: memref<2x4x128xi32, #tpu.memory_space<vmem>>, %arg6: memref<512x128xf32, #tpu.memory_space<vmem>>, %arg7: memref<!tpu.dma_semaphore, #tpu.memory_space<semaphore_mem>>) attributes {dimension_semantics = [#tpu.dimension_semantics<core_parallel>, #tpu.dimension_semantics<subcore_parallel>], iteration_bounds = array<i64: 2, 16>, scalar_prefetch = 0 : i64, scratch_operands = 3 : i64, tpu.core_type = #tpu.core_type<sc_vector_subcore>, window_params = [{transform_indices = #map}, {transform_indices = #map1}, {transform_indices = #map}]} {
    %mul3A = arith.constant 2 : i32
    %mul3A_0 = arith.muli %arg1, %mul3A : i32
    %add3A = arith.addi %mul3A_0, %arg0 : i32
    %mul3A_1 = arith.constant 2 : i32
    %mul3A_2 = arith.muli %add3A, %mul3A_1 : i32
    "tpu.region"() ({
      %run_scoped3A = tpu.sem_alloc : memref<!tpu.dma_semaphore, #tpu.memory_space<semaphore_mem>>
      %dma_start3A = arith.constant 0 : i32
      %dma_start3A_7 = arith.constant 0 : i32
      %dma_start3A_8 = tpu.memref_slice %arg3[%mul3A_2, %dma_start3A, %dma_start3A_7] : memref<64x4x128xi32, #tpu.memory_space<hbm>> -> memref<2x4x128xi32, #tpu.memory_space<hbm>>
      %dma_start3A_9 = arith.constant 0 : i32
      %dma_start3A_10 = arith.constant 0 : i32
      %dma_start3A_11 = tpu.memref_slice %arg3[%mul3A_2, %dma_start3A_9, %dma_start3A_10] : memref<64x4x128xi32, #tpu.memory_space<hbm>> -> memref<2x4x128xi32, #tpu.memory_space<hbm>>
      tpu.enqueue_dma source(%dma_start3A_11 : memref<2x4x128xi32, #tpu.memory_space<hbm>>) target(%arg5 : memref<2x4x128xi32, #tpu.memory_space<vmem>>) target_semaphore(%run_scoped3A : memref<!tpu.dma_semaphore, #tpu.memory_space<semaphore_mem>>)
      %dma_wait3A = arith.constant 0 : i32
      %dma_wait3A_12 = arith.constant 0 : i32
      %dma_wait3A_13 = tpu.memref_slice %arg3[%mul3A_2, %dma_wait3A, %dma_wait3A_12] : memref<64x4x128xi32, #tpu.memory_space<hbm>> -> memref<2x4x128xi32, #tpu.memory_space<hbm>>
      %dma_wait3A_14 = arith.constant 0 : i32
      %dma_wait3A_15 = arith.constant 0 : i32
      %dma_wait3A_16 = tpu.memref_slice %arg3[%mul3A_2, %dma_wait3A_14, %dma_wait3A_15] : memref<64x4x128xi32, #tpu.memory_space<hbm>> -> memref<2x4x128xi32, #tpu.memory_space<hbm>>
      tpu.wait_dma2 semaphore(%run_scoped3A : memref<!tpu.dma_semaphore, #tpu.memory_space<semaphore_mem>>) src(%dma_wait3A_16 : memref<2x4x128xi32, #tpu.memory_space<hbm>>) dst(%arg5 : memref<2x4x128xi32, #tpu.memory_space<vmem>>)
      tpu.yield
    }) : () -> ()
    %scan3A = arith.constant 0 : i32
    %scan3A_3 = arith.constant 2 : i32
    %scan3A_4 = arith.addi %scan3A, %scan3A_3 : i32
    %scan3A_5 = arith.constant 1 : i32
    scf.for %scan3A_7 = %scan3A to %scan3A_4 step %scan3A_5  : i32 {
      %mul3A_8 = arith.constant 1 : i32
      %mul3A_9 = arith.muli %scan3A_7, %mul3A_8 : i32
      %add3A_10 = arith.constant 0 : i32
      %add3A_11 = arith.addi %add3A_10, %mul3A_9 : i32
      %add3A_12 = arith.addi %mul3A_2, %add3A_11 : i32
      %dma_start3A = arith.constant 0 : i32
      %dma_start3A_13 = arith.constant 0 : i32
      %dma_start3A_14 = arith.constant 0 : i32
      %dma_start3A_15 = tpu.memref_slice %arg6[%dma_start3A_13, %dma_start3A_14] : memref<512x128xf32, #tpu.memory_space<vmem>> -> memref<128x128xf32, #tpu.memory_space<vmem>>
      %dma_start3A_16 = arith.constant 0 : i32
      %dma_start3A_17 = tpu.memref_slice %arg5[%add3A_11, %dma_start3A, %dma_start3A_16] : memref<2x4x128xi32, #tpu.memory_space<vmem>> -> memref<1x1x128xi32, #tpu.memory_space<vmem>>
      %dma_start3A_18 = tpu.memref_squeeze %dma_start3A_17 : memref<1x1x128xi32, #tpu.memory_space<vmem>> -> memref<128xi32, #tpu.memory_space<vmem>>
      %dma_start3A_19 = arith.constant 0 : i32
      %dma_start3A_20 = arith.constant 0 : i32
      %dma_start3A_21 = tpu.memref_slice %arg2[%dma_start3A_19, %dma_start3A_20] : memref<262144x128xf32, #tpu.memory_space<hbm>> -> memref<262144x128xf32, #tpu.memory_space<hbm>>
      tpu.enqueue_indirect_dma source(%dma_start3A_21 : memref<262144x128xf32, #tpu.memory_space<hbm>>) target(%dma_start3A_15 : memref<128x128xf32, #tpu.memory_space<vmem>>) offsets(%dma_start3A_18 : memref<128xi32, #tpu.memory_space<vmem>>) semaphore(%arg7 : memref<!tpu.dma_semaphore, #tpu.memory_space<semaphore_mem>>)
      %dma_start3A_22 = arith.constant 1 : i32
      %dma_start3A_23 = arith.constant 128 : i32
      %dma_start3A_24 = arith.constant 0 : i32
      %dma_start3A_25 = tpu.memref_slice %arg6[%dma_start3A_23, %dma_start3A_24] : memref<512x128xf32, #tpu.memory_space<vmem>> -> memref<128x128xf32, #tpu.memory_space<vmem>>
      %dma_start3A_26 = arith.constant 0 : i32
      %dma_start3A_27 = tpu.memref_slice %arg5[%add3A_11, %dma_start3A_22, %dma_start3A_26] : memref<2x4x128xi32, #tpu.memory_space<vmem>> -> memref<1x1x128xi32, #tpu.memory_space<vmem>>
      %dma_start3A_28 = tpu.memref_squeeze %dma_start3A_27 : memref<1x1x128xi32, #tpu.memory_space<vmem>> -> memref<128xi32, #tpu.memory_space<vmem>>
      %dma_start3A_29 = arith.constant 0 : i32
      %dma_start3A_30 = arith.constant 0 : i32
      %dma_start3A_31 = tpu.memref_slice %arg2[%dma_start3A_29, %dma_start3A_30] : memref<262144x128xf32, #tpu.memory_space<hbm>> -> memref<262144x128xf32, #tpu.memory_space<hbm>>
      tpu.enqueue_indirect_dma source(%dma_start3A_31 : memref<262144x128xf32, #tpu.memory_space<hbm>>) target(%dma_start3A_25 : memref<128x128xf32, #tpu.memory_space<vmem>>) offsets(%dma_start3A_28 : memref<128xi32, #tpu.memory_space<vmem>>) semaphore(%arg7 : memref<!tpu.dma_semaphore, #tpu.memory_space<semaphore_mem>>)
      %dma_start3A_32 = arith.constant 2 : i32
      %dma_start3A_33 = arith.constant 256 : i32
      %dma_start3A_34 = arith.constant 0 : i32
      %dma_start3A_35 = tpu.memref_slice %arg6[%dma_start3A_33, %dma_start3A_34] : memref<512x128xf32, #tpu.memory_space<vmem>> -> memref<128x128xf32, #tpu.memory_space<vmem>>
      %dma_start3A_36 = arith.constant 0 : i32
      %dma_start3A_37 = tpu.memref_slice %arg5[%add3A_11, %dma_start3A_32, %dma_start3A_36] : memref<2x4x128xi32, #tpu.memory_space<vmem>> -> memref<1x1x128xi32, #tpu.memory_space<vmem>>
      %dma_start3A_38 = tpu.memref_squeeze %dma_start3A_37 : memref<1x1x128xi32, #tpu.memory_space<vmem>> -> memref<128xi32, #tpu.memory_space<vmem>>
      %dma_start3A_39 = arith.constant 0 : i32
      %dma_start3A_40 = arith.constant 0 : i32
      %dma_start3A_41 = tpu.memref_slice %arg2[%dma_start3A_39, %dma_start3A_40] : memref<262144x128xf32, #tpu.memory_space<hbm>> -> memref<262144x128xf32, #tpu.memory_space<hbm>>
      tpu.enqueue_indirect_dma source(%dma_start3A_41 : memref<262144x128xf32, #tpu.memory_space<hbm>>) target(%dma_start3A_35 : memref<128x128xf32, #tpu.memory_space<vmem>>) offsets(%dma_start3A_38 : memref<128xi32, #tpu.memory_space<vmem>>) semaphore(%arg7 : memref<!tpu.dma_semaphore, #tpu.memory_space<semaphore_mem>>)
      %dma_start3A_42 = arith.constant 3 : i32
      %dma_start3A_43 = arith.constant 384 : i32
      %dma_start3A_44 = arith.constant 0 : i32
      %dma_start3A_45 = tpu.memref_slice %arg6[%dma_start3A_43, %dma_start3A_44] : memref<512x128xf32, #tpu.memory_space<vmem>> -> memref<128x128xf32, #tpu.memory_space<vmem>>
      %dma_start3A_46 = arith.constant 0 : i32
      %dma_start3A_47 = tpu.memref_slice %arg5[%add3A_11, %dma_start3A_42, %dma_start3A_46] : memref<2x4x128xi32, #tpu.memory_space<vmem>> -> memref<1x1x128xi32, #tpu.memory_space<vmem>>
      %dma_start3A_48 = tpu.memref_squeeze %dma_start3A_47 : memref<1x1x128xi32, #tpu.memory_space<vmem>> -> memref<128xi32, #tpu.memory_space<vmem>>
      %dma_start3A_49 = arith.constant 0 : i32
      %dma_start3A_50 = arith.constant 0 : i32
      %dma_start3A_51 = tpu.memref_slice %arg2[%dma_start3A_49, %dma_start3A_50] : memref<262144x128xf32, #tpu.memory_space<hbm>> -> memref<262144x128xf32, #tpu.memory_space<hbm>>
      tpu.enqueue_indirect_dma source(%dma_start3A_51 : memref<262144x128xf32, #tpu.memory_space<hbm>>) target(%dma_start3A_45 : memref<128x128xf32, #tpu.memory_space<vmem>>) offsets(%dma_start3A_48 : memref<128xi32, #tpu.memory_space<vmem>>) semaphore(%arg7 : memref<!tpu.dma_semaphore, #tpu.memory_space<semaphore_mem>>)
      %dma_wait3A = arith.constant 0 : i32
      %dma_wait3A_52 = arith.constant 0 : i32
      %dma_wait3A_53 = arith.constant 0 : i32
      %dma_wait3A_54 = tpu.memref_slice %arg6[%dma_wait3A_52, %dma_wait3A_53] : memref<512x128xf32, #tpu.memory_space<vmem>> -> memref<128x128xf32, #tpu.memory_space<vmem>>
      %dma_wait3A_55 = arith.constant 0 : i32
      %dma_wait3A_56 = tpu.memref_slice %arg5[%add3A_11, %dma_wait3A, %dma_wait3A_55] : memref<2x4x128xi32, #tpu.memory_space<vmem>> -> memref<1x1x128xi32, #tpu.memory_space<vmem>>
      %dma_wait3A_57 = tpu.memref_squeeze %dma_wait3A_56 : memref<1x1x128xi32, #tpu.memory_space<vmem>> -> memref<128xi32, #tpu.memory_space<vmem>>
      %dma_wait3A_58 = arith.constant 0 : i32
      %dma_wait3A_59 = arith.constant 0 : i32
      %dma_wait3A_60 = tpu.memref_slice %arg2[%dma_wait3A_58, %dma_wait3A_59] : memref<262144x128xf32, #tpu.memory_space<hbm>> -> memref<262144x128xf32, #tpu.memory_space<hbm>>
      tpu.wait_indirect_dma semaphore(%arg7 : memref<!tpu.dma_semaphore, #tpu.memory_space<semaphore_mem>>) src(%dma_wait3A_60 : memref<262144x128xf32, #tpu.memory_space<hbm>>) dst(%dma_wait3A_54 : memref<128x128xf32, #tpu.memory_space<vmem>>)
      %dma_wait3A_61 = arith.constant 1 : i32
      %dma_wait3A_62 = arith.constant 128 : i32
      %dma_wait3A_63 = arith.constant 0 : i32
      %dma_wait3A_64 = tpu.memref_slice %arg6[%dma_wait3A_62, %dma_wait3A_63] : memref<512x128xf32, #tpu.memory_space<vmem>> -> memref<128x128xf32, #tpu.memory_space<vmem>>
      %dma_wait3A_65 = arith.constant 0 : i32
      %dma_wait3A_66 = tpu.memref_slice %arg5[%add3A_11, %dma_wait3A_61, %dma_wait3A_65] : memref<2x4x128xi32, #tpu.memory_space<vmem>> -> memref<1x1x128xi32, #tpu.memory_space<vmem>>
      %dma_wait3A_67 = tpu.memref_squeeze %dma_wait3A_66 : memref<1x1x128xi32, #tpu.memory_space<vmem>> -> memref<128xi32, #tpu.memory_space<vmem>>
      %dma_wait3A_68 = arith.constant 0 : i32
      %dma_wait3A_69 = arith.constant 0 : i32
      %dma_wait3A_70 = tpu.memref_slice %arg2[%dma_wait3A_68, %dma_wait3A_69] : memref<262144x128xf32, #tpu.memory_space<hbm>> -> memref<262144x128xf32, #tpu.memory_space<hbm>>
      tpu.wait_indirect_dma semaphore(%arg7 : memref<!tpu.dma_semaphore, #tpu.memory_space<semaphore_mem>>) src(%dma_wait3A_70 : memref<262144x128xf32, #tpu.memory_space<hbm>>) dst(%dma_wait3A_64 : memref<128x128xf32, #tpu.memory_space<vmem>>)
      %dma_wait3A_71 = arith.constant 2 : i32
      %dma_wait3A_72 = arith.constant 256 : i32
      %dma_wait3A_73 = arith.constant 0 : i32
      %dma_wait3A_74 = tpu.memref_slice %arg6[%dma_wait3A_72, %dma_wait3A_73] : memref<512x128xf32, #tpu.memory_space<vmem>> -> memref<128x128xf32, #tpu.memory_space<vmem>>
      %dma_wait3A_75 = arith.constant 0 : i32
      %dma_wait3A_76 = tpu.memref_slice %arg5[%add3A_11, %dma_wait3A_71, %dma_wait3A_75] : memref<2x4x128xi32, #tpu.memory_space<vmem>> -> memref<1x1x128xi32, #tpu.memory_space<vmem>>
      %dma_wait3A_77 = tpu.memref_squeeze %dma_wait3A_76 : memref<1x1x128xi32, #tpu.memory_space<vmem>> -> memref<128xi32, #tpu.memory_space<vmem>>
      %dma_wait3A_78 = arith.constant 0 : i32
      %dma_wait3A_79 = arith.constant 0 : i32
      %dma_wait3A_80 = tpu.memref_slice %arg2[%dma_wait3A_78, %dma_wait3A_79] : memref<262144x128xf32, #tpu.memory_space<hbm>> -> memref<262144x128xf32, #tpu.memory_space<hbm>>
      tpu.wait_indirect_dma semaphore(%arg7 : memref<!tpu.dma_semaphore, #tpu.memory_space<semaphore_mem>>) src(%dma_wait3A_80 : memref<262144x128xf32, #tpu.memory_space<hbm>>) dst(%dma_wait3A_74 : memref<128x128xf32, #tpu.memory_space<vmem>>)
      %dma_wait3A_81 = arith.constant 3 : i32
      %dma_wait3A_82 = arith.constant 384 : i32
      %dma_wait3A_83 = arith.constant 0 : i32
      %dma_wait3A_84 = tpu.memref_slice %arg6[%dma_wait3A_82, %dma_wait3A_83] : memref<512x128xf32, #tpu.memory_space<vmem>> -> memref<128x128xf32, #tpu.memory_space<vmem>>
      %dma_wait3A_85 = arith.constant 0 : i32
      %dma_wait3A_86 = tpu.memref_slice %arg5[%add3A_11, %dma_wait3A_81, %dma_wait3A_85] : memref<2x4x128xi32, #tpu.memory_space<vmem>> -> memref<1x1x128xi32, #tpu.memory_space<vmem>>
      %dma_wait3A_87 = tpu.memref_squeeze %dma_wait3A_86 : memref<1x1x128xi32, #tpu.memory_space<vmem>> -> memref<128xi32, #tpu.memory_space<vmem>>
      %dma_wait3A_88 = arith.constant 0 : i32
      %dma_wait3A_89 = arith.constant 0 : i32
      %dma_wait3A_90 = tpu.memref_slice %arg2[%dma_wait3A_88, %dma_wait3A_89] : memref<262144x128xf32, #tpu.memory_space<hbm>> -> memref<262144x128xf32, #tpu.memory_space<hbm>>
      tpu.wait_indirect_dma semaphore(%arg7 : memref<!tpu.dma_semaphore, #tpu.memory_space<semaphore_mem>>) src(%dma_wait3A_90 : memref<262144x128xf32, #tpu.memory_space<hbm>>) dst(%dma_wait3A_84 : memref<128x128xf32, #tpu.memory_space<vmem>>)
      %mul3A_91 = arith.constant 512 : i32
      %mul3A_92 = arith.muli %add3A_12, %mul3A_91 : i32
      "tpu.region"() ({
        %run_scoped3A = tpu.sem_alloc : memref<!tpu.dma_semaphore, #tpu.memory_space<semaphore_mem>>
        %dma_start3A_93 = arith.constant 0 : i32
        %dma_start3A_94 = tpu.memref_slice %arg4[%mul3A_92, %dma_start3A_93] : memref<32768x128xf32, #tpu.memory_space<hbm>> -> memref<512x128xf32, #tpu.memory_space<hbm>>
        %dma_start3A_95 = arith.constant 0 : i32
        %dma_start3A_96 = tpu.memref_slice %arg4[%mul3A_92, %dma_start3A_95] : memref<32768x128xf32, #tpu.memory_space<hbm>> -> memref<512x128xf32, #tpu.memory_space<hbm>>
        tpu.enqueue_dma source(%arg6 : memref<512x128xf32, #tpu.memory_space<vmem>>) target(%dma_start3A_96 : memref<512x128xf32, #tpu.memory_space<hbm>>) target_semaphore(%run_scoped3A : memref<!tpu.dma_semaphore, #tpu.memory_space<semaphore_mem>>)
        %dma_wait3A_97 = arith.constant 0 : i32
        %dma_wait3A_98 = tpu.memref_slice %arg4[%mul3A_92, %dma_wait3A_97] : memref<32768x128xf32, #tpu.memory_space<hbm>> -> memref<512x128xf32, #tpu.memory_space<hbm>>
        %dma_wait3A_99 = arith.constant 0 : i32
        %dma_wait3A_100 = tpu.memref_slice %arg4[%mul3A_92, %dma_wait3A_99] : memref<32768x128xf32, #tpu.memory_space<hbm>> -> memref<512x128xf32, #tpu.memory_space<hbm>>
        tpu.wait_dma2 semaphore(%run_scoped3A : memref<!tpu.dma_semaphore, #tpu.memory_space<semaphore_mem>>) src(%arg6 : memref<512x128xf32, #tpu.memory_space<vmem>>) dst(%dma_wait3A_100 : memref<512x128xf32, #tpu.memory_space<hbm>>)
        tpu.yield
      }) : () -> ()
    }
    %scan3A_6 = arith.constant 2 : i32
    return
  }
}

#map = affine_map<(d0, d1) -> (0, 0)>
#map1 = affine_map<(d0, d1) -> (0, 0, 0)>
module attributes {stable_mosaic.version = 14 : i64} {
  func.func @k(%arg0: i32, %arg1: i32, %arg2: memref<262144x128xf32, #tpu.memory_space<hbm>>, %arg3: memref<320x4x128xi32, #tpu.memory_space<hbm>>, %arg4: memref<163840x128xf32, #tpu.memory_space<hbm>>, %arg5: memref<10x4x128xi32, #tpu.memory_space<vmem>>, %arg6: memref<512x128xf32, #tpu.memory_space<vmem>>, %arg7: memref<!tpu.dma_semaphore, #tpu.memory_space<semaphore_mem>>) attributes {dimension_semantics = [#tpu.dimension_semantics<core_parallel>, #tpu.dimension_semantics<subcore_parallel>], iteration_bounds = array<i64: 2, 16>, scalar_prefetch = 0 : i64, scratch_operands = 3 : i64, tpu.core_type = #tpu.core_type<sc_vector_subcore>, window_params = [{transform_indices = #map}, {transform_indices = #map1}, {transform_indices = #map}]} {
    %mul3A = arith.constant 2 : i32
    %mul3A_0 = arith.muli %arg1, %mul3A : i32
    %add3A = arith.addi %mul3A_0, %arg0 : i32
    %mul3A_1 = arith.constant 10 : i32
    %mul3A_2 = arith.muli %add3A, %mul3A_1 : i32
    "tpu.region"() ({
      %run_scoped3A = tpu.sem_alloc : memref<!tpu.dma_semaphore, #tpu.memory_space<semaphore_mem>>
      %dma_start3A = arith.constant 0 : i32
      %dma_start3A_7 = arith.constant 0 : i32
      %dma_start3A_8 = tpu.memref_slice %arg3[%mul3A_2, %dma_start3A, %dma_start3A_7] : memref<320x4x128xi32, #tpu.memory_space<hbm>> -> memref<10x4x128xi32, #tpu.memory_space<hbm>>
      %dma_start3A_9 = arith.constant 0 : i32
      %dma_start3A_10 = arith.constant 0 : i32
      %dma_start3A_11 = tpu.memref_slice %arg3[%mul3A_2, %dma_start3A_9, %dma_start3A_10] : memref<320x4x128xi32, #tpu.memory_space<hbm>> -> memref<10x4x128xi32, #tpu.memory_space<hbm>>
      tpu.enqueue_dma source(%dma_start3A_11 : memref<10x4x128xi32, #tpu.memory_space<hbm>>) target(%arg5 : memref<10x4x128xi32, #tpu.memory_space<vmem>>) target_semaphore(%run_scoped3A : memref<!tpu.dma_semaphore, #tpu.memory_space<semaphore_mem>>)
      %dma_wait3A = arith.constant 0 : i32
      %dma_wait3A_12 = arith.constant 0 : i32
      %dma_wait3A_13 = tpu.memref_slice %arg3[%mul3A_2, %dma_wait3A, %dma_wait3A_12] : memref<320x4x128xi32, #tpu.memory_space<hbm>> -> memref<10x4x128xi32, #tpu.memory_space<hbm>>
      %dma_wait3A_14 = arith.constant 0 : i32
      %dma_wait3A_15 = arith.constant 0 : i32
      %dma_wait3A_16 = tpu.memref_slice %arg3[%mul3A_2, %dma_wait3A_14, %dma_wait3A_15] : memref<320x4x128xi32, #tpu.memory_space<hbm>> -> memref<10x4x128xi32, #tpu.memory_space<hbm>>
      tpu.wait_dma2 semaphore(%run_scoped3A : memref<!tpu.dma_semaphore, #tpu.memory_space<semaphore_mem>>) src(%dma_wait3A_16 : memref<10x4x128xi32, #tpu.memory_space<hbm>>) dst(%arg5 : memref<10x4x128xi32, #tpu.memory_space<vmem>>)
      tpu.yield
    }) : () -> ()
    %scan3A = arith.constant 0 : i32
    %scan3A_3 = arith.constant 10 : i32
    %scan3A_4 = arith.addi %scan3A, %scan3A_3 : i32
    %scan3A_5 = arith.constant 1 : i32
    scf.for %scan3A_7 = %scan3A to %scan3A_4 step %scan3A_5  : i32 {
      %mul3A_8 = arith.constant 1 : i32
      %mul3A_9 = arith.muli %scan3A_7, %mul3A_8 : i32
      %add3A_10 = arith.constant 0 : i32
      %add3A_11 = arith.addi %add3A_10, %mul3A_9 : i32
      %add3A_12 = arith.addi %mul3A_2, %add3A_11 : i32
      %dma_start3A = arith.constant 0 : i32
      %dma_start3A_13 = arith.constant 0 : i32
      %dma_start3A_14 = arith.constant 0 : i32
      %dma_start3A_15 = tpu.memref_slice %arg6[%dma_start3A_13, %dma_start3A_14] : memref<512x128xf32, #tpu.memory_space<vmem>> -> memref<128x128xf32, #tpu.memory_space<vmem>>
      %dma_start3A_16 = arith.constant 0 : i32
      %dma_start3A_17 = tpu.memref_slice %arg5[%add3A_11, %dma_start3A, %dma_start3A_16] : memref<10x4x128xi32, #tpu.memory_space<vmem>> -> memref<1x1x128xi32, #tpu.memory_space<vmem>>
      %dma_start3A_18 = tpu.memref_squeeze %dma_start3A_17 : memref<1x1x128xi32, #tpu.memory_space<vmem>> -> memref<128xi32, #tpu.memory_space<vmem>>
      %dma_start3A_19 = arith.constant 0 : i32
      %dma_start3A_20 = arith.constant 0 : i32
      %dma_start3A_21 = tpu.memref_slice %arg2[%dma_start3A_19, %dma_start3A_20] : memref<262144x128xf32, #tpu.memory_space<hbm>> -> memref<262144x128xf32, #tpu.memory_space<hbm>>
      tpu.enqueue_indirect_dma source(%dma_start3A_21 : memref<262144x128xf32, #tpu.memory_space<hbm>>) target(%dma_start3A_15 : memref<128x128xf32, #tpu.memory_space<vmem>>) offsets(%dma_start3A_18 : memref<128xi32, #tpu.memory_space<vmem>>) semaphore(%arg7 : memref<!tpu.dma_semaphore, #tpu.memory_space<semaphore_mem>>)
      %dma_start3A_22 = arith.constant 1 : i32
      %dma_start3A_23 = arith.constant 128 : i32
      %dma_start3A_24 = arith.constant 0 : i32
      %dma_start3A_25 = tpu.memref_slice %arg6[%dma_start3A_23, %dma_start3A_24] : memref<512x128xf32, #tpu.memory_space<vmem>> -> memref<128x128xf32, #tpu.memory_space<vmem>>
      %dma_start3A_26 = arith.constant 0 : i32
      %dma_start3A_27 = tpu.memref_slice %arg5[%add3A_11, %dma_start3A_22, %dma_start3A_26] : memref<10x4x128xi32, #tpu.memory_space<vmem>> -> memref<1x1x128xi32, #tpu.memory_space<vmem>>
      %dma_start3A_28 = tpu.memref_squeeze %dma_start3A_27 : memref<1x1x128xi32, #tpu.memory_space<vmem>> -> memref<128xi32, #tpu.memory_space<vmem>>
      %dma_start3A_29 = arith.constant 0 : i32
      %dma_start3A_30 = arith.constant 0 : i32
      %dma_start3A_31 = tpu.memref_slice %arg2[%dma_start3A_29, %dma_start3A_30] : memref<262144x128xf32, #tpu.memory_space<hbm>> -> memref<262144x128xf32, #tpu.memory_space<hbm>>
      tpu.enqueue_indirect_dma source(%dma_start3A_31 : memref<262144x128xf32, #tpu.memory_space<hbm>>) target(%dma_start3A_25 : memref<128x128xf32, #tpu.memory_space<vmem>>) offsets(%dma_start3A_28 : memref<128xi32, #tpu.memory_space<vmem>>) semaphore(%arg7 : memref<!tpu.dma_semaphore, #tpu.memory_space<semaphore_mem>>)
      %dma_start3A_32 = arith.constant 2 : i32
      %dma_start3A_33 = arith.constant 256 : i32
      %dma_start3A_34 = arith.constant 0 : i32
      %dma_start3A_35 = tpu.memref_slice %arg6[%dma_start3A_33, %dma_start3A_34] : memref<512x128xf32, #tpu.memory_space<vmem>> -> memref<128x128xf32, #tpu.memory_space<vmem>>
      %dma_start3A_36 = arith.constant 0 : i32
      %dma_start3A_37 = tpu.memref_slice %arg5[%add3A_11, %dma_start3A_32, %dma_start3A_36] : memref<10x4x128xi32, #tpu.memory_space<vmem>> -> memref<1x1x128xi32, #tpu.memory_space<vmem>>
      %dma_start3A_38 = tpu.memref_squeeze %dma_start3A_37 : memref<1x1x128xi32, #tpu.memory_space<vmem>> -> memref<128xi32, #tpu.memory_space<vmem>>
      %dma_start3A_39 = arith.constant 0 : i32
      %dma_start3A_40 = arith.constant 0 : i32
      %dma_start3A_41 = tpu.memref_slice %arg2[%dma_start3A_39, %dma_start3A_40] : memref<262144x128xf32, #tpu.memory_space<hbm>> -> memref<262144x128xf32, #tpu.memory_space<hbm>>
      tpu.enqueue_indirect_dma source(%dma_start3A_41 : memref<262144x128xf32, #tpu.memory_space<hbm>>) target(%dma_start3A_35 : memref<128x128xf32, #tpu.memory_space<vmem>>) offsets(%dma_start3A_38 : memref<128xi32, #tpu.memory_space<vmem>>) semaphore(%arg7 : memref<!tpu.dma_semaphore, #tpu.memory_space<semaphore_mem>>)
      %dma_start3A_42 = arith.constant 3 : i32
      %dma_start3A_43 = arith.constant 384 : i32
      %dma_start3A_44 = arith.constant 0 : i32
      %dma_start3A_45 = tpu.memref_slice %arg6[%dma_start3A_43, %dma_start3A_44] : memref<512x128xf32, #tpu.memory_space<vmem>> -> memref<128x128xf32, #tpu.memory_space<vmem>>
      %dma_start3A_46 = arith.constant 0 : i32
      %dma_start3A_47 = tpu.memref_slice %arg5[%add3A_11, %dma_start3A_42, %dma_start3A_46] : memref<10x4x128xi32, #tpu.memory_space<vmem>> -> memref<1x1x128xi32, #tpu.memory_space<vmem>>
      %dma_start3A_48 = tpu.memref_squeeze %dma_start3A_47 : memref<1x1x128xi32, #tpu.memory_space<vmem>> -> memref<128xi32, #tpu.memory_space<vmem>>
      %dma_start3A_49 = arith.constant 0 : i32
      %dma_start3A_50 = arith.constant 0 : i32
      %dma_start3A_51 = tpu.memref_slice %arg2[%dma_start3A_49, %dma_start3A_50] : memref<262144x128xf32, #tpu.memory_space<hbm>> -> memref<262144x128xf32, #tpu.memory_space<hbm>>
      tpu.enqueue_indirect_dma source(%dma_start3A_51 : memref<262144x128xf32, #tpu.memory_space<hbm>>) target(%dma_start3A_45 : memref<128x128xf32, #tpu.memory_space<vmem>>) offsets(%dma_start3A_48 : memref<128xi32, #tpu.memory_space<vmem>>) semaphore(%arg7 : memref<!tpu.dma_semaphore, #tpu.memory_space<semaphore_mem>>)
      %dma_wait3A = arith.constant 0 : i32
      %dma_wait3A_52 = arith.constant 0 : i32
      %dma_wait3A_53 = arith.constant 0 : i32
      %dma_wait3A_54 = tpu.memref_slice %arg6[%dma_wait3A_52, %dma_wait3A_53] : memref<512x128xf32, #tpu.memory_space<vmem>> -> memref<128x128xf32, #tpu.memory_space<vmem>>
      %dma_wait3A_55 = arith.constant 0 : i32
      %dma_wait3A_56 = tpu.memref_slice %arg5[%add3A_11, %dma_wait3A, %dma_wait3A_55] : memref<10x4x128xi32, #tpu.memory_space<vmem>> -> memref<1x1x128xi32, #tpu.memory_space<vmem>>
      %dma_wait3A_57 = tpu.memref_squeeze %dma_wait3A_56 : memref<1x1x128xi32, #tpu.memory_space<vmem>> -> memref<128xi32, #tpu.memory_space<vmem>>
      %dma_wait3A_58 = arith.constant 0 : i32
      %dma_wait3A_59 = arith.constant 0 : i32
      %dma_wait3A_60 = tpu.memref_slice %arg2[%dma_wait3A_58, %dma_wait3A_59] : memref<262144x128xf32, #tpu.memory_space<hbm>> -> memref<262144x128xf32, #tpu.memory_space<hbm>>
      tpu.wait_indirect_dma semaphore(%arg7 : memref<!tpu.dma_semaphore, #tpu.memory_space<semaphore_mem>>) src(%dma_wait3A_60 : memref<262144x128xf32, #tpu.memory_space<hbm>>) dst(%dma_wait3A_54 : memref<128x128xf32, #tpu.memory_space<vmem>>)
      %dma_wait3A_61 = arith.constant 1 : i32
      %dma_wait3A_62 = arith.constant 128 : i32
      %dma_wait3A_63 = arith.constant 0 : i32
      %dma_wait3A_64 = tpu.memref_slice %arg6[%dma_wait3A_62, %dma_wait3A_63] : memref<512x128xf32, #tpu.memory_space<vmem>> -> memref<128x128xf32, #tpu.memory_space<vmem>>
      %dma_wait3A_65 = arith.constant 0 : i32
      %dma_wait3A_66 = tpu.memref_slice %arg5[%add3A_11, %dma_wait3A_61, %dma_wait3A_65] : memref<10x4x128xi32, #tpu.memory_space<vmem>> -> memref<1x1x128xi32, #tpu.memory_space<vmem>>
      %dma_wait3A_67 = tpu.memref_squeeze %dma_wait3A_66 : memref<1x1x128xi32, #tpu.memory_space<vmem>> -> memref<128xi32, #tpu.memory_space<vmem>>
      %dma_wait3A_68 = arith.constant 0 : i32
      %dma_wait3A_69 = arith.constant 0 : i32
      %dma_wait3A_70 = tpu.memref_slice %arg2[%dma_wait3A_68, %dma_wait3A_69] : memref<262144x128xf32, #tpu.memory_space<hbm>> -> memref<262144x128xf32, #tpu.memory_space<hbm>>
      tpu.wait_indirect_dma semaphore(%arg7 : memref<!tpu.dma_semaphore, #tpu.memory_space<semaphore_mem>>) src(%dma_wait3A_70 : memref<262144x128xf32, #tpu.memory_space<hbm>>) dst(%dma_wait3A_64 : memref<128x128xf32, #tpu.memory_space<vmem>>)
      %dma_wait3A_71 = arith.constant 2 : i32
      %dma_wait3A_72 = arith.constant 256 : i32
      %dma_wait3A_73 = arith.constant 0 : i32
      %dma_wait3A_74 = tpu.memref_slice %arg6[%dma_wait3A_72, %dma_wait3A_73] : memref<512x128xf32, #tpu.memory_space<vmem>> -> memref<128x128xf32, #tpu.memory_space<vmem>>
      %dma_wait3A_75 = arith.constant 0 : i32
      %dma_wait3A_76 = tpu.memref_slice %arg5[%add3A_11, %dma_wait3A_71, %dma_wait3A_75] : memref<10x4x128xi32, #tpu.memory_space<vmem>> -> memref<1x1x128xi32, #tpu.memory_space<vmem>>
      %dma_wait3A_77 = tpu.memref_squeeze %dma_wait3A_76 : memref<1x1x128xi32, #tpu.memory_space<vmem>> -> memref<128xi32, #tpu.memory_space<vmem>>
      %dma_wait3A_78 = arith.constant 0 : i32
      %dma_wait3A_79 = arith.constant 0 : i32
      %dma_wait3A_80 = tpu.memref_slice %arg2[%dma_wait3A_78, %dma_wait3A_79] : memref<262144x128xf32, #tpu.memory_space<hbm>> -> memref<262144x128xf32, #tpu.memory_space<hbm>>
      tpu.wait_indirect_dma semaphore(%arg7 : memref<!tpu.dma_semaphore, #tpu.memory_space<semaphore_mem>>) src(%dma_wait3A_80 : memref<262144x128xf32, #tpu.memory_space<hbm>>) dst(%dma_wait3A_74 : memref<128x128xf32, #tpu.memory_space<vmem>>)
      %dma_wait3A_81 = arith.constant 3 : i32
      %dma_wait3A_82 = arith.constant 384 : i32
      %dma_wait3A_83 = arith.constant 0 : i32
      %dma_wait3A_84 = tpu.memref_slice %arg6[%dma_wait3A_82, %dma_wait3A_83] : memref<512x128xf32, #tpu.memory_space<vmem>> -> memref<128x128xf32, #tpu.memory_space<vmem>>
      %dma_wait3A_85 = arith.constant 0 : i32
      %dma_wait3A_86 = tpu.memref_slice %arg5[%add3A_11, %dma_wait3A_81, %dma_wait3A_85] : memref<10x4x128xi32, #tpu.memory_space<vmem>> -> memref<1x1x128xi32, #tpu.memory_space<vmem>>
      %dma_wait3A_87 = tpu.memref_squeeze %dma_wait3A_86 : memref<1x1x128xi32, #tpu.memory_space<vmem>> -> memref<128xi32, #tpu.memory_space<vmem>>
      %dma_wait3A_88 = arith.constant 0 : i32
      %dma_wait3A_89 = arith.constant 0 : i32
      %dma_wait3A_90 = tpu.memref_slice %arg2[%dma_wait3A_88, %dma_wait3A_89] : memref<262144x128xf32, #tpu.memory_space<hbm>> -> memref<262144x128xf32, #tpu.memory_space<hbm>>
      tpu.wait_indirect_dma semaphore(%arg7 : memref<!tpu.dma_semaphore, #tpu.memory_space<semaphore_mem>>) src(%dma_wait3A_90 : memref<262144x128xf32, #tpu.memory_space<hbm>>) dst(%dma_wait3A_84 : memref<128x128xf32, #tpu.memory_space<vmem>>)
      %mul3A_91 = arith.constant 512 : i32
      %mul3A_92 = arith.muli %add3A_12, %mul3A_91 : i32
      "tpu.region"() ({
        %run_scoped3A = tpu.sem_alloc : memref<!tpu.dma_semaphore, #tpu.memory_space<semaphore_mem>>
        %dma_start3A_93 = arith.constant 0 : i32
        %dma_start3A_94 = tpu.memref_slice %arg4[%mul3A_92, %dma_start3A_93] : memref<163840x128xf32, #tpu.memory_space<hbm>> -> memref<512x128xf32, #tpu.memory_space<hbm>>
        %dma_start3A_95 = arith.constant 0 : i32
        %dma_start3A_96 = tpu.memref_slice %arg4[%mul3A_92, %dma_start3A_95] : memref<163840x128xf32, #tpu.memory_space<hbm>> -> memref<512x128xf32, #tpu.memory_space<hbm>>
        tpu.enqueue_dma source(%arg6 : memref<512x128xf32, #tpu.memory_space<vmem>>) target(%dma_start3A_96 : memref<512x128xf32, #tpu.memory_space<hbm>>) target_semaphore(%run_scoped3A : memref<!tpu.dma_semaphore, #tpu.memory_space<semaphore_mem>>)
        %dma_wait3A_97 = arith.constant 0 : i32
        %dma_wait3A_98 = tpu.memref_slice %arg4[%mul3A_92, %dma_wait3A_97] : memref<163840x128xf32, #tpu.memory_space<hbm>> -> memref<512x128xf32, #tpu.memory_space<hbm>>
        %dma_wait3A_99 = arith.constant 0 : i32
        %dma_wait3A_100 = tpu.memref_slice %arg4[%mul3A_92, %dma_wait3A_99] : memref<163840x128xf32, #tpu.memory_space<hbm>> -> memref<512x128xf32, #tpu.memory_space<hbm>>
        tpu.wait_dma2 semaphore(%run_scoped3A : memref<!tpu.dma_semaphore, #tpu.memory_space<semaphore_mem>>) src(%arg6 : memref<512x128xf32, #tpu.memory_space<vmem>>) dst(%dma_wait3A_100 : memref<512x128xf32, #tpu.memory_space<hbm>>)
        tpu.yield
      }) : () -> ()
    }
    %scan3A_6 = arith.constant 10 : i32
    return
  }
}

module attributes {stable_mosaic.version = 14 : i64} {
  func.func @_transform_body(%arg0: i32, %arg1: memref<64x16384xf32, #tpu.memory_space<vmem>>, %arg2: memref<64x64xbf16, #tpu.memory_space<vmem>>, %arg3: memref<64x1xf32, #tpu.memory_space<vmem>>, %arg4: memref<64x64xbf16, #tpu.memory_space<vmem>>, %arg5: memref<64x1xf32, #tpu.memory_space<vmem>>, %arg6: memref<16384x128xf32, #tpu.memory_space<vmem>>) attributes {dimension_semantics = [#tpu.dimension_semantics<arbitrary>], iteration_bounds = array<i64: 16>, scalar_prefetch = 0 : i64, scratch_operands = 0 : i64, tpu.core_type = #tpu.core_type<tc>, window_params = [{transform_indices = @transform_0, window_bounds = array<i64: 64, 16384>}, {pipeline_mode = #tpu.pipeline_mode<synchronous>, transform_indices = @transform_1, window_bounds = array<i64: 64, 64>}, {pipeline_mode = #tpu.pipeline_mode<synchronous>, transform_indices = @transform_2, window_bounds = array<i64: 64, 1>}, {pipeline_mode = #tpu.pipeline_mode<synchronous>, transform_indices = @transform_3, window_bounds = array<i64: 64, 64>}, {pipeline_mode = #tpu.pipeline_mode<synchronous>, transform_indices = @transform_4, window_bounds = array<i64: 64, 1>}, {transform_indices = @transform_5, window_bounds = array<i64: 16384, 128>}]} {
    %get3A = arith.constant 0 : index
    %get3A_0 = arith.constant 0 : index
    %get3A_1 = vector.load %arg1[%get3A, %get3A_0] : memref<64x16384xf32, #tpu.memory_space<vmem>>, vector<64x16384xf32>
    %convert_element_type3A = arith.truncf %get3A_1 : vector<64x16384xf32> to vector<64x16384xbf16>
    %get3A_2 = arith.constant 0 : index
    %get3A_3 = arith.constant 0 : index
    %get3A_4 = vector.load %arg2[%get3A_2, %get3A_3] : memref<64x64xbf16, #tpu.memory_space<vmem>>, vector<64x64xbf16>
    %dot_general3A = arith.constant dense<0.000000e+00> : vector<64x16384xf32>
    %dot_general3A_5 = tpu.matmul %get3A_4, %convert_element_type3A, %dot_general3A {dimension_numbers = #tpu.dot_dimension_numbers<[1], [0], [0], [1], [0, 0, 1, 1], [], []>, transpose_lhs_hint = false} : vector<64x64xbf16>, vector<64x16384xbf16>, vector<64x16384xf32> -> vector<64x16384xf32>
    %get3A_6 = arith.constant 0 : index
    %get3A_7 = arith.constant 0 : index
    %get3A_8 = vector.load %arg3[%get3A_6, %get3A_7] : memref<64x1xf32, #tpu.memory_space<vmem>>, vector<64x1xf32>
    %add3A = vector.broadcast %get3A_8 : vector<64x1xf32> to vector<64x16384xf32>
    %add3A_9 = arith.addf %dot_general3A_5, %add3A : vector<64x16384xf32>
    %max3A = arith.constant 0.000000e+00 : f32
    %max3A_10 = vector.broadcast %max3A : f32 to vector<64x16384xf32>
    %max3A_11 = arith.maximumf %add3A_9, %max3A_10 : vector<64x16384xf32>
    %convert_element_type3A_12 = arith.truncf %max3A_11 : vector<64x16384xf32> to vector<64x16384xbf16>
    %get3A_13 = arith.constant 0 : index
    %get3A_14 = arith.constant 0 : index
    %get3A_15 = vector.load %arg4[%get3A_13, %get3A_14] : memref<64x64xbf16, #tpu.memory_space<vmem>>, vector<64x64xbf16>
    %dot_general3A_16 = arith.constant dense<0.000000e+00> : vector<64x16384xf32>
    %dot_general3A_17 = tpu.matmul %get3A_15, %convert_element_type3A_12, %dot_general3A_16 {dimension_numbers = #tpu.dot_dimension_numbers<[1], [0], [0], [1], [0, 0, 1, 1], [], []>, transpose_lhs_hint = false} : vector<64x64xbf16>, vector<64x16384xbf16>, vector<64x16384xf32> -> vector<64x16384xf32>
    %get3A_18 = arith.constant 0 : index
    %get3A_19 = arith.constant 0 : index
    %get3A_20 = vector.load %arg5[%get3A_18, %get3A_19] : memref<64x1xf32, #tpu.memory_space<vmem>>, vector<64x1xf32>
    %add3A_21 = vector.broadcast %get3A_20 : vector<64x1xf32> to vector<64x16384xf32>
    %add3A_22 = arith.addf %dot_general3A_17, %add3A_21 : vector<64x16384xf32>
    %mul3A = arith.constant 16384 : i32
    %mul3A_23 = arith.muli %arg0, %mul3A : i32
    %iota3A = tpu.iota {dimensions = array<i32: 1>} : vector<1x16384xi32>
    %add3A_24 = vector.broadcast %mul3A_23 : i32 to vector<1x16384xi32>
    %add3A_25 = arith.addi %add3A_24, %iota3A : vector<1x16384xi32>
    %lt3A = arith.constant 131071 : i32
    %lt3A_26 = vector.broadcast %lt3A : i32 to vector<1x16384xi32>
    %lt3A_27 = arith.cmpi slt, %add3A_25, %lt3A_26 : vector<1x16384xi32>
    %broadcast_in_dim3A = vector.shape_cast %lt3A_27 : vector<1x16384xi1> to vector<1x16384xi1>
    %broadcast_in_dim3A_28 = vector.broadcast %broadcast_in_dim3A : vector<1x16384xi1> to vector<64x16384xi1>
    %select_n3A = arith.select %broadcast_in_dim3A_28, %add3A_22, %get3A_1 : vector<64x16384xi1>, vector<64x16384xf32>
    %transpose3A = tpu.transpose %select_n3A, [1, 0] : vector<64x16384xf32> -> vector<16384x64xf32>
    %broadcast_in_dim3A_29 = arith.constant 0.000000e+00 : f32
    %broadcast_in_dim3A_30 = vector.broadcast %broadcast_in_dim3A_29 : f32 to vector<16384x64xf32>
    %concatenate3A = tpu.concatenate %transpose3A, %broadcast_in_dim3A_30 in 1 : vector<16384x64xf32>, vector<16384x64xf32> -> vector<16384x128xf32>
    %swap3A = arith.constant 0 : index
    %swap3A_31 = arith.constant 0 : index
    %swap3A_32 = vector.load %arg6[%swap3A, %swap3A_31] : memref<16384x128xf32, #tpu.memory_space<vmem>>, vector<16384x128xf32>
    tpu.vector_store %arg6[%swap3A, %swap3A_31], %concatenate3A {strides = array<i32>} : memref<16384x128xf32, #tpu.memory_space<vmem>>, vector<16384x128xf32>,
    return
  }
  func.func @transform_0(%arg0: i32) -> (i32, i32) {
    %c0_i32 = arith.constant 0 : i32
    %c0_i32_0 = arith.constant 0 : i32
    return %c0_i32, %arg0 : i32, i32
  }
  func.func @transform_1(%arg0: i32) -> (i32, i32) {
    %c0_i32 = arith.constant 0 : i32
    %c0_i32_0 = arith.constant 0 : i32
    %c0_i32_1 = arith.constant 0 : i32
    return %c0_i32, %c0_i32_0 : i32, i32
  }
  func.func @transform_2(%arg0: i32) -> (i32, i32) {
    %c0_i32 = arith.constant 0 : i32
    %c0_i32_0 = arith.constant 0 : i32
    %c0_i32_1 = arith.constant 0 : i32
    return %c0_i32, %c0_i32_0 : i32, i32
  }
  func.func @transform_3(%arg0: i32) -> (i32, i32) {
    %c0_i32 = arith.constant 0 : i32
    %c0_i32_0 = arith.constant 0 : i32
    %c0_i32_1 = arith.constant 0 : i32
    return %c0_i32, %c0_i32_0 : i32, i32
  }
  func.func @transform_4(%arg0: i32) -> (i32, i32) {
    %c0_i32 = arith.constant 0 : i32
    %c0_i32_0 = arith.constant 0 : i32
    %c0_i32_1 = arith.constant 0 : i32
    return %c0_i32, %c0_i32_0 : i32, i32
  }
  func.func @transform_5(%arg0: i32) -> (i32, i32) {
    %c0_i32 = arith.constant 0 : i32
    %c0_i32_0 = arith.constant 0 : i32
    return %arg0, %c0_i32 : i32, i32
  }
}

module attributes {stable_mosaic.version = 14 : i64} {
  func.func @_extract_first_body(%arg0: i32, %arg1: memref<16384x128xf32, #tpu.memory_space<vmem>>, %arg2: memref<32x32x512xf32, #tpu.memory_space<vmem>>, %arg3: memref<32x32x512xf32, #tpu.memory_space<vmem>>) attributes {dimension_semantics = [#tpu.dimension_semantics<arbitrary>], iteration_bounds = array<i64: 10>, scalar_prefetch = 0 : i64, scratch_operands = 0 : i64, tpu.core_type = #tpu.core_type<tc>, window_params = [{transform_indices = @transform_0, window_bounds = array<i64: 16384, 128>}, {transform_indices = @transform_1, window_bounds = array<i64: 32, 32, 512>}, {transform_indices = @transform_2, window_bounds = array<i64: 32, 32, 512>}]} {
    %get3A = arith.constant 0 : index
    %get3A_0 = arith.constant 0 : index
    %get3A_1 = vector.load %arg1[%get3A, %get3A_0] : memref<16384x128xf32, #tpu.memory_space<vmem>>, vector<16384x128xf32>
    %slice3A = vector.extract_strided_slice %get3A_1 {offsets = [0, 0], sizes = [512, 64], strides = [1, 1]} : vector<16384x128xf32> to vector<512x64xf32>
    %transpose3A = tpu.transpose %slice3A, [1, 0] : vector<512x64xf32> -> vector<64x512xf32>
    %slice3A_2 = vector.extract_strided_slice %transpose3A {offsets = [0, 0], sizes = [32, 512], strides = [1, 1]} : vector<64x512xf32> to vector<32x512xf32>
    %swap3A = arith.constant 0 : index
    %swap3A_3 = arith.constant 0 : index
    %swap3A_4 = arith.constant 0 : index
    %swap3A_5 = vector.load %arg2[%swap3A, %swap3A_3, %swap3A_4] : memref<32x32x512xf32, #tpu.memory_space<vmem>>, vector<1x32x512xf32>
    %swap3A_6 = vector.shape_cast %swap3A_5 : vector<1x32x512xf32> to vector<32x512xf32>
    %swap3A_7 = vector.shape_cast %slice3A_2 : vector<32x512xf32> to vector<1x32x512xf32>
    tpu.vector_store %arg2[%swap3A, %swap3A_3, %swap3A_4], %swap3A_7 {strides = array<i32>} : memref<32x32x512xf32, #tpu.memory_space<vmem>>, vector<1x32x512xf32>,
    %slice3A_8 = vector.extract_strided_slice %transpose3A {offsets = [32, 0], sizes = [32, 512], strides = [1, 1]} : vector<64x512xf32> to vector<32x512xf32>
    %swap3A_9 = arith.constant 0 : index
    %swap3A_10 = arith.constant 0 : index
    %swap3A_11 = arith.constant 0 : index
    %swap3A_12 = vector.load %arg3[%swap3A_9, %swap3A_10, %swap3A_11] : memref<32x32x512xf32, #tpu.memory_space<vmem>>, vector<1x32x512xf32>
    %swap3A_13 = vector.shape_cast %swap3A_12 : vector<1x32x512xf32> to vector<32x512xf32>
    %swap3A_14 = vector.shape_cast %slice3A_8 : vector<32x512xf32> to vector<1x32x512xf32>
    tpu.vector_store %arg3[%swap3A_9, %swap3A_10, %swap3A_11], %swap3A_14 {strides = array<i32>} : memref<32x32x512xf32, #tpu.memory_space<vmem>>, vector<1x32x512xf32>,
    %slice3A_15 = vector.extract_strided_slice %get3A_1 {offsets = [512, 0], sizes = [512, 64], strides = [1, 1]} : vector<16384x128xf32> to vector<512x64xf32>
    %transpose3A_16 = tpu.transpose %slice3A_15, [1, 0] : vector<512x64xf32> -> vector<64x512xf32>
    %slice3A_17 = vector.extract_strided_slice %transpose3A_16 {offsets = [0, 0], sizes = [32, 512], strides = [1, 1]} : vector<64x512xf32> to vector<32x512xf32>
    %swap3A_18 = arith.constant 1 : index
    %swap3A_19 = arith.constant 0 : index
    %swap3A_20 = arith.constant 0 : index
    %swap3A_21 = vector.load %arg2[%swap3A_18, %swap3A_19, %swap3A_20] : memref<32x32x512xf32, #tpu.memory_space<vmem>>, vector<1x32x512xf32>
    %swap3A_22 = vector.shape_cast %swap3A_21 : vector<1x32x512xf32> to vector<32x512xf32>
    %swap3A_23 = vector.shape_cast %slice3A_17 : vector<32x512xf32> to vector<1x32x512xf32>
    tpu.vector_store %arg2[%swap3A_18, %swap3A_19, %swap3A_20], %swap3A_23 {strides = array<i32>} : memref<32x32x512xf32, #tpu.memory_space<vmem>>, vector<1x32x512xf32>,
    %slice3A_24 = vector.extract_strided_slice %transpose3A_16 {offsets = [32, 0], sizes = [32, 512], strides = [1, 1]} : vector<64x512xf32> to vector<32x512xf32>
    %swap3A_25 = arith.constant 1 : index
    %swap3A_26 = arith.constant 0 : index
    %swap3A_27 = arith.constant 0 : index
    %swap3A_28 = vector.load %arg3[%swap3A_25, %swap3A_26, %swap3A_27] : memref<32x32x512xf32, #tpu.memory_space<vmem>>, vector<1x32x512xf32>
    %swap3A_29 = vector.shape_cast %swap3A_28 : vector<1x32x512xf32> to vector<32x512xf32>
    %swap3A_30 = vector.shape_cast %slice3A_24 : vector<32x512xf32> to vector<1x32x512xf32>
    tpu.vector_store %arg3[%swap3A_25, %swap3A_26, %swap3A_27], %swap3A_30 {strides = array<i32>} : memref<32x32x512xf32, #tpu.memory_space<vmem>>, vector<1x32x512xf32>,
    %slice3A_31 = vector.extract_strided_slice %get3A_1 {offsets = [1024, 0], sizes = [512, 64], strides = [1, 1]} : vector<16384x128xf32> to vector<512x64xf32>
    %transpose3A_32 = tpu.transpose %slice3A_31, [1, 0] : vector<512x64xf32> -> vector<64x512xf32>
    %slice3A_33 = vector.extract_strided_slice %transpose3A_32 {offsets = [0, 0], sizes = [32, 512], strides = [1, 1]} : vector<64x512xf32> to vector<32x512xf32>
    %swap3A_34 = arith.constant 2 : index
    %swap3A_35 = arith.constant 0 : index
    %swap3A_36 = arith.constant 0 : index
    %swap3A_37 = vector.load %arg2[%swap3A_34, %swap3A_35, %swap3A_36] : memref<32x32x512xf32, #tpu.memory_space<vmem>>, vector<1x32x512xf32>
    %swap3A_38 = vector.shape_cast %swap3A_37 : vector<1x32x512xf32> to vector<32x512xf32>
    %swap3A_39 = vector.shape_cast %slice3A_33 : vector<32x512xf32> to vector<1x32x512xf32>
    tpu.vector_store %arg2[%swap3A_34, %swap3A_35, %swap3A_36], %swap3A_39 {strides = array<i32>} : memref<32x32x512xf32, #tpu.memory_space<vmem>>, vector<1x32x512xf32>,
    %slice3A_40 = vector.extract_strided_slice %transpose3A_32 {offsets = [32, 0], sizes = [32, 512], strides = [1, 1]} : vector<64x512xf32> to vector<32x512xf32>
    %swap3A_41 = arith.constant 2 : index
    %swap3A_42 = arith.constant 0 : index
    %swap3A_43 = arith.constant 0 : index
    %swap3A_44 = vector.load %arg3[%swap3A_41, %swap3A_42, %swap3A_43] : memref<32x32x512xf32, #tpu.memory_space<vmem>>, vector<1x32x512xf32>
    %swap3A_45 = vector.shape_cast %swap3A_44 : vector<1x32x512xf32> to vector<32x512xf32>
    %swap3A_46 = vector.shape_cast %slice3A_40 : vector<32x512xf32> to vector<1x32x512xf32>
    tpu.vector_store %arg3[%swap3A_41, %swap3A_42, %swap3A_43], %swap3A_46 {strides = array<i32>} : memref<32x32x512xf32, #tpu.memory_space<vmem>>, vector<1x32x512xf32>,
    %slice3A_47 = vector.extract_strided_slice %get3A_1 {offsets = [1536, 0], sizes = [512, 64], strides = [1, 1]} : vector<16384x128xf32> to vector<512x64xf32>
    %transpose3A_48 = tpu.transpose %slice3A_47, [1, 0] : vector<512x64xf32> -> vector<64x512xf32>
    %slice3A_49 = vector.extract_strided_slice %transpose3A_48 {offsets = [0, 0], sizes = [32, 512], strides = [1, 1]} : vector<64x512xf32> to vector<32x512xf32>
    %swap3A_50 = arith.constant 3 : index
    %swap3A_51 = arith.constant 0 : index
    %swap3A_52 = arith.constant 0 : index
    %swap3A_53 = vector.load %arg2[%swap3A_50, %swap3A_51, %swap3A_52] : memref<32x32x512xf32, #tpu.memory_space<vmem>>, vector<1x32x512xf32>
    %swap3A_54 = vector.shape_cast %swap3A_53 : vector<1x32x512xf32> to vector<32x512xf32>
    %swap3A_55 = vector.shape_cast %slice3A_49 : vector<32x512xf32> to vector<1x32x512xf32>
    tpu.vector_store %arg2[%swap3A_50, %swap3A_51, %swap3A_52], %swap3A_55 {strides = array<i32>} : memref<32x32x512xf32, #tpu.memory_space<vmem>>, vector<1x32x512xf32>,
    %slice3A_56 = vector.extract_strided_slice %transpose3A_48 {offsets = [32, 0], sizes = [32, 512], strides = [1, 1]} : vector<64x512xf32> to vector<32x512xf32>
    %swap3A_57 = arith.constant 3 : index
    %swap3A_58 = arith.constant 0 : index
    %swap3A_59 = arith.constant 0 : index
    %swap3A_60 = vector.load %arg3[%swap3A_57, %swap3A_58, %swap3A_59] : memref<32x32x512xf32, #tpu.memory_space<vmem>>, vector<1x32x512xf32>
    %swap3A_61 = vector.shape_cast %swap3A_60 : vector<1x32x512xf32> to vector<32x512xf32>
    %swap3A_62 = vector.shape_cast %slice3A_56 : vector<32x512xf32> to vector<1x32x512xf32>
    tpu.vector_store %arg3[%swap3A_57, %swap3A_58, %swap3A_59], %swap3A_62 {strides = array<i32>} : memref<32x32x512xf32, #tpu.memory_space<vmem>>, vector<1x32x512xf32>,
    %slice3A_63 = vector.extract_strided_slice %get3A_1 {offsets = [2048, 0], sizes = [512, 64], strides = [1, 1]} : vector<16384x128xf32> to vector<512x64xf32>
    %transpose3A_64 = tpu.transpose %slice3A_63, [1, 0] : vector<512x64xf32> -> vector<64x512xf32>
    %slice3A_65 = vector.extract_strided_slice %transpose3A_64 {offsets = [0, 0], sizes = [32, 512], strides = [1, 1]} : vector<64x512xf32> to vector<32x512xf32>
    %swap3A_66 = arith.constant 4 : index
    %swap3A_67 = arith.constant 0 : index
    %swap3A_68 = arith.constant 0 : index
    %swap3A_69 = vector.load %arg2[%swap3A_66, %swap3A_67, %swap3A_68] : memref<32x32x512xf32, #tpu.memory_space<vmem>>, vector<1x32x512xf32>
    %swap3A_70 = vector.shape_cast %swap3A_69 : vector<1x32x512xf32> to vector<32x512xf32>
    %swap3A_71 = vector.shape_cast %slice3A_65 : vector<32x512xf32> to vector<1x32x512xf32>
    tpu.vector_store %arg2[%swap3A_66, %swap3A_67, %swap3A_68], %swap3A_71 {strides = array<i32>} : memref<32x32x512xf32, #tpu.memory_space<vmem>>, vector<1x32x512xf32>,
    %slice3A_72 = vector.extract_strided_slice %transpose3A_64 {offsets = [32, 0], sizes = [32, 512], strides = [1, 1]} : vector<64x512xf32> to vector<32x512xf32>
    %swap3A_73 = arith.constant 4 : index
    %swap3A_74 = arith.constant 0 : index
    %swap3A_75 = arith.constant 0 : index
    %swap3A_76 = vector.load %arg3[%swap3A_73, %swap3A_74, %swap3A_75] : memref<32x32x512xf32, #tpu.memory_space<vmem>>, vector<1x32x512xf32>
    %swap3A_77 = vector.shape_cast %swap3A_76 : vector<1x32x512xf32> to vector<32x512xf32>
    %swap3A_78 = vector.shape_cast %slice3A_72 : vector<32x512xf32> to vector<1x32x512xf32>
    tpu.vector_store %arg3[%swap3A_73, %swap3A_74, %swap3A_75], %swap3A_78 {strides = array<i32>} : memref<32x32x512xf32, #tpu.memory_space<vmem>>, vector<1x32x512xf32>,
    %slice3A_79 = vector.extract_strided_slice %get3A_1 {offsets = [2560, 0], sizes = [512, 64], strides = [1, 1]} : vector<16384x128xf32> to vector<512x64xf32>
    %transpose3A_80 = tpu.transpose %slice3A_79, [1, 0] : vector<512x64xf32> -> vector<64x512xf32>
    %slice3A_81 = vector.extract_strided_slice %transpose3A_80 {offsets = [0, 0], sizes = [32, 512], strides = [1, 1]} : vector<64x512xf32> to vector<32x512xf32>
    %swap3A_82 = arith.constant 5 : index
    %swap3A_83 = arith.constant 0 : index
    %swap3A_84 = arith.constant 0 : index
    %swap3A_85 = vector.load %arg2[%swap3A_82, %swap3A_83, %swap3A_84] : memref<32x32x512xf32, #tpu.memory_space<vmem>>, vector<1x32x512xf32>
    %swap3A_86 = vector.shape_cast %swap3A_85 : vector<1x32x512xf32> to vector<32x512xf32>
    %swap3A_87 = vector.shape_cast %slice3A_81 : vector<32x512xf32> to vector<1x32x512xf32>
    tpu.vector_store %arg2[%swap3A_82, %swap3A_83, %swap3A_84], %swap3A_87 {strides = array<i32>} : memref<32x32x512xf32, #tpu.memory_space<vmem>>, vector<1x32x512xf32>,
    %slice3A_88 = vector.extract_strided_slice %transpose3A_80 {offsets = [32, 0], sizes = [32, 512], strides = [1, 1]} : vector<64x512xf32> to vector<32x512xf32>
    %swap3A_89 = arith.constant 5 : index
    %swap3A_90 = arith.constant 0 : index
    %swap3A_91 = arith.constant 0 : index
    %swap3A_92 = vector.load %arg3[%swap3A_89, %swap3A_90, %swap3A_91] : memref<32x32x512xf32, #tpu.memory_space<vmem>>, vector<1x32x512xf32>
    %swap3A_93 = vector.shape_cast %swap3A_92 : vector<1x32x512xf32> to vector<32x512xf32>
    %swap3A_94 = vector.shape_cast %slice3A_88 : vector<32x512xf32> to vector<1x32x512xf32>
    tpu.vector_store %arg3[%swap3A_89, %swap3A_90, %swap3A_91], %swap3A_94 {strides = array<i32>} : memref<32x32x512xf32, #tpu.memory_space<vmem>>, vector<1x32x512xf32>,
    %slice3A_95 = vector.extract_strided_slice %get3A_1 {offsets = [3072, 0], sizes = [512, 64], strides = [1, 1]} : vector<16384x128xf32> to vector<512x64xf32>
    %transpose3A_96 = tpu.transpose %slice3A_95, [1, 0] : vector<512x64xf32> -> vector<64x512xf32>
    %slice3A_97 = vector.extract_strided_slice %transpose3A_96 {offsets = [0, 0], sizes = [32, 512], strides = [1, 1]} : vector<64x512xf32> to vector<32x512xf32>
    %swap3A_98 = arith.constant 6 : index
    %swap3A_99 = arith.constant 0 : index
    %swap3A_100 = arith.constant 0 : index
    %swap3A_101 = vector.load %arg2[%swap3A_98, %swap3A_99, %swap3A_100] : memref<32x32x512xf32, #tpu.memory_space<vmem>>, vector<1x32x512xf32>
    %swap3A_102 = vector.shape_cast %swap3A_101 : vector<1x32x512xf32> to vector<32x512xf32>
    %swap3A_103 = vector.shape_cast %slice3A_97 : vector<32x512xf32> to vector<1x32x512xf32>
    tpu.vector_store %arg2[%swap3A_98, %swap3A_99, %swap3A_100], %swap3A_103 {strides = array<i32>} : memref<32x32x512xf32, #tpu.memory_space<vmem>>, vector<1x32x512xf32>,
    %slice3A_104 = vector.extract_strided_slice %transpose3A_96 {offsets = [32, 0], sizes = [32, 512], strides = [1, 1]} : vector<64x512xf32> to vector<32x512xf32>
    %swap3A_105 = arith.constant 6 : index
    %swap3A_106 = arith.constant 0 : index
    %swap3A_107 = arith.constant 0 : index
    %swap3A_108 = vector.load %arg3[%swap3A_105, %swap3A_106, %swap3A_107] : memref<32x32x512xf32, #tpu.memory_space<vmem>>, vector<1x32x512xf32>
    %swap3A_109 = vector.shape_cast %swap3A_108 : vector<1x32x512xf32> to vector<32x512xf32>
    %swap3A_110 = vector.shape_cast %slice3A_104 : vector<32x512xf32> to vector<1x32x512xf32>
    tpu.vector_store %arg3[%swap3A_105, %swap3A_106, %swap3A_107], %swap3A_110 {strides = array<i32>} : memref<32x32x512xf32, #tpu.memory_space<vmem>>, vector<1x32x512xf32>,
    %slice3A_111 = vector.extract_strided_slice %get3A_1 {offsets = [3584, 0], sizes = [512, 64], strides = [1, 1]} : vector<16384x128xf32> to vector<512x64xf32>
    %transpose3A_112 = tpu.transpose %slice3A_111, [1, 0] : vector<512x64xf32> -> vector<64x512xf32>
    %slice3A_113 = vector.extract_strided_slice %transpose3A_112 {offsets = [0, 0], sizes = [32, 512], strides = [1, 1]} : vector<64x512xf32> to vector<32x512xf32>
    %swap3A_114 = arith.constant 7 : index
    %swap3A_115 = arith.constant 0 : index
    %swap3A_116 = arith.constant 0 : index
    %swap3A_117 = vector.load %arg2[%swap3A_114, %swap3A_115, %swap3A_116] : memref<32x32x512xf32, #tpu.memory_space<vmem>>, vector<1x32x512xf32>
    %swap3A_118 = vector.shape_cast %swap3A_117 : vector<1x32x512xf32> to vector<32x512xf32>
    %swap3A_119 = vector.shape_cast %slice3A_113 : vector<32x512xf32> to vector<1x32x512xf32>
    tpu.vector_store %arg2[%swap3A_114, %swap3A_115, %swap3A_116], %swap3A_119 {strides = array<i32>} : memref<32x32x512xf32, #tpu.memory_space<vmem>>, vector<1x32x512xf32>,
    %slice3A_120 = vector.extract_strided_slice %transpose3A_112 {offsets = [32, 0], sizes = [32, 512], strides = [1, 1]} : vector<64x512xf32> to vector<32x512xf32>
    %swap3A_121 = arith.constant 7 : index
    %swap3A_122 = arith.constant 0 : index
    %swap3A_123 = arith.constant 0 : index
    %swap3A_124 = vector.load %arg3[%swap3A_121, %swap3A_122, %swap3A_123] : memref<32x32x512xf32, #tpu.memory_space<vmem>>, vector<1x32x512xf32>
    %swap3A_125 = vector.shape_cast %swap3A_124 : vector<1x32x512xf32> to vector<32x512xf32>
    %swap3A_126 = vector.shape_cast %slice3A_120 : vector<32x512xf32> to vector<1x32x512xf32>
    tpu.vector_store %arg3[%swap3A_121, %swap3A_122, %swap3A_123], %swap3A_126 {strides = array<i32>} : memref<32x32x512xf32, #tpu.memory_space<vmem>>, vector<1x32x512xf32>,
    %slice3A_127 = vector.extract_strided_slice %get3A_1 {offsets = [4096, 0], sizes = [512, 64], strides = [1, 1]} : vector<16384x128xf32> to vector<512x64xf32>
    %transpose3A_128 = tpu.transpose %slice3A_127, [1, 0] : vector<512x64xf32> -> vector<64x512xf32>
    %slice3A_129 = vector.extract_strided_slice %transpose3A_128 {offsets = [0, 0], sizes = [32, 512], strides = [1, 1]} : vector<64x512xf32> to vector<32x512xf32>
    %swap3A_130 = arith.constant 8 : index
    %swap3A_131 = arith.constant 0 : index
    %swap3A_132 = arith.constant 0 : index
    %swap3A_133 = vector.load %arg2[%swap3A_130, %swap3A_131, %swap3A_132] : memref<32x32x512xf32, #tpu.memory_space<vmem>>, vector<1x32x512xf32>
    %swap3A_134 = vector.shape_cast %swap3A_133 : vector<1x32x512xf32> to vector<32x512xf32>
    %swap3A_135 = vector.shape_cast %slice3A_129 : vector<32x512xf32> to vector<1x32x512xf32>
    tpu.vector_store %arg2[%swap3A_130, %swap3A_131, %swap3A_132], %swap3A_135 {strides = array<i32>} : memref<32x32x512xf32, #tpu.memory_space<vmem>>, vector<1x32x512xf32>,
    %slice3A_136 = vector.extract_strided_slice %transpose3A_128 {offsets = [32, 0], sizes = [32, 512], strides = [1, 1]} : vector<64x512xf32> to vector<32x512xf32>
    %swap3A_137 = arith.constant 8 : index
    %swap3A_138 = arith.constant 0 : index
    %swap3A_139 = arith.constant 0 : index
    %swap3A_140 = vector.load %arg3[%swap3A_137, %swap3A_138, %swap3A_139] : memref<32x32x512xf32, #tpu.memory_space<vmem>>, vector<1x32x512xf32>
    %swap3A_141 = vector.shape_cast %swap3A_140 : vector<1x32x512xf32> to vector<32x512xf32>
    %swap3A_142 = vector.shape_cast %slice3A_136 : vector<32x512xf32> to vector<1x32x512xf32>
    tpu.vector_store %arg3[%swap3A_137, %swap3A_138, %swap3A_139], %swap3A_142 {strides = array<i32>} : memref<32x32x512xf32, #tpu.memory_space<vmem>>, vector<1x32x512xf32>,
    %slice3A_143 = vector.extract_strided_slice %get3A_1 {offsets = [4608, 0], sizes = [512, 64], strides = [1, 1]} : vector<16384x128xf32> to vector<512x64xf32>
    %transpose3A_144 = tpu.transpose %slice3A_143, [1, 0] : vector<512x64xf32> -> vector<64x512xf32>
    %slice3A_145 = vector.extract_strided_slice %transpose3A_144 {offsets = [0, 0], sizes = [32, 512], strides = [1, 1]} : vector<64x512xf32> to vector<32x512xf32>
    %swap3A_146 = arith.constant 9 : index
    %swap3A_147 = arith.constant 0 : index
    %swap3A_148 = arith.constant 0 : index
    %swap3A_149 = vector.load %arg2[%swap3A_146, %swap3A_147, %swap3A_148] : memref<32x32x512xf32, #tpu.memory_space<vmem>>, vector<1x32x512xf32>
    %swap3A_150 = vector.shape_cast %swap3A_149 : vector<1x32x512xf32> to vector<32x512xf32>
    %swap3A_151 = vector.shape_cast %slice3A_145 : vector<32x512xf32> to vector<1x32x512xf32>
    tpu.vector_store %arg2[%swap3A_146, %swap3A_147, %swap3A_148], %swap3A_151 {strides = array<i32>} : memref<32x32x512xf32, #tpu.memory_space<vmem>>, vector<1x32x512xf32>,
    %slice3A_152 = vector.extract_strided_slice %transpose3A_144 {offsets = [32, 0], sizes = [32, 512], strides = [1, 1]} : vector<64x512xf32> to vector<32x512xf32>
    %swap3A_153 = arith.constant 9 : index
    %swap3A_154 = arith.constant 0 : index
    %swap3A_155 = arith.constant 0 : index
    %swap3A_156 = vector.load %arg3[%swap3A_153, %swap3A_154, %swap3A_155] : memref<32x32x512xf32, #tpu.memory_space<vmem>>, vector<1x32x512xf32>
    %swap3A_157 = vector.shape_cast %swap3A_156 : vector<1x32x512xf32> to vector<32x512xf32>
    %swap3A_158 = vector.shape_cast %slice3A_152 : vector<32x512xf32> to vector<1x32x512xf32>
    tpu.vector_store %arg3[%swap3A_153, %swap3A_154, %swap3A_155], %swap3A_158 {strides = array<i32>} : memref<32x32x512xf32, #tpu.memory_space<vmem>>, vector<1x32x512xf32>,
    %slice3A_159 = vector.extract_strided_slice %get3A_1 {offsets = [5120, 0], sizes = [512, 64], strides = [1, 1]} : vector<16384x128xf32> to vector<512x64xf32>
    %transpose3A_160 = tpu.transpose %slice3A_159, [1, 0] : vector<512x64xf32> -> vector<64x512xf32>
    %slice3A_161 = vector.extract_strided_slice %transpose3A_160 {offsets = [0, 0], sizes = [32, 512], strides = [1, 1]} : vector<64x512xf32> to vector<32x512xf32>
    %swap3A_162 = arith.constant 10 : index
    %swap3A_163 = arith.constant 0 : index
    %swap3A_164 = arith.constant 0 : index
    %swap3A_165 = vector.load %arg2[%swap3A_162, %swap3A_163, %swap3A_164] : memref<32x32x512xf32, #tpu.memory_space<vmem>>, vector<1x32x512xf32>
    %swap3A_166 = vector.shape_cast %swap3A_165 : vector<1x32x512xf32> to vector<32x512xf32>
    %swap3A_167 = vector.shape_cast %slice3A_161 : vector<32x512xf32> to vector<1x32x512xf32>
    tpu.vector_store %arg2[%swap3A_162, %swap3A_163, %swap3A_164], %swap3A_167 {strides = array<i32>} : memref<32x32x512xf32, #tpu.memory_space<vmem>>, vector<1x32x512xf32>,
    %slice3A_168 = vector.extract_strided_slice %transpose3A_160 {offsets = [32, 0], sizes = [32, 512], strides = [1, 1]} : vector<64x512xf32> to vector<32x512xf32>
    %swap3A_169 = arith.constant 10 : index
    %swap3A_170 = arith.constant 0 : index
    %swap3A_171 = arith.constant 0 : index
    %swap3A_172 = vector.load %arg3[%swap3A_169, %swap3A_170, %swap3A_171] : memref<32x32x512xf32, #tpu.memory_space<vmem>>, vector<1x32x512xf32>
    %swap3A_173 = vector.shape_cast %swap3A_172 : vector<1x32x512xf32> to vector<32x512xf32>
    %swap3A_174 = vector.shape_cast %slice3A_168 : vector<32x512xf32> to vector<1x32x512xf32>
    tpu.vector_store %arg3[%swap3A_169, %swap3A_170, %swap3A_171], %swap3A_174 {strides = array<i32>} : memref<32x32x512xf32, #tpu.memory_space<vmem>>, vector<1x32x512xf32>,
    %slice3A_175 = vector.extract_strided_slice %get3A_1 {offsets = [5632, 0], sizes = [512, 64], strides = [1, 1]} : vector<16384x128xf32> to vector<512x64xf32>
    %transpose3A_176 = tpu.transpose %slice3A_175, [1, 0] : vector<512x64xf32> -> vector<64x512xf32>
    %slice3A_177 = vector.extract_strided_slice %transpose3A_176 {offsets = [0, 0], sizes = [32, 512], strides = [1, 1]} : vector<64x512xf32> to vector<32x512xf32>
    %swap3A_178 = arith.constant 11 : index
    %swap3A_179 = arith.constant 0 : index
    %swap3A_180 = arith.constant 0 : index
    %swap3A_181 = vector.load %arg2[%swap3A_178, %swap3A_179, %swap3A_180] : memref<32x32x512xf32, #tpu.memory_space<vmem>>, vector<1x32x512xf32>
    %swap3A_182 = vector.shape_cast %swap3A_181 : vector<1x32x512xf32> to vector<32x512xf32>
    %swap3A_183 = vector.shape_cast %slice3A_177 : vector<32x512xf32> to vector<1x32x512xf32>
    tpu.vector_store %arg2[%swap3A_178, %swap3A_179, %swap3A_180], %swap3A_183 {strides = array<i32>} : memref<32x32x512xf32, #tpu.memory_space<vmem>>, vector<1x32x512xf32>,
    %slice3A_184 = vector.extract_strided_slice %transpose3A_176 {offsets = [32, 0], sizes = [32, 512], strides = [1, 1]} : vector<64x512xf32> to vector<32x512xf32>
    %swap3A_185 = arith.constant 11 : index
    %swap3A_186 = arith.constant 0 : index
    %swap3A_187 = arith.constant 0 : index
    %swap3A_188 = vector.load %arg3[%swap3A_185, %swap3A_186, %swap3A_187] : memref<32x32x512xf32, #tpu.memory_space<vmem>>, vector<1x32x512xf32>
    %swap3A_189 = vector.shape_cast %swap3A_188 : vector<1x32x512xf32> to vector<32x512xf32>
    %swap3A_190 = vector.shape_cast %slice3A_184 : vector<32x512xf32> to vector<1x32x512xf32>
    tpu.vector_store %arg3[%swap3A_185, %swap3A_186, %swap3A_187], %swap3A_190 {strides = array<i32>} : memref<32x32x512xf32, #tpu.memory_space<vmem>>, vector<1x32x512xf32>,
    %slice3A_191 = vector.extract_strided_slice %get3A_1 {offsets = [6144, 0], sizes = [512, 64], strides = [1, 1]} : vector<16384x128xf32> to vector<512x64xf32>
    %transpose3A_192 = tpu.transpose %slice3A_191, [1, 0] : vector<512x64xf32> -> vector<64x512xf32>
    %slice3A_193 = vector.extract_strided_slice %transpose3A_192 {offsets = [0, 0], sizes = [32, 512], strides = [1, 1]} : vector<64x512xf32> to vector<32x512xf32>
    %swap3A_194 = arith.constant 12 : index
    %swap3A_195 = arith.constant 0 : index
    %swap3A_196 = arith.constant 0 : index
    %swap3A_197 = vector.load %arg2[%swap3A_194, %swap3A_195, %swap3A_196] : memref<32x32x512xf32, #tpu.memory_space<vmem>>, vector<1x32x512xf32>
    %swap3A_198 = vector.shape_cast %swap3A_197 : vector<1x32x512xf32> to vector<32x512xf32>
    %swap3A_199 = vector.shape_cast %slice3A_193 : vector<32x512xf32> to vector<1x32x512xf32>
    tpu.vector_store %arg2[%swap3A_194, %swap3A_195, %swap3A_196], %swap3A_199 {strides = array<i32>} : memref<32x32x512xf32, #tpu.memory_space<vmem>>, vector<1x32x512xf32>,
    %slice3A_200 = vector.extract_strided_slice %transpose3A_192 {offsets = [32, 0], sizes = [32, 512], strides = [1, 1]} : vector<64x512xf32> to vector<32x512xf32>
    %swap3A_201 = arith.constant 12 : index
    %swap3A_202 = arith.constant 0 : index
    %swap3A_203 = arith.constant 0 : index
    %swap3A_204 = vector.load %arg3[%swap3A_201, %swap3A_202, %swap3A_203] : memref<32x32x512xf32, #tpu.memory_space<vmem>>, vector<1x32x512xf32>
    %swap3A_205 = vector.shape_cast %swap3A_204 : vector<1x32x512xf32> to vector<32x512xf32>
    %swap3A_206 = vector.shape_cast %slice3A_200 : vector<32x512xf32> to vector<1x32x512xf32>
    tpu.vector_store %arg3[%swap3A_201, %swap3A_202, %swap3A_203], %swap3A_206 {strides = array<i32>} : memref<32x32x512xf32, #tpu.memory_space<vmem>>, vector<1x32x512xf32>,
    %slice3A_207 = vector.extract_strided_slice %get3A_1 {offsets = [6656, 0], sizes = [512, 64], strides = [1, 1]} : vector<16384x128xf32> to vector<512x64xf32>
    %transpose3A_208 = tpu.transpose %slice3A_207, [1, 0] : vector<512x64xf32> -> vector<64x512xf32>
    %slice3A_209 = vector.extract_strided_slice %transpose3A_208 {offsets = [0, 0], sizes = [32, 512], strides = [1, 1]} : vector<64x512xf32> to vector<32x512xf32>
    %swap3A_210 = arith.constant 13 : index
    %swap3A_211 = arith.constant 0 : index
    %swap3A_212 = arith.constant 0 : index
    %swap3A_213 = vector.load %arg2[%swap3A_210, %swap3A_211, %swap3A_212] : memref<32x32x512xf32, #tpu.memory_space<vmem>>, vector<1x32x512xf32>
    %swap3A_214 = vector.shape_cast %swap3A_213 : vector<1x32x512xf32> to vector<32x512xf32>
    %swap3A_215 = vector.shape_cast %slice3A_209 : vector<32x512xf32> to vector<1x32x512xf32>
    tpu.vector_store %arg2[%swap3A_210, %swap3A_211, %swap3A_212], %swap3A_215 {strides = array<i32>} : memref<32x32x512xf32, #tpu.memory_space<vmem>>, vector<1x32x512xf32>,
    %slice3A_216 = vector.extract_strided_slice %transpose3A_208 {offsets = [32, 0], sizes = [32, 512], strides = [1, 1]} : vector<64x512xf32> to vector<32x512xf32>
    %swap3A_217 = arith.constant 13 : index
    %swap3A_218 = arith.constant 0 : index
    %swap3A_219 = arith.constant 0 : index
    %swap3A_220 = vector.load %arg3[%swap3A_217, %swap3A_218, %swap3A_219] : memref<32x32x512xf32, #tpu.memory_space<vmem>>, vector<1x32x512xf32>
    %swap3A_221 = vector.shape_cast %swap3A_220 : vector<1x32x512xf32> to vector<32x512xf32>
    %swap3A_222 = vector.shape_cast %slice3A_216 : vector<32x512xf32> to vector<1x32x512xf32>
    tpu.vector_store %arg3[%swap3A_217, %swap3A_218, %swap3A_219], %swap3A_222 {strides = array<i32>} : memref<32x32x512xf32, #tpu.memory_space<vmem>>, vector<1x32x512xf32>,
    %slice3A_223 = vector.extract_strided_slice %get3A_1 {offsets = [7168, 0], sizes = [512, 64], strides = [1, 1]} : vector<16384x128xf32> to vector<512x64xf32>
    %transpose3A_224 = tpu.transpose %slice3A_223, [1, 0] : vector<512x64xf32> -> vector<64x512xf32>
    %slice3A_225 = vector.extract_strided_slice %transpose3A_224 {offsets = [0, 0], sizes = [32, 512], strides = [1, 1]} : vector<64x512xf32> to vector<32x512xf32>
    %swap3A_226 = arith.constant 14 : index
    %swap3A_227 = arith.constant 0 : index
    %swap3A_228 = arith.constant 0 : index
    %swap3A_229 = vector.load %arg2[%swap3A_226, %swap3A_227, %swap3A_228] : memref<32x32x512xf32, #tpu.memory_space<vmem>>, vector<1x32x512xf32>
    %swap3A_230 = vector.shape_cast %swap3A_229 : vector<1x32x512xf32> to vector<32x512xf32>
    %swap3A_231 = vector.shape_cast %slice3A_225 : vector<32x512xf32> to vector<1x32x512xf32>
    tpu.vector_store %arg2[%swap3A_226, %swap3A_227, %swap3A_228], %swap3A_231 {strides = array<i32>} : memref<32x32x512xf32, #tpu.memory_space<vmem>>, vector<1x32x512xf32>,
    %slice3A_232 = vector.extract_strided_slice %transpose3A_224 {offsets = [32, 0], sizes = [32, 512], strides = [1, 1]} : vector<64x512xf32> to vector<32x512xf32>
    %swap3A_233 = arith.constant 14 : index
    %swap3A_234 = arith.constant 0 : index
    %swap3A_235 = arith.constant 0 : index
    %swap3A_236 = vector.load %arg3[%swap3A_233, %swap3A_234, %swap3A_235] : memref<32x32x512xf32, #tpu.memory_space<vmem>>, vector<1x32x512xf32>
    %swap3A_237 = vector.shape_cast %swap3A_236 : vector<1x32x512xf32> to vector<32x512xf32>
    %swap3A_238 = vector.shape_cast %slice3A_232 : vector<32x512xf32> to vector<1x32x512xf32>
    tpu.vector_store %arg3[%swap3A_233, %swap3A_234, %swap3A_235], %swap3A_238 {strides = array<i32>} : memref<32x32x512xf32, #tpu.memory_space<vmem>>, vector<1x32x512xf32>,
    %slice3A_239 = vector.extract_strided_slice %get3A_1 {offsets = [7680, 0], sizes = [512, 64], strides = [1, 1]} : vector<16384x128xf32> to vector<512x64xf32>
    %transpose3A_240 = tpu.transpose %slice3A_239, [1, 0] : vector<512x64xf32> -> vector<64x512xf32>
    %slice3A_241 = vector.extract_strided_slice %transpose3A_240 {offsets = [0, 0], sizes = [32, 512], strides = [1, 1]} : vector<64x512xf32> to vector<32x512xf32>
    %swap3A_242 = arith.constant 15 : index
    %swap3A_243 = arith.constant 0 : index
    %swap3A_244 = arith.constant 0 : index
    %swap3A_245 = vector.load %arg2[%swap3A_242, %swap3A_243, %swap3A_244] : memref<32x32x512xf32, #tpu.memory_space<vmem>>, vector<1x32x512xf32>
    %swap3A_246 = vector.shape_cast %swap3A_245 : vector<1x32x512xf32> to vector<32x512xf32>
    %swap3A_247 = vector.shape_cast %slice3A_241 : vector<32x512xf32> to vector<1x32x512xf32>
    tpu.vector_store %arg2[%swap3A_242, %swap3A_243, %swap3A_244], %swap3A_247 {strides = array<i32>} : memref<32x32x512xf32, #tpu.memory_space<vmem>>, vector<1x32x512xf32>,
    %slice3A_248 = vector.extract_strided_slice %transpose3A_240 {offsets = [32, 0], sizes = [32, 512], strides = [1, 1]} : vector<64x512xf32> to vector<32x512xf32>
    %swap3A_249 = arith.constant 15 : index
    %swap3A_250 = arith.constant 0 : index
    %swap3A_251 = arith.constant 0 : index
    %swap3A_252 = vector.load %arg3[%swap3A_249, %swap3A_250, %swap3A_251] : memref<32x32x512xf32, #tpu.memory_space<vmem>>, vector<1x32x512xf32>
    %swap3A_253 = vector.shape_cast %swap3A_252 : vector<1x32x512xf32> to vector<32x512xf32>
    %swap3A_254 = vector.shape_cast %slice3A_248 : vector<32x512xf32> to vector<1x32x512xf32>
    tpu.vector_store %arg3[%swap3A_249, %swap3A_250, %swap3A_251], %swap3A_254 {strides = array<i32>} : memref<32x32x512xf32, #tpu.memory_space<vmem>>, vector<1x32x512xf32>,
    %slice3A_255 = vector.extract_strided_slice %get3A_1 {offsets = [8192, 0], sizes = [512, 64], strides = [1, 1]} : vector<16384x128xf32> to vector<512x64xf32>
    %transpose3A_256 = tpu.transpose %slice3A_255, [1, 0] : vector<512x64xf32> -> vector<64x512xf32>
    %slice3A_257 = vector.extract_strided_slice %transpose3A_256 {offsets = [0, 0], sizes = [32, 512], strides = [1, 1]} : vector<64x512xf32> to vector<32x512xf32>
    %swap3A_258 = arith.constant 16 : index
    %swap3A_259 = arith.constant 0 : index
    %swap3A_260 = arith.constant 0 : index
    %swap3A_261 = vector.load %arg2[%swap3A_258, %swap3A_259, %swap3A_260] : memref<32x32x512xf32, #tpu.memory_space<vmem>>, vector<1x32x512xf32>
    %swap3A_262 = vector.shape_cast %swap3A_261 : vector<1x32x512xf32> to vector<32x512xf32>
    %swap3A_263 = vector.shape_cast %slice3A_257 : vector<32x512xf32> to vector<1x32x512xf32>
    tpu.vector_store %arg2[%swap3A_258, %swap3A_259, %swap3A_260], %swap3A_263 {strides = array<i32>} : memref<32x32x512xf32, #tpu.memory_space<vmem>>, vector<1x32x512xf32>,
    %slice3A_264 = vector.extract_strided_slice %transpose3A_256 {offsets = [32, 0], sizes = [32, 512], strides = [1, 1]} : vector<64x512xf32> to vector<32x512xf32>
    %swap3A_265 = arith.constant 16 : index
    %swap3A_266 = arith.constant 0 : index
    %swap3A_267 = arith.constant 0 : index
    %swap3A_268 = vector.load %arg3[%swap3A_265, %swap3A_266, %swap3A_267] : memref<32x32x512xf32, #tpu.memory_space<vmem>>, vector<1x32x512xf32>
    %swap3A_269 = vector.shape_cast %swap3A_268 : vector<1x32x512xf32> to vector<32x512xf32>
    %swap3A_270 = vector.shape_cast %slice3A_264 : vector<32x512xf32> to vector<1x32x512xf32>
    tpu.vector_store %arg3[%swap3A_265, %swap3A_266, %swap3A_267], %swap3A_270 {strides = array<i32>} : memref<32x32x512xf32, #tpu.memory_space<vmem>>, vector<1x32x512xf32>,
    %slice3A_271 = vector.extract_strided_slice %get3A_1 {offsets = [8704, 0], sizes = [512, 64], strides = [1, 1]} : vector<16384x128xf32> to vector<512x64xf32>
    %transpose3A_272 = tpu.transpose %slice3A_271, [1, 0] : vector<512x64xf32> -> vector<64x512xf32>
    %slice3A_273 = vector.extract_strided_slice %transpose3A_272 {offsets = [0, 0], sizes = [32, 512], strides = [1, 1]} : vector<64x512xf32> to vector<32x512xf32>
    %swap3A_274 = arith.constant 17 : index
    %swap3A_275 = arith.constant 0 : index
    %swap3A_276 = arith.constant 0 : index
    %swap3A_277 = vector.load %arg2[%swap3A_274, %swap3A_275, %swap3A_276] : memref<32x32x512xf32, #tpu.memory_space<vmem>>, vector<1x32x512xf32>
    %swap3A_278 = vector.shape_cast %swap3A_277 : vector<1x32x512xf32> to vector<32x512xf32>
    %swap3A_279 = vector.shape_cast %slice3A_273 : vector<32x512xf32> to vector<1x32x512xf32>
    tpu.vector_store %arg2[%swap3A_274, %swap3A_275, %swap3A_276], %swap3A_279 {strides = array<i32>} : memref<32x32x512xf32, #tpu.memory_space<vmem>>, vector<1x32x512xf32>,
    %slice3A_280 = vector.extract_strided_slice %transpose3A_272 {offsets = [32, 0], sizes = [32, 512], strides = [1, 1]} : vector<64x512xf32> to vector<32x512xf32>
    %swap3A_281 = arith.constant 17 : index
    %swap3A_282 = arith.constant 0 : index
    %swap3A_283 = arith.constant 0 : index
    %swap3A_284 = vector.load %arg3[%swap3A_281, %swap3A_282, %swap3A_283] : memref<32x32x512xf32, #tpu.memory_space<vmem>>, vector<1x32x512xf32>
    %swap3A_285 = vector.shape_cast %swap3A_284 : vector<1x32x512xf32> to vector<32x512xf32>
    %swap3A_286 = vector.shape_cast %slice3A_280 : vector<32x512xf32> to vector<1x32x512xf32>
    tpu.vector_store %arg3[%swap3A_281, %swap3A_282, %swap3A_283], %swap3A_286 {strides = array<i32>} : memref<32x32x512xf32, #tpu.memory_space<vmem>>, vector<1x32x512xf32>,
    %slice3A_287 = vector.extract_strided_slice %get3A_1 {offsets = [9216, 0], sizes = [512, 64], strides = [1, 1]} : vector<16384x128xf32> to vector<512x64xf32>
    %transpose3A_288 = tpu.transpose %slice3A_287, [1, 0] : vector<512x64xf32> -> vector<64x512xf32>
    %slice3A_289 = vector.extract_strided_slice %transpose3A_288 {offsets = [0, 0], sizes = [32, 512], strides = [1, 1]} : vector<64x512xf32> to vector<32x512xf32>
    %swap3A_290 = arith.constant 18 : index
    %swap3A_291 = arith.constant 0 : index
    %swap3A_292 = arith.constant 0 : index
    %swap3A_293 = vector.load %arg2[%swap3A_290, %swap3A_291, %swap3A_292] : memref<32x32x512xf32, #tpu.memory_space<vmem>>, vector<1x32x512xf32>
    %swap3A_294 = vector.shape_cast %swap3A_293 : vector<1x32x512xf32> to vector<32x512xf32>
    %swap3A_295 = vector.shape_cast %slice3A_289 : vector<32x512xf32> to vector<1x32x512xf32>
    tpu.vector_store %arg2[%swap3A_290, %swap3A_291, %swap3A_292], %swap3A_295 {strides = array<i32>} : memref<32x32x512xf32, #tpu.memory_space<vmem>>, vector<1x32x512xf32>,
    %slice3A_296 = vector.extract_strided_slice %transpose3A_288 {offsets = [32, 0], sizes = [32, 512], strides = [1, 1]} : vector<64x512xf32> to vector<32x512xf32>
    %swap3A_297 = arith.constant 18 : index
    %swap3A_298 = arith.constant 0 : index
    %swap3A_299 = arith.constant 0 : index
    %swap3A_300 = vector.load %arg3[%swap3A_297, %swap3A_298, %swap3A_299] : memref<32x32x512xf32, #tpu.memory_space<vmem>>, vector<1x32x512xf32>
    %swap3A_301 = vector.shape_cast %swap3A_300 : vector<1x32x512xf32> to vector<32x512xf32>
    %swap3A_302 = vector.shape_cast %slice3A_296 : vector<32x512xf32> to vector<1x32x512xf32>
    tpu.vector_store %arg3[%swap3A_297, %swap3A_298, %swap3A_299], %swap3A_302 {strides = array<i32>} : memref<32x32x512xf32, #tpu.memory_space<vmem>>, vector<1x32x512xf32>,
    %slice3A_303 = vector.extract_strided_slice %get3A_1 {offsets = [9728, 0], sizes = [512, 64], strides = [1, 1]} : vector<16384x128xf32> to vector<512x64xf32>
    %transpose3A_304 = tpu.transpose %slice3A_303, [1, 0] : vector<512x64xf32> -> vector<64x512xf32>
    %slice3A_305 = vector.extract_strided_slice %transpose3A_304 {offsets = [0, 0], sizes = [32, 512], strides = [1, 1]} : vector<64x512xf32> to vector<32x512xf32>
    %swap3A_306 = arith.constant 19 : index
    %swap3A_307 = arith.constant 0 : index
    %swap3A_308 = arith.constant 0 : index
    %swap3A_309 = vector.load %arg2[%swap3A_306, %swap3A_307, %swap3A_308] : memref<32x32x512xf32, #tpu.memory_space<vmem>>, vector<1x32x512xf32>
    %swap3A_310 = vector.shape_cast %swap3A_309 : vector<1x32x512xf32> to vector<32x512xf32>
    %swap3A_311 = vector.shape_cast %slice3A_305 : vector<32x512xf32> to vector<1x32x512xf32>
    tpu.vector_store %arg2[%swap3A_306, %swap3A_307, %swap3A_308], %swap3A_311 {strides = array<i32>} : memref<32x32x512xf32, #tpu.memory_space<vmem>>, vector<1x32x512xf32>,
    %slice3A_312 = vector.extract_strided_slice %transpose3A_304 {offsets = [32, 0], sizes = [32, 512], strides = [1, 1]} : vector<64x512xf32> to vector<32x512xf32>
    %swap3A_313 = arith.constant 19 : index
    %swap3A_314 = arith.constant 0 : index
    %swap3A_315 = arith.constant 0 : index
    %swap3A_316 = vector.load %arg3[%swap3A_313, %swap3A_314, %swap3A_315] : memref<32x32x512xf32, #tpu.memory_space<vmem>>, vector<1x32x512xf32>
    %swap3A_317 = vector.shape_cast %swap3A_316 : vector<1x32x512xf32> to vector<32x512xf32>
    %swap3A_318 = vector.shape_cast %slice3A_312 : vector<32x512xf32> to vector<1x32x512xf32>
    tpu.vector_store %arg3[%swap3A_313, %swap3A_314, %swap3A_315], %swap3A_318 {strides = array<i32>} : memref<32x32x512xf32, #tpu.memory_space<vmem>>, vector<1x32x512xf32>,
    %slice3A_319 = vector.extract_strided_slice %get3A_1 {offsets = [10240, 0], sizes = [512, 64], strides = [1, 1]} : vector<16384x128xf32> to vector<512x64xf32>
    %transpose3A_320 = tpu.transpose %slice3A_319, [1, 0] : vector<512x64xf32> -> vector<64x512xf32>
    %slice3A_321 = vector.extract_strided_slice %transpose3A_320 {offsets = [0, 0], sizes = [32, 512], strides = [1, 1]} : vector<64x512xf32> to vector<32x512xf32>
    %swap3A_322 = arith.constant 20 : index
    %swap3A_323 = arith.constant 0 : index
    %swap3A_324 = arith.constant 0 : index
    %swap3A_325 = vector.load %arg2[%swap3A_322, %swap3A_323, %swap3A_324] : memref<32x32x512xf32, #tpu.memory_space<vmem>>, vector<1x32x512xf32>
    %swap3A_326 = vector.shape_cast %swap3A_325 : vector<1x32x512xf32> to vector<32x512xf32>
    %swap3A_327 = vector.shape_cast %slice3A_321 : vector<32x512xf32> to vector<1x32x512xf32>
    tpu.vector_store %arg2[%swap3A_322, %swap3A_323, %swap3A_324], %swap3A_327 {strides = array<i32>} : memref<32x32x512xf32, #tpu.memory_space<vmem>>, vector<1x32x512xf32>,
    %slice3A_328 = vector.extract_strided_slice %transpose3A_320 {offsets = [32, 0], sizes = [32, 512], strides = [1, 1]} : vector<64x512xf32> to vector<32x512xf32>
    %swap3A_329 = arith.constant 20 : index
    %swap3A_330 = arith.constant 0 : index
    %swap3A_331 = arith.constant 0 : index
    %swap3A_332 = vector.load %arg3[%swap3A_329, %swap3A_330, %swap3A_331] : memref<32x32x512xf32, #tpu.memory_space<vmem>>, vector<1x32x512xf32>
    %swap3A_333 = vector.shape_cast %swap3A_332 : vector<1x32x512xf32> to vector<32x512xf32>
    %swap3A_334 = vector.shape_cast %slice3A_328 : vector<32x512xf32> to vector<1x32x512xf32>
    tpu.vector_store %arg3[%swap3A_329, %swap3A_330, %swap3A_331], %swap3A_334 {strides = array<i32>} : memref<32x32x512xf32, #tpu.memory_space<vmem>>, vector<1x32x512xf32>,
    %slice3A_335 = vector.extract_strided_slice %get3A_1 {offsets = [10752, 0], sizes = [512, 64], strides = [1, 1]} : vector<16384x128xf32> to vector<512x64xf32>
    %transpose3A_336 = tpu.transpose %slice3A_335, [1, 0] : vector<512x64xf32> -> vector<64x512xf32>
    %slice3A_337 = vector.extract_strided_slice %transpose3A_336 {offsets = [0, 0], sizes = [32, 512], strides = [1, 1]} : vector<64x512xf32> to vector<32x512xf32>
    %swap3A_338 = arith.constant 21 : index
    %swap3A_339 = arith.constant 0 : index
    %swap3A_340 = arith.constant 0 : index
    %swap3A_341 = vector.load %arg2[%swap3A_338, %swap3A_339, %swap3A_340] : memref<32x32x512xf32, #tpu.memory_space<vmem>>, vector<1x32x512xf32>
    %swap3A_342 = vector.shape_cast %swap3A_341 : vector<1x32x512xf32> to vector<32x512xf32>
    %swap3A_343 = vector.shape_cast %slice3A_337 : vector<32x512xf32> to vector<1x32x512xf32>
    tpu.vector_store %arg2[%swap3A_338, %swap3A_339, %swap3A_340], %swap3A_343 {strides = array<i32>} : memref<32x32x512xf32, #tpu.memory_space<vmem>>, vector<1x32x512xf32>,
    %slice3A_344 = vector.extract_strided_slice %transpose3A_336 {offsets = [32, 0], sizes = [32, 512], strides = [1, 1]} : vector<64x512xf32> to vector<32x512xf32>
    %swap3A_345 = arith.constant 21 : index
    %swap3A_346 = arith.constant 0 : index
    %swap3A_347 = arith.constant 0 : index
    %swap3A_348 = vector.load %arg3[%swap3A_345, %swap3A_346, %swap3A_347] : memref<32x32x512xf32, #tpu.memory_space<vmem>>, vector<1x32x512xf32>
    %swap3A_349 = vector.shape_cast %swap3A_348 : vector<1x32x512xf32> to vector<32x512xf32>
    %swap3A_350 = vector.shape_cast %slice3A_344 : vector<32x512xf32> to vector<1x32x512xf32>
    tpu.vector_store %arg3[%swap3A_345, %swap3A_346, %swap3A_347], %swap3A_350 {strides = array<i32>} : memref<32x32x512xf32, #tpu.memory_space<vmem>>, vector<1x32x512xf32>,
    %slice3A_351 = vector.extract_strided_slice %get3A_1 {offsets = [11264, 0], sizes = [512, 64], strides = [1, 1]} : vector<16384x128xf32> to vector<512x64xf32>
    %transpose3A_352 = tpu.transpose %slice3A_351, [1, 0] : vector<512x64xf32> -> vector<64x512xf32>
    %slice3A_353 = vector.extract_strided_slice %transpose3A_352 {offsets = [0, 0], sizes = [32, 512], strides = [1, 1]} : vector<64x512xf32> to vector<32x512xf32>
    %swap3A_354 = arith.constant 22 : index
    %swap3A_355 = arith.constant 0 : index
    %swap3A_356 = arith.constant 0 : index
    %swap3A_357 = vector.load %arg2[%swap3A_354, %swap3A_355, %swap3A_356] : memref<32x32x512xf32, #tpu.memory_space<vmem>>, vector<1x32x512xf32>
    %swap3A_358 = vector.shape_cast %swap3A_357 : vector<1x32x512xf32> to vector<32x512xf32>
    %swap3A_359 = vector.shape_cast %slice3A_353 : vector<32x512xf32> to vector<1x32x512xf32>
    tpu.vector_store %arg2[%swap3A_354, %swap3A_355, %swap3A_356], %swap3A_359 {strides = array<i32>} : memref<32x32x512xf32, #tpu.memory_space<vmem>>, vector<1x32x512xf32>,
    %slice3A_360 = vector.extract_strided_slice %transpose3A_352 {offsets = [32, 0], sizes = [32, 512], strides = [1, 1]} : vector<64x512xf32> to vector<32x512xf32>
    %swap3A_361 = arith.constant 22 : index
    %swap3A_362 = arith.constant 0 : index
    %swap3A_363 = arith.constant 0 : index
    %swap3A_364 = vector.load %arg3[%swap3A_361, %swap3A_362, %swap3A_363] : memref<32x32x512xf32, #tpu.memory_space<vmem>>, vector<1x32x512xf32>
    %swap3A_365 = vector.shape_cast %swap3A_364 : vector<1x32x512xf32> to vector<32x512xf32>
    %swap3A_366 = vector.shape_cast %slice3A_360 : vector<32x512xf32> to vector<1x32x512xf32>
    tpu.vector_store %arg3[%swap3A_361, %swap3A_362, %swap3A_363], %swap3A_366 {strides = array<i32>} : memref<32x32x512xf32, #tpu.memory_space<vmem>>, vector<1x32x512xf32>,
    %slice3A_367 = vector.extract_strided_slice %get3A_1 {offsets = [11776, 0], sizes = [512, 64], strides = [1, 1]} : vector<16384x128xf32> to vector<512x64xf32>
    %transpose3A_368 = tpu.transpose %slice3A_367, [1, 0] : vector<512x64xf32> -> vector<64x512xf32>
    %slice3A_369 = vector.extract_strided_slice %transpose3A_368 {offsets = [0, 0], sizes = [32, 512], strides = [1, 1]} : vector<64x512xf32> to vector<32x512xf32>
    %swap3A_370 = arith.constant 23 : index
    %swap3A_371 = arith.constant 0 : index
    %swap3A_372 = arith.constant 0 : index
    %swap3A_373 = vector.load %arg2[%swap3A_370, %swap3A_371, %swap3A_372] : memref<32x32x512xf32, #tpu.memory_space<vmem>>, vector<1x32x512xf32>
    %swap3A_374 = vector.shape_cast %swap3A_373 : vector<1x32x512xf32> to vector<32x512xf32>
    %swap3A_375 = vector.shape_cast %slice3A_369 : vector<32x512xf32> to vector<1x32x512xf32>
    tpu.vector_store %arg2[%swap3A_370, %swap3A_371, %swap3A_372], %swap3A_375 {strides = array<i32>} : memref<32x32x512xf32, #tpu.memory_space<vmem>>, vector<1x32x512xf32>,
    %slice3A_376 = vector.extract_strided_slice %transpose3A_368 {offsets = [32, 0], sizes = [32, 512], strides = [1, 1]} : vector<64x512xf32> to vector<32x512xf32>
    %swap3A_377 = arith.constant 23 : index
    %swap3A_378 = arith.constant 0 : index
    %swap3A_379 = arith.constant 0 : index
    %swap3A_380 = vector.load %arg3[%swap3A_377, %swap3A_378, %swap3A_379] : memref<32x32x512xf32, #tpu.memory_space<vmem>>, vector<1x32x512xf32>
    %swap3A_381 = vector.shape_cast %swap3A_380 : vector<1x32x512xf32> to vector<32x512xf32>
    %swap3A_382 = vector.shape_cast %slice3A_376 : vector<32x512xf32> to vector<1x32x512xf32>
    tpu.vector_store %arg3[%swap3A_377, %swap3A_378, %swap3A_379], %swap3A_382 {strides = array<i32>} : memref<32x32x512xf32, #tpu.memory_space<vmem>>, vector<1x32x512xf32>,
    %slice3A_383 = vector.extract_strided_slice %get3A_1 {offsets = [12288, 0], sizes = [512, 64], strides = [1, 1]} : vector<16384x128xf32> to vector<512x64xf32>
    %transpose3A_384 = tpu.transpose %slice3A_383, [1, 0] : vector<512x64xf32> -> vector<64x512xf32>
    %slice3A_385 = vector.extract_strided_slice %transpose3A_384 {offsets = [0, 0], sizes = [32, 512], strides = [1, 1]} : vector<64x512xf32> to vector<32x512xf32>
    %swap3A_386 = arith.constant 24 : index
    %swap3A_387 = arith.constant 0 : index
    %swap3A_388 = arith.constant 0 : index
    %swap3A_389 = vector.load %arg2[%swap3A_386, %swap3A_387, %swap3A_388] : memref<32x32x512xf32, #tpu.memory_space<vmem>>, vector<1x32x512xf32>
    %swap3A_390 = vector.shape_cast %swap3A_389 : vector<1x32x512xf32> to vector<32x512xf32>
    %swap3A_391 = vector.shape_cast %slice3A_385 : vector<32x512xf32> to vector<1x32x512xf32>
    tpu.vector_store %arg2[%swap3A_386, %swap3A_387, %swap3A_388], %swap3A_391 {strides = array<i32>} : memref<32x32x512xf32, #tpu.memory_space<vmem>>, vector<1x32x512xf32>,
    %slice3A_392 = vector.extract_strided_slice %transpose3A_384 {offsets = [32, 0], sizes = [32, 512], strides = [1, 1]} : vector<64x512xf32> to vector<32x512xf32>
    %swap3A_393 = arith.constant 24 : index
    %swap3A_394 = arith.constant 0 : index
    %swap3A_395 = arith.constant 0 : index
    %swap3A_396 = vector.load %arg3[%swap3A_393, %swap3A_394, %swap3A_395] : memref<32x32x512xf32, #tpu.memory_space<vmem>>, vector<1x32x512xf32>
    %swap3A_397 = vector.shape_cast %swap3A_396 : vector<1x32x512xf32> to vector<32x512xf32>
    %swap3A_398 = vector.shape_cast %slice3A_392 : vector<32x512xf32> to vector<1x32x512xf32>
    tpu.vector_store %arg3[%swap3A_393, %swap3A_394, %swap3A_395], %swap3A_398 {strides = array<i32>} : memref<32x32x512xf32, #tpu.memory_space<vmem>>, vector<1x32x512xf32>,
    %slice3A_399 = vector.extract_strided_slice %get3A_1 {offsets = [12800, 0], sizes = [512, 64], strides = [1, 1]} : vector<16384x128xf32> to vector<512x64xf32>
    %transpose3A_400 = tpu.transpose %slice3A_399, [1, 0] : vector<512x64xf32> -> vector<64x512xf32>
    %slice3A_401 = vector.extract_strided_slice %transpose3A_400 {offsets = [0, 0], sizes = [32, 512], strides = [1, 1]} : vector<64x512xf32> to vector<32x512xf32>
    %swap3A_402 = arith.constant 25 : index
    %swap3A_403 = arith.constant 0 : index
    %swap3A_404 = arith.constant 0 : index
    %swap3A_405 = vector.load %arg2[%swap3A_402, %swap3A_403, %swap3A_404] : memref<32x32x512xf32, #tpu.memory_space<vmem>>, vector<1x32x512xf32>
    %swap3A_406 = vector.shape_cast %swap3A_405 : vector<1x32x512xf32> to vector<32x512xf32>
    %swap3A_407 = vector.shape_cast %slice3A_401 : vector<32x512xf32> to vector<1x32x512xf32>
    tpu.vector_store %arg2[%swap3A_402, %swap3A_403, %swap3A_404], %swap3A_407 {strides = array<i32>} : memref<32x32x512xf32, #tpu.memory_space<vmem>>, vector<1x32x512xf32>,
    %slice3A_408 = vector.extract_strided_slice %transpose3A_400 {offsets = [32, 0], sizes = [32, 512], strides = [1, 1]} : vector<64x512xf32> to vector<32x512xf32>
    %swap3A_409 = arith.constant 25 : index
    %swap3A_410 = arith.constant 0 : index
    %swap3A_411 = arith.constant 0 : index
    %swap3A_412 = vector.load %arg3[%swap3A_409, %swap3A_410, %swap3A_411] : memref<32x32x512xf32, #tpu.memory_space<vmem>>, vector<1x32x512xf32>
    %swap3A_413 = vector.shape_cast %swap3A_412 : vector<1x32x512xf32> to vector<32x512xf32>
    %swap3A_414 = vector.shape_cast %slice3A_408 : vector<32x512xf32> to vector<1x32x512xf32>
    tpu.vector_store %arg3[%swap3A_409, %swap3A_410, %swap3A_411], %swap3A_414 {strides = array<i32>} : memref<32x32x512xf32, #tpu.memory_space<vmem>>, vector<1x32x512xf32>,
    %slice3A_415 = vector.extract_strided_slice %get3A_1 {offsets = [13312, 0], sizes = [512, 64], strides = [1, 1]} : vector<16384x128xf32> to vector<512x64xf32>
    %transpose3A_416 = tpu.transpose %slice3A_415, [1, 0] : vector<512x64xf32> -> vector<64x512xf32>
    %slice3A_417 = vector.extract_strided_slice %transpose3A_416 {offsets = [0, 0], sizes = [32, 512], strides = [1, 1]} : vector<64x512xf32> to vector<32x512xf32>
    %swap3A_418 = arith.constant 26 : index
    %swap3A_419 = arith.constant 0 : index
    %swap3A_420 = arith.constant 0 : index
    %swap3A_421 = vector.load %arg2[%swap3A_418, %swap3A_419, %swap3A_420] : memref<32x32x512xf32, #tpu.memory_space<vmem>>, vector<1x32x512xf32>
    %swap3A_422 = vector.shape_cast %swap3A_421 : vector<1x32x512xf32> to vector<32x512xf32>
    %swap3A_423 = vector.shape_cast %slice3A_417 : vector<32x512xf32> to vector<1x32x512xf32>
    tpu.vector_store %arg2[%swap3A_418, %swap3A_419, %swap3A_420], %swap3A_423 {strides = array<i32>} : memref<32x32x512xf32, #tpu.memory_space<vmem>>, vector<1x32x512xf32>,
    %slice3A_424 = vector.extract_strided_slice %transpose3A_416 {offsets = [32, 0], sizes = [32, 512], strides = [1, 1]} : vector<64x512xf32> to vector<32x512xf32>
    %swap3A_425 = arith.constant 26 : index
    %swap3A_426 = arith.constant 0 : index
    %swap3A_427 = arith.constant 0 : index
    %swap3A_428 = vector.load %arg3[%swap3A_425, %swap3A_426, %swap3A_427] : memref<32x32x512xf32, #tpu.memory_space<vmem>>, vector<1x32x512xf32>
    %swap3A_429 = vector.shape_cast %swap3A_428 : vector<1x32x512xf32> to vector<32x512xf32>
    %swap3A_430 = vector.shape_cast %slice3A_424 : vector<32x512xf32> to vector<1x32x512xf32>
    tpu.vector_store %arg3[%swap3A_425, %swap3A_426, %swap3A_427], %swap3A_430 {strides = array<i32>} : memref<32x32x512xf32, #tpu.memory_space<vmem>>, vector<1x32x512xf32>,
    %slice3A_431 = vector.extract_strided_slice %get3A_1 {offsets = [13824, 0], sizes = [512, 64], strides = [1, 1]} : vector<16384x128xf32> to vector<512x64xf32>
    %transpose3A_432 = tpu.transpose %slice3A_431, [1, 0] : vector<512x64xf32> -> vector<64x512xf32>
    %slice3A_433 = vector.extract_strided_slice %transpose3A_432 {offsets = [0, 0], sizes = [32, 512], strides = [1, 1]} : vector<64x512xf32> to vector<32x512xf32>
    %swap3A_434 = arith.constant 27 : index
    %swap3A_435 = arith.constant 0 : index
    %swap3A_436 = arith.constant 0 : index
    %swap3A_437 = vector.load %arg2[%swap3A_434, %swap3A_435, %swap3A_436] : memref<32x32x512xf32, #tpu.memory_space<vmem>>, vector<1x32x512xf32>
    %swap3A_438 = vector.shape_cast %swap3A_437 : vector<1x32x512xf32> to vector<32x512xf32>
    %swap3A_439 = vector.shape_cast %slice3A_433 : vector<32x512xf32> to vector<1x32x512xf32>
    tpu.vector_store %arg2[%swap3A_434, %swap3A_435, %swap3A_436], %swap3A_439 {strides = array<i32>} : memref<32x32x512xf32, #tpu.memory_space<vmem>>, vector<1x32x512xf32>,
    %slice3A_440 = vector.extract_strided_slice %transpose3A_432 {offsets = [32, 0], sizes = [32, 512], strides = [1, 1]} : vector<64x512xf32> to vector<32x512xf32>
    %swap3A_441 = arith.constant 27 : index
    %swap3A_442 = arith.constant 0 : index
    %swap3A_443 = arith.constant 0 : index
    %swap3A_444 = vector.load %arg3[%swap3A_441, %swap3A_442, %swap3A_443] : memref<32x32x512xf32, #tpu.memory_space<vmem>>, vector<1x32x512xf32>
    %swap3A_445 = vector.shape_cast %swap3A_444 : vector<1x32x512xf32> to vector<32x512xf32>
    %swap3A_446 = vector.shape_cast %slice3A_440 : vector<32x512xf32> to vector<1x32x512xf32>
    tpu.vector_store %arg3[%swap3A_441, %swap3A_442, %swap3A_443], %swap3A_446 {strides = array<i32>} : memref<32x32x512xf32, #tpu.memory_space<vmem>>, vector<1x32x512xf32>,
    %slice3A_447 = vector.extract_strided_slice %get3A_1 {offsets = [14336, 0], sizes = [512, 64], strides = [1, 1]} : vector<16384x128xf32> to vector<512x64xf32>
    %transpose3A_448 = tpu.transpose %slice3A_447, [1, 0] : vector<512x64xf32> -> vector<64x512xf32>
    %slice3A_449 = vector.extract_strided_slice %transpose3A_448 {offsets = [0, 0], sizes = [32, 512], strides = [1, 1]} : vector<64x512xf32> to vector<32x512xf32>
    %swap3A_450 = arith.constant 28 : index
    %swap3A_451 = arith.constant 0 : index
    %swap3A_452 = arith.constant 0 : index
    %swap3A_453 = vector.load %arg2[%swap3A_450, %swap3A_451, %swap3A_452] : memref<32x32x512xf32, #tpu.memory_space<vmem>>, vector<1x32x512xf32>
    %swap3A_454 = vector.shape_cast %swap3A_453 : vector<1x32x512xf32> to vector<32x512xf32>
    %swap3A_455 = vector.shape_cast %slice3A_449 : vector<32x512xf32> to vector<1x32x512xf32>
    tpu.vector_store %arg2[%swap3A_450, %swap3A_451, %swap3A_452], %swap3A_455 {strides = array<i32>} : memref<32x32x512xf32, #tpu.memory_space<vmem>>, vector<1x32x512xf32>,
    %slice3A_456 = vector.extract_strided_slice %transpose3A_448 {offsets = [32, 0], sizes = [32, 512], strides = [1, 1]} : vector<64x512xf32> to vector<32x512xf32>
    %swap3A_457 = arith.constant 28 : index
    %swap3A_458 = arith.constant 0 : index
    %swap3A_459 = arith.constant 0 : index
    %swap3A_460 = vector.load %arg3[%swap3A_457, %swap3A_458, %swap3A_459] : memref<32x32x512xf32, #tpu.memory_space<vmem>>, vector<1x32x512xf32>
    %swap3A_461 = vector.shape_cast %swap3A_460 : vector<1x32x512xf32> to vector<32x512xf32>
    %swap3A_462 = vector.shape_cast %slice3A_456 : vector<32x512xf32> to vector<1x32x512xf32>
    tpu.vector_store %arg3[%swap3A_457, %swap3A_458, %swap3A_459], %swap3A_462 {strides = array<i32>} : memref<32x32x512xf32, #tpu.memory_space<vmem>>, vector<1x32x512xf32>,
    %slice3A_463 = vector.extract_strided_slice %get3A_1 {offsets = [14848, 0], sizes = [512, 64], strides = [1, 1]} : vector<16384x128xf32> to vector<512x64xf32>
    %transpose3A_464 = tpu.transpose %slice3A_463, [1, 0] : vector<512x64xf32> -> vector<64x512xf32>
    %slice3A_465 = vector.extract_strided_slice %transpose3A_464 {offsets = [0, 0], sizes = [32, 512], strides = [1, 1]} : vector<64x512xf32> to vector<32x512xf32>
    %swap3A_466 = arith.constant 29 : index
    %swap3A_467 = arith.constant 0 : index
    %swap3A_468 = arith.constant 0 : index
    %swap3A_469 = vector.load %arg2[%swap3A_466, %swap3A_467, %swap3A_468] : memref<32x32x512xf32, #tpu.memory_space<vmem>>, vector<1x32x512xf32>
    %swap3A_470 = vector.shape_cast %swap3A_469 : vector<1x32x512xf32> to vector<32x512xf32>
    %swap3A_471 = vector.shape_cast %slice3A_465 : vector<32x512xf32> to vector<1x32x512xf32>
    tpu.vector_store %arg2[%swap3A_466, %swap3A_467, %swap3A_468], %swap3A_471 {strides = array<i32>} : memref<32x32x512xf32, #tpu.memory_space<vmem>>, vector<1x32x512xf32>,
    %slice3A_472 = vector.extract_strided_slice %transpose3A_464 {offsets = [32, 0], sizes = [32, 512], strides = [1, 1]} : vector<64x512xf32> to vector<32x512xf32>
    %swap3A_473 = arith.constant 29 : index
    %swap3A_474 = arith.constant 0 : index
    %swap3A_475 = arith.constant 0 : index
    %swap3A_476 = vector.load %arg3[%swap3A_473, %swap3A_474, %swap3A_475] : memref<32x32x512xf32, #tpu.memory_space<vmem>>, vector<1x32x512xf32>
    %swap3A_477 = vector.shape_cast %swap3A_476 : vector<1x32x512xf32> to vector<32x512xf32>
    %swap3A_478 = vector.shape_cast %slice3A_472 : vector<32x512xf32> to vector<1x32x512xf32>
    tpu.vector_store %arg3[%swap3A_473, %swap3A_474, %swap3A_475], %swap3A_478 {strides = array<i32>} : memref<32x32x512xf32, #tpu.memory_space<vmem>>, vector<1x32x512xf32>,
    %slice3A_479 = vector.extract_strided_slice %get3A_1 {offsets = [15360, 0], sizes = [512, 64], strides = [1, 1]} : vector<16384x128xf32> to vector<512x64xf32>
    %transpose3A_480 = tpu.transpose %slice3A_479, [1, 0] : vector<512x64xf32> -> vector<64x512xf32>
    %slice3A_481 = vector.extract_strided_slice %transpose3A_480 {offsets = [0, 0], sizes = [32, 512], strides = [1, 1]} : vector<64x512xf32> to vector<32x512xf32>
    %swap3A_482 = arith.constant 30 : index
    %swap3A_483 = arith.constant 0 : index
    %swap3A_484 = arith.constant 0 : index
    %swap3A_485 = vector.load %arg2[%swap3A_482, %swap3A_483, %swap3A_484] : memref<32x32x512xf32, #tpu.memory_space<vmem>>, vector<1x32x512xf32>
    %swap3A_486 = vector.shape_cast %swap3A_485 : vector<1x32x512xf32> to vector<32x512xf32>
    %swap3A_487 = vector.shape_cast %slice3A_481 : vector<32x512xf32> to vector<1x32x512xf32>
    tpu.vector_store %arg2[%swap3A_482, %swap3A_483, %swap3A_484], %swap3A_487 {strides = array<i32>} : memref<32x32x512xf32, #tpu.memory_space<vmem>>, vector<1x32x512xf32>,
    %slice3A_488 = vector.extract_strided_slice %transpose3A_480 {offsets = [32, 0], sizes = [32, 512], strides = [1, 1]} : vector<64x512xf32> to vector<32x512xf32>
    %swap3A_489 = arith.constant 30 : index
    %swap3A_490 = arith.constant 0 : index
    %swap3A_491 = arith.constant 0 : index
    %swap3A_492 = vector.load %arg3[%swap3A_489, %swap3A_490, %swap3A_491] : memref<32x32x512xf32, #tpu.memory_space<vmem>>, vector<1x32x512xf32>
    %swap3A_493 = vector.shape_cast %swap3A_492 : vector<1x32x512xf32> to vector<32x512xf32>
    %swap3A_494 = vector.shape_cast %slice3A_488 : vector<32x512xf32> to vector<1x32x512xf32>
    tpu.vector_store %arg3[%swap3A_489, %swap3A_490, %swap3A_491], %swap3A_494 {strides = array<i32>} : memref<32x32x512xf32, #tpu.memory_space<vmem>>, vector<1x32x512xf32>,
    %slice3A_495 = vector.extract_strided_slice %get3A_1 {offsets = [15872, 0], sizes = [512, 64], strides = [1, 1]} : vector<16384x128xf32> to vector<512x64xf32>
    %transpose3A_496 = tpu.transpose %slice3A_495, [1, 0] : vector<512x64xf32> -> vector<64x512xf32>
    %slice3A_497 = vector.extract_strided_slice %transpose3A_496 {offsets = [0, 0], sizes = [32, 512], strides = [1, 1]} : vector<64x512xf32> to vector<32x512xf32>
    %swap3A_498 = arith.constant 31 : index
    %swap3A_499 = arith.constant 0 : index
    %swap3A_500 = arith.constant 0 : index
    %swap3A_501 = vector.load %arg2[%swap3A_498, %swap3A_499, %swap3A_500] : memref<32x32x512xf32, #tpu.memory_space<vmem>>, vector<1x32x512xf32>
    %swap3A_502 = vector.shape_cast %swap3A_501 : vector<1x32x512xf32> to vector<32x512xf32>
    %swap3A_503 = vector.shape_cast %slice3A_497 : vector<32x512xf32> to vector<1x32x512xf32>
    tpu.vector_store %arg2[%swap3A_498, %swap3A_499, %swap3A_500], %swap3A_503 {strides = array<i32>} : memref<32x32x512xf32, #tpu.memory_space<vmem>>, vector<1x32x512xf32>,
    %slice3A_504 = vector.extract_strided_slice %transpose3A_496 {offsets = [32, 0], sizes = [32, 512], strides = [1, 1]} : vector<64x512xf32> to vector<32x512xf32>
    %swap3A_505 = arith.constant 31 : index
    %swap3A_506 = arith.constant 0 : index
    %swap3A_507 = arith.constant 0 : index
    %swap3A_508 = vector.load %arg3[%swap3A_505, %swap3A_506, %swap3A_507] : memref<32x32x512xf32, #tpu.memory_space<vmem>>, vector<1x32x512xf32>
    %swap3A_509 = vector.shape_cast %swap3A_508 : vector<1x32x512xf32> to vector<32x512xf32>
    %swap3A_510 = vector.shape_cast %slice3A_504 : vector<32x512xf32> to vector<1x32x512xf32>
    tpu.vector_store %arg3[%swap3A_505, %swap3A_506, %swap3A_507], %swap3A_510 {strides = array<i32>} : memref<32x32x512xf32, #tpu.memory_space<vmem>>, vector<1x32x512xf32>,
    return
  }
  func.func @transform_0(%arg0: i32) -> (i32, i32) {
    %c0_i32 = arith.constant 0 : i32
    %c0_i32_0 = arith.constant 0 : i32
    return %arg0, %c0_i32 : i32, i32
  }
  func.func @transform_1(%arg0: i32) -> (i32, i32, i32) {
    %c0_i32 = arith.constant 0 : i32
    %c0_i32_0 = arith.constant 0 : i32
    %c0_i32_1 = arith.constant 0 : i32
    return %arg0, %c0_i32, %c0_i32_0 : i32, i32, i32
  }
  func.func @transform_2(%arg0: i32) -> (i32, i32, i32) {
    %c0_i32 = arith.constant 0 : i32
    %c0_i32_0 = arith.constant 0 : i32
    %c0_i32_1 = arith.constant 0 : i32
    return %arg0, %c0_i32, %c0_i32_0 : i32, i32, i32
  }
}

module attributes {stable_mosaic.version = 14 : i64} {
  func.func @_extract_slice_body(%arg0: i32, %arg1: memref<16384x128xf32, #tpu.memory_space<vmem>>, %arg2: memref<1x8x128xf32, #tpu.memory_space<vmem>>, %arg3: memref<1x8x128xf32, #tpu.memory_space<vmem>>, %arg4: memref<32x32x512xf32, #tpu.memory_space<vmem>>, %arg5: memref<32x32x512xf32, #tpu.memory_space<vmem>>) attributes {dimension_semantics = [#tpu.dimension_semantics<arbitrary>], iteration_bounds = array<i64: 10>, scalar_prefetch = 0 : i64, scratch_operands = 0 : i64, tpu.core_type = #tpu.core_type<tc>, window_params = [{transform_indices = @transform_0, window_bounds = array<i64: 16384, 128>}, {transform_indices = @transform_1, window_bounds = array<i64: 1, 8, 128>}, {transform_indices = @transform_2, window_bounds = array<i64: 1, 8, 128>}, {transform_indices = @transform_3, window_bounds = array<i64: 32, 32, 512>}, {transform_indices = @transform_4, window_bounds = array<i64: 32, 32, 512>}]} {
    %get3A = arith.constant 0 : index
    %get3A_0 = arith.constant 0 : index
    %get3A_1 = vector.load %arg1[%get3A, %get3A_0] : memref<16384x128xf32, #tpu.memory_space<vmem>>, vector<16384x128xf32>
    %slice3A = vector.extract_strided_slice %get3A_1 {offsets = [0, 0], sizes = [512, 64], strides = [1, 1]} : vector<16384x128xf32> to vector<512x64xf32>
    %transpose3A = tpu.transpose %slice3A, [1, 0] : vector<512x64xf32> -> vector<64x512xf32>
    %slice3A_2 = vector.extract_strided_slice %transpose3A {offsets = [0, 0], sizes = [32, 512], strides = [1, 1]} : vector<64x512xf32> to vector<32x512xf32>
    %swap3A = arith.constant 0 : index
    %swap3A_3 = arith.constant 0 : index
    %swap3A_4 = arith.constant 0 : index
    %swap3A_5 = vector.load %arg4[%swap3A, %swap3A_3, %swap3A_4] : memref<32x32x512xf32, #tpu.memory_space<vmem>>, vector<1x32x512xf32>
    %swap3A_6 = vector.shape_cast %swap3A_5 : vector<1x32x512xf32> to vector<32x512xf32>
    %swap3A_7 = vector.shape_cast %slice3A_2 : vector<32x512xf32> to vector<1x32x512xf32>
    tpu.vector_store %arg4[%swap3A, %swap3A_3, %swap3A_4], %swap3A_7 {strides = array<i32>} : memref<32x32x512xf32, #tpu.memory_space<vmem>>, vector<1x32x512xf32>,
    %slice3A_8 = vector.extract_strided_slice %transpose3A {offsets = [32, 0], sizes = [32, 512], strides = [1, 1]} : vector<64x512xf32> to vector<32x512xf32>
    %swap3A_9 = arith.constant 0 : index
    %swap3A_10 = arith.constant 0 : index
    %swap3A_11 = arith.constant 0 : index
    %swap3A_12 = vector.load %arg5[%swap3A_9, %swap3A_10, %swap3A_11] : memref<32x32x512xf32, #tpu.memory_space<vmem>>, vector<1x32x512xf32>
    %swap3A_13 = vector.shape_cast %swap3A_12 : vector<1x32x512xf32> to vector<32x512xf32>
    %swap3A_14 = vector.shape_cast %slice3A_8 : vector<32x512xf32> to vector<1x32x512xf32>
    tpu.vector_store %arg5[%swap3A_9, %swap3A_10, %swap3A_11], %swap3A_14 {strides = array<i32>} : memref<32x32x512xf32, #tpu.memory_space<vmem>>, vector<1x32x512xf32>,
    %slice3A_15 = vector.extract_strided_slice %get3A_1 {offsets = [512, 0], sizes = [512, 64], strides = [1, 1]} : vector<16384x128xf32> to vector<512x64xf32>
    %transpose3A_16 = tpu.transpose %slice3A_15, [1, 0] : vector<512x64xf32> -> vector<64x512xf32>
    %slice3A_17 = vector.extract_strided_slice %transpose3A_16 {offsets = [0, 0], sizes = [32, 512], strides = [1, 1]} : vector<64x512xf32> to vector<32x512xf32>
    %swap3A_18 = arith.constant 1 : index
    %swap3A_19 = arith.constant 0 : index
    %swap3A_20 = arith.constant 0 : index
    %swap3A_21 = vector.load %arg4[%swap3A_18, %swap3A_19, %swap3A_20] : memref<32x32x512xf32, #tpu.memory_space<vmem>>, vector<1x32x512xf32>
    %swap3A_22 = vector.shape_cast %swap3A_21 : vector<1x32x512xf32> to vector<32x512xf32>
    %swap3A_23 = vector.shape_cast %slice3A_17 : vector<32x512xf32> to vector<1x32x512xf32>
    tpu.vector_store %arg4[%swap3A_18, %swap3A_19, %swap3A_20], %swap3A_23 {strides = array<i32>} : memref<32x32x512xf32, #tpu.memory_space<vmem>>, vector<1x32x512xf32>,
    %slice3A_24 = vector.extract_strided_slice %transpose3A_16 {offsets = [32, 0], sizes = [32, 512], strides = [1, 1]} : vector<64x512xf32> to vector<32x512xf32>
    %swap3A_25 = arith.constant 1 : index
    %swap3A_26 = arith.constant 0 : index
    %swap3A_27 = arith.constant 0 : index
    %swap3A_28 = vector.load %arg5[%swap3A_25, %swap3A_26, %swap3A_27] : memref<32x32x512xf32, #tpu.memory_space<vmem>>, vector<1x32x512xf32>
    %swap3A_29 = vector.shape_cast %swap3A_28 : vector<1x32x512xf32> to vector<32x512xf32>
    %swap3A_30 = vector.shape_cast %slice3A_24 : vector<32x512xf32> to vector<1x32x512xf32>
    tpu.vector_store %arg5[%swap3A_25, %swap3A_26, %swap3A_27], %swap3A_30 {strides = array<i32>} : memref<32x32x512xf32, #tpu.memory_space<vmem>>, vector<1x32x512xf32>,
    %slice3A_31 = vector.extract_strided_slice %get3A_1 {offsets = [1024, 0], sizes = [512, 64], strides = [1, 1]} : vector<16384x128xf32> to vector<512x64xf32>
    %transpose3A_32 = tpu.transpose %slice3A_31, [1, 0] : vector<512x64xf32> -> vector<64x512xf32>
    %slice3A_33 = vector.extract_strided_slice %transpose3A_32 {offsets = [0, 0], sizes = [32, 512], strides = [1, 1]} : vector<64x512xf32> to vector<32x512xf32>
    %swap3A_34 = arith.constant 2 : index
    %swap3A_35 = arith.constant 0 : index
    %swap3A_36 = arith.constant 0 : index
    %swap3A_37 = vector.load %arg4[%swap3A_34, %swap3A_35, %swap3A_36] : memref<32x32x512xf32, #tpu.memory_space<vmem>>, vector<1x32x512xf32>
    %swap3A_38 = vector.shape_cast %swap3A_37 : vector<1x32x512xf32> to vector<32x512xf32>
    %swap3A_39 = vector.shape_cast %slice3A_33 : vector<32x512xf32> to vector<1x32x512xf32>
    tpu.vector_store %arg4[%swap3A_34, %swap3A_35, %swap3A_36], %swap3A_39 {strides = array<i32>} : memref<32x32x512xf32, #tpu.memory_space<vmem>>, vector<1x32x512xf32>,
    %slice3A_40 = vector.extract_strided_slice %transpose3A_32 {offsets = [32, 0], sizes = [32, 512], strides = [1, 1]} : vector<64x512xf32> to vector<32x512xf32>
    %swap3A_41 = arith.constant 2 : index
    %swap3A_42 = arith.constant 0 : index
    %swap3A_43 = arith.constant 0 : index
    %swap3A_44 = vector.load %arg5[%swap3A_41, %swap3A_42, %swap3A_43] : memref<32x32x512xf32, #tpu.memory_space<vmem>>, vector<1x32x512xf32>
    %swap3A_45 = vector.shape_cast %swap3A_44 : vector<1x32x512xf32> to vector<32x512xf32>
    %swap3A_46 = vector.shape_cast %slice3A_40 : vector<32x512xf32> to vector<1x32x512xf32>
    tpu.vector_store %arg5[%swap3A_41, %swap3A_42, %swap3A_43], %swap3A_46 {strides = array<i32>} : memref<32x32x512xf32, #tpu.memory_space<vmem>>, vector<1x32x512xf32>,
    %slice3A_47 = vector.extract_strided_slice %get3A_1 {offsets = [1536, 0], sizes = [512, 64], strides = [1, 1]} : vector<16384x128xf32> to vector<512x64xf32>
    %transpose3A_48 = tpu.transpose %slice3A_47, [1, 0] : vector<512x64xf32> -> vector<64x512xf32>
    %slice3A_49 = vector.extract_strided_slice %transpose3A_48 {offsets = [0, 0], sizes = [32, 512], strides = [1, 1]} : vector<64x512xf32> to vector<32x512xf32>
    %swap3A_50 = arith.constant 3 : index
    %swap3A_51 = arith.constant 0 : index
    %swap3A_52 = arith.constant 0 : index
    %swap3A_53 = vector.load %arg4[%swap3A_50, %swap3A_51, %swap3A_52] : memref<32x32x512xf32, #tpu.memory_space<vmem>>, vector<1x32x512xf32>
    %swap3A_54 = vector.shape_cast %swap3A_53 : vector<1x32x512xf32> to vector<32x512xf32>
    %swap3A_55 = vector.shape_cast %slice3A_49 : vector<32x512xf32> to vector<1x32x512xf32>
    tpu.vector_store %arg4[%swap3A_50, %swap3A_51, %swap3A_52], %swap3A_55 {strides = array<i32>} : memref<32x32x512xf32, #tpu.memory_space<vmem>>, vector<1x32x512xf32>,
    %slice3A_56 = vector.extract_strided_slice %transpose3A_48 {offsets = [32, 0], sizes = [32, 512], strides = [1, 1]} : vector<64x512xf32> to vector<32x512xf32>
    %swap3A_57 = arith.constant 3 : index
    %swap3A_58 = arith.constant 0 : index
    %swap3A_59 = arith.constant 0 : index
    %swap3A_60 = vector.load %arg5[%swap3A_57, %swap3A_58, %swap3A_59] : memref<32x32x512xf32, #tpu.memory_space<vmem>>, vector<1x32x512xf32>
    %swap3A_61 = vector.shape_cast %swap3A_60 : vector<1x32x512xf32> to vector<32x512xf32>
    %swap3A_62 = vector.shape_cast %slice3A_56 : vector<32x512xf32> to vector<1x32x512xf32>
    tpu.vector_store %arg5[%swap3A_57, %swap3A_58, %swap3A_59], %swap3A_62 {strides = array<i32>} : memref<32x32x512xf32, #tpu.memory_space<vmem>>, vector<1x32x512xf32>,
    %slice3A_63 = vector.extract_strided_slice %get3A_1 {offsets = [2048, 0], sizes = [512, 64], strides = [1, 1]} : vector<16384x128xf32> to vector<512x64xf32>
    %transpose3A_64 = tpu.transpose %slice3A_63, [1, 0] : vector<512x64xf32> -> vector<64x512xf32>
    %slice3A_65 = vector.extract_strided_slice %transpose3A_64 {offsets = [0, 0], sizes = [32, 512], strides = [1, 1]} : vector<64x512xf32> to vector<32x512xf32>
    %swap3A_66 = arith.constant 4 : index
    %swap3A_67 = arith.constant 0 : index
    %swap3A_68 = arith.constant 0 : index
    %swap3A_69 = vector.load %arg4[%swap3A_66, %swap3A_67, %swap3A_68] : memref<32x32x512xf32, #tpu.memory_space<vmem>>, vector<1x32x512xf32>
    %swap3A_70 = vector.shape_cast %swap3A_69 : vector<1x32x512xf32> to vector<32x512xf32>
    %swap3A_71 = vector.shape_cast %slice3A_65 : vector<32x512xf32> to vector<1x32x512xf32>
    tpu.vector_store %arg4[%swap3A_66, %swap3A_67, %swap3A_68], %swap3A_71 {strides = array<i32>} : memref<32x32x512xf32, #tpu.memory_space<vmem>>, vector<1x32x512xf32>,
    %slice3A_72 = vector.extract_strided_slice %transpose3A_64 {offsets = [32, 0], sizes = [32, 512], strides = [1, 1]} : vector<64x512xf32> to vector<32x512xf32>
    %swap3A_73 = arith.constant 4 : index
    %swap3A_74 = arith.constant 0 : index
    %swap3A_75 = arith.constant 0 : index
    %swap3A_76 = vector.load %arg5[%swap3A_73, %swap3A_74, %swap3A_75] : memref<32x32x512xf32, #tpu.memory_space<vmem>>, vector<1x32x512xf32>
    %swap3A_77 = vector.shape_cast %swap3A_76 : vector<1x32x512xf32> to vector<32x512xf32>
    %swap3A_78 = vector.shape_cast %slice3A_72 : vector<32x512xf32> to vector<1x32x512xf32>
    tpu.vector_store %arg5[%swap3A_73, %swap3A_74, %swap3A_75], %swap3A_78 {strides = array<i32>} : memref<32x32x512xf32, #tpu.memory_space<vmem>>, vector<1x32x512xf32>,
    %slice3A_79 = vector.extract_strided_slice %get3A_1 {offsets = [2560, 0], sizes = [512, 64], strides = [1, 1]} : vector<16384x128xf32> to vector<512x64xf32>
    %transpose3A_80 = tpu.transpose %slice3A_79, [1, 0] : vector<512x64xf32> -> vector<64x512xf32>
    %slice3A_81 = vector.extract_strided_slice %transpose3A_80 {offsets = [0, 0], sizes = [32, 512], strides = [1, 1]} : vector<64x512xf32> to vector<32x512xf32>
    %swap3A_82 = arith.constant 5 : index
    %swap3A_83 = arith.constant 0 : index
    %swap3A_84 = arith.constant 0 : index
    %swap3A_85 = vector.load %arg4[%swap3A_82, %swap3A_83, %swap3A_84] : memref<32x32x512xf32, #tpu.memory_space<vmem>>, vector<1x32x512xf32>
    %swap3A_86 = vector.shape_cast %swap3A_85 : vector<1x32x512xf32> to vector<32x512xf32>
    %swap3A_87 = vector.shape_cast %slice3A_81 : vector<32x512xf32> to vector<1x32x512xf32>
    tpu.vector_store %arg4[%swap3A_82, %swap3A_83, %swap3A_84], %swap3A_87 {strides = array<i32>} : memref<32x32x512xf32, #tpu.memory_space<vmem>>, vector<1x32x512xf32>,
    %slice3A_88 = vector.extract_strided_slice %transpose3A_80 {offsets = [32, 0], sizes = [32, 512], strides = [1, 1]} : vector<64x512xf32> to vector<32x512xf32>
    %swap3A_89 = arith.constant 5 : index
    %swap3A_90 = arith.constant 0 : index
    %swap3A_91 = arith.constant 0 : index
    %swap3A_92 = vector.load %arg5[%swap3A_89, %swap3A_90, %swap3A_91] : memref<32x32x512xf32, #tpu.memory_space<vmem>>, vector<1x32x512xf32>
    %swap3A_93 = vector.shape_cast %swap3A_92 : vector<1x32x512xf32> to vector<32x512xf32>
    %swap3A_94 = vector.shape_cast %slice3A_88 : vector<32x512xf32> to vector<1x32x512xf32>
    tpu.vector_store %arg5[%swap3A_89, %swap3A_90, %swap3A_91], %swap3A_94 {strides = array<i32>} : memref<32x32x512xf32, #tpu.memory_space<vmem>>, vector<1x32x512xf32>,
    %slice3A_95 = vector.extract_strided_slice %get3A_1 {offsets = [3072, 0], sizes = [512, 64], strides = [1, 1]} : vector<16384x128xf32> to vector<512x64xf32>
    %transpose3A_96 = tpu.transpose %slice3A_95, [1, 0] : vector<512x64xf32> -> vector<64x512xf32>
    %slice3A_97 = vector.extract_strided_slice %transpose3A_96 {offsets = [0, 0], sizes = [32, 512], strides = [1, 1]} : vector<64x512xf32> to vector<32x512xf32>
    %swap3A_98 = arith.constant 6 : index
    %swap3A_99 = arith.constant 0 : index
    %swap3A_100 = arith.constant 0 : index
    %swap3A_101 = vector.load %arg4[%swap3A_98, %swap3A_99, %swap3A_100] : memref<32x32x512xf32, #tpu.memory_space<vmem>>, vector<1x32x512xf32>
    %swap3A_102 = vector.shape_cast %swap3A_101 : vector<1x32x512xf32> to vector<32x512xf32>
    %swap3A_103 = vector.shape_cast %slice3A_97 : vector<32x512xf32> to vector<1x32x512xf32>
    tpu.vector_store %arg4[%swap3A_98, %swap3A_99, %swap3A_100], %swap3A_103 {strides = array<i32>} : memref<32x32x512xf32, #tpu.memory_space<vmem>>, vector<1x32x512xf32>,
    %slice3A_104 = vector.extract_strided_slice %transpose3A_96 {offsets = [32, 0], sizes = [32, 512], strides = [1, 1]} : vector<64x512xf32> to vector<32x512xf32>
    %swap3A_105 = arith.constant 6 : index
    %swap3A_106 = arith.constant 0 : index
    %swap3A_107 = arith.constant 0 : index
    %swap3A_108 = vector.load %arg5[%swap3A_105, %swap3A_106, %swap3A_107] : memref<32x32x512xf32, #tpu.memory_space<vmem>>, vector<1x32x512xf32>
    %swap3A_109 = vector.shape_cast %swap3A_108 : vector<1x32x512xf32> to vector<32x512xf32>
    %swap3A_110 = vector.shape_cast %slice3A_104 : vector<32x512xf32> to vector<1x32x512xf32>
    tpu.vector_store %arg5[%swap3A_105, %swap3A_106, %swap3A_107], %swap3A_110 {strides = array<i32>} : memref<32x32x512xf32, #tpu.memory_space<vmem>>, vector<1x32x512xf32>,
    %slice3A_111 = vector.extract_strided_slice %get3A_1 {offsets = [3584, 0], sizes = [512, 64], strides = [1, 1]} : vector<16384x128xf32> to vector<512x64xf32>
    %transpose3A_112 = tpu.transpose %slice3A_111, [1, 0] : vector<512x64xf32> -> vector<64x512xf32>
    %slice3A_113 = vector.extract_strided_slice %transpose3A_112 {offsets = [0, 0], sizes = [32, 512], strides = [1, 1]} : vector<64x512xf32> to vector<32x512xf32>
    %swap3A_114 = arith.constant 7 : index
    %swap3A_115 = arith.constant 0 : index
    %swap3A_116 = arith.constant 0 : index
    %swap3A_117 = vector.load %arg4[%swap3A_114, %swap3A_115, %swap3A_116] : memref<32x32x512xf32, #tpu.memory_space<vmem>>, vector<1x32x512xf32>
    %swap3A_118 = vector.shape_cast %swap3A_117 : vector<1x32x512xf32> to vector<32x512xf32>
    %swap3A_119 = vector.shape_cast %slice3A_113 : vector<32x512xf32> to vector<1x32x512xf32>
    tpu.vector_store %arg4[%swap3A_114, %swap3A_115, %swap3A_116], %swap3A_119 {strides = array<i32>} : memref<32x32x512xf32, #tpu.memory_space<vmem>>, vector<1x32x512xf32>,
    %slice3A_120 = vector.extract_strided_slice %transpose3A_112 {offsets = [32, 0], sizes = [32, 512], strides = [1, 1]} : vector<64x512xf32> to vector<32x512xf32>
    %swap3A_121 = arith.constant 7 : index
    %swap3A_122 = arith.constant 0 : index
    %swap3A_123 = arith.constant 0 : index
    %swap3A_124 = vector.load %arg5[%swap3A_121, %swap3A_122, %swap3A_123] : memref<32x32x512xf32, #tpu.memory_space<vmem>>, vector<1x32x512xf32>
    %swap3A_125 = vector.shape_cast %swap3A_124 : vector<1x32x512xf32> to vector<32x512xf32>
    %swap3A_126 = vector.shape_cast %slice3A_120 : vector<32x512xf32> to vector<1x32x512xf32>
    tpu.vector_store %arg5[%swap3A_121, %swap3A_122, %swap3A_123], %swap3A_126 {strides = array<i32>} : memref<32x32x512xf32, #tpu.memory_space<vmem>>, vector<1x32x512xf32>,
    %slice3A_127 = vector.extract_strided_slice %get3A_1 {offsets = [4096, 0], sizes = [512, 64], strides = [1, 1]} : vector<16384x128xf32> to vector<512x64xf32>
    %transpose3A_128 = tpu.transpose %slice3A_127, [1, 0] : vector<512x64xf32> -> vector<64x512xf32>
    %slice3A_129 = vector.extract_strided_slice %transpose3A_128 {offsets = [0, 0], sizes = [32, 512], strides = [1, 1]} : vector<64x512xf32> to vector<32x512xf32>
    %swap3A_130 = arith.constant 8 : index
    %swap3A_131 = arith.constant 0 : index
    %swap3A_132 = arith.constant 0 : index
    %swap3A_133 = vector.load %arg4[%swap3A_130, %swap3A_131, %swap3A_132] : memref<32x32x512xf32, #tpu.memory_space<vmem>>, vector<1x32x512xf32>
    %swap3A_134 = vector.shape_cast %swap3A_133 : vector<1x32x512xf32> to vector<32x512xf32>
    %swap3A_135 = vector.shape_cast %slice3A_129 : vector<32x512xf32> to vector<1x32x512xf32>
    tpu.vector_store %arg4[%swap3A_130, %swap3A_131, %swap3A_132], %swap3A_135 {strides = array<i32>} : memref<32x32x512xf32, #tpu.memory_space<vmem>>, vector<1x32x512xf32>,
    %slice3A_136 = vector.extract_strided_slice %transpose3A_128 {offsets = [32, 0], sizes = [32, 512], strides = [1, 1]} : vector<64x512xf32> to vector<32x512xf32>
    %swap3A_137 = arith.constant 8 : index
    %swap3A_138 = arith.constant 0 : index
    %swap3A_139 = arith.constant 0 : index
    %swap3A_140 = vector.load %arg5[%swap3A_137, %swap3A_138, %swap3A_139] : memref<32x32x512xf32, #tpu.memory_space<vmem>>, vector<1x32x512xf32>
    %swap3A_141 = vector.shape_cast %swap3A_140 : vector<1x32x512xf32> to vector<32x512xf32>
    %swap3A_142 = vector.shape_cast %slice3A_136 : vector<32x512xf32> to vector<1x32x512xf32>
    tpu.vector_store %arg5[%swap3A_137, %swap3A_138, %swap3A_139], %swap3A_142 {strides = array<i32>} : memref<32x32x512xf32, #tpu.memory_space<vmem>>, vector<1x32x512xf32>,
    %slice3A_143 = vector.extract_strided_slice %get3A_1 {offsets = [4608, 0], sizes = [512, 64], strides = [1, 1]} : vector<16384x128xf32> to vector<512x64xf32>
    %transpose3A_144 = tpu.transpose %slice3A_143, [1, 0] : vector<512x64xf32> -> vector<64x512xf32>
    %slice3A_145 = vector.extract_strided_slice %transpose3A_144 {offsets = [0, 0], sizes = [32, 512], strides = [1, 1]} : vector<64x512xf32> to vector<32x512xf32>
    %swap3A_146 = arith.constant 9 : index
    %swap3A_147 = arith.constant 0 : index
    %swap3A_148 = arith.constant 0 : index
    %swap3A_149 = vector.load %arg4[%swap3A_146, %swap3A_147, %swap3A_148] : memref<32x32x512xf32, #tpu.memory_space<vmem>>, vector<1x32x512xf32>
    %swap3A_150 = vector.shape_cast %swap3A_149 : vector<1x32x512xf32> to vector<32x512xf32>
    %swap3A_151 = vector.shape_cast %slice3A_145 : vector<32x512xf32> to vector<1x32x512xf32>
    tpu.vector_store %arg4[%swap3A_146, %swap3A_147, %swap3A_148], %swap3A_151 {strides = array<i32>} : memref<32x32x512xf32, #tpu.memory_space<vmem>>, vector<1x32x512xf32>,
    %slice3A_152 = vector.extract_strided_slice %transpose3A_144 {offsets = [32, 0], sizes = [32, 512], strides = [1, 1]} : vector<64x512xf32> to vector<32x512xf32>
    %swap3A_153 = arith.constant 9 : index
    %swap3A_154 = arith.constant 0 : index
    %swap3A_155 = arith.constant 0 : index
    %swap3A_156 = vector.load %arg5[%swap3A_153, %swap3A_154, %swap3A_155] : memref<32x32x512xf32, #tpu.memory_space<vmem>>, vector<1x32x512xf32>
    %swap3A_157 = vector.shape_cast %swap3A_156 : vector<1x32x512xf32> to vector<32x512xf32>
    %swap3A_158 = vector.shape_cast %slice3A_152 : vector<32x512xf32> to vector<1x32x512xf32>
    tpu.vector_store %arg5[%swap3A_153, %swap3A_154, %swap3A_155], %swap3A_158 {strides = array<i32>} : memref<32x32x512xf32, #tpu.memory_space<vmem>>, vector<1x32x512xf32>,
    %slice3A_159 = vector.extract_strided_slice %get3A_1 {offsets = [5120, 0], sizes = [512, 64], strides = [1, 1]} : vector<16384x128xf32> to vector<512x64xf32>
    %transpose3A_160 = tpu.transpose %slice3A_159, [1, 0] : vector<512x64xf32> -> vector<64x512xf32>
    %slice3A_161 = vector.extract_strided_slice %transpose3A_160 {offsets = [0, 0], sizes = [32, 512], strides = [1, 1]} : vector<64x512xf32> to vector<32x512xf32>
    %swap3A_162 = arith.constant 10 : index
    %swap3A_163 = arith.constant 0 : index
    %swap3A_164 = arith.constant 0 : index
    %swap3A_165 = vector.load %arg4[%swap3A_162, %swap3A_163, %swap3A_164] : memref<32x32x512xf32, #tpu.memory_space<vmem>>, vector<1x32x512xf32>
    %swap3A_166 = vector.shape_cast %swap3A_165 : vector<1x32x512xf32> to vector<32x512xf32>
    %swap3A_167 = vector.shape_cast %slice3A_161 : vector<32x512xf32> to vector<1x32x512xf32>
    tpu.vector_store %arg4[%swap3A_162, %swap3A_163, %swap3A_164], %swap3A_167 {strides = array<i32>} : memref<32x32x512xf32, #tpu.memory_space<vmem>>, vector<1x32x512xf32>,
    %slice3A_168 = vector.extract_strided_slice %transpose3A_160 {offsets = [32, 0], sizes = [32, 512], strides = [1, 1]} : vector<64x512xf32> to vector<32x512xf32>
    %swap3A_169 = arith.constant 10 : index
    %swap3A_170 = arith.constant 0 : index
    %swap3A_171 = arith.constant 0 : index
    %swap3A_172 = vector.load %arg5[%swap3A_169, %swap3A_170, %swap3A_171] : memref<32x32x512xf32, #tpu.memory_space<vmem>>, vector<1x32x512xf32>
    %swap3A_173 = vector.shape_cast %swap3A_172 : vector<1x32x512xf32> to vector<32x512xf32>
    %swap3A_174 = vector.shape_cast %slice3A_168 : vector<32x512xf32> to vector<1x32x512xf32>
    tpu.vector_store %arg5[%swap3A_169, %swap3A_170, %swap3A_171], %swap3A_174 {strides = array<i32>} : memref<32x32x512xf32, #tpu.memory_space<vmem>>, vector<1x32x512xf32>,
    %slice3A_175 = vector.extract_strided_slice %get3A_1 {offsets = [5632, 0], sizes = [512, 64], strides = [1, 1]} : vector<16384x128xf32> to vector<512x64xf32>
    %transpose3A_176 = tpu.transpose %slice3A_175, [1, 0] : vector<512x64xf32> -> vector<64x512xf32>
    %slice3A_177 = vector.extract_strided_slice %transpose3A_176 {offsets = [0, 0], sizes = [32, 512], strides = [1, 1]} : vector<64x512xf32> to vector<32x512xf32>
    %swap3A_178 = arith.constant 11 : index
    %swap3A_179 = arith.constant 0 : index
    %swap3A_180 = arith.constant 0 : index
    %swap3A_181 = vector.load %arg4[%swap3A_178, %swap3A_179, %swap3A_180] : memref<32x32x512xf32, #tpu.memory_space<vmem>>, vector<1x32x512xf32>
    %swap3A_182 = vector.shape_cast %swap3A_181 : vector<1x32x512xf32> to vector<32x512xf32>
    %swap3A_183 = vector.shape_cast %slice3A_177 : vector<32x512xf32> to vector<1x32x512xf32>
    tpu.vector_store %arg4[%swap3A_178, %swap3A_179, %swap3A_180], %swap3A_183 {strides = array<i32>} : memref<32x32x512xf32, #tpu.memory_space<vmem>>, vector<1x32x512xf32>,
    %slice3A_184 = vector.extract_strided_slice %transpose3A_176 {offsets = [32, 0], sizes = [32, 512], strides = [1, 1]} : vector<64x512xf32> to vector<32x512xf32>
    %swap3A_185 = arith.constant 11 : index
    %swap3A_186 = arith.constant 0 : index
    %swap3A_187 = arith.constant 0 : index
    %swap3A_188 = vector.load %arg5[%swap3A_185, %swap3A_186, %swap3A_187] : memref<32x32x512xf32, #tpu.memory_space<vmem>>, vector<1x32x512xf32>
    %swap3A_189 = vector.shape_cast %swap3A_188 : vector<1x32x512xf32> to vector<32x512xf32>
    %swap3A_190 = vector.shape_cast %slice3A_184 : vector<32x512xf32> to vector<1x32x512xf32>
    tpu.vector_store %arg5[%swap3A_185, %swap3A_186, %swap3A_187], %swap3A_190 {strides = array<i32>} : memref<32x32x512xf32, #tpu.memory_space<vmem>>, vector<1x32x512xf32>,
    %slice3A_191 = vector.extract_strided_slice %get3A_1 {offsets = [6144, 0], sizes = [512, 64], strides = [1, 1]} : vector<16384x128xf32> to vector<512x64xf32>
    %transpose3A_192 = tpu.transpose %slice3A_191, [1, 0] : vector<512x64xf32> -> vector<64x512xf32>
    %slice3A_193 = vector.extract_strided_slice %transpose3A_192 {offsets = [0, 0], sizes = [32, 512], strides = [1, 1]} : vector<64x512xf32> to vector<32x512xf32>
    %swap3A_194 = arith.constant 12 : index
    %swap3A_195 = arith.constant 0 : index
    %swap3A_196 = arith.constant 0 : index
    %swap3A_197 = vector.load %arg4[%swap3A_194, %swap3A_195, %swap3A_196] : memref<32x32x512xf32, #tpu.memory_space<vmem>>, vector<1x32x512xf32>
    %swap3A_198 = vector.shape_cast %swap3A_197 : vector<1x32x512xf32> to vector<32x512xf32>
    %swap3A_199 = vector.shape_cast %slice3A_193 : vector<32x512xf32> to vector<1x32x512xf32>
    tpu.vector_store %arg4[%swap3A_194, %swap3A_195, %swap3A_196], %swap3A_199 {strides = array<i32>} : memref<32x32x512xf32, #tpu.memory_space<vmem>>, vector<1x32x512xf32>,
    %slice3A_200 = vector.extract_strided_slice %transpose3A_192 {offsets = [32, 0], sizes = [32, 512], strides = [1, 1]} : vector<64x512xf32> to vector<32x512xf32>
    %swap3A_201 = arith.constant 12 : index
    %swap3A_202 = arith.constant 0 : index
    %swap3A_203 = arith.constant 0 : index
    %swap3A_204 = vector.load %arg5[%swap3A_201, %swap3A_202, %swap3A_203] : memref<32x32x512xf32, #tpu.memory_space<vmem>>, vector<1x32x512xf32>
    %swap3A_205 = vector.shape_cast %swap3A_204 : vector<1x32x512xf32> to vector<32x512xf32>
    %swap3A_206 = vector.shape_cast %slice3A_200 : vector<32x512xf32> to vector<1x32x512xf32>
    tpu.vector_store %arg5[%swap3A_201, %swap3A_202, %swap3A_203], %swap3A_206 {strides = array<i32>} : memref<32x32x512xf32, #tpu.memory_space<vmem>>, vector<1x32x512xf32>,
    %slice3A_207 = vector.extract_strided_slice %get3A_1 {offsets = [6656, 0], sizes = [512, 64], strides = [1, 1]} : vector<16384x128xf32> to vector<512x64xf32>
    %transpose3A_208 = tpu.transpose %slice3A_207, [1, 0] : vector<512x64xf32> -> vector<64x512xf32>
    %slice3A_209 = vector.extract_strided_slice %transpose3A_208 {offsets = [0, 0], sizes = [32, 512], strides = [1, 1]} : vector<64x512xf32> to vector<32x512xf32>
    %swap3A_210 = arith.constant 13 : index
    %swap3A_211 = arith.constant 0 : index
    %swap3A_212 = arith.constant 0 : index
    %swap3A_213 = vector.load %arg4[%swap3A_210, %swap3A_211, %swap3A_212] : memref<32x32x512xf32, #tpu.memory_space<vmem>>, vector<1x32x512xf32>
    %swap3A_214 = vector.shape_cast %swap3A_213 : vector<1x32x512xf32> to vector<32x512xf32>
    %swap3A_215 = vector.shape_cast %slice3A_209 : vector<32x512xf32> to vector<1x32x512xf32>
    tpu.vector_store %arg4[%swap3A_210, %swap3A_211, %swap3A_212], %swap3A_215 {strides = array<i32>} : memref<32x32x512xf32, #tpu.memory_space<vmem>>, vector<1x32x512xf32>,
    %slice3A_216 = vector.extract_strided_slice %transpose3A_208 {offsets = [32, 0], sizes = [32, 512], strides = [1, 1]} : vector<64x512xf32> to vector<32x512xf32>
    %swap3A_217 = arith.constant 13 : index
    %swap3A_218 = arith.constant 0 : index
    %swap3A_219 = arith.constant 0 : index
    %swap3A_220 = vector.load %arg5[%swap3A_217, %swap3A_218, %swap3A_219] : memref<32x32x512xf32, #tpu.memory_space<vmem>>, vector<1x32x512xf32>
    %swap3A_221 = vector.shape_cast %swap3A_220 : vector<1x32x512xf32> to vector<32x512xf32>
    %swap3A_222 = vector.shape_cast %slice3A_216 : vector<32x512xf32> to vector<1x32x512xf32>
    tpu.vector_store %arg5[%swap3A_217, %swap3A_218, %swap3A_219], %swap3A_222 {strides = array<i32>} : memref<32x32x512xf32, #tpu.memory_space<vmem>>, vector<1x32x512xf32>,
    %slice3A_223 = vector.extract_strided_slice %get3A_1 {offsets = [7168, 0], sizes = [512, 64], strides = [1, 1]} : vector<16384x128xf32> to vector<512x64xf32>
    %transpose3A_224 = tpu.transpose %slice3A_223, [1, 0] : vector<512x64xf32> -> vector<64x512xf32>
    %slice3A_225 = vector.extract_strided_slice %transpose3A_224 {offsets = [0, 0], sizes = [32, 512], strides = [1, 1]} : vector<64x512xf32> to vector<32x512xf32>
    %swap3A_226 = arith.constant 14 : index
    %swap3A_227 = arith.constant 0 : index
    %swap3A_228 = arith.constant 0 : index
    %swap3A_229 = vector.load %arg4[%swap3A_226, %swap3A_227, %swap3A_228] : memref<32x32x512xf32, #tpu.memory_space<vmem>>, vector<1x32x512xf32>
    %swap3A_230 = vector.shape_cast %swap3A_229 : vector<1x32x512xf32> to vector<32x512xf32>
    %swap3A_231 = vector.shape_cast %slice3A_225 : vector<32x512xf32> to vector<1x32x512xf32>
    tpu.vector_store %arg4[%swap3A_226, %swap3A_227, %swap3A_228], %swap3A_231 {strides = array<i32>} : memref<32x32x512xf32, #tpu.memory_space<vmem>>, vector<1x32x512xf32>,
    %slice3A_232 = vector.extract_strided_slice %transpose3A_224 {offsets = [32, 0], sizes = [32, 512], strides = [1, 1]} : vector<64x512xf32> to vector<32x512xf32>
    %swap3A_233 = arith.constant 14 : index
    %swap3A_234 = arith.constant 0 : index
    %swap3A_235 = arith.constant 0 : index
    %swap3A_236 = vector.load %arg5[%swap3A_233, %swap3A_234, %swap3A_235] : memref<32x32x512xf32, #tpu.memory_space<vmem>>, vector<1x32x512xf32>
    %swap3A_237 = vector.shape_cast %swap3A_236 : vector<1x32x512xf32> to vector<32x512xf32>
    %swap3A_238 = vector.shape_cast %slice3A_232 : vector<32x512xf32> to vector<1x32x512xf32>
    tpu.vector_store %arg5[%swap3A_233, %swap3A_234, %swap3A_235], %swap3A_238 {strides = array<i32>} : memref<32x32x512xf32, #tpu.memory_space<vmem>>, vector<1x32x512xf32>,
    %slice3A_239 = vector.extract_strided_slice %get3A_1 {offsets = [7680, 0], sizes = [512, 64], strides = [1, 1]} : vector<16384x128xf32> to vector<512x64xf32>
    %transpose3A_240 = tpu.transpose %slice3A_239, [1, 0] : vector<512x64xf32> -> vector<64x512xf32>
    %slice3A_241 = vector.extract_strided_slice %transpose3A_240 {offsets = [0, 0], sizes = [32, 512], strides = [1, 1]} : vector<64x512xf32> to vector<32x512xf32>
    %swap3A_242 = arith.constant 15 : index
    %swap3A_243 = arith.constant 0 : index
    %swap3A_244 = arith.constant 0 : index
    %swap3A_245 = vector.load %arg4[%swap3A_242, %swap3A_243, %swap3A_244] : memref<32x32x512xf32, #tpu.memory_space<vmem>>, vector<1x32x512xf32>
    %swap3A_246 = vector.shape_cast %swap3A_245 : vector<1x32x512xf32> to vector<32x512xf32>
    %swap3A_247 = vector.shape_cast %slice3A_241 : vector<32x512xf32> to vector<1x32x512xf32>
    tpu.vector_store %arg4[%swap3A_242, %swap3A_243, %swap3A_244], %swap3A_247 {strides = array<i32>} : memref<32x32x512xf32, #tpu.memory_space<vmem>>, vector<1x32x512xf32>,
    %slice3A_248 = vector.extract_strided_slice %transpose3A_240 {offsets = [32, 0], sizes = [32, 512], strides = [1, 1]} : vector<64x512xf32> to vector<32x512xf32>
    %swap3A_249 = arith.constant 15 : index
    %swap3A_250 = arith.constant 0 : index
    %swap3A_251 = arith.constant 0 : index
    %swap3A_252 = vector.load %arg5[%swap3A_249, %swap3A_250, %swap3A_251] : memref<32x32x512xf32, #tpu.memory_space<vmem>>, vector<1x32x512xf32>
    %swap3A_253 = vector.shape_cast %swap3A_252 : vector<1x32x512xf32> to vector<32x512xf32>
    %swap3A_254 = vector.shape_cast %slice3A_248 : vector<32x512xf32> to vector<1x32x512xf32>
    tpu.vector_store %arg5[%swap3A_249, %swap3A_250, %swap3A_251], %swap3A_254 {strides = array<i32>} : memref<32x32x512xf32, #tpu.memory_space<vmem>>, vector<1x32x512xf32>,
    %slice3A_255 = vector.extract_strided_slice %get3A_1 {offsets = [8192, 0], sizes = [512, 64], strides = [1, 1]} : vector<16384x128xf32> to vector<512x64xf32>
    %transpose3A_256 = tpu.transpose %slice3A_255, [1, 0] : vector<512x64xf32> -> vector<64x512xf32>
    %slice3A_257 = vector.extract_strided_slice %transpose3A_256 {offsets = [0, 0], sizes = [32, 512], strides = [1, 1]} : vector<64x512xf32> to vector<32x512xf32>
    %swap3A_258 = arith.constant 16 : index
    %swap3A_259 = arith.constant 0 : index
    %swap3A_260 = arith.constant 0 : index
    %swap3A_261 = vector.load %arg4[%swap3A_258, %swap3A_259, %swap3A_260] : memref<32x32x512xf32, #tpu.memory_space<vmem>>, vector<1x32x512xf32>
    %swap3A_262 = vector.shape_cast %swap3A_261 : vector<1x32x512xf32> to vector<32x512xf32>
    %swap3A_263 = vector.shape_cast %slice3A_257 : vector<32x512xf32> to vector<1x32x512xf32>
    tpu.vector_store %arg4[%swap3A_258, %swap3A_259, %swap3A_260], %swap3A_263 {strides = array<i32>} : memref<32x32x512xf32, #tpu.memory_space<vmem>>, vector<1x32x512xf32>,
    %slice3A_264 = vector.extract_strided_slice %transpose3A_256 {offsets = [32, 0], sizes = [32, 512], strides = [1, 1]} : vector<64x512xf32> to vector<32x512xf32>
    %swap3A_265 = arith.constant 16 : index
    %swap3A_266 = arith.constant 0 : index
    %swap3A_267 = arith.constant 0 : index
    %swap3A_268 = vector.load %arg5[%swap3A_265, %swap3A_266, %swap3A_267] : memref<32x32x512xf32, #tpu.memory_space<vmem>>, vector<1x32x512xf32>
    %swap3A_269 = vector.shape_cast %swap3A_268 : vector<1x32x512xf32> to vector<32x512xf32>
    %swap3A_270 = vector.shape_cast %slice3A_264 : vector<32x512xf32> to vector<1x32x512xf32>
    tpu.vector_store %arg5[%swap3A_265, %swap3A_266, %swap3A_267], %swap3A_270 {strides = array<i32>} : memref<32x32x512xf32, #tpu.memory_space<vmem>>, vector<1x32x512xf32>,
    %slice3A_271 = vector.extract_strided_slice %get3A_1 {offsets = [8704, 0], sizes = [512, 64], strides = [1, 1]} : vector<16384x128xf32> to vector<512x64xf32>
    %transpose3A_272 = tpu.transpose %slice3A_271, [1, 0] : vector<512x64xf32> -> vector<64x512xf32>
    %slice3A_273 = vector.extract_strided_slice %transpose3A_272 {offsets = [0, 0], sizes = [32, 512], strides = [1, 1]} : vector<64x512xf32> to vector<32x512xf32>
    %swap3A_274 = arith.constant 17 : index
    %swap3A_275 = arith.constant 0 : index
    %swap3A_276 = arith.constant 0 : index
    %swap3A_277 = vector.load %arg4[%swap3A_274, %swap3A_275, %swap3A_276] : memref<32x32x512xf32, #tpu.memory_space<vmem>>, vector<1x32x512xf32>
    %swap3A_278 = vector.shape_cast %swap3A_277 : vector<1x32x512xf32> to vector<32x512xf32>
    %swap3A_279 = vector.shape_cast %slice3A_273 : vector<32x512xf32> to vector<1x32x512xf32>
    tpu.vector_store %arg4[%swap3A_274, %swap3A_275, %swap3A_276], %swap3A_279 {strides = array<i32>} : memref<32x32x512xf32, #tpu.memory_space<vmem>>, vector<1x32x512xf32>,
    %slice3A_280 = vector.extract_strided_slice %transpose3A_272 {offsets = [32, 0], sizes = [32, 512], strides = [1, 1]} : vector<64x512xf32> to vector<32x512xf32>
    %swap3A_281 = arith.constant 17 : index
    %swap3A_282 = arith.constant 0 : index
    %swap3A_283 = arith.constant 0 : index
    %swap3A_284 = vector.load %arg5[%swap3A_281, %swap3A_282, %swap3A_283] : memref<32x32x512xf32, #tpu.memory_space<vmem>>, vector<1x32x512xf32>
    %swap3A_285 = vector.shape_cast %swap3A_284 : vector<1x32x512xf32> to vector<32x512xf32>
    %swap3A_286 = vector.shape_cast %slice3A_280 : vector<32x512xf32> to vector<1x32x512xf32>
    tpu.vector_store %arg5[%swap3A_281, %swap3A_282, %swap3A_283], %swap3A_286 {strides = array<i32>} : memref<32x32x512xf32, #tpu.memory_space<vmem>>, vector<1x32x512xf32>,
    %slice3A_287 = vector.extract_strided_slice %get3A_1 {offsets = [9216, 0], sizes = [512, 64], strides = [1, 1]} : vector<16384x128xf32> to vector<512x64xf32>
    %transpose3A_288 = tpu.transpose %slice3A_287, [1, 0] : vector<512x64xf32> -> vector<64x512xf32>
    %slice3A_289 = vector.extract_strided_slice %transpose3A_288 {offsets = [0, 0], sizes = [32, 512], strides = [1, 1]} : vector<64x512xf32> to vector<32x512xf32>
    %swap3A_290 = arith.constant 18 : index
    %swap3A_291 = arith.constant 0 : index
    %swap3A_292 = arith.constant 0 : index
    %swap3A_293 = vector.load %arg4[%swap3A_290, %swap3A_291, %swap3A_292] : memref<32x32x512xf32, #tpu.memory_space<vmem>>, vector<1x32x512xf32>
    %swap3A_294 = vector.shape_cast %swap3A_293 : vector<1x32x512xf32> to vector<32x512xf32>
    %swap3A_295 = vector.shape_cast %slice3A_289 : vector<32x512xf32> to vector<1x32x512xf32>
    tpu.vector_store %arg4[%swap3A_290, %swap3A_291, %swap3A_292], %swap3A_295 {strides = array<i32>} : memref<32x32x512xf32, #tpu.memory_space<vmem>>, vector<1x32x512xf32>,
    %slice3A_296 = vector.extract_strided_slice %transpose3A_288 {offsets = [32, 0], sizes = [32, 512], strides = [1, 1]} : vector<64x512xf32> to vector<32x512xf32>
    %swap3A_297 = arith.constant 18 : index
    %swap3A_298 = arith.constant 0 : index
    %swap3A_299 = arith.constant 0 : index
    %swap3A_300 = vector.load %arg5[%swap3A_297, %swap3A_298, %swap3A_299] : memref<32x32x512xf32, #tpu.memory_space<vmem>>, vector<1x32x512xf32>
    %swap3A_301 = vector.shape_cast %swap3A_300 : vector<1x32x512xf32> to vector<32x512xf32>
    %swap3A_302 = vector.shape_cast %slice3A_296 : vector<32x512xf32> to vector<1x32x512xf32>
    tpu.vector_store %arg5[%swap3A_297, %swap3A_298, %swap3A_299], %swap3A_302 {strides = array<i32>} : memref<32x32x512xf32, #tpu.memory_space<vmem>>, vector<1x32x512xf32>,
    %slice3A_303 = vector.extract_strided_slice %get3A_1 {offsets = [9728, 0], sizes = [512, 64], strides = [1, 1]} : vector<16384x128xf32> to vector<512x64xf32>
    %transpose3A_304 = tpu.transpose %slice3A_303, [1, 0] : vector<512x64xf32> -> vector<64x512xf32>
    %slice3A_305 = vector.extract_strided_slice %transpose3A_304 {offsets = [0, 0], sizes = [32, 512], strides = [1, 1]} : vector<64x512xf32> to vector<32x512xf32>
    %swap3A_306 = arith.constant 19 : index
    %swap3A_307 = arith.constant 0 : index
    %swap3A_308 = arith.constant 0 : index
    %swap3A_309 = vector.load %arg4[%swap3A_306, %swap3A_307, %swap3A_308] : memref<32x32x512xf32, #tpu.memory_space<vmem>>, vector<1x32x512xf32>
    %swap3A_310 = vector.shape_cast %swap3A_309 : vector<1x32x512xf32> to vector<32x512xf32>
    %swap3A_311 = vector.shape_cast %slice3A_305 : vector<32x512xf32> to vector<1x32x512xf32>
    tpu.vector_store %arg4[%swap3A_306, %swap3A_307, %swap3A_308], %swap3A_311 {strides = array<i32>} : memref<32x32x512xf32, #tpu.memory_space<vmem>>, vector<1x32x512xf32>,
    %slice3A_312 = vector.extract_strided_slice %transpose3A_304 {offsets = [32, 0], sizes = [32, 512], strides = [1, 1]} : vector<64x512xf32> to vector<32x512xf32>
    %swap3A_313 = arith.constant 19 : index
    %swap3A_314 = arith.constant 0 : index
    %swap3A_315 = arith.constant 0 : index
    %swap3A_316 = vector.load %arg5[%swap3A_313, %swap3A_314, %swap3A_315] : memref<32x32x512xf32, #tpu.memory_space<vmem>>, vector<1x32x512xf32>
    %swap3A_317 = vector.shape_cast %swap3A_316 : vector<1x32x512xf32> to vector<32x512xf32>
    %swap3A_318 = vector.shape_cast %slice3A_312 : vector<32x512xf32> to vector<1x32x512xf32>
    tpu.vector_store %arg5[%swap3A_313, %swap3A_314, %swap3A_315], %swap3A_318 {strides = array<i32>} : memref<32x32x512xf32, #tpu.memory_space<vmem>>, vector<1x32x512xf32>,
    %slice3A_319 = vector.extract_strided_slice %get3A_1 {offsets = [10240, 0], sizes = [512, 64], strides = [1, 1]} : vector<16384x128xf32> to vector<512x64xf32>
    %transpose3A_320 = tpu.transpose %slice3A_319, [1, 0] : vector<512x64xf32> -> vector<64x512xf32>
    %slice3A_321 = vector.extract_strided_slice %transpose3A_320 {offsets = [0, 0], sizes = [32, 512], strides = [1, 1]} : vector<64x512xf32> to vector<32x512xf32>
    %swap3A_322 = arith.constant 20 : index
    %swap3A_323 = arith.constant 0 : index
    %swap3A_324 = arith.constant 0 : index
    %swap3A_325 = vector.load %arg4[%swap3A_322, %swap3A_323, %swap3A_324] : memref<32x32x512xf32, #tpu.memory_space<vmem>>, vector<1x32x512xf32>
    %swap3A_326 = vector.shape_cast %swap3A_325 : vector<1x32x512xf32> to vector<32x512xf32>
    %swap3A_327 = vector.shape_cast %slice3A_321 : vector<32x512xf32> to vector<1x32x512xf32>
    tpu.vector_store %arg4[%swap3A_322, %swap3A_323, %swap3A_324], %swap3A_327 {strides = array<i32>} : memref<32x32x512xf32, #tpu.memory_space<vmem>>, vector<1x32x512xf32>,
    %slice3A_328 = vector.extract_strided_slice %transpose3A_320 {offsets = [32, 0], sizes = [32, 512], strides = [1, 1]} : vector<64x512xf32> to vector<32x512xf32>
    %swap3A_329 = arith.constant 20 : index
    %swap3A_330 = arith.constant 0 : index
    %swap3A_331 = arith.constant 0 : index
    %swap3A_332 = vector.load %arg5[%swap3A_329, %swap3A_330, %swap3A_331] : memref<32x32x512xf32, #tpu.memory_space<vmem>>, vector<1x32x512xf32>
    %swap3A_333 = vector.shape_cast %swap3A_332 : vector<1x32x512xf32> to vector<32x512xf32>
    %swap3A_334 = vector.shape_cast %slice3A_328 : vector<32x512xf32> to vector<1x32x512xf32>
    tpu.vector_store %arg5[%swap3A_329, %swap3A_330, %swap3A_331], %swap3A_334 {strides = array<i32>} : memref<32x32x512xf32, #tpu.memory_space<vmem>>, vector<1x32x512xf32>,
    %slice3A_335 = vector.extract_strided_slice %get3A_1 {offsets = [10752, 0], sizes = [512, 64], strides = [1, 1]} : vector<16384x128xf32> to vector<512x64xf32>
    %transpose3A_336 = tpu.transpose %slice3A_335, [1, 0] : vector<512x64xf32> -> vector<64x512xf32>
    %slice3A_337 = vector.extract_strided_slice %transpose3A_336 {offsets = [0, 0], sizes = [32, 512], strides = [1, 1]} : vector<64x512xf32> to vector<32x512xf32>
    %swap3A_338 = arith.constant 21 : index
    %swap3A_339 = arith.constant 0 : index
    %swap3A_340 = arith.constant 0 : index
    %swap3A_341 = vector.load %arg4[%swap3A_338, %swap3A_339, %swap3A_340] : memref<32x32x512xf32, #tpu.memory_space<vmem>>, vector<1x32x512xf32>
    %swap3A_342 = vector.shape_cast %swap3A_341 : vector<1x32x512xf32> to vector<32x512xf32>
    %swap3A_343 = vector.shape_cast %slice3A_337 : vector<32x512xf32> to vector<1x32x512xf32>
    tpu.vector_store %arg4[%swap3A_338, %swap3A_339, %swap3A_340], %swap3A_343 {strides = array<i32>} : memref<32x32x512xf32, #tpu.memory_space<vmem>>, vector<1x32x512xf32>,
    %slice3A_344 = vector.extract_strided_slice %transpose3A_336 {offsets = [32, 0], sizes = [32, 512], strides = [1, 1]} : vector<64x512xf32> to vector<32x512xf32>
    %swap3A_345 = arith.constant 21 : index
    %swap3A_346 = arith.constant 0 : index
    %swap3A_347 = arith.constant 0 : index
    %swap3A_348 = vector.load %arg5[%swap3A_345, %swap3A_346, %swap3A_347] : memref<32x32x512xf32, #tpu.memory_space<vmem>>, vector<1x32x512xf32>
    %swap3A_349 = vector.shape_cast %swap3A_348 : vector<1x32x512xf32> to vector<32x512xf32>
    %swap3A_350 = vector.shape_cast %slice3A_344 : vector<32x512xf32> to vector<1x32x512xf32>
    tpu.vector_store %arg5[%swap3A_345, %swap3A_346, %swap3A_347], %swap3A_350 {strides = array<i32>} : memref<32x32x512xf32, #tpu.memory_space<vmem>>, vector<1x32x512xf32>,
    %slice3A_351 = vector.extract_strided_slice %get3A_1 {offsets = [11264, 0], sizes = [512, 64], strides = [1, 1]} : vector<16384x128xf32> to vector<512x64xf32>
    %transpose3A_352 = tpu.transpose %slice3A_351, [1, 0] : vector<512x64xf32> -> vector<64x512xf32>
    %slice3A_353 = vector.extract_strided_slice %transpose3A_352 {offsets = [0, 0], sizes = [32, 512], strides = [1, 1]} : vector<64x512xf32> to vector<32x512xf32>
    %swap3A_354 = arith.constant 22 : index
    %swap3A_355 = arith.constant 0 : index
    %swap3A_356 = arith.constant 0 : index
    %swap3A_357 = vector.load %arg4[%swap3A_354, %swap3A_355, %swap3A_356] : memref<32x32x512xf32, #tpu.memory_space<vmem>>, vector<1x32x512xf32>
    %swap3A_358 = vector.shape_cast %swap3A_357 : vector<1x32x512xf32> to vector<32x512xf32>
    %swap3A_359 = vector.shape_cast %slice3A_353 : vector<32x512xf32> to vector<1x32x512xf32>
    tpu.vector_store %arg4[%swap3A_354, %swap3A_355, %swap3A_356], %swap3A_359 {strides = array<i32>} : memref<32x32x512xf32, #tpu.memory_space<vmem>>, vector<1x32x512xf32>,
    %slice3A_360 = vector.extract_strided_slice %transpose3A_352 {offsets = [32, 0], sizes = [32, 512], strides = [1, 1]} : vector<64x512xf32> to vector<32x512xf32>
    %swap3A_361 = arith.constant 22 : index
    %swap3A_362 = arith.constant 0 : index
    %swap3A_363 = arith.constant 0 : index
    %swap3A_364 = vector.load %arg5[%swap3A_361, %swap3A_362, %swap3A_363] : memref<32x32x512xf32, #tpu.memory_space<vmem>>, vector<1x32x512xf32>
    %swap3A_365 = vector.shape_cast %swap3A_364 : vector<1x32x512xf32> to vector<32x512xf32>
    %swap3A_366 = vector.shape_cast %slice3A_360 : vector<32x512xf32> to vector<1x32x512xf32>
    tpu.vector_store %arg5[%swap3A_361, %swap3A_362, %swap3A_363], %swap3A_366 {strides = array<i32>} : memref<32x32x512xf32, #tpu.memory_space<vmem>>, vector<1x32x512xf32>,
    %slice3A_367 = vector.extract_strided_slice %get3A_1 {offsets = [11776, 0], sizes = [512, 64], strides = [1, 1]} : vector<16384x128xf32> to vector<512x64xf32>
    %transpose3A_368 = tpu.transpose %slice3A_367, [1, 0] : vector<512x64xf32> -> vector<64x512xf32>
    %slice3A_369 = vector.extract_strided_slice %transpose3A_368 {offsets = [0, 0], sizes = [32, 512], strides = [1, 1]} : vector<64x512xf32> to vector<32x512xf32>
    %swap3A_370 = arith.constant 23 : index
    %swap3A_371 = arith.constant 0 : index
    %swap3A_372 = arith.constant 0 : index
    %swap3A_373 = vector.load %arg4[%swap3A_370, %swap3A_371, %swap3A_372] : memref<32x32x512xf32, #tpu.memory_space<vmem>>, vector<1x32x512xf32>
    %swap3A_374 = vector.shape_cast %swap3A_373 : vector<1x32x512xf32> to vector<32x512xf32>
    %swap3A_375 = vector.shape_cast %slice3A_369 : vector<32x512xf32> to vector<1x32x512xf32>
    tpu.vector_store %arg4[%swap3A_370, %swap3A_371, %swap3A_372], %swap3A_375 {strides = array<i32>} : memref<32x32x512xf32, #tpu.memory_space<vmem>>, vector<1x32x512xf32>,
    %slice3A_376 = vector.extract_strided_slice %transpose3A_368 {offsets = [32, 0], sizes = [32, 512], strides = [1, 1]} : vector<64x512xf32> to vector<32x512xf32>
    %swap3A_377 = arith.constant 23 : index
    %swap3A_378 = arith.constant 0 : index
    %swap3A_379 = arith.constant 0 : index
    %swap3A_380 = vector.load %arg5[%swap3A_377, %swap3A_378, %swap3A_379] : memref<32x32x512xf32, #tpu.memory_space<vmem>>, vector<1x32x512xf32>
    %swap3A_381 = vector.shape_cast %swap3A_380 : vector<1x32x512xf32> to vector<32x512xf32>
    %swap3A_382 = vector.shape_cast %slice3A_376 : vector<32x512xf32> to vector<1x32x512xf32>
    tpu.vector_store %arg5[%swap3A_377, %swap3A_378, %swap3A_379], %swap3A_382 {strides = array<i32>} : memref<32x32x512xf32, #tpu.memory_space<vmem>>, vector<1x32x512xf32>,
    %slice3A_383 = vector.extract_strided_slice %get3A_1 {offsets = [12288, 0], sizes = [512, 64], strides = [1, 1]} : vector<16384x128xf32> to vector<512x64xf32>
    %transpose3A_384 = tpu.transpose %slice3A_383, [1, 0] : vector<512x64xf32> -> vector<64x512xf32>
    %slice3A_385 = vector.extract_strided_slice %transpose3A_384 {offsets = [0, 0], sizes = [32, 512], strides = [1, 1]} : vector<64x512xf32> to vector<32x512xf32>
    %swap3A_386 = arith.constant 24 : index
    %swap3A_387 = arith.constant 0 : index
    %swap3A_388 = arith.constant 0 : index
    %swap3A_389 = vector.load %arg4[%swap3A_386, %swap3A_387, %swap3A_388] : memref<32x32x512xf32, #tpu.memory_space<vmem>>, vector<1x32x512xf32>
    %swap3A_390 = vector.shape_cast %swap3A_389 : vector<1x32x512xf32> to vector<32x512xf32>
    %swap3A_391 = vector.shape_cast %slice3A_385 : vector<32x512xf32> to vector<1x32x512xf32>
    tpu.vector_store %arg4[%swap3A_386, %swap3A_387, %swap3A_388], %swap3A_391 {strides = array<i32>} : memref<32x32x512xf32, #tpu.memory_space<vmem>>, vector<1x32x512xf32>,
    %slice3A_392 = vector.extract_strided_slice %transpose3A_384 {offsets = [32, 0], sizes = [32, 512], strides = [1, 1]} : vector<64x512xf32> to vector<32x512xf32>
    %swap3A_393 = arith.constant 24 : index
    %swap3A_394 = arith.constant 0 : index
    %swap3A_395 = arith.constant 0 : index
    %swap3A_396 = vector.load %arg5[%swap3A_393, %swap3A_394, %swap3A_395] : memref<32x32x512xf32, #tpu.memory_space<vmem>>, vector<1x32x512xf32>
    %swap3A_397 = vector.shape_cast %swap3A_396 : vector<1x32x512xf32> to vector<32x512xf32>
    %swap3A_398 = vector.shape_cast %slice3A_392 : vector<32x512xf32> to vector<1x32x512xf32>
    tpu.vector_store %arg5[%swap3A_393, %swap3A_394, %swap3A_395], %swap3A_398 {strides = array<i32>} : memref<32x32x512xf32, #tpu.memory_space<vmem>>, vector<1x32x512xf32>,
    %slice3A_399 = vector.extract_strided_slice %get3A_1 {offsets = [12800, 0], sizes = [512, 64], strides = [1, 1]} : vector<16384x128xf32> to vector<512x64xf32>
    %transpose3A_400 = tpu.transpose %slice3A_399, [1, 0] : vector<512x64xf32> -> vector<64x512xf32>
    %slice3A_401 = vector.extract_strided_slice %transpose3A_400 {offsets = [0, 0], sizes = [32, 512], strides = [1, 1]} : vector<64x512xf32> to vector<32x512xf32>
    %swap3A_402 = arith.constant 25 : index
    %swap3A_403 = arith.constant 0 : index
    %swap3A_404 = arith.constant 0 : index
    %swap3A_405 = vector.load %arg4[%swap3A_402, %swap3A_403, %swap3A_404] : memref<32x32x512xf32, #tpu.memory_space<vmem>>, vector<1x32x512xf32>
    %swap3A_406 = vector.shape_cast %swap3A_405 : vector<1x32x512xf32> to vector<32x512xf32>
    %swap3A_407 = vector.shape_cast %slice3A_401 : vector<32x512xf32> to vector<1x32x512xf32>
    tpu.vector_store %arg4[%swap3A_402, %swap3A_403, %swap3A_404], %swap3A_407 {strides = array<i32>} : memref<32x32x512xf32, #tpu.memory_space<vmem>>, vector<1x32x512xf32>,
    %slice3A_408 = vector.extract_strided_slice %transpose3A_400 {offsets = [32, 0], sizes = [32, 512], strides = [1, 1]} : vector<64x512xf32> to vector<32x512xf32>
    %swap3A_409 = arith.constant 25 : index
    %swap3A_410 = arith.constant 0 : index
    %swap3A_411 = arith.constant 0 : index
    %swap3A_412 = vector.load %arg5[%swap3A_409, %swap3A_410, %swap3A_411] : memref<32x32x512xf32, #tpu.memory_space<vmem>>, vector<1x32x512xf32>
    %swap3A_413 = vector.shape_cast %swap3A_412 : vector<1x32x512xf32> to vector<32x512xf32>
    %swap3A_414 = vector.shape_cast %slice3A_408 : vector<32x512xf32> to vector<1x32x512xf32>
    tpu.vector_store %arg5[%swap3A_409, %swap3A_410, %swap3A_411], %swap3A_414 {strides = array<i32>} : memref<32x32x512xf32, #tpu.memory_space<vmem>>, vector<1x32x512xf32>,
    %slice3A_415 = vector.extract_strided_slice %get3A_1 {offsets = [13312, 0], sizes = [512, 64], strides = [1, 1]} : vector<16384x128xf32> to vector<512x64xf32>
    %transpose3A_416 = tpu.transpose %slice3A_415, [1, 0] : vector<512x64xf32> -> vector<64x512xf32>
    %slice3A_417 = vector.extract_strided_slice %transpose3A_416 {offsets = [0, 0], sizes = [32, 512], strides = [1, 1]} : vector<64x512xf32> to vector<32x512xf32>
    %swap3A_418 = arith.constant 26 : index
    %swap3A_419 = arith.constant 0 : index
    %swap3A_420 = arith.constant 0 : index
    %swap3A_421 = vector.load %arg4[%swap3A_418, %swap3A_419, %swap3A_420] : memref<32x32x512xf32, #tpu.memory_space<vmem>>, vector<1x32x512xf32>
    %swap3A_422 = vector.shape_cast %swap3A_421 : vector<1x32x512xf32> to vector<32x512xf32>
    %swap3A_423 = vector.shape_cast %slice3A_417 : vector<32x512xf32> to vector<1x32x512xf32>
    tpu.vector_store %arg4[%swap3A_418, %swap3A_419, %swap3A_420], %swap3A_423 {strides = array<i32>} : memref<32x32x512xf32, #tpu.memory_space<vmem>>, vector<1x32x512xf32>,
    %slice3A_424 = vector.extract_strided_slice %transpose3A_416 {offsets = [32, 0], sizes = [32, 512], strides = [1, 1]} : vector<64x512xf32> to vector<32x512xf32>
    %swap3A_425 = arith.constant 26 : index
    %swap3A_426 = arith.constant 0 : index
    %swap3A_427 = arith.constant 0 : index
    %swap3A_428 = vector.load %arg5[%swap3A_425, %swap3A_426, %swap3A_427] : memref<32x32x512xf32, #tpu.memory_space<vmem>>, vector<1x32x512xf32>
    %swap3A_429 = vector.shape_cast %swap3A_428 : vector<1x32x512xf32> to vector<32x512xf32>
    %swap3A_430 = vector.shape_cast %slice3A_424 : vector<32x512xf32> to vector<1x32x512xf32>
    tpu.vector_store %arg5[%swap3A_425, %swap3A_426, %swap3A_427], %swap3A_430 {strides = array<i32>} : memref<32x32x512xf32, #tpu.memory_space<vmem>>, vector<1x32x512xf32>,
    %slice3A_431 = vector.extract_strided_slice %get3A_1 {offsets = [13824, 0], sizes = [512, 64], strides = [1, 1]} : vector<16384x128xf32> to vector<512x64xf32>
    %transpose3A_432 = tpu.transpose %slice3A_431, [1, 0] : vector<512x64xf32> -> vector<64x512xf32>
    %slice3A_433 = vector.extract_strided_slice %transpose3A_432 {offsets = [0, 0], sizes = [32, 512], strides = [1, 1]} : vector<64x512xf32> to vector<32x512xf32>
    %swap3A_434 = arith.constant 27 : index
    %swap3A_435 = arith.constant 0 : index
    %swap3A_436 = arith.constant 0 : index
    %swap3A_437 = vector.load %arg4[%swap3A_434, %swap3A_435, %swap3A_436] : memref<32x32x512xf32, #tpu.memory_space<vmem>>, vector<1x32x512xf32>
    %swap3A_438 = vector.shape_cast %swap3A_437 : vector<1x32x512xf32> to vector<32x512xf32>
    %swap3A_439 = vector.shape_cast %slice3A_433 : vector<32x512xf32> to vector<1x32x512xf32>
    tpu.vector_store %arg4[%swap3A_434, %swap3A_435, %swap3A_436], %swap3A_439 {strides = array<i32>} : memref<32x32x512xf32, #tpu.memory_space<vmem>>, vector<1x32x512xf32>,
    %slice3A_440 = vector.extract_strided_slice %transpose3A_432 {offsets = [32, 0], sizes = [32, 512], strides = [1, 1]} : vector<64x512xf32> to vector<32x512xf32>
    %swap3A_441 = arith.constant 27 : index
    %swap3A_442 = arith.constant 0 : index
    %swap3A_443 = arith.constant 0 : index
    %swap3A_444 = vector.load %arg5[%swap3A_441, %swap3A_442, %swap3A_443] : memref<32x32x512xf32, #tpu.memory_space<vmem>>, vector<1x32x512xf32>
    %swap3A_445 = vector.shape_cast %swap3A_444 : vector<1x32x512xf32> to vector<32x512xf32>
    %swap3A_446 = vector.shape_cast %slice3A_440 : vector<32x512xf32> to vector<1x32x512xf32>
    tpu.vector_store %arg5[%swap3A_441, %swap3A_442, %swap3A_443], %swap3A_446 {strides = array<i32>} : memref<32x32x512xf32, #tpu.memory_space<vmem>>, vector<1x32x512xf32>,
    %slice3A_447 = vector.extract_strided_slice %get3A_1 {offsets = [14336, 0], sizes = [512, 64], strides = [1, 1]} : vector<16384x128xf32> to vector<512x64xf32>
    %transpose3A_448 = tpu.transpose %slice3A_447, [1, 0] : vector<512x64xf32> -> vector<64x512xf32>
    %slice3A_449 = vector.extract_strided_slice %transpose3A_448 {offsets = [0, 0], sizes = [32, 512], strides = [1, 1]} : vector<64x512xf32> to vector<32x512xf32>
    %swap3A_450 = arith.constant 28 : index
    %swap3A_451 = arith.constant 0 : index
    %swap3A_452 = arith.constant 0 : index
    %swap3A_453 = vector.load %arg4[%swap3A_450, %swap3A_451, %swap3A_452] : memref<32x32x512xf32, #tpu.memory_space<vmem>>, vector<1x32x512xf32>
    %swap3A_454 = vector.shape_cast %swap3A_453 : vector<1x32x512xf32> to vector<32x512xf32>
    %swap3A_455 = vector.shape_cast %slice3A_449 : vector<32x512xf32> to vector<1x32x512xf32>
    tpu.vector_store %arg4[%swap3A_450, %swap3A_451, %swap3A_452], %swap3A_455 {strides = array<i32>} : memref<32x32x512xf32, #tpu.memory_space<vmem>>, vector<1x32x512xf32>,
    %slice3A_456 = vector.extract_strided_slice %transpose3A_448 {offsets = [32, 0], sizes = [32, 512], strides = [1, 1]} : vector<64x512xf32> to vector<32x512xf32>
    %swap3A_457 = arith.constant 28 : index
    %swap3A_458 = arith.constant 0 : index
    %swap3A_459 = arith.constant 0 : index
    %swap3A_460 = vector.load %arg5[%swap3A_457, %swap3A_458, %swap3A_459] : memref<32x32x512xf32, #tpu.memory_space<vmem>>, vector<1x32x512xf32>
    %swap3A_461 = vector.shape_cast %swap3A_460 : vector<1x32x512xf32> to vector<32x512xf32>
    %swap3A_462 = vector.shape_cast %slice3A_456 : vector<32x512xf32> to vector<1x32x512xf32>
    tpu.vector_store %arg5[%swap3A_457, %swap3A_458, %swap3A_459], %swap3A_462 {strides = array<i32>} : memref<32x32x512xf32, #tpu.memory_space<vmem>>, vector<1x32x512xf32>,
    %slice3A_463 = vector.extract_strided_slice %get3A_1 {offsets = [14848, 0], sizes = [512, 64], strides = [1, 1]} : vector<16384x128xf32> to vector<512x64xf32>
    %transpose3A_464 = tpu.transpose %slice3A_463, [1, 0] : vector<512x64xf32> -> vector<64x512xf32>
    %slice3A_465 = vector.extract_strided_slice %transpose3A_464 {offsets = [0, 0], sizes = [32, 512], strides = [1, 1]} : vector<64x512xf32> to vector<32x512xf32>
    %swap3A_466 = arith.constant 29 : index
    %swap3A_467 = arith.constant 0 : index
    %swap3A_468 = arith.constant 0 : index
    %swap3A_469 = vector.load %arg4[%swap3A_466, %swap3A_467, %swap3A_468] : memref<32x32x512xf32, #tpu.memory_space<vmem>>, vector<1x32x512xf32>
    %swap3A_470 = vector.shape_cast %swap3A_469 : vector<1x32x512xf32> to vector<32x512xf32>
    %swap3A_471 = vector.shape_cast %slice3A_465 : vector<32x512xf32> to vector<1x32x512xf32>
    tpu.vector_store %arg4[%swap3A_466, %swap3A_467, %swap3A_468], %swap3A_471 {strides = array<i32>} : memref<32x32x512xf32, #tpu.memory_space<vmem>>, vector<1x32x512xf32>,
    %slice3A_472 = vector.extract_strided_slice %transpose3A_464 {offsets = [32, 0], sizes = [32, 512], strides = [1, 1]} : vector<64x512xf32> to vector<32x512xf32>
    %swap3A_473 = arith.constant 29 : index
    %swap3A_474 = arith.constant 0 : index
    %swap3A_475 = arith.constant 0 : index
    %swap3A_476 = vector.load %arg5[%swap3A_473, %swap3A_474, %swap3A_475] : memref<32x32x512xf32, #tpu.memory_space<vmem>>, vector<1x32x512xf32>
    %swap3A_477 = vector.shape_cast %swap3A_476 : vector<1x32x512xf32> to vector<32x512xf32>
    %swap3A_478 = vector.shape_cast %slice3A_472 : vector<32x512xf32> to vector<1x32x512xf32>
    tpu.vector_store %arg5[%swap3A_473, %swap3A_474, %swap3A_475], %swap3A_478 {strides = array<i32>} : memref<32x32x512xf32, #tpu.memory_space<vmem>>, vector<1x32x512xf32>,
    %slice3A_479 = vector.extract_strided_slice %get3A_1 {offsets = [15360, 0], sizes = [512, 64], strides = [1, 1]} : vector<16384x128xf32> to vector<512x64xf32>
    %transpose3A_480 = tpu.transpose %slice3A_479, [1, 0] : vector<512x64xf32> -> vector<64x512xf32>
    %slice3A_481 = vector.extract_strided_slice %transpose3A_480 {offsets = [0, 0], sizes = [32, 512], strides = [1, 1]} : vector<64x512xf32> to vector<32x512xf32>
    %swap3A_482 = arith.constant 30 : index
    %swap3A_483 = arith.constant 0 : index
    %swap3A_484 = arith.constant 0 : index
    %swap3A_485 = vector.load %arg4[%swap3A_482, %swap3A_483, %swap3A_484] : memref<32x32x512xf32, #tpu.memory_space<vmem>>, vector<1x32x512xf32>
    %swap3A_486 = vector.shape_cast %swap3A_485 : vector<1x32x512xf32> to vector<32x512xf32>
    %swap3A_487 = vector.shape_cast %slice3A_481 : vector<32x512xf32> to vector<1x32x512xf32>
    tpu.vector_store %arg4[%swap3A_482, %swap3A_483, %swap3A_484], %swap3A_487 {strides = array<i32>} : memref<32x32x512xf32, #tpu.memory_space<vmem>>, vector<1x32x512xf32>,
    %slice3A_488 = vector.extract_strided_slice %transpose3A_480 {offsets = [32, 0], sizes = [32, 512], strides = [1, 1]} : vector<64x512xf32> to vector<32x512xf32>
    %swap3A_489 = arith.constant 30 : index
    %swap3A_490 = arith.constant 0 : index
    %swap3A_491 = arith.constant 0 : index
    %swap3A_492 = vector.load %arg5[%swap3A_489, %swap3A_490, %swap3A_491] : memref<32x32x512xf32, #tpu.memory_space<vmem>>, vector<1x32x512xf32>
    %swap3A_493 = vector.shape_cast %swap3A_492 : vector<1x32x512xf32> to vector<32x512xf32>
    %swap3A_494 = vector.shape_cast %slice3A_488 : vector<32x512xf32> to vector<1x32x512xf32>
    tpu.vector_store %arg5[%swap3A_489, %swap3A_490, %swap3A_491], %swap3A_494 {strides = array<i32>} : memref<32x32x512xf32, #tpu.memory_space<vmem>>, vector<1x32x512xf32>,
    %slice3A_495 = vector.extract_strided_slice %get3A_1 {offsets = [15872, 0], sizes = [512, 64], strides = [1, 1]} : vector<16384x128xf32> to vector<512x64xf32>
    %transpose3A_496 = tpu.transpose %slice3A_495, [1, 0] : vector<512x64xf32> -> vector<64x512xf32>
    %slice3A_497 = vector.extract_strided_slice %transpose3A_496 {offsets = [0, 0], sizes = [32, 512], strides = [1, 1]} : vector<64x512xf32> to vector<32x512xf32>
    %swap3A_498 = arith.constant 31 : index
    %swap3A_499 = arith.constant 0 : index
    %swap3A_500 = arith.constant 0 : index
    %swap3A_501 = vector.load %arg4[%swap3A_498, %swap3A_499, %swap3A_500] : memref<32x32x512xf32, #tpu.memory_space<vmem>>, vector<1x32x512xf32>
    %swap3A_502 = vector.shape_cast %swap3A_501 : vector<1x32x512xf32> to vector<32x512xf32>
    %swap3A_503 = vector.shape_cast %slice3A_497 : vector<32x512xf32> to vector<1x32x512xf32>
    tpu.vector_store %arg4[%swap3A_498, %swap3A_499, %swap3A_500], %swap3A_503 {strides = array<i32>} : memref<32x32x512xf32, #tpu.memory_space<vmem>>, vector<1x32x512xf32>,
    %slice3A_504 = vector.extract_strided_slice %transpose3A_496 {offsets = [32, 0], sizes = [32, 512], strides = [1, 1]} : vector<64x512xf32> to vector<32x512xf32>
    %swap3A_505 = arith.constant 31 : index
    %swap3A_506 = arith.constant 0 : index
    %swap3A_507 = arith.constant 0 : index
    %swap3A_508 = vector.load %arg5[%swap3A_505, %swap3A_506, %swap3A_507] : memref<32x32x512xf32, #tpu.memory_space<vmem>>, vector<1x32x512xf32>
    %swap3A_509 = vector.shape_cast %swap3A_508 : vector<1x32x512xf32> to vector<32x512xf32>
    %swap3A_510 = vector.shape_cast %slice3A_504 : vector<32x512xf32> to vector<1x32x512xf32>
    tpu.vector_store %arg5[%swap3A_505, %swap3A_506, %swap3A_507], %swap3A_510 {strides = array<i32>} : memref<32x32x512xf32, #tpu.memory_space<vmem>>, vector<1x32x512xf32>,
    return
  }
  func.func @transform_0(%arg0: i32) -> (i32, i32) {
    %c0_i32 = arith.constant 0 : i32
    %c0_i32_0 = arith.constant 0 : i32
    return %arg0, %c0_i32 : i32, i32
  }
  func.func @transform_1(%arg0: i32) -> (i32, i32, i32) {
    %c0_i32 = arith.constant 0 : i32
    %c0_i32_0 = arith.constant 0 : i32
    %c0_i32_1 = arith.constant 0 : i32
    %c0_i32_2 = arith.constant 0 : i32
    return %c0_i32, %c0_i32_0, %c0_i32_1 : i32, i32, i32
  }
  func.func @transform_2(%arg0: i32) -> (i32, i32, i32) {
    %c0_i32 = arith.constant 0 : i32
    %c0_i32_0 = arith.constant 0 : i32
    %c0_i32_1 = arith.constant 0 : i32
    %c0_i32_2 = arith.constant 0 : i32
    return %c0_i32, %c0_i32_0, %c0_i32_1 : i32, i32, i32
  }
  func.func @transform_3(%arg0: i32) -> (i32, i32, i32) {
    %add3A = arith.constant 10 : i32
    %add3A_0 = arith.addi %add3A, %arg0 : i32
    %c0_i32 = arith.constant 0 : i32
    %c0_i32_1 = arith.constant 0 : i32
    %c0_i32_2 = arith.constant 0 : i32
    return %add3A_0, %c0_i32, %c0_i32_1 : i32, i32, i32
  }
  func.func @transform_4(%arg0: i32) -> (i32, i32, i32) {
    %add3A = arith.constant 10 : i32
    %add3A_0 = arith.addi %add3A, %arg0 : i32
    %c0_i32 = arith.constant 0 : i32
    %c0_i32_1 = arith.constant 0 : i32
    %c0_i32_2 = arith.constant 0 : i32
    return %add3A_0, %c0_i32, %c0_i32_1 : i32, i32, i32
  }
}

module attributes {stable_mosaic.version = 14 : i64} {
  func.func @_extract_slice_body(%arg0: i32, %arg1: memref<16384x128xf32, #tpu.memory_space<vmem>>, %arg2: memref<1x8x128xf32, #tpu.memory_space<vmem>>, %arg3: memref<1x8x128xf32, #tpu.memory_space<vmem>>, %arg4: memref<32x32x512xf32, #tpu.memory_space<vmem>>, %arg5: memref<32x32x512xf32, #tpu.memory_space<vmem>>) attributes {dimension_semantics = [#tpu.dimension_semantics<arbitrary>], iteration_bounds = array<i64: 10>, scalar_prefetch = 0 : i64, scratch_operands = 0 : i64, tpu.core_type = #tpu.core_type<tc>, window_params = [{transform_indices = @transform_0, window_bounds = array<i64: 16384, 128>}, {transform_indices = @transform_1, window_bounds = array<i64: 1, 8, 128>}, {transform_indices = @transform_2, window_bounds = array<i64: 1, 8, 128>}, {transform_indices = @transform_3, window_bounds = array<i64: 32, 32, 512>}, {transform_indices = @transform_4, window_bounds = array<i64: 32, 32, 512>}]} {
    %get3A = arith.constant 0 : index
    %get3A_0 = arith.constant 0 : index
    %get3A_1 = vector.load %arg1[%get3A, %get3A_0] : memref<16384x128xf32, #tpu.memory_space<vmem>>, vector<16384x128xf32>
    %slice3A = vector.extract_strided_slice %get3A_1 {offsets = [0, 0], sizes = [512, 64], strides = [1, 1]} : vector<16384x128xf32> to vector<512x64xf32>
    %transpose3A = tpu.transpose %slice3A, [1, 0] : vector<512x64xf32> -> vector<64x512xf32>
    %slice3A_2 = vector.extract_strided_slice %transpose3A {offsets = [0, 0], sizes = [32, 512], strides = [1, 1]} : vector<64x512xf32> to vector<32x512xf32>
    %swap3A = arith.constant 0 : index
    %swap3A_3 = arith.constant 0 : index
    %swap3A_4 = arith.constant 0 : index
    %swap3A_5 = vector.load %arg4[%swap3A, %swap3A_3, %swap3A_4] : memref<32x32x512xf32, #tpu.memory_space<vmem>>, vector<1x32x512xf32>
    %swap3A_6 = vector.shape_cast %swap3A_5 : vector<1x32x512xf32> to vector<32x512xf32>
    %swap3A_7 = vector.shape_cast %slice3A_2 : vector<32x512xf32> to vector<1x32x512xf32>
    tpu.vector_store %arg4[%swap3A, %swap3A_3, %swap3A_4], %swap3A_7 {strides = array<i32>} : memref<32x32x512xf32, #tpu.memory_space<vmem>>, vector<1x32x512xf32>,
    %slice3A_8 = vector.extract_strided_slice %transpose3A {offsets = [32, 0], sizes = [32, 512], strides = [1, 1]} : vector<64x512xf32> to vector<32x512xf32>
    %swap3A_9 = arith.constant 0 : index
    %swap3A_10 = arith.constant 0 : index
    %swap3A_11 = arith.constant 0 : index
    %swap3A_12 = vector.load %arg5[%swap3A_9, %swap3A_10, %swap3A_11] : memref<32x32x512xf32, #tpu.memory_space<vmem>>, vector<1x32x512xf32>
    %swap3A_13 = vector.shape_cast %swap3A_12 : vector<1x32x512xf32> to vector<32x512xf32>
    %swap3A_14 = vector.shape_cast %slice3A_8 : vector<32x512xf32> to vector<1x32x512xf32>
    tpu.vector_store %arg5[%swap3A_9, %swap3A_10, %swap3A_11], %swap3A_14 {strides = array<i32>} : memref<32x32x512xf32, #tpu.memory_space<vmem>>, vector<1x32x512xf32>,
    %slice3A_15 = vector.extract_strided_slice %get3A_1 {offsets = [512, 0], sizes = [512, 64], strides = [1, 1]} : vector<16384x128xf32> to vector<512x64xf32>
    %transpose3A_16 = tpu.transpose %slice3A_15, [1, 0] : vector<512x64xf32> -> vector<64x512xf32>
    %slice3A_17 = vector.extract_strided_slice %transpose3A_16 {offsets = [0, 0], sizes = [32, 512], strides = [1, 1]} : vector<64x512xf32> to vector<32x512xf32>
    %swap3A_18 = arith.constant 1 : index
    %swap3A_19 = arith.constant 0 : index
    %swap3A_20 = arith.constant 0 : index
    %swap3A_21 = vector.load %arg4[%swap3A_18, %swap3A_19, %swap3A_20] : memref<32x32x512xf32, #tpu.memory_space<vmem>>, vector<1x32x512xf32>
    %swap3A_22 = vector.shape_cast %swap3A_21 : vector<1x32x512xf32> to vector<32x512xf32>
    %swap3A_23 = vector.shape_cast %slice3A_17 : vector<32x512xf32> to vector<1x32x512xf32>
    tpu.vector_store %arg4[%swap3A_18, %swap3A_19, %swap3A_20], %swap3A_23 {strides = array<i32>} : memref<32x32x512xf32, #tpu.memory_space<vmem>>, vector<1x32x512xf32>,
    %slice3A_24 = vector.extract_strided_slice %transpose3A_16 {offsets = [32, 0], sizes = [32, 512], strides = [1, 1]} : vector<64x512xf32> to vector<32x512xf32>
    %swap3A_25 = arith.constant 1 : index
    %swap3A_26 = arith.constant 0 : index
    %swap3A_27 = arith.constant 0 : index
    %swap3A_28 = vector.load %arg5[%swap3A_25, %swap3A_26, %swap3A_27] : memref<32x32x512xf32, #tpu.memory_space<vmem>>, vector<1x32x512xf32>
    %swap3A_29 = vector.shape_cast %swap3A_28 : vector<1x32x512xf32> to vector<32x512xf32>
    %swap3A_30 = vector.shape_cast %slice3A_24 : vector<32x512xf32> to vector<1x32x512xf32>
    tpu.vector_store %arg5[%swap3A_25, %swap3A_26, %swap3A_27], %swap3A_30 {strides = array<i32>} : memref<32x32x512xf32, #tpu.memory_space<vmem>>, vector<1x32x512xf32>,
    %slice3A_31 = vector.extract_strided_slice %get3A_1 {offsets = [1024, 0], sizes = [512, 64], strides = [1, 1]} : vector<16384x128xf32> to vector<512x64xf32>
    %transpose3A_32 = tpu.transpose %slice3A_31, [1, 0] : vector<512x64xf32> -> vector<64x512xf32>
    %slice3A_33 = vector.extract_strided_slice %transpose3A_32 {offsets = [0, 0], sizes = [32, 512], strides = [1, 1]} : vector<64x512xf32> to vector<32x512xf32>
    %swap3A_34 = arith.constant 2 : index
    %swap3A_35 = arith.constant 0 : index
    %swap3A_36 = arith.constant 0 : index
    %swap3A_37 = vector.load %arg4[%swap3A_34, %swap3A_35, %swap3A_36] : memref<32x32x512xf32, #tpu.memory_space<vmem>>, vector<1x32x512xf32>
    %swap3A_38 = vector.shape_cast %swap3A_37 : vector<1x32x512xf32> to vector<32x512xf32>
    %swap3A_39 = vector.shape_cast %slice3A_33 : vector<32x512xf32> to vector<1x32x512xf32>
    tpu.vector_store %arg4[%swap3A_34, %swap3A_35, %swap3A_36], %swap3A_39 {strides = array<i32>} : memref<32x32x512xf32, #tpu.memory_space<vmem>>, vector<1x32x512xf32>,
    %slice3A_40 = vector.extract_strided_slice %transpose3A_32 {offsets = [32, 0], sizes = [32, 512], strides = [1, 1]} : vector<64x512xf32> to vector<32x512xf32>
    %swap3A_41 = arith.constant 2 : index
    %swap3A_42 = arith.constant 0 : index
    %swap3A_43 = arith.constant 0 : index
    %swap3A_44 = vector.load %arg5[%swap3A_41, %swap3A_42, %swap3A_43] : memref<32x32x512xf32, #tpu.memory_space<vmem>>, vector<1x32x512xf32>
    %swap3A_45 = vector.shape_cast %swap3A_44 : vector<1x32x512xf32> to vector<32x512xf32>
    %swap3A_46 = vector.shape_cast %slice3A_40 : vector<32x512xf32> to vector<1x32x512xf32>
    tpu.vector_store %arg5[%swap3A_41, %swap3A_42, %swap3A_43], %swap3A_46 {strides = array<i32>} : memref<32x32x512xf32, #tpu.memory_space<vmem>>, vector<1x32x512xf32>,
    %slice3A_47 = vector.extract_strided_slice %get3A_1 {offsets = [1536, 0], sizes = [512, 64], strides = [1, 1]} : vector<16384x128xf32> to vector<512x64xf32>
    %transpose3A_48 = tpu.transpose %slice3A_47, [1, 0] : vector<512x64xf32> -> vector<64x512xf32>
    %slice3A_49 = vector.extract_strided_slice %transpose3A_48 {offsets = [0, 0], sizes = [32, 512], strides = [1, 1]} : vector<64x512xf32> to vector<32x512xf32>
    %swap3A_50 = arith.constant 3 : index
    %swap3A_51 = arith.constant 0 : index
    %swap3A_52 = arith.constant 0 : index
    %swap3A_53 = vector.load %arg4[%swap3A_50, %swap3A_51, %swap3A_52] : memref<32x32x512xf32, #tpu.memory_space<vmem>>, vector<1x32x512xf32>
    %swap3A_54 = vector.shape_cast %swap3A_53 : vector<1x32x512xf32> to vector<32x512xf32>
    %swap3A_55 = vector.shape_cast %slice3A_49 : vector<32x512xf32> to vector<1x32x512xf32>
    tpu.vector_store %arg4[%swap3A_50, %swap3A_51, %swap3A_52], %swap3A_55 {strides = array<i32>} : memref<32x32x512xf32, #tpu.memory_space<vmem>>, vector<1x32x512xf32>,
    %slice3A_56 = vector.extract_strided_slice %transpose3A_48 {offsets = [32, 0], sizes = [32, 512], strides = [1, 1]} : vector<64x512xf32> to vector<32x512xf32>
    %swap3A_57 = arith.constant 3 : index
    %swap3A_58 = arith.constant 0 : index
    %swap3A_59 = arith.constant 0 : index
    %swap3A_60 = vector.load %arg5[%swap3A_57, %swap3A_58, %swap3A_59] : memref<32x32x512xf32, #tpu.memory_space<vmem>>, vector<1x32x512xf32>
    %swap3A_61 = vector.shape_cast %swap3A_60 : vector<1x32x512xf32> to vector<32x512xf32>
    %swap3A_62 = vector.shape_cast %slice3A_56 : vector<32x512xf32> to vector<1x32x512xf32>
    tpu.vector_store %arg5[%swap3A_57, %swap3A_58, %swap3A_59], %swap3A_62 {strides = array<i32>} : memref<32x32x512xf32, #tpu.memory_space<vmem>>, vector<1x32x512xf32>,
    %slice3A_63 = vector.extract_strided_slice %get3A_1 {offsets = [2048, 0], sizes = [512, 64], strides = [1, 1]} : vector<16384x128xf32> to vector<512x64xf32>
    %transpose3A_64 = tpu.transpose %slice3A_63, [1, 0] : vector<512x64xf32> -> vector<64x512xf32>
    %slice3A_65 = vector.extract_strided_slice %transpose3A_64 {offsets = [0, 0], sizes = [32, 512], strides = [1, 1]} : vector<64x512xf32> to vector<32x512xf32>
    %swap3A_66 = arith.constant 4 : index
    %swap3A_67 = arith.constant 0 : index
    %swap3A_68 = arith.constant 0 : index
    %swap3A_69 = vector.load %arg4[%swap3A_66, %swap3A_67, %swap3A_68] : memref<32x32x512xf32, #tpu.memory_space<vmem>>, vector<1x32x512xf32>
    %swap3A_70 = vector.shape_cast %swap3A_69 : vector<1x32x512xf32> to vector<32x512xf32>
    %swap3A_71 = vector.shape_cast %slice3A_65 : vector<32x512xf32> to vector<1x32x512xf32>
    tpu.vector_store %arg4[%swap3A_66, %swap3A_67, %swap3A_68], %swap3A_71 {strides = array<i32>} : memref<32x32x512xf32, #tpu.memory_space<vmem>>, vector<1x32x512xf32>,
    %slice3A_72 = vector.extract_strided_slice %transpose3A_64 {offsets = [32, 0], sizes = [32, 512], strides = [1, 1]} : vector<64x512xf32> to vector<32x512xf32>
    %swap3A_73 = arith.constant 4 : index
    %swap3A_74 = arith.constant 0 : index
    %swap3A_75 = arith.constant 0 : index
    %swap3A_76 = vector.load %arg5[%swap3A_73, %swap3A_74, %swap3A_75] : memref<32x32x512xf32, #tpu.memory_space<vmem>>, vector<1x32x512xf32>
    %swap3A_77 = vector.shape_cast %swap3A_76 : vector<1x32x512xf32> to vector<32x512xf32>
    %swap3A_78 = vector.shape_cast %slice3A_72 : vector<32x512xf32> to vector<1x32x512xf32>
    tpu.vector_store %arg5[%swap3A_73, %swap3A_74, %swap3A_75], %swap3A_78 {strides = array<i32>} : memref<32x32x512xf32, #tpu.memory_space<vmem>>, vector<1x32x512xf32>,
    %slice3A_79 = vector.extract_strided_slice %get3A_1 {offsets = [2560, 0], sizes = [512, 64], strides = [1, 1]} : vector<16384x128xf32> to vector<512x64xf32>
    %transpose3A_80 = tpu.transpose %slice3A_79, [1, 0] : vector<512x64xf32> -> vector<64x512xf32>
    %slice3A_81 = vector.extract_strided_slice %transpose3A_80 {offsets = [0, 0], sizes = [32, 512], strides = [1, 1]} : vector<64x512xf32> to vector<32x512xf32>
    %swap3A_82 = arith.constant 5 : index
    %swap3A_83 = arith.constant 0 : index
    %swap3A_84 = arith.constant 0 : index
    %swap3A_85 = vector.load %arg4[%swap3A_82, %swap3A_83, %swap3A_84] : memref<32x32x512xf32, #tpu.memory_space<vmem>>, vector<1x32x512xf32>
    %swap3A_86 = vector.shape_cast %swap3A_85 : vector<1x32x512xf32> to vector<32x512xf32>
    %swap3A_87 = vector.shape_cast %slice3A_81 : vector<32x512xf32> to vector<1x32x512xf32>
    tpu.vector_store %arg4[%swap3A_82, %swap3A_83, %swap3A_84], %swap3A_87 {strides = array<i32>} : memref<32x32x512xf32, #tpu.memory_space<vmem>>, vector<1x32x512xf32>,
    %slice3A_88 = vector.extract_strided_slice %transpose3A_80 {offsets = [32, 0], sizes = [32, 512], strides = [1, 1]} : vector<64x512xf32> to vector<32x512xf32>
    %swap3A_89 = arith.constant 5 : index
    %swap3A_90 = arith.constant 0 : index
    %swap3A_91 = arith.constant 0 : index
    %swap3A_92 = vector.load %arg5[%swap3A_89, %swap3A_90, %swap3A_91] : memref<32x32x512xf32, #tpu.memory_space<vmem>>, vector<1x32x512xf32>
    %swap3A_93 = vector.shape_cast %swap3A_92 : vector<1x32x512xf32> to vector<32x512xf32>
    %swap3A_94 = vector.shape_cast %slice3A_88 : vector<32x512xf32> to vector<1x32x512xf32>
    tpu.vector_store %arg5[%swap3A_89, %swap3A_90, %swap3A_91], %swap3A_94 {strides = array<i32>} : memref<32x32x512xf32, #tpu.memory_space<vmem>>, vector<1x32x512xf32>,
    %slice3A_95 = vector.extract_strided_slice %get3A_1 {offsets = [3072, 0], sizes = [512, 64], strides = [1, 1]} : vector<16384x128xf32> to vector<512x64xf32>
    %transpose3A_96 = tpu.transpose %slice3A_95, [1, 0] : vector<512x64xf32> -> vector<64x512xf32>
    %slice3A_97 = vector.extract_strided_slice %transpose3A_96 {offsets = [0, 0], sizes = [32, 512], strides = [1, 1]} : vector<64x512xf32> to vector<32x512xf32>
    %swap3A_98 = arith.constant 6 : index
    %swap3A_99 = arith.constant 0 : index
    %swap3A_100 = arith.constant 0 : index
    %swap3A_101 = vector.load %arg4[%swap3A_98, %swap3A_99, %swap3A_100] : memref<32x32x512xf32, #tpu.memory_space<vmem>>, vector<1x32x512xf32>
    %swap3A_102 = vector.shape_cast %swap3A_101 : vector<1x32x512xf32> to vector<32x512xf32>
    %swap3A_103 = vector.shape_cast %slice3A_97 : vector<32x512xf32> to vector<1x32x512xf32>
    tpu.vector_store %arg4[%swap3A_98, %swap3A_99, %swap3A_100], %swap3A_103 {strides = array<i32>} : memref<32x32x512xf32, #tpu.memory_space<vmem>>, vector<1x32x512xf32>,
    %slice3A_104 = vector.extract_strided_slice %transpose3A_96 {offsets = [32, 0], sizes = [32, 512], strides = [1, 1]} : vector<64x512xf32> to vector<32x512xf32>
    %swap3A_105 = arith.constant 6 : index
    %swap3A_106 = arith.constant 0 : index
    %swap3A_107 = arith.constant 0 : index
    %swap3A_108 = vector.load %arg5[%swap3A_105, %swap3A_106, %swap3A_107] : memref<32x32x512xf32, #tpu.memory_space<vmem>>, vector<1x32x512xf32>
    %swap3A_109 = vector.shape_cast %swap3A_108 : vector<1x32x512xf32> to vector<32x512xf32>
    %swap3A_110 = vector.shape_cast %slice3A_104 : vector<32x512xf32> to vector<1x32x512xf32>
    tpu.vector_store %arg5[%swap3A_105, %swap3A_106, %swap3A_107], %swap3A_110 {strides = array<i32>} : memref<32x32x512xf32, #tpu.memory_space<vmem>>, vector<1x32x512xf32>,
    %slice3A_111 = vector.extract_strided_slice %get3A_1 {offsets = [3584, 0], sizes = [512, 64], strides = [1, 1]} : vector<16384x128xf32> to vector<512x64xf32>
    %transpose3A_112 = tpu.transpose %slice3A_111, [1, 0] : vector<512x64xf32> -> vector<64x512xf32>
    %slice3A_113 = vector.extract_strided_slice %transpose3A_112 {offsets = [0, 0], sizes = [32, 512], strides = [1, 1]} : vector<64x512xf32> to vector<32x512xf32>
    %swap3A_114 = arith.constant 7 : index
    %swap3A_115 = arith.constant 0 : index
    %swap3A_116 = arith.constant 0 : index
    %swap3A_117 = vector.load %arg4[%swap3A_114, %swap3A_115, %swap3A_116] : memref<32x32x512xf32, #tpu.memory_space<vmem>>, vector<1x32x512xf32>
    %swap3A_118 = vector.shape_cast %swap3A_117 : vector<1x32x512xf32> to vector<32x512xf32>
    %swap3A_119 = vector.shape_cast %slice3A_113 : vector<32x512xf32> to vector<1x32x512xf32>
    tpu.vector_store %arg4[%swap3A_114, %swap3A_115, %swap3A_116], %swap3A_119 {strides = array<i32>} : memref<32x32x512xf32, #tpu.memory_space<vmem>>, vector<1x32x512xf32>,
    %slice3A_120 = vector.extract_strided_slice %transpose3A_112 {offsets = [32, 0], sizes = [32, 512], strides = [1, 1]} : vector<64x512xf32> to vector<32x512xf32>
    %swap3A_121 = arith.constant 7 : index
    %swap3A_122 = arith.constant 0 : index
    %swap3A_123 = arith.constant 0 : index
    %swap3A_124 = vector.load %arg5[%swap3A_121, %swap3A_122, %swap3A_123] : memref<32x32x512xf32, #tpu.memory_space<vmem>>, vector<1x32x512xf32>
    %swap3A_125 = vector.shape_cast %swap3A_124 : vector<1x32x512xf32> to vector<32x512xf32>
    %swap3A_126 = vector.shape_cast %slice3A_120 : vector<32x512xf32> to vector<1x32x512xf32>
    tpu.vector_store %arg5[%swap3A_121, %swap3A_122, %swap3A_123], %swap3A_126 {strides = array<i32>} : memref<32x32x512xf32, #tpu.memory_space<vmem>>, vector<1x32x512xf32>,
    %slice3A_127 = vector.extract_strided_slice %get3A_1 {offsets = [4096, 0], sizes = [512, 64], strides = [1, 1]} : vector<16384x128xf32> to vector<512x64xf32>
    %transpose3A_128 = tpu.transpose %slice3A_127, [1, 0] : vector<512x64xf32> -> vector<64x512xf32>
    %slice3A_129 = vector.extract_strided_slice %transpose3A_128 {offsets = [0, 0], sizes = [32, 512], strides = [1, 1]} : vector<64x512xf32> to vector<32x512xf32>
    %swap3A_130 = arith.constant 8 : index
    %swap3A_131 = arith.constant 0 : index
    %swap3A_132 = arith.constant 0 : index
    %swap3A_133 = vector.load %arg4[%swap3A_130, %swap3A_131, %swap3A_132] : memref<32x32x512xf32, #tpu.memory_space<vmem>>, vector<1x32x512xf32>
    %swap3A_134 = vector.shape_cast %swap3A_133 : vector<1x32x512xf32> to vector<32x512xf32>
    %swap3A_135 = vector.shape_cast %slice3A_129 : vector<32x512xf32> to vector<1x32x512xf32>
    tpu.vector_store %arg4[%swap3A_130, %swap3A_131, %swap3A_132], %swap3A_135 {strides = array<i32>} : memref<32x32x512xf32, #tpu.memory_space<vmem>>, vector<1x32x512xf32>,
    %slice3A_136 = vector.extract_strided_slice %transpose3A_128 {offsets = [32, 0], sizes = [32, 512], strides = [1, 1]} : vector<64x512xf32> to vector<32x512xf32>
    %swap3A_137 = arith.constant 8 : index
    %swap3A_138 = arith.constant 0 : index
    %swap3A_139 = arith.constant 0 : index
    %swap3A_140 = vector.load %arg5[%swap3A_137, %swap3A_138, %swap3A_139] : memref<32x32x512xf32, #tpu.memory_space<vmem>>, vector<1x32x512xf32>
    %swap3A_141 = vector.shape_cast %swap3A_140 : vector<1x32x512xf32> to vector<32x512xf32>
    %swap3A_142 = vector.shape_cast %slice3A_136 : vector<32x512xf32> to vector<1x32x512xf32>
    tpu.vector_store %arg5[%swap3A_137, %swap3A_138, %swap3A_139], %swap3A_142 {strides = array<i32>} : memref<32x32x512xf32, #tpu.memory_space<vmem>>, vector<1x32x512xf32>,
    %slice3A_143 = vector.extract_strided_slice %get3A_1 {offsets = [4608, 0], sizes = [512, 64], strides = [1, 1]} : vector<16384x128xf32> to vector<512x64xf32>
    %transpose3A_144 = tpu.transpose %slice3A_143, [1, 0] : vector<512x64xf32> -> vector<64x512xf32>
    %slice3A_145 = vector.extract_strided_slice %transpose3A_144 {offsets = [0, 0], sizes = [32, 512], strides = [1, 1]} : vector<64x512xf32> to vector<32x512xf32>
    %swap3A_146 = arith.constant 9 : index
    %swap3A_147 = arith.constant 0 : index
    %swap3A_148 = arith.constant 0 : index
    %swap3A_149 = vector.load %arg4[%swap3A_146, %swap3A_147, %swap3A_148] : memref<32x32x512xf32, #tpu.memory_space<vmem>>, vector<1x32x512xf32>
    %swap3A_150 = vector.shape_cast %swap3A_149 : vector<1x32x512xf32> to vector<32x512xf32>
    %swap3A_151 = vector.shape_cast %slice3A_145 : vector<32x512xf32> to vector<1x32x512xf32>
    tpu.vector_store %arg4[%swap3A_146, %swap3A_147, %swap3A_148], %swap3A_151 {strides = array<i32>} : memref<32x32x512xf32, #tpu.memory_space<vmem>>, vector<1x32x512xf32>,
    %slice3A_152 = vector.extract_strided_slice %transpose3A_144 {offsets = [32, 0], sizes = [32, 512], strides = [1, 1]} : vector<64x512xf32> to vector<32x512xf32>
    %swap3A_153 = arith.constant 9 : index
    %swap3A_154 = arith.constant 0 : index
    %swap3A_155 = arith.constant 0 : index
    %swap3A_156 = vector.load %arg5[%swap3A_153, %swap3A_154, %swap3A_155] : memref<32x32x512xf32, #tpu.memory_space<vmem>>, vector<1x32x512xf32>
    %swap3A_157 = vector.shape_cast %swap3A_156 : vector<1x32x512xf32> to vector<32x512xf32>
    %swap3A_158 = vector.shape_cast %slice3A_152 : vector<32x512xf32> to vector<1x32x512xf32>
    tpu.vector_store %arg5[%swap3A_153, %swap3A_154, %swap3A_155], %swap3A_158 {strides = array<i32>} : memref<32x32x512xf32, #tpu.memory_space<vmem>>, vector<1x32x512xf32>,
    %slice3A_159 = vector.extract_strided_slice %get3A_1 {offsets = [5120, 0], sizes = [512, 64], strides = [1, 1]} : vector<16384x128xf32> to vector<512x64xf32>
    %transpose3A_160 = tpu.transpose %slice3A_159, [1, 0] : vector<512x64xf32> -> vector<64x512xf32>
    %slice3A_161 = vector.extract_strided_slice %transpose3A_160 {offsets = [0, 0], sizes = [32, 512], strides = [1, 1]} : vector<64x512xf32> to vector<32x512xf32>
    %swap3A_162 = arith.constant 10 : index
    %swap3A_163 = arith.constant 0 : index
    %swap3A_164 = arith.constant 0 : index
    %swap3A_165 = vector.load %arg4[%swap3A_162, %swap3A_163, %swap3A_164] : memref<32x32x512xf32, #tpu.memory_space<vmem>>, vector<1x32x512xf32>
    %swap3A_166 = vector.shape_cast %swap3A_165 : vector<1x32x512xf32> to vector<32x512xf32>
    %swap3A_167 = vector.shape_cast %slice3A_161 : vector<32x512xf32> to vector<1x32x512xf32>
    tpu.vector_store %arg4[%swap3A_162, %swap3A_163, %swap3A_164], %swap3A_167 {strides = array<i32>} : memref<32x32x512xf32, #tpu.memory_space<vmem>>, vector<1x32x512xf32>,
    %slice3A_168 = vector.extract_strided_slice %transpose3A_160 {offsets = [32, 0], sizes = [32, 512], strides = [1, 1]} : vector<64x512xf32> to vector<32x512xf32>
    %swap3A_169 = arith.constant 10 : index
    %swap3A_170 = arith.constant 0 : index
    %swap3A_171 = arith.constant 0 : index
    %swap3A_172 = vector.load %arg5[%swap3A_169, %swap3A_170, %swap3A_171] : memref<32x32x512xf32, #tpu.memory_space<vmem>>, vector<1x32x512xf32>
    %swap3A_173 = vector.shape_cast %swap3A_172 : vector<1x32x512xf32> to vector<32x512xf32>
    %swap3A_174 = vector.shape_cast %slice3A_168 : vector<32x512xf32> to vector<1x32x512xf32>
    tpu.vector_store %arg5[%swap3A_169, %swap3A_170, %swap3A_171], %swap3A_174 {strides = array<i32>} : memref<32x32x512xf32, #tpu.memory_space<vmem>>, vector<1x32x512xf32>,
    %slice3A_175 = vector.extract_strided_slice %get3A_1 {offsets = [5632, 0], sizes = [512, 64], strides = [1, 1]} : vector<16384x128xf32> to vector<512x64xf32>
    %transpose3A_176 = tpu.transpose %slice3A_175, [1, 0] : vector<512x64xf32> -> vector<64x512xf32>
    %slice3A_177 = vector.extract_strided_slice %transpose3A_176 {offsets = [0, 0], sizes = [32, 512], strides = [1, 1]} : vector<64x512xf32> to vector<32x512xf32>
    %swap3A_178 = arith.constant 11 : index
    %swap3A_179 = arith.constant 0 : index
    %swap3A_180 = arith.constant 0 : index
    %swap3A_181 = vector.load %arg4[%swap3A_178, %swap3A_179, %swap3A_180] : memref<32x32x512xf32, #tpu.memory_space<vmem>>, vector<1x32x512xf32>
    %swap3A_182 = vector.shape_cast %swap3A_181 : vector<1x32x512xf32> to vector<32x512xf32>
    %swap3A_183 = vector.shape_cast %slice3A_177 : vector<32x512xf32> to vector<1x32x512xf32>
    tpu.vector_store %arg4[%swap3A_178, %swap3A_179, %swap3A_180], %swap3A_183 {strides = array<i32>} : memref<32x32x512xf32, #tpu.memory_space<vmem>>, vector<1x32x512xf32>,
    %slice3A_184 = vector.extract_strided_slice %transpose3A_176 {offsets = [32, 0], sizes = [32, 512], strides = [1, 1]} : vector<64x512xf32> to vector<32x512xf32>
    %swap3A_185 = arith.constant 11 : index
    %swap3A_186 = arith.constant 0 : index
    %swap3A_187 = arith.constant 0 : index
    %swap3A_188 = vector.load %arg5[%swap3A_185, %swap3A_186, %swap3A_187] : memref<32x32x512xf32, #tpu.memory_space<vmem>>, vector<1x32x512xf32>
    %swap3A_189 = vector.shape_cast %swap3A_188 : vector<1x32x512xf32> to vector<32x512xf32>
    %swap3A_190 = vector.shape_cast %slice3A_184 : vector<32x512xf32> to vector<1x32x512xf32>
    tpu.vector_store %arg5[%swap3A_185, %swap3A_186, %swap3A_187], %swap3A_190 {strides = array<i32>} : memref<32x32x512xf32, #tpu.memory_space<vmem>>, vector<1x32x512xf32>,
    %slice3A_191 = vector.extract_strided_slice %get3A_1 {offsets = [6144, 0], sizes = [512, 64], strides = [1, 1]} : vector<16384x128xf32> to vector<512x64xf32>
    %transpose3A_192 = tpu.transpose %slice3A_191, [1, 0] : vector<512x64xf32> -> vector<64x512xf32>
    %slice3A_193 = vector.extract_strided_slice %transpose3A_192 {offsets = [0, 0], sizes = [32, 512], strides = [1, 1]} : vector<64x512xf32> to vector<32x512xf32>
    %swap3A_194 = arith.constant 12 : index
    %swap3A_195 = arith.constant 0 : index
    %swap3A_196 = arith.constant 0 : index
    %swap3A_197 = vector.load %arg4[%swap3A_194, %swap3A_195, %swap3A_196] : memref<32x32x512xf32, #tpu.memory_space<vmem>>, vector<1x32x512xf32>
    %swap3A_198 = vector.shape_cast %swap3A_197 : vector<1x32x512xf32> to vector<32x512xf32>
    %swap3A_199 = vector.shape_cast %slice3A_193 : vector<32x512xf32> to vector<1x32x512xf32>
    tpu.vector_store %arg4[%swap3A_194, %swap3A_195, %swap3A_196], %swap3A_199 {strides = array<i32>} : memref<32x32x512xf32, #tpu.memory_space<vmem>>, vector<1x32x512xf32>,
    %slice3A_200 = vector.extract_strided_slice %transpose3A_192 {offsets = [32, 0], sizes = [32, 512], strides = [1, 1]} : vector<64x512xf32> to vector<32x512xf32>
    %swap3A_201 = arith.constant 12 : index
    %swap3A_202 = arith.constant 0 : index
    %swap3A_203 = arith.constant 0 : index
    %swap3A_204 = vector.load %arg5[%swap3A_201, %swap3A_202, %swap3A_203] : memref<32x32x512xf32, #tpu.memory_space<vmem>>, vector<1x32x512xf32>
    %swap3A_205 = vector.shape_cast %swap3A_204 : vector<1x32x512xf32> to vector<32x512xf32>
    %swap3A_206 = vector.shape_cast %slice3A_200 : vector<32x512xf32> to vector<1x32x512xf32>
    tpu.vector_store %arg5[%swap3A_201, %swap3A_202, %swap3A_203], %swap3A_206 {strides = array<i32>} : memref<32x32x512xf32, #tpu.memory_space<vmem>>, vector<1x32x512xf32>,
    %slice3A_207 = vector.extract_strided_slice %get3A_1 {offsets = [6656, 0], sizes = [512, 64], strides = [1, 1]} : vector<16384x128xf32> to vector<512x64xf32>
    %transpose3A_208 = tpu.transpose %slice3A_207, [1, 0] : vector<512x64xf32> -> vector<64x512xf32>
    %slice3A_209 = vector.extract_strided_slice %transpose3A_208 {offsets = [0, 0], sizes = [32, 512], strides = [1, 1]} : vector<64x512xf32> to vector<32x512xf32>
    %swap3A_210 = arith.constant 13 : index
    %swap3A_211 = arith.constant 0 : index
    %swap3A_212 = arith.constant 0 : index
    %swap3A_213 = vector.load %arg4[%swap3A_210, %swap3A_211, %swap3A_212] : memref<32x32x512xf32, #tpu.memory_space<vmem>>, vector<1x32x512xf32>
    %swap3A_214 = vector.shape_cast %swap3A_213 : vector<1x32x512xf32> to vector<32x512xf32>
    %swap3A_215 = vector.shape_cast %slice3A_209 : vector<32x512xf32> to vector<1x32x512xf32>
    tpu.vector_store %arg4[%swap3A_210, %swap3A_211, %swap3A_212], %swap3A_215 {strides = array<i32>} : memref<32x32x512xf32, #tpu.memory_space<vmem>>, vector<1x32x512xf32>,
    %slice3A_216 = vector.extract_strided_slice %transpose3A_208 {offsets = [32, 0], sizes = [32, 512], strides = [1, 1]} : vector<64x512xf32> to vector<32x512xf32>
    %swap3A_217 = arith.constant 13 : index
    %swap3A_218 = arith.constant 0 : index
    %swap3A_219 = arith.constant 0 : index
    %swap3A_220 = vector.load %arg5[%swap3A_217, %swap3A_218, %swap3A_219] : memref<32x32x512xf32, #tpu.memory_space<vmem>>, vector<1x32x512xf32>
    %swap3A_221 = vector.shape_cast %swap3A_220 : vector<1x32x512xf32> to vector<32x512xf32>
    %swap3A_222 = vector.shape_cast %slice3A_216 : vector<32x512xf32> to vector<1x32x512xf32>
    tpu.vector_store %arg5[%swap3A_217, %swap3A_218, %swap3A_219], %swap3A_222 {strides = array<i32>} : memref<32x32x512xf32, #tpu.memory_space<vmem>>, vector<1x32x512xf32>,
    %slice3A_223 = vector.extract_strided_slice %get3A_1 {offsets = [7168, 0], sizes = [512, 64], strides = [1, 1]} : vector<16384x128xf32> to vector<512x64xf32>
    %transpose3A_224 = tpu.transpose %slice3A_223, [1, 0] : vector<512x64xf32> -> vector<64x512xf32>
    %slice3A_225 = vector.extract_strided_slice %transpose3A_224 {offsets = [0, 0], sizes = [32, 512], strides = [1, 1]} : vector<64x512xf32> to vector<32x512xf32>
    %swap3A_226 = arith.constant 14 : index
    %swap3A_227 = arith.constant 0 : index
    %swap3A_228 = arith.constant 0 : index
    %swap3A_229 = vector.load %arg4[%swap3A_226, %swap3A_227, %swap3A_228] : memref<32x32x512xf32, #tpu.memory_space<vmem>>, vector<1x32x512xf32>
    %swap3A_230 = vector.shape_cast %swap3A_229 : vector<1x32x512xf32> to vector<32x512xf32>
    %swap3A_231 = vector.shape_cast %slice3A_225 : vector<32x512xf32> to vector<1x32x512xf32>
    tpu.vector_store %arg4[%swap3A_226, %swap3A_227, %swap3A_228], %swap3A_231 {strides = array<i32>} : memref<32x32x512xf32, #tpu.memory_space<vmem>>, vector<1x32x512xf32>,
    %slice3A_232 = vector.extract_strided_slice %transpose3A_224 {offsets = [32, 0], sizes = [32, 512], strides = [1, 1]} : vector<64x512xf32> to vector<32x512xf32>
    %swap3A_233 = arith.constant 14 : index
    %swap3A_234 = arith.constant 0 : index
    %swap3A_235 = arith.constant 0 : index
    %swap3A_236 = vector.load %arg5[%swap3A_233, %swap3A_234, %swap3A_235] : memref<32x32x512xf32, #tpu.memory_space<vmem>>, vector<1x32x512xf32>
    %swap3A_237 = vector.shape_cast %swap3A_236 : vector<1x32x512xf32> to vector<32x512xf32>
    %swap3A_238 = vector.shape_cast %slice3A_232 : vector<32x512xf32> to vector<1x32x512xf32>
    tpu.vector_store %arg5[%swap3A_233, %swap3A_234, %swap3A_235], %swap3A_238 {strides = array<i32>} : memref<32x32x512xf32, #tpu.memory_space<vmem>>, vector<1x32x512xf32>,
    %slice3A_239 = vector.extract_strided_slice %get3A_1 {offsets = [7680, 0], sizes = [512, 64], strides = [1, 1]} : vector<16384x128xf32> to vector<512x64xf32>
    %transpose3A_240 = tpu.transpose %slice3A_239, [1, 0] : vector<512x64xf32> -> vector<64x512xf32>
    %slice3A_241 = vector.extract_strided_slice %transpose3A_240 {offsets = [0, 0], sizes = [32, 512], strides = [1, 1]} : vector<64x512xf32> to vector<32x512xf32>
    %swap3A_242 = arith.constant 15 : index
    %swap3A_243 = arith.constant 0 : index
    %swap3A_244 = arith.constant 0 : index
    %swap3A_245 = vector.load %arg4[%swap3A_242, %swap3A_243, %swap3A_244] : memref<32x32x512xf32, #tpu.memory_space<vmem>>, vector<1x32x512xf32>
    %swap3A_246 = vector.shape_cast %swap3A_245 : vector<1x32x512xf32> to vector<32x512xf32>
    %swap3A_247 = vector.shape_cast %slice3A_241 : vector<32x512xf32> to vector<1x32x512xf32>
    tpu.vector_store %arg4[%swap3A_242, %swap3A_243, %swap3A_244], %swap3A_247 {strides = array<i32>} : memref<32x32x512xf32, #tpu.memory_space<vmem>>, vector<1x32x512xf32>,
    %slice3A_248 = vector.extract_strided_slice %transpose3A_240 {offsets = [32, 0], sizes = [32, 512], strides = [1, 1]} : vector<64x512xf32> to vector<32x512xf32>
    %swap3A_249 = arith.constant 15 : index
    %swap3A_250 = arith.constant 0 : index
    %swap3A_251 = arith.constant 0 : index
    %swap3A_252 = vector.load %arg5[%swap3A_249, %swap3A_250, %swap3A_251] : memref<32x32x512xf32, #tpu.memory_space<vmem>>, vector<1x32x512xf32>
    %swap3A_253 = vector.shape_cast %swap3A_252 : vector<1x32x512xf32> to vector<32x512xf32>
    %swap3A_254 = vector.shape_cast %slice3A_248 : vector<32x512xf32> to vector<1x32x512xf32>
    tpu.vector_store %arg5[%swap3A_249, %swap3A_250, %swap3A_251], %swap3A_254 {strides = array<i32>} : memref<32x32x512xf32, #tpu.memory_space<vmem>>, vector<1x32x512xf32>,
    %slice3A_255 = vector.extract_strided_slice %get3A_1 {offsets = [8192, 0], sizes = [512, 64], strides = [1, 1]} : vector<16384x128xf32> to vector<512x64xf32>
    %transpose3A_256 = tpu.transpose %slice3A_255, [1, 0] : vector<512x64xf32> -> vector<64x512xf32>
    %slice3A_257 = vector.extract_strided_slice %transpose3A_256 {offsets = [0, 0], sizes = [32, 512], strides = [1, 1]} : vector<64x512xf32> to vector<32x512xf32>
    %swap3A_258 = arith.constant 16 : index
    %swap3A_259 = arith.constant 0 : index
    %swap3A_260 = arith.constant 0 : index
    %swap3A_261 = vector.load %arg4[%swap3A_258, %swap3A_259, %swap3A_260] : memref<32x32x512xf32, #tpu.memory_space<vmem>>, vector<1x32x512xf32>
    %swap3A_262 = vector.shape_cast %swap3A_261 : vector<1x32x512xf32> to vector<32x512xf32>
    %swap3A_263 = vector.shape_cast %slice3A_257 : vector<32x512xf32> to vector<1x32x512xf32>
    tpu.vector_store %arg4[%swap3A_258, %swap3A_259, %swap3A_260], %swap3A_263 {strides = array<i32>} : memref<32x32x512xf32, #tpu.memory_space<vmem>>, vector<1x32x512xf32>,
    %slice3A_264 = vector.extract_strided_slice %transpose3A_256 {offsets = [32, 0], sizes = [32, 512], strides = [1, 1]} : vector<64x512xf32> to vector<32x512xf32>
    %swap3A_265 = arith.constant 16 : index
    %swap3A_266 = arith.constant 0 : index
    %swap3A_267 = arith.constant 0 : index
    %swap3A_268 = vector.load %arg5[%swap3A_265, %swap3A_266, %swap3A_267] : memref<32x32x512xf32, #tpu.memory_space<vmem>>, vector<1x32x512xf32>
    %swap3A_269 = vector.shape_cast %swap3A_268 : vector<1x32x512xf32> to vector<32x512xf32>
    %swap3A_270 = vector.shape_cast %slice3A_264 : vector<32x512xf32> to vector<1x32x512xf32>
    tpu.vector_store %arg5[%swap3A_265, %swap3A_266, %swap3A_267], %swap3A_270 {strides = array<i32>} : memref<32x32x512xf32, #tpu.memory_space<vmem>>, vector<1x32x512xf32>,
    %slice3A_271 = vector.extract_strided_slice %get3A_1 {offsets = [8704, 0], sizes = [512, 64], strides = [1, 1]} : vector<16384x128xf32> to vector<512x64xf32>
    %transpose3A_272 = tpu.transpose %slice3A_271, [1, 0] : vector<512x64xf32> -> vector<64x512xf32>
    %slice3A_273 = vector.extract_strided_slice %transpose3A_272 {offsets = [0, 0], sizes = [32, 512], strides = [1, 1]} : vector<64x512xf32> to vector<32x512xf32>
    %swap3A_274 = arith.constant 17 : index
    %swap3A_275 = arith.constant 0 : index
    %swap3A_276 = arith.constant 0 : index
    %swap3A_277 = vector.load %arg4[%swap3A_274, %swap3A_275, %swap3A_276] : memref<32x32x512xf32, #tpu.memory_space<vmem>>, vector<1x32x512xf32>
    %swap3A_278 = vector.shape_cast %swap3A_277 : vector<1x32x512xf32> to vector<32x512xf32>
    %swap3A_279 = vector.shape_cast %slice3A_273 : vector<32x512xf32> to vector<1x32x512xf32>
    tpu.vector_store %arg4[%swap3A_274, %swap3A_275, %swap3A_276], %swap3A_279 {strides = array<i32>} : memref<32x32x512xf32, #tpu.memory_space<vmem>>, vector<1x32x512xf32>,
    %slice3A_280 = vector.extract_strided_slice %transpose3A_272 {offsets = [32, 0], sizes = [32, 512], strides = [1, 1]} : vector<64x512xf32> to vector<32x512xf32>
    %swap3A_281 = arith.constant 17 : index
    %swap3A_282 = arith.constant 0 : index
    %swap3A_283 = arith.constant 0 : index
    %swap3A_284 = vector.load %arg5[%swap3A_281, %swap3A_282, %swap3A_283] : memref<32x32x512xf32, #tpu.memory_space<vmem>>, vector<1x32x512xf32>
    %swap3A_285 = vector.shape_cast %swap3A_284 : vector<1x32x512xf32> to vector<32x512xf32>
    %swap3A_286 = vector.shape_cast %slice3A_280 : vector<32x512xf32> to vector<1x32x512xf32>
    tpu.vector_store %arg5[%swap3A_281, %swap3A_282, %swap3A_283], %swap3A_286 {strides = array<i32>} : memref<32x32x512xf32, #tpu.memory_space<vmem>>, vector<1x32x512xf32>,
    %slice3A_287 = vector.extract_strided_slice %get3A_1 {offsets = [9216, 0], sizes = [512, 64], strides = [1, 1]} : vector<16384x128xf32> to vector<512x64xf32>
    %transpose3A_288 = tpu.transpose %slice3A_287, [1, 0] : vector<512x64xf32> -> vector<64x512xf32>
    %slice3A_289 = vector.extract_strided_slice %transpose3A_288 {offsets = [0, 0], sizes = [32, 512], strides = [1, 1]} : vector<64x512xf32> to vector<32x512xf32>
    %swap3A_290 = arith.constant 18 : index
    %swap3A_291 = arith.constant 0 : index
    %swap3A_292 = arith.constant 0 : index
    %swap3A_293 = vector.load %arg4[%swap3A_290, %swap3A_291, %swap3A_292] : memref<32x32x512xf32, #tpu.memory_space<vmem>>, vector<1x32x512xf32>
    %swap3A_294 = vector.shape_cast %swap3A_293 : vector<1x32x512xf32> to vector<32x512xf32>
    %swap3A_295 = vector.shape_cast %slice3A_289 : vector<32x512xf32> to vector<1x32x512xf32>
    tpu.vector_store %arg4[%swap3A_290, %swap3A_291, %swap3A_292], %swap3A_295 {strides = array<i32>} : memref<32x32x512xf32, #tpu.memory_space<vmem>>, vector<1x32x512xf32>,
    %slice3A_296 = vector.extract_strided_slice %transpose3A_288 {offsets = [32, 0], sizes = [32, 512], strides = [1, 1]} : vector<64x512xf32> to vector<32x512xf32>
    %swap3A_297 = arith.constant 18 : index
    %swap3A_298 = arith.constant 0 : index
    %swap3A_299 = arith.constant 0 : index
    %swap3A_300 = vector.load %arg5[%swap3A_297, %swap3A_298, %swap3A_299] : memref<32x32x512xf32, #tpu.memory_space<vmem>>, vector<1x32x512xf32>
    %swap3A_301 = vector.shape_cast %swap3A_300 : vector<1x32x512xf32> to vector<32x512xf32>
    %swap3A_302 = vector.shape_cast %slice3A_296 : vector<32x512xf32> to vector<1x32x512xf32>
    tpu.vector_store %arg5[%swap3A_297, %swap3A_298, %swap3A_299], %swap3A_302 {strides = array<i32>} : memref<32x32x512xf32, #tpu.memory_space<vmem>>, vector<1x32x512xf32>,
    %slice3A_303 = vector.extract_strided_slice %get3A_1 {offsets = [9728, 0], sizes = [512, 64], strides = [1, 1]} : vector<16384x128xf32> to vector<512x64xf32>
    %transpose3A_304 = tpu.transpose %slice3A_303, [1, 0] : vector<512x64xf32> -> vector<64x512xf32>
    %slice3A_305 = vector.extract_strided_slice %transpose3A_304 {offsets = [0, 0], sizes = [32, 512], strides = [1, 1]} : vector<64x512xf32> to vector<32x512xf32>
    %swap3A_306 = arith.constant 19 : index
    %swap3A_307 = arith.constant 0 : index
    %swap3A_308 = arith.constant 0 : index
    %swap3A_309 = vector.load %arg4[%swap3A_306, %swap3A_307, %swap3A_308] : memref<32x32x512xf32, #tpu.memory_space<vmem>>, vector<1x32x512xf32>
    %swap3A_310 = vector.shape_cast %swap3A_309 : vector<1x32x512xf32> to vector<32x512xf32>
    %swap3A_311 = vector.shape_cast %slice3A_305 : vector<32x512xf32> to vector<1x32x512xf32>
    tpu.vector_store %arg4[%swap3A_306, %swap3A_307, %swap3A_308], %swap3A_311 {strides = array<i32>} : memref<32x32x512xf32, #tpu.memory_space<vmem>>, vector<1x32x512xf32>,
    %slice3A_312 = vector.extract_strided_slice %transpose3A_304 {offsets = [32, 0], sizes = [32, 512], strides = [1, 1]} : vector<64x512xf32> to vector<32x512xf32>
    %swap3A_313 = arith.constant 19 : index
    %swap3A_314 = arith.constant 0 : index
    %swap3A_315 = arith.constant 0 : index
    %swap3A_316 = vector.load %arg5[%swap3A_313, %swap3A_314, %swap3A_315] : memref<32x32x512xf32, #tpu.memory_space<vmem>>, vector<1x32x512xf32>
    %swap3A_317 = vector.shape_cast %swap3A_316 : vector<1x32x512xf32> to vector<32x512xf32>
    %swap3A_318 = vector.shape_cast %slice3A_312 : vector<32x512xf32> to vector<1x32x512xf32>
    tpu.vector_store %arg5[%swap3A_313, %swap3A_314, %swap3A_315], %swap3A_318 {strides = array<i32>} : memref<32x32x512xf32, #tpu.memory_space<vmem>>, vector<1x32x512xf32>,
    %slice3A_319 = vector.extract_strided_slice %get3A_1 {offsets = [10240, 0], sizes = [512, 64], strides = [1, 1]} : vector<16384x128xf32> to vector<512x64xf32>
    %transpose3A_320 = tpu.transpose %slice3A_319, [1, 0] : vector<512x64xf32> -> vector<64x512xf32>
    %slice3A_321 = vector.extract_strided_slice %transpose3A_320 {offsets = [0, 0], sizes = [32, 512], strides = [1, 1]} : vector<64x512xf32> to vector<32x512xf32>
    %swap3A_322 = arith.constant 20 : index
    %swap3A_323 = arith.constant 0 : index
    %swap3A_324 = arith.constant 0 : index
    %swap3A_325 = vector.load %arg4[%swap3A_322, %swap3A_323, %swap3A_324] : memref<32x32x512xf32, #tpu.memory_space<vmem>>, vector<1x32x512xf32>
    %swap3A_326 = vector.shape_cast %swap3A_325 : vector<1x32x512xf32> to vector<32x512xf32>
    %swap3A_327 = vector.shape_cast %slice3A_321 : vector<32x512xf32> to vector<1x32x512xf32>
    tpu.vector_store %arg4[%swap3A_322, %swap3A_323, %swap3A_324], %swap3A_327 {strides = array<i32>} : memref<32x32x512xf32, #tpu.memory_space<vmem>>, vector<1x32x512xf32>,
    %slice3A_328 = vector.extract_strided_slice %transpose3A_320 {offsets = [32, 0], sizes = [32, 512], strides = [1, 1]} : vector<64x512xf32> to vector<32x512xf32>
    %swap3A_329 = arith.constant 20 : index
    %swap3A_330 = arith.constant 0 : index
    %swap3A_331 = arith.constant 0 : index
    %swap3A_332 = vector.load %arg5[%swap3A_329, %swap3A_330, %swap3A_331] : memref<32x32x512xf32, #tpu.memory_space<vmem>>, vector<1x32x512xf32>
    %swap3A_333 = vector.shape_cast %swap3A_332 : vector<1x32x512xf32> to vector<32x512xf32>
    %swap3A_334 = vector.shape_cast %slice3A_328 : vector<32x512xf32> to vector<1x32x512xf32>
    tpu.vector_store %arg5[%swap3A_329, %swap3A_330, %swap3A_331], %swap3A_334 {strides = array<i32>} : memref<32x32x512xf32, #tpu.memory_space<vmem>>, vector<1x32x512xf32>,
    %slice3A_335 = vector.extract_strided_slice %get3A_1 {offsets = [10752, 0], sizes = [512, 64], strides = [1, 1]} : vector<16384x128xf32> to vector<512x64xf32>
    %transpose3A_336 = tpu.transpose %slice3A_335, [1, 0] : vector<512x64xf32> -> vector<64x512xf32>
    %slice3A_337 = vector.extract_strided_slice %transpose3A_336 {offsets = [0, 0], sizes = [32, 512], strides = [1, 1]} : vector<64x512xf32> to vector<32x512xf32>
    %swap3A_338 = arith.constant 21 : index
    %swap3A_339 = arith.constant 0 : index
    %swap3A_340 = arith.constant 0 : index
    %swap3A_341 = vector.load %arg4[%swap3A_338, %swap3A_339, %swap3A_340] : memref<32x32x512xf32, #tpu.memory_space<vmem>>, vector<1x32x512xf32>
    %swap3A_342 = vector.shape_cast %swap3A_341 : vector<1x32x512xf32> to vector<32x512xf32>
    %swap3A_343 = vector.shape_cast %slice3A_337 : vector<32x512xf32> to vector<1x32x512xf32>
    tpu.vector_store %arg4[%swap3A_338, %swap3A_339, %swap3A_340], %swap3A_343 {strides = array<i32>} : memref<32x32x512xf32, #tpu.memory_space<vmem>>, vector<1x32x512xf32>,
    %slice3A_344 = vector.extract_strided_slice %transpose3A_336 {offsets = [32, 0], sizes = [32, 512], strides = [1, 1]} : vector<64x512xf32> to vector<32x512xf32>
    %swap3A_345 = arith.constant 21 : index
    %swap3A_346 = arith.constant 0 : index
    %swap3A_347 = arith.constant 0 : index
    %swap3A_348 = vector.load %arg5[%swap3A_345, %swap3A_346, %swap3A_347] : memref<32x32x512xf32, #tpu.memory_space<vmem>>, vector<1x32x512xf32>
    %swap3A_349 = vector.shape_cast %swap3A_348 : vector<1x32x512xf32> to vector<32x512xf32>
    %swap3A_350 = vector.shape_cast %slice3A_344 : vector<32x512xf32> to vector<1x32x512xf32>
    tpu.vector_store %arg5[%swap3A_345, %swap3A_346, %swap3A_347], %swap3A_350 {strides = array<i32>} : memref<32x32x512xf32, #tpu.memory_space<vmem>>, vector<1x32x512xf32>,
    %slice3A_351 = vector.extract_strided_slice %get3A_1 {offsets = [11264, 0], sizes = [512, 64], strides = [1, 1]} : vector<16384x128xf32> to vector<512x64xf32>
    %transpose3A_352 = tpu.transpose %slice3A_351, [1, 0] : vector<512x64xf32> -> vector<64x512xf32>
    %slice3A_353 = vector.extract_strided_slice %transpose3A_352 {offsets = [0, 0], sizes = [32, 512], strides = [1, 1]} : vector<64x512xf32> to vector<32x512xf32>
    %swap3A_354 = arith.constant 22 : index
    %swap3A_355 = arith.constant 0 : index
    %swap3A_356 = arith.constant 0 : index
    %swap3A_357 = vector.load %arg4[%swap3A_354, %swap3A_355, %swap3A_356] : memref<32x32x512xf32, #tpu.memory_space<vmem>>, vector<1x32x512xf32>
    %swap3A_358 = vector.shape_cast %swap3A_357 : vector<1x32x512xf32> to vector<32x512xf32>
    %swap3A_359 = vector.shape_cast %slice3A_353 : vector<32x512xf32> to vector<1x32x512xf32>
    tpu.vector_store %arg4[%swap3A_354, %swap3A_355, %swap3A_356], %swap3A_359 {strides = array<i32>} : memref<32x32x512xf32, #tpu.memory_space<vmem>>, vector<1x32x512xf32>,
    %slice3A_360 = vector.extract_strided_slice %transpose3A_352 {offsets = [32, 0], sizes = [32, 512], strides = [1, 1]} : vector<64x512xf32> to vector<32x512xf32>
    %swap3A_361 = arith.constant 22 : index
    %swap3A_362 = arith.constant 0 : index
    %swap3A_363 = arith.constant 0 : index
    %swap3A_364 = vector.load %arg5[%swap3A_361, %swap3A_362, %swap3A_363] : memref<32x32x512xf32, #tpu.memory_space<vmem>>, vector<1x32x512xf32>
    %swap3A_365 = vector.shape_cast %swap3A_364 : vector<1x32x512xf32> to vector<32x512xf32>
    %swap3A_366 = vector.shape_cast %slice3A_360 : vector<32x512xf32> to vector<1x32x512xf32>
    tpu.vector_store %arg5[%swap3A_361, %swap3A_362, %swap3A_363], %swap3A_366 {strides = array<i32>} : memref<32x32x512xf32, #tpu.memory_space<vmem>>, vector<1x32x512xf32>,
    %slice3A_367 = vector.extract_strided_slice %get3A_1 {offsets = [11776, 0], sizes = [512, 64], strides = [1, 1]} : vector<16384x128xf32> to vector<512x64xf32>
    %transpose3A_368 = tpu.transpose %slice3A_367, [1, 0] : vector<512x64xf32> -> vector<64x512xf32>
    %slice3A_369 = vector.extract_strided_slice %transpose3A_368 {offsets = [0, 0], sizes = [32, 512], strides = [1, 1]} : vector<64x512xf32> to vector<32x512xf32>
    %swap3A_370 = arith.constant 23 : index
    %swap3A_371 = arith.constant 0 : index
    %swap3A_372 = arith.constant 0 : index
    %swap3A_373 = vector.load %arg4[%swap3A_370, %swap3A_371, %swap3A_372] : memref<32x32x512xf32, #tpu.memory_space<vmem>>, vector<1x32x512xf32>
    %swap3A_374 = vector.shape_cast %swap3A_373 : vector<1x32x512xf32> to vector<32x512xf32>
    %swap3A_375 = vector.shape_cast %slice3A_369 : vector<32x512xf32> to vector<1x32x512xf32>
    tpu.vector_store %arg4[%swap3A_370, %swap3A_371, %swap3A_372], %swap3A_375 {strides = array<i32>} : memref<32x32x512xf32, #tpu.memory_space<vmem>>, vector<1x32x512xf32>,
    %slice3A_376 = vector.extract_strided_slice %transpose3A_368 {offsets = [32, 0], sizes = [32, 512], strides = [1, 1]} : vector<64x512xf32> to vector<32x512xf32>
    %swap3A_377 = arith.constant 23 : index
    %swap3A_378 = arith.constant 0 : index
    %swap3A_379 = arith.constant 0 : index
    %swap3A_380 = vector.load %arg5[%swap3A_377, %swap3A_378, %swap3A_379] : memref<32x32x512xf32, #tpu.memory_space<vmem>>, vector<1x32x512xf32>
    %swap3A_381 = vector.shape_cast %swap3A_380 : vector<1x32x512xf32> to vector<32x512xf32>
    %swap3A_382 = vector.shape_cast %slice3A_376 : vector<32x512xf32> to vector<1x32x512xf32>
    tpu.vector_store %arg5[%swap3A_377, %swap3A_378, %swap3A_379], %swap3A_382 {strides = array<i32>} : memref<32x32x512xf32, #tpu.memory_space<vmem>>, vector<1x32x512xf32>,
    %slice3A_383 = vector.extract_strided_slice %get3A_1 {offsets = [12288, 0], sizes = [512, 64], strides = [1, 1]} : vector<16384x128xf32> to vector<512x64xf32>
    %transpose3A_384 = tpu.transpose %slice3A_383, [1, 0] : vector<512x64xf32> -> vector<64x512xf32>
    %slice3A_385 = vector.extract_strided_slice %transpose3A_384 {offsets = [0, 0], sizes = [32, 512], strides = [1, 1]} : vector<64x512xf32> to vector<32x512xf32>
    %swap3A_386 = arith.constant 24 : index
    %swap3A_387 = arith.constant 0 : index
    %swap3A_388 = arith.constant 0 : index
    %swap3A_389 = vector.load %arg4[%swap3A_386, %swap3A_387, %swap3A_388] : memref<32x32x512xf32, #tpu.memory_space<vmem>>, vector<1x32x512xf32>
    %swap3A_390 = vector.shape_cast %swap3A_389 : vector<1x32x512xf32> to vector<32x512xf32>
    %swap3A_391 = vector.shape_cast %slice3A_385 : vector<32x512xf32> to vector<1x32x512xf32>
    tpu.vector_store %arg4[%swap3A_386, %swap3A_387, %swap3A_388], %swap3A_391 {strides = array<i32>} : memref<32x32x512xf32, #tpu.memory_space<vmem>>, vector<1x32x512xf32>,
    %slice3A_392 = vector.extract_strided_slice %transpose3A_384 {offsets = [32, 0], sizes = [32, 512], strides = [1, 1]} : vector<64x512xf32> to vector<32x512xf32>
    %swap3A_393 = arith.constant 24 : index
    %swap3A_394 = arith.constant 0 : index
    %swap3A_395 = arith.constant 0 : index
    %swap3A_396 = vector.load %arg5[%swap3A_393, %swap3A_394, %swap3A_395] : memref<32x32x512xf32, #tpu.memory_space<vmem>>, vector<1x32x512xf32>
    %swap3A_397 = vector.shape_cast %swap3A_396 : vector<1x32x512xf32> to vector<32x512xf32>
    %swap3A_398 = vector.shape_cast %slice3A_392 : vector<32x512xf32> to vector<1x32x512xf32>
    tpu.vector_store %arg5[%swap3A_393, %swap3A_394, %swap3A_395], %swap3A_398 {strides = array<i32>} : memref<32x32x512xf32, #tpu.memory_space<vmem>>, vector<1x32x512xf32>,
    %slice3A_399 = vector.extract_strided_slice %get3A_1 {offsets = [12800, 0], sizes = [512, 64], strides = [1, 1]} : vector<16384x128xf32> to vector<512x64xf32>
    %transpose3A_400 = tpu.transpose %slice3A_399, [1, 0] : vector<512x64xf32> -> vector<64x512xf32>
    %slice3A_401 = vector.extract_strided_slice %transpose3A_400 {offsets = [0, 0], sizes = [32, 512], strides = [1, 1]} : vector<64x512xf32> to vector<32x512xf32>
    %swap3A_402 = arith.constant 25 : index
    %swap3A_403 = arith.constant 0 : index
    %swap3A_404 = arith.constant 0 : index
    %swap3A_405 = vector.load %arg4[%swap3A_402, %swap3A_403, %swap3A_404] : memref<32x32x512xf32, #tpu.memory_space<vmem>>, vector<1x32x512xf32>
    %swap3A_406 = vector.shape_cast %swap3A_405 : vector<1x32x512xf32> to vector<32x512xf32>
    %swap3A_407 = vector.shape_cast %slice3A_401 : vector<32x512xf32> to vector<1x32x512xf32>
    tpu.vector_store %arg4[%swap3A_402, %swap3A_403, %swap3A_404], %swap3A_407 {strides = array<i32>} : memref<32x32x512xf32, #tpu.memory_space<vmem>>, vector<1x32x512xf32>,
    %slice3A_408 = vector.extract_strided_slice %transpose3A_400 {offsets = [32, 0], sizes = [32, 512], strides = [1, 1]} : vector<64x512xf32> to vector<32x512xf32>
    %swap3A_409 = arith.constant 25 : index
    %swap3A_410 = arith.constant 0 : index
    %swap3A_411 = arith.constant 0 : index
    %swap3A_412 = vector.load %arg5[%swap3A_409, %swap3A_410, %swap3A_411] : memref<32x32x512xf32, #tpu.memory_space<vmem>>, vector<1x32x512xf32>
    %swap3A_413 = vector.shape_cast %swap3A_412 : vector<1x32x512xf32> to vector<32x512xf32>
    %swap3A_414 = vector.shape_cast %slice3A_408 : vector<32x512xf32> to vector<1x32x512xf32>
    tpu.vector_store %arg5[%swap3A_409, %swap3A_410, %swap3A_411], %swap3A_414 {strides = array<i32>} : memref<32x32x512xf32, #tpu.memory_space<vmem>>, vector<1x32x512xf32>,
    %slice3A_415 = vector.extract_strided_slice %get3A_1 {offsets = [13312, 0], sizes = [512, 64], strides = [1, 1]} : vector<16384x128xf32> to vector<512x64xf32>
    %transpose3A_416 = tpu.transpose %slice3A_415, [1, 0] : vector<512x64xf32> -> vector<64x512xf32>
    %slice3A_417 = vector.extract_strided_slice %transpose3A_416 {offsets = [0, 0], sizes = [32, 512], strides = [1, 1]} : vector<64x512xf32> to vector<32x512xf32>
    %swap3A_418 = arith.constant 26 : index
    %swap3A_419 = arith.constant 0 : index
    %swap3A_420 = arith.constant 0 : index
    %swap3A_421 = vector.load %arg4[%swap3A_418, %swap3A_419, %swap3A_420] : memref<32x32x512xf32, #tpu.memory_space<vmem>>, vector<1x32x512xf32>
    %swap3A_422 = vector.shape_cast %swap3A_421 : vector<1x32x512xf32> to vector<32x512xf32>
    %swap3A_423 = vector.shape_cast %slice3A_417 : vector<32x512xf32> to vector<1x32x512xf32>
    tpu.vector_store %arg4[%swap3A_418, %swap3A_419, %swap3A_420], %swap3A_423 {strides = array<i32>} : memref<32x32x512xf32, #tpu.memory_space<vmem>>, vector<1x32x512xf32>,
    %slice3A_424 = vector.extract_strided_slice %transpose3A_416 {offsets = [32, 0], sizes = [32, 512], strides = [1, 1]} : vector<64x512xf32> to vector<32x512xf32>
    %swap3A_425 = arith.constant 26 : index
    %swap3A_426 = arith.constant 0 : index
    %swap3A_427 = arith.constant 0 : index
    %swap3A_428 = vector.load %arg5[%swap3A_425, %swap3A_426, %swap3A_427] : memref<32x32x512xf32, #tpu.memory_space<vmem>>, vector<1x32x512xf32>
    %swap3A_429 = vector.shape_cast %swap3A_428 : vector<1x32x512xf32> to vector<32x512xf32>
    %swap3A_430 = vector.shape_cast %slice3A_424 : vector<32x512xf32> to vector<1x32x512xf32>
    tpu.vector_store %arg5[%swap3A_425, %swap3A_426, %swap3A_427], %swap3A_430 {strides = array<i32>} : memref<32x32x512xf32, #tpu.memory_space<vmem>>, vector<1x32x512xf32>,
    %slice3A_431 = vector.extract_strided_slice %get3A_1 {offsets = [13824, 0], sizes = [512, 64], strides = [1, 1]} : vector<16384x128xf32> to vector<512x64xf32>
    %transpose3A_432 = tpu.transpose %slice3A_431, [1, 0] : vector<512x64xf32> -> vector<64x512xf32>
    %slice3A_433 = vector.extract_strided_slice %transpose3A_432 {offsets = [0, 0], sizes = [32, 512], strides = [1, 1]} : vector<64x512xf32> to vector<32x512xf32>
    %swap3A_434 = arith.constant 27 : index
    %swap3A_435 = arith.constant 0 : index
    %swap3A_436 = arith.constant 0 : index
    %swap3A_437 = vector.load %arg4[%swap3A_434, %swap3A_435, %swap3A_436] : memref<32x32x512xf32, #tpu.memory_space<vmem>>, vector<1x32x512xf32>
    %swap3A_438 = vector.shape_cast %swap3A_437 : vector<1x32x512xf32> to vector<32x512xf32>
    %swap3A_439 = vector.shape_cast %slice3A_433 : vector<32x512xf32> to vector<1x32x512xf32>
    tpu.vector_store %arg4[%swap3A_434, %swap3A_435, %swap3A_436], %swap3A_439 {strides = array<i32>} : memref<32x32x512xf32, #tpu.memory_space<vmem>>, vector<1x32x512xf32>,
    %slice3A_440 = vector.extract_strided_slice %transpose3A_432 {offsets = [32, 0], sizes = [32, 512], strides = [1, 1]} : vector<64x512xf32> to vector<32x512xf32>
    %swap3A_441 = arith.constant 27 : index
    %swap3A_442 = arith.constant 0 : index
    %swap3A_443 = arith.constant 0 : index
    %swap3A_444 = vector.load %arg5[%swap3A_441, %swap3A_442, %swap3A_443] : memref<32x32x512xf32, #tpu.memory_space<vmem>>, vector<1x32x512xf32>
    %swap3A_445 = vector.shape_cast %swap3A_444 : vector<1x32x512xf32> to vector<32x512xf32>
    %swap3A_446 = vector.shape_cast %slice3A_440 : vector<32x512xf32> to vector<1x32x512xf32>
    tpu.vector_store %arg5[%swap3A_441, %swap3A_442, %swap3A_443], %swap3A_446 {strides = array<i32>} : memref<32x32x512xf32, #tpu.memory_space<vmem>>, vector<1x32x512xf32>,
    %slice3A_447 = vector.extract_strided_slice %get3A_1 {offsets = [14336, 0], sizes = [512, 64], strides = [1, 1]} : vector<16384x128xf32> to vector<512x64xf32>
    %transpose3A_448 = tpu.transpose %slice3A_447, [1, 0] : vector<512x64xf32> -> vector<64x512xf32>
    %slice3A_449 = vector.extract_strided_slice %transpose3A_448 {offsets = [0, 0], sizes = [32, 512], strides = [1, 1]} : vector<64x512xf32> to vector<32x512xf32>
    %swap3A_450 = arith.constant 28 : index
    %swap3A_451 = arith.constant 0 : index
    %swap3A_452 = arith.constant 0 : index
    %swap3A_453 = vector.load %arg4[%swap3A_450, %swap3A_451, %swap3A_452] : memref<32x32x512xf32, #tpu.memory_space<vmem>>, vector<1x32x512xf32>
    %swap3A_454 = vector.shape_cast %swap3A_453 : vector<1x32x512xf32> to vector<32x512xf32>
    %swap3A_455 = vector.shape_cast %slice3A_449 : vector<32x512xf32> to vector<1x32x512xf32>
    tpu.vector_store %arg4[%swap3A_450, %swap3A_451, %swap3A_452], %swap3A_455 {strides = array<i32>} : memref<32x32x512xf32, #tpu.memory_space<vmem>>, vector<1x32x512xf32>,
    %slice3A_456 = vector.extract_strided_slice %transpose3A_448 {offsets = [32, 0], sizes = [32, 512], strides = [1, 1]} : vector<64x512xf32> to vector<32x512xf32>
    %swap3A_457 = arith.constant 28 : index
    %swap3A_458 = arith.constant 0 : index
    %swap3A_459 = arith.constant 0 : index
    %swap3A_460 = vector.load %arg5[%swap3A_457, %swap3A_458, %swap3A_459] : memref<32x32x512xf32, #tpu.memory_space<vmem>>, vector<1x32x512xf32>
    %swap3A_461 = vector.shape_cast %swap3A_460 : vector<1x32x512xf32> to vector<32x512xf32>
    %swap3A_462 = vector.shape_cast %slice3A_456 : vector<32x512xf32> to vector<1x32x512xf32>
    tpu.vector_store %arg5[%swap3A_457, %swap3A_458, %swap3A_459], %swap3A_462 {strides = array<i32>} : memref<32x32x512xf32, #tpu.memory_space<vmem>>, vector<1x32x512xf32>,
    %slice3A_463 = vector.extract_strided_slice %get3A_1 {offsets = [14848, 0], sizes = [512, 64], strides = [1, 1]} : vector<16384x128xf32> to vector<512x64xf32>
    %transpose3A_464 = tpu.transpose %slice3A_463, [1, 0] : vector<512x64xf32> -> vector<64x512xf32>
    %slice3A_465 = vector.extract_strided_slice %transpose3A_464 {offsets = [0, 0], sizes = [32, 512], strides = [1, 1]} : vector<64x512xf32> to vector<32x512xf32>
    %swap3A_466 = arith.constant 29 : index
    %swap3A_467 = arith.constant 0 : index
    %swap3A_468 = arith.constant 0 : index
    %swap3A_469 = vector.load %arg4[%swap3A_466, %swap3A_467, %swap3A_468] : memref<32x32x512xf32, #tpu.memory_space<vmem>>, vector<1x32x512xf32>
    %swap3A_470 = vector.shape_cast %swap3A_469 : vector<1x32x512xf32> to vector<32x512xf32>
    %swap3A_471 = vector.shape_cast %slice3A_465 : vector<32x512xf32> to vector<1x32x512xf32>
    tpu.vector_store %arg4[%swap3A_466, %swap3A_467, %swap3A_468], %swap3A_471 {strides = array<i32>} : memref<32x32x512xf32, #tpu.memory_space<vmem>>, vector<1x32x512xf32>,
    %slice3A_472 = vector.extract_strided_slice %transpose3A_464 {offsets = [32, 0], sizes = [32, 512], strides = [1, 1]} : vector<64x512xf32> to vector<32x512xf32>
    %swap3A_473 = arith.constant 29 : index
    %swap3A_474 = arith.constant 0 : index
    %swap3A_475 = arith.constant 0 : index
    %swap3A_476 = vector.load %arg5[%swap3A_473, %swap3A_474, %swap3A_475] : memref<32x32x512xf32, #tpu.memory_space<vmem>>, vector<1x32x512xf32>
    %swap3A_477 = vector.shape_cast %swap3A_476 : vector<1x32x512xf32> to vector<32x512xf32>
    %swap3A_478 = vector.shape_cast %slice3A_472 : vector<32x512xf32> to vector<1x32x512xf32>
    tpu.vector_store %arg5[%swap3A_473, %swap3A_474, %swap3A_475], %swap3A_478 {strides = array<i32>} : memref<32x32x512xf32, #tpu.memory_space<vmem>>, vector<1x32x512xf32>,
    %slice3A_479 = vector.extract_strided_slice %get3A_1 {offsets = [15360, 0], sizes = [512, 64], strides = [1, 1]} : vector<16384x128xf32> to vector<512x64xf32>
    %transpose3A_480 = tpu.transpose %slice3A_479, [1, 0] : vector<512x64xf32> -> vector<64x512xf32>
    %slice3A_481 = vector.extract_strided_slice %transpose3A_480 {offsets = [0, 0], sizes = [32, 512], strides = [1, 1]} : vector<64x512xf32> to vector<32x512xf32>
    %swap3A_482 = arith.constant 30 : index
    %swap3A_483 = arith.constant 0 : index
    %swap3A_484 = arith.constant 0 : index
    %swap3A_485 = vector.load %arg4[%swap3A_482, %swap3A_483, %swap3A_484] : memref<32x32x512xf32, #tpu.memory_space<vmem>>, vector<1x32x512xf32>
    %swap3A_486 = vector.shape_cast %swap3A_485 : vector<1x32x512xf32> to vector<32x512xf32>
    %swap3A_487 = vector.shape_cast %slice3A_481 : vector<32x512xf32> to vector<1x32x512xf32>
    tpu.vector_store %arg4[%swap3A_482, %swap3A_483, %swap3A_484], %swap3A_487 {strides = array<i32>} : memref<32x32x512xf32, #tpu.memory_space<vmem>>, vector<1x32x512xf32>,
    %slice3A_488 = vector.extract_strided_slice %transpose3A_480 {offsets = [32, 0], sizes = [32, 512], strides = [1, 1]} : vector<64x512xf32> to vector<32x512xf32>
    %swap3A_489 = arith.constant 30 : index
    %swap3A_490 = arith.constant 0 : index
    %swap3A_491 = arith.constant 0 : index
    %swap3A_492 = vector.load %arg5[%swap3A_489, %swap3A_490, %swap3A_491] : memref<32x32x512xf32, #tpu.memory_space<vmem>>, vector<1x32x512xf32>
    %swap3A_493 = vector.shape_cast %swap3A_492 : vector<1x32x512xf32> to vector<32x512xf32>
    %swap3A_494 = vector.shape_cast %slice3A_488 : vector<32x512xf32> to vector<1x32x512xf32>
    tpu.vector_store %arg5[%swap3A_489, %swap3A_490, %swap3A_491], %swap3A_494 {strides = array<i32>} : memref<32x32x512xf32, #tpu.memory_space<vmem>>, vector<1x32x512xf32>,
    %slice3A_495 = vector.extract_strided_slice %get3A_1 {offsets = [15872, 0], sizes = [512, 64], strides = [1, 1]} : vector<16384x128xf32> to vector<512x64xf32>
    %transpose3A_496 = tpu.transpose %slice3A_495, [1, 0] : vector<512x64xf32> -> vector<64x512xf32>
    %slice3A_497 = vector.extract_strided_slice %transpose3A_496 {offsets = [0, 0], sizes = [32, 512], strides = [1, 1]} : vector<64x512xf32> to vector<32x512xf32>
    %swap3A_498 = arith.constant 31 : index
    %swap3A_499 = arith.constant 0 : index
    %swap3A_500 = arith.constant 0 : index
    %swap3A_501 = vector.load %arg4[%swap3A_498, %swap3A_499, %swap3A_500] : memref<32x32x512xf32, #tpu.memory_space<vmem>>, vector<1x32x512xf32>
    %swap3A_502 = vector.shape_cast %swap3A_501 : vector<1x32x512xf32> to vector<32x512xf32>
    %swap3A_503 = vector.shape_cast %slice3A_497 : vector<32x512xf32> to vector<1x32x512xf32>
    tpu.vector_store %arg4[%swap3A_498, %swap3A_499, %swap3A_500], %swap3A_503 {strides = array<i32>} : memref<32x32x512xf32, #tpu.memory_space<vmem>>, vector<1x32x512xf32>,
    %slice3A_504 = vector.extract_strided_slice %transpose3A_496 {offsets = [32, 0], sizes = [32, 512], strides = [1, 1]} : vector<64x512xf32> to vector<32x512xf32>
    %swap3A_505 = arith.constant 31 : index
    %swap3A_506 = arith.constant 0 : index
    %swap3A_507 = arith.constant 0 : index
    %swap3A_508 = vector.load %arg5[%swap3A_505, %swap3A_506, %swap3A_507] : memref<32x32x512xf32, #tpu.memory_space<vmem>>, vector<1x32x512xf32>
    %swap3A_509 = vector.shape_cast %swap3A_508 : vector<1x32x512xf32> to vector<32x512xf32>
    %swap3A_510 = vector.shape_cast %slice3A_504 : vector<32x512xf32> to vector<1x32x512xf32>
    tpu.vector_store %arg5[%swap3A_505, %swap3A_506, %swap3A_507], %swap3A_510 {strides = array<i32>} : memref<32x32x512xf32, #tpu.memory_space<vmem>>, vector<1x32x512xf32>,
    return
  }
  func.func @transform_0(%arg0: i32) -> (i32, i32) {
    %c0_i32 = arith.constant 0 : i32
    %c0_i32_0 = arith.constant 0 : i32
    return %arg0, %c0_i32 : i32, i32
  }
  func.func @transform_1(%arg0: i32) -> (i32, i32, i32) {
    %c0_i32 = arith.constant 0 : i32
    %c0_i32_0 = arith.constant 0 : i32
    %c0_i32_1 = arith.constant 0 : i32
    %c0_i32_2 = arith.constant 0 : i32
    return %c0_i32, %c0_i32_0, %c0_i32_1 : i32, i32, i32
  }
  func.func @transform_2(%arg0: i32) -> (i32, i32, i32) {
    %c0_i32 = arith.constant 0 : i32
    %c0_i32_0 = arith.constant 0 : i32
    %c0_i32_1 = arith.constant 0 : i32
    %c0_i32_2 = arith.constant 0 : i32
    return %c0_i32, %c0_i32_0, %c0_i32_1 : i32, i32, i32
  }
  func.func @transform_3(%arg0: i32) -> (i32, i32, i32) {
    %add3A = arith.constant 20 : i32
    %add3A_0 = arith.addi %add3A, %arg0 : i32
    %c0_i32 = arith.constant 0 : i32
    %c0_i32_1 = arith.constant 0 : i32
    %c0_i32_2 = arith.constant 0 : i32
    return %add3A_0, %c0_i32, %c0_i32_1 : i32, i32, i32
  }
  func.func @transform_4(%arg0: i32) -> (i32, i32, i32) {
    %add3A = arith.constant 20 : i32
    %add3A_0 = arith.addi %add3A, %arg0 : i32
    %c0_i32 = arith.constant 0 : i32
    %c0_i32_1 = arith.constant 0 : i32
    %c0_i32_2 = arith.constant 0 : i32
    return %add3A_0, %c0_i32, %c0_i32_1 : i32, i32, i32
  }
}

module attributes {stable_mosaic.version = 14 : i64} {
  func.func @_extract_slice_body(%arg0: i32, %arg1: memref<16384x128xf32, #tpu.memory_space<vmem>>, %arg2: memref<1x8x128xf32, #tpu.memory_space<vmem>>, %arg3: memref<1x8x128xf32, #tpu.memory_space<vmem>>, %arg4: memref<32x32x512xf32, #tpu.memory_space<vmem>>, %arg5: memref<32x32x512xf32, #tpu.memory_space<vmem>>) attributes {dimension_semantics = [#tpu.dimension_semantics<arbitrary>], iteration_bounds = array<i64: 2>, scalar_prefetch = 0 : i64, scratch_operands = 0 : i64, tpu.core_type = #tpu.core_type<tc>, window_params = [{transform_indices = @transform_0, window_bounds = array<i64: 16384, 128>}, {transform_indices = @transform_1, window_bounds = array<i64: 1, 8, 128>}, {transform_indices = @transform_2, window_bounds = array<i64: 1, 8, 128>}, {transform_indices = @transform_3, window_bounds = array<i64: 32, 32, 512>}, {transform_indices = @transform_4, window_bounds = array<i64: 32, 32, 512>}]} {
    %get3A = arith.constant 0 : index
    %get3A_0 = arith.constant 0 : index
    %get3A_1 = vector.load %arg1[%get3A, %get3A_0] : memref<16384x128xf32, #tpu.memory_space<vmem>>, vector<16384x128xf32>
    %slice3A = vector.extract_strided_slice %get3A_1 {offsets = [0, 0], sizes = [512, 64], strides = [1, 1]} : vector<16384x128xf32> to vector<512x64xf32>
    %transpose3A = tpu.transpose %slice3A, [1, 0] : vector<512x64xf32> -> vector<64x512xf32>
    %slice3A_2 = vector.extract_strided_slice %transpose3A {offsets = [0, 0], sizes = [32, 512], strides = [1, 1]} : vector<64x512xf32> to vector<32x512xf32>
    %swap3A = arith.constant 0 : index
    %swap3A_3 = arith.constant 0 : index
    %swap3A_4 = arith.constant 0 : index
    %swap3A_5 = vector.load %arg4[%swap3A, %swap3A_3, %swap3A_4] : memref<32x32x512xf32, #tpu.memory_space<vmem>>, vector<1x32x512xf32>
    %swap3A_6 = vector.shape_cast %swap3A_5 : vector<1x32x512xf32> to vector<32x512xf32>
    %swap3A_7 = vector.shape_cast %slice3A_2 : vector<32x512xf32> to vector<1x32x512xf32>
    tpu.vector_store %arg4[%swap3A, %swap3A_3, %swap3A_4], %swap3A_7 {strides = array<i32>} : memref<32x32x512xf32, #tpu.memory_space<vmem>>, vector<1x32x512xf32>,
    %slice3A_8 = vector.extract_strided_slice %transpose3A {offsets = [32, 0], sizes = [32, 512], strides = [1, 1]} : vector<64x512xf32> to vector<32x512xf32>
    %swap3A_9 = arith.constant 0 : index
    %swap3A_10 = arith.constant 0 : index
    %swap3A_11 = arith.constant 0 : index
    %swap3A_12 = vector.load %arg5[%swap3A_9, %swap3A_10, %swap3A_11] : memref<32x32x512xf32, #tpu.memory_space<vmem>>, vector<1x32x512xf32>
    %swap3A_13 = vector.shape_cast %swap3A_12 : vector<1x32x512xf32> to vector<32x512xf32>
    %swap3A_14 = vector.shape_cast %slice3A_8 : vector<32x512xf32> to vector<1x32x512xf32>
    tpu.vector_store %arg5[%swap3A_9, %swap3A_10, %swap3A_11], %swap3A_14 {strides = array<i32>} : memref<32x32x512xf32, #tpu.memory_space<vmem>>, vector<1x32x512xf32>,
    %slice3A_15 = vector.extract_strided_slice %get3A_1 {offsets = [512, 0], sizes = [512, 64], strides = [1, 1]} : vector<16384x128xf32> to vector<512x64xf32>
    %transpose3A_16 = tpu.transpose %slice3A_15, [1, 0] : vector<512x64xf32> -> vector<64x512xf32>
    %slice3A_17 = vector.extract_strided_slice %transpose3A_16 {offsets = [0, 0], sizes = [32, 512], strides = [1, 1]} : vector<64x512xf32> to vector<32x512xf32>
    %swap3A_18 = arith.constant 1 : index
    %swap3A_19 = arith.constant 0 : index
    %swap3A_20 = arith.constant 0 : index
    %swap3A_21 = vector.load %arg4[%swap3A_18, %swap3A_19, %swap3A_20] : memref<32x32x512xf32, #tpu.memory_space<vmem>>, vector<1x32x512xf32>
    %swap3A_22 = vector.shape_cast %swap3A_21 : vector<1x32x512xf32> to vector<32x512xf32>
    %swap3A_23 = vector.shape_cast %slice3A_17 : vector<32x512xf32> to vector<1x32x512xf32>
    tpu.vector_store %arg4[%swap3A_18, %swap3A_19, %swap3A_20], %swap3A_23 {strides = array<i32>} : memref<32x32x512xf32, #tpu.memory_space<vmem>>, vector<1x32x512xf32>,
    %slice3A_24 = vector.extract_strided_slice %transpose3A_16 {offsets = [32, 0], sizes = [32, 512], strides = [1, 1]} : vector<64x512xf32> to vector<32x512xf32>
    %swap3A_25 = arith.constant 1 : index
    %swap3A_26 = arith.constant 0 : index
    %swap3A_27 = arith.constant 0 : index
    %swap3A_28 = vector.load %arg5[%swap3A_25, %swap3A_26, %swap3A_27] : memref<32x32x512xf32, #tpu.memory_space<vmem>>, vector<1x32x512xf32>
    %swap3A_29 = vector.shape_cast %swap3A_28 : vector<1x32x512xf32> to vector<32x512xf32>
    %swap3A_30 = vector.shape_cast %slice3A_24 : vector<32x512xf32> to vector<1x32x512xf32>
    tpu.vector_store %arg5[%swap3A_25, %swap3A_26, %swap3A_27], %swap3A_30 {strides = array<i32>} : memref<32x32x512xf32, #tpu.memory_space<vmem>>, vector<1x32x512xf32>,
    %slice3A_31 = vector.extract_strided_slice %get3A_1 {offsets = [1024, 0], sizes = [512, 64], strides = [1, 1]} : vector<16384x128xf32> to vector<512x64xf32>
    %transpose3A_32 = tpu.transpose %slice3A_31, [1, 0] : vector<512x64xf32> -> vector<64x512xf32>
    %slice3A_33 = vector.extract_strided_slice %transpose3A_32 {offsets = [0, 0], sizes = [32, 512], strides = [1, 1]} : vector<64x512xf32> to vector<32x512xf32>
    %swap3A_34 = arith.constant 2 : index
    %swap3A_35 = arith.constant 0 : index
    %swap3A_36 = arith.constant 0 : index
    %swap3A_37 = vector.load %arg4[%swap3A_34, %swap3A_35, %swap3A_36] : memref<32x32x512xf32, #tpu.memory_space<vmem>>, vector<1x32x512xf32>
    %swap3A_38 = vector.shape_cast %swap3A_37 : vector<1x32x512xf32> to vector<32x512xf32>
    %swap3A_39 = vector.shape_cast %slice3A_33 : vector<32x512xf32> to vector<1x32x512xf32>
    tpu.vector_store %arg4[%swap3A_34, %swap3A_35, %swap3A_36], %swap3A_39 {strides = array<i32>} : memref<32x32x512xf32, #tpu.memory_space<vmem>>, vector<1x32x512xf32>,
    %slice3A_40 = vector.extract_strided_slice %transpose3A_32 {offsets = [32, 0], sizes = [32, 512], strides = [1, 1]} : vector<64x512xf32> to vector<32x512xf32>
    %swap3A_41 = arith.constant 2 : index
    %swap3A_42 = arith.constant 0 : index
    %swap3A_43 = arith.constant 0 : index
    %swap3A_44 = vector.load %arg5[%swap3A_41, %swap3A_42, %swap3A_43] : memref<32x32x512xf32, #tpu.memory_space<vmem>>, vector<1x32x512xf32>
    %swap3A_45 = vector.shape_cast %swap3A_44 : vector<1x32x512xf32> to vector<32x512xf32>
    %swap3A_46 = vector.shape_cast %slice3A_40 : vector<32x512xf32> to vector<1x32x512xf32>
    tpu.vector_store %arg5[%swap3A_41, %swap3A_42, %swap3A_43], %swap3A_46 {strides = array<i32>} : memref<32x32x512xf32, #tpu.memory_space<vmem>>, vector<1x32x512xf32>,
    %slice3A_47 = vector.extract_strided_slice %get3A_1 {offsets = [1536, 0], sizes = [512, 64], strides = [1, 1]} : vector<16384x128xf32> to vector<512x64xf32>
    %transpose3A_48 = tpu.transpose %slice3A_47, [1, 0] : vector<512x64xf32> -> vector<64x512xf32>
    %slice3A_49 = vector.extract_strided_slice %transpose3A_48 {offsets = [0, 0], sizes = [32, 512], strides = [1, 1]} : vector<64x512xf32> to vector<32x512xf32>
    %swap3A_50 = arith.constant 3 : index
    %swap3A_51 = arith.constant 0 : index
    %swap3A_52 = arith.constant 0 : index
    %swap3A_53 = vector.load %arg4[%swap3A_50, %swap3A_51, %swap3A_52] : memref<32x32x512xf32, #tpu.memory_space<vmem>>, vector<1x32x512xf32>
    %swap3A_54 = vector.shape_cast %swap3A_53 : vector<1x32x512xf32> to vector<32x512xf32>
    %swap3A_55 = vector.shape_cast %slice3A_49 : vector<32x512xf32> to vector<1x32x512xf32>
    tpu.vector_store %arg4[%swap3A_50, %swap3A_51, %swap3A_52], %swap3A_55 {strides = array<i32>} : memref<32x32x512xf32, #tpu.memory_space<vmem>>, vector<1x32x512xf32>,
    %slice3A_56 = vector.extract_strided_slice %transpose3A_48 {offsets = [32, 0], sizes = [32, 512], strides = [1, 1]} : vector<64x512xf32> to vector<32x512xf32>
    %swap3A_57 = arith.constant 3 : index
    %swap3A_58 = arith.constant 0 : index
    %swap3A_59 = arith.constant 0 : index
    %swap3A_60 = vector.load %arg5[%swap3A_57, %swap3A_58, %swap3A_59] : memref<32x32x512xf32, #tpu.memory_space<vmem>>, vector<1x32x512xf32>
    %swap3A_61 = vector.shape_cast %swap3A_60 : vector<1x32x512xf32> to vector<32x512xf32>
    %swap3A_62 = vector.shape_cast %slice3A_56 : vector<32x512xf32> to vector<1x32x512xf32>
    tpu.vector_store %arg5[%swap3A_57, %swap3A_58, %swap3A_59], %swap3A_62 {strides = array<i32>} : memref<32x32x512xf32, #tpu.memory_space<vmem>>, vector<1x32x512xf32>,
    %slice3A_63 = vector.extract_strided_slice %get3A_1 {offsets = [2048, 0], sizes = [512, 64], strides = [1, 1]} : vector<16384x128xf32> to vector<512x64xf32>
    %transpose3A_64 = tpu.transpose %slice3A_63, [1, 0] : vector<512x64xf32> -> vector<64x512xf32>
    %slice3A_65 = vector.extract_strided_slice %transpose3A_64 {offsets = [0, 0], sizes = [32, 512], strides = [1, 1]} : vector<64x512xf32> to vector<32x512xf32>
    %swap3A_66 = arith.constant 4 : index
    %swap3A_67 = arith.constant 0 : index
    %swap3A_68 = arith.constant 0 : index
    %swap3A_69 = vector.load %arg4[%swap3A_66, %swap3A_67, %swap3A_68] : memref<32x32x512xf32, #tpu.memory_space<vmem>>, vector<1x32x512xf32>
    %swap3A_70 = vector.shape_cast %swap3A_69 : vector<1x32x512xf32> to vector<32x512xf32>
    %swap3A_71 = vector.shape_cast %slice3A_65 : vector<32x512xf32> to vector<1x32x512xf32>
    tpu.vector_store %arg4[%swap3A_66, %swap3A_67, %swap3A_68], %swap3A_71 {strides = array<i32>} : memref<32x32x512xf32, #tpu.memory_space<vmem>>, vector<1x32x512xf32>,
    %slice3A_72 = vector.extract_strided_slice %transpose3A_64 {offsets = [32, 0], sizes = [32, 512], strides = [1, 1]} : vector<64x512xf32> to vector<32x512xf32>
    %swap3A_73 = arith.constant 4 : index
    %swap3A_74 = arith.constant 0 : index
    %swap3A_75 = arith.constant 0 : index
    %swap3A_76 = vector.load %arg5[%swap3A_73, %swap3A_74, %swap3A_75] : memref<32x32x512xf32, #tpu.memory_space<vmem>>, vector<1x32x512xf32>
    %swap3A_77 = vector.shape_cast %swap3A_76 : vector<1x32x512xf32> to vector<32x512xf32>
    %swap3A_78 = vector.shape_cast %slice3A_72 : vector<32x512xf32> to vector<1x32x512xf32>
    tpu.vector_store %arg5[%swap3A_73, %swap3A_74, %swap3A_75], %swap3A_78 {strides = array<i32>} : memref<32x32x512xf32, #tpu.memory_space<vmem>>, vector<1x32x512xf32>,
    %slice3A_79 = vector.extract_strided_slice %get3A_1 {offsets = [2560, 0], sizes = [512, 64], strides = [1, 1]} : vector<16384x128xf32> to vector<512x64xf32>
    %transpose3A_80 = tpu.transpose %slice3A_79, [1, 0] : vector<512x64xf32> -> vector<64x512xf32>
    %slice3A_81 = vector.extract_strided_slice %transpose3A_80 {offsets = [0, 0], sizes = [32, 512], strides = [1, 1]} : vector<64x512xf32> to vector<32x512xf32>
    %swap3A_82 = arith.constant 5 : index
    %swap3A_83 = arith.constant 0 : index
    %swap3A_84 = arith.constant 0 : index
    %swap3A_85 = vector.load %arg4[%swap3A_82, %swap3A_83, %swap3A_84] : memref<32x32x512xf32, #tpu.memory_space<vmem>>, vector<1x32x512xf32>
    %swap3A_86 = vector.shape_cast %swap3A_85 : vector<1x32x512xf32> to vector<32x512xf32>
    %swap3A_87 = vector.shape_cast %slice3A_81 : vector<32x512xf32> to vector<1x32x512xf32>
    tpu.vector_store %arg4[%swap3A_82, %swap3A_83, %swap3A_84], %swap3A_87 {strides = array<i32>} : memref<32x32x512xf32, #tpu.memory_space<vmem>>, vector<1x32x512xf32>,
    %slice3A_88 = vector.extract_strided_slice %transpose3A_80 {offsets = [32, 0], sizes = [32, 512], strides = [1, 1]} : vector<64x512xf32> to vector<32x512xf32>
    %swap3A_89 = arith.constant 5 : index
    %swap3A_90 = arith.constant 0 : index
    %swap3A_91 = arith.constant 0 : index
    %swap3A_92 = vector.load %arg5[%swap3A_89, %swap3A_90, %swap3A_91] : memref<32x32x512xf32, #tpu.memory_space<vmem>>, vector<1x32x512xf32>
    %swap3A_93 = vector.shape_cast %swap3A_92 : vector<1x32x512xf32> to vector<32x512xf32>
    %swap3A_94 = vector.shape_cast %slice3A_88 : vector<32x512xf32> to vector<1x32x512xf32>
    tpu.vector_store %arg5[%swap3A_89, %swap3A_90, %swap3A_91], %swap3A_94 {strides = array<i32>} : memref<32x32x512xf32, #tpu.memory_space<vmem>>, vector<1x32x512xf32>,
    %slice3A_95 = vector.extract_strided_slice %get3A_1 {offsets = [3072, 0], sizes = [512, 64], strides = [1, 1]} : vector<16384x128xf32> to vector<512x64xf32>
    %transpose3A_96 = tpu.transpose %slice3A_95, [1, 0] : vector<512x64xf32> -> vector<64x512xf32>
    %slice3A_97 = vector.extract_strided_slice %transpose3A_96 {offsets = [0, 0], sizes = [32, 512], strides = [1, 1]} : vector<64x512xf32> to vector<32x512xf32>
    %swap3A_98 = arith.constant 6 : index
    %swap3A_99 = arith.constant 0 : index
    %swap3A_100 = arith.constant 0 : index
    %swap3A_101 = vector.load %arg4[%swap3A_98, %swap3A_99, %swap3A_100] : memref<32x32x512xf32, #tpu.memory_space<vmem>>, vector<1x32x512xf32>
    %swap3A_102 = vector.shape_cast %swap3A_101 : vector<1x32x512xf32> to vector<32x512xf32>
    %swap3A_103 = vector.shape_cast %slice3A_97 : vector<32x512xf32> to vector<1x32x512xf32>
    tpu.vector_store %arg4[%swap3A_98, %swap3A_99, %swap3A_100], %swap3A_103 {strides = array<i32>} : memref<32x32x512xf32, #tpu.memory_space<vmem>>, vector<1x32x512xf32>,
    %slice3A_104 = vector.extract_strided_slice %transpose3A_96 {offsets = [32, 0], sizes = [32, 512], strides = [1, 1]} : vector<64x512xf32> to vector<32x512xf32>
    %swap3A_105 = arith.constant 6 : index
    %swap3A_106 = arith.constant 0 : index
    %swap3A_107 = arith.constant 0 : index
    %swap3A_108 = vector.load %arg5[%swap3A_105, %swap3A_106, %swap3A_107] : memref<32x32x512xf32, #tpu.memory_space<vmem>>, vector<1x32x512xf32>
    %swap3A_109 = vector.shape_cast %swap3A_108 : vector<1x32x512xf32> to vector<32x512xf32>
    %swap3A_110 = vector.shape_cast %slice3A_104 : vector<32x512xf32> to vector<1x32x512xf32>
    tpu.vector_store %arg5[%swap3A_105, %swap3A_106, %swap3A_107], %swap3A_110 {strides = array<i32>} : memref<32x32x512xf32, #tpu.memory_space<vmem>>, vector<1x32x512xf32>,
    %slice3A_111 = vector.extract_strided_slice %get3A_1 {offsets = [3584, 0], sizes = [512, 64], strides = [1, 1]} : vector<16384x128xf32> to vector<512x64xf32>
    %transpose3A_112 = tpu.transpose %slice3A_111, [1, 0] : vector<512x64xf32> -> vector<64x512xf32>
    %slice3A_113 = vector.extract_strided_slice %transpose3A_112 {offsets = [0, 0], sizes = [32, 512], strides = [1, 1]} : vector<64x512xf32> to vector<32x512xf32>
    %swap3A_114 = arith.constant 7 : index
    %swap3A_115 = arith.constant 0 : index
    %swap3A_116 = arith.constant 0 : index
    %swap3A_117 = vector.load %arg4[%swap3A_114, %swap3A_115, %swap3A_116] : memref<32x32x512xf32, #tpu.memory_space<vmem>>, vector<1x32x512xf32>
    %swap3A_118 = vector.shape_cast %swap3A_117 : vector<1x32x512xf32> to vector<32x512xf32>
    %swap3A_119 = vector.shape_cast %slice3A_113 : vector<32x512xf32> to vector<1x32x512xf32>
    tpu.vector_store %arg4[%swap3A_114, %swap3A_115, %swap3A_116], %swap3A_119 {strides = array<i32>} : memref<32x32x512xf32, #tpu.memory_space<vmem>>, vector<1x32x512xf32>,
    %slice3A_120 = vector.extract_strided_slice %transpose3A_112 {offsets = [32, 0], sizes = [32, 512], strides = [1, 1]} : vector<64x512xf32> to vector<32x512xf32>
    %swap3A_121 = arith.constant 7 : index
    %swap3A_122 = arith.constant 0 : index
    %swap3A_123 = arith.constant 0 : index
    %swap3A_124 = vector.load %arg5[%swap3A_121, %swap3A_122, %swap3A_123] : memref<32x32x512xf32, #tpu.memory_space<vmem>>, vector<1x32x512xf32>
    %swap3A_125 = vector.shape_cast %swap3A_124 : vector<1x32x512xf32> to vector<32x512xf32>
    %swap3A_126 = vector.shape_cast %slice3A_120 : vector<32x512xf32> to vector<1x32x512xf32>
    tpu.vector_store %arg5[%swap3A_121, %swap3A_122, %swap3A_123], %swap3A_126 {strides = array<i32>} : memref<32x32x512xf32, #tpu.memory_space<vmem>>, vector<1x32x512xf32>,
    %slice3A_127 = vector.extract_strided_slice %get3A_1 {offsets = [4096, 0], sizes = [512, 64], strides = [1, 1]} : vector<16384x128xf32> to vector<512x64xf32>
    %transpose3A_128 = tpu.transpose %slice3A_127, [1, 0] : vector<512x64xf32> -> vector<64x512xf32>
    %slice3A_129 = vector.extract_strided_slice %transpose3A_128 {offsets = [0, 0], sizes = [32, 512], strides = [1, 1]} : vector<64x512xf32> to vector<32x512xf32>
    %swap3A_130 = arith.constant 8 : index
    %swap3A_131 = arith.constant 0 : index
    %swap3A_132 = arith.constant 0 : index
    %swap3A_133 = vector.load %arg4[%swap3A_130, %swap3A_131, %swap3A_132] : memref<32x32x512xf32, #tpu.memory_space<vmem>>, vector<1x32x512xf32>
    %swap3A_134 = vector.shape_cast %swap3A_133 : vector<1x32x512xf32> to vector<32x512xf32>
    %swap3A_135 = vector.shape_cast %slice3A_129 : vector<32x512xf32> to vector<1x32x512xf32>
    tpu.vector_store %arg4[%swap3A_130, %swap3A_131, %swap3A_132], %swap3A_135 {strides = array<i32>} : memref<32x32x512xf32, #tpu.memory_space<vmem>>, vector<1x32x512xf32>,
    %slice3A_136 = vector.extract_strided_slice %transpose3A_128 {offsets = [32, 0], sizes = [32, 512], strides = [1, 1]} : vector<64x512xf32> to vector<32x512xf32>
    %swap3A_137 = arith.constant 8 : index
    %swap3A_138 = arith.constant 0 : index
    %swap3A_139 = arith.constant 0 : index
    %swap3A_140 = vector.load %arg5[%swap3A_137, %swap3A_138, %swap3A_139] : memref<32x32x512xf32, #tpu.memory_space<vmem>>, vector<1x32x512xf32>
    %swap3A_141 = vector.shape_cast %swap3A_140 : vector<1x32x512xf32> to vector<32x512xf32>
    %swap3A_142 = vector.shape_cast %slice3A_136 : vector<32x512xf32> to vector<1x32x512xf32>
    tpu.vector_store %arg5[%swap3A_137, %swap3A_138, %swap3A_139], %swap3A_142 {strides = array<i32>} : memref<32x32x512xf32, #tpu.memory_space<vmem>>, vector<1x32x512xf32>,
    %slice3A_143 = vector.extract_strided_slice %get3A_1 {offsets = [4608, 0], sizes = [512, 64], strides = [1, 1]} : vector<16384x128xf32> to vector<512x64xf32>
    %transpose3A_144 = tpu.transpose %slice3A_143, [1, 0] : vector<512x64xf32> -> vector<64x512xf32>
    %slice3A_145 = vector.extract_strided_slice %transpose3A_144 {offsets = [0, 0], sizes = [32, 512], strides = [1, 1]} : vector<64x512xf32> to vector<32x512xf32>
    %swap3A_146 = arith.constant 9 : index
    %swap3A_147 = arith.constant 0 : index
    %swap3A_148 = arith.constant 0 : index
    %swap3A_149 = vector.load %arg4[%swap3A_146, %swap3A_147, %swap3A_148] : memref<32x32x512xf32, #tpu.memory_space<vmem>>, vector<1x32x512xf32>
    %swap3A_150 = vector.shape_cast %swap3A_149 : vector<1x32x512xf32> to vector<32x512xf32>
    %swap3A_151 = vector.shape_cast %slice3A_145 : vector<32x512xf32> to vector<1x32x512xf32>
    tpu.vector_store %arg4[%swap3A_146, %swap3A_147, %swap3A_148], %swap3A_151 {strides = array<i32>} : memref<32x32x512xf32, #tpu.memory_space<vmem>>, vector<1x32x512xf32>,
    %slice3A_152 = vector.extract_strided_slice %transpose3A_144 {offsets = [32, 0], sizes = [32, 512], strides = [1, 1]} : vector<64x512xf32> to vector<32x512xf32>
    %swap3A_153 = arith.constant 9 : index
    %swap3A_154 = arith.constant 0 : index
    %swap3A_155 = arith.constant 0 : index
    %swap3A_156 = vector.load %arg5[%swap3A_153, %swap3A_154, %swap3A_155] : memref<32x32x512xf32, #tpu.memory_space<vmem>>, vector<1x32x512xf32>
    %swap3A_157 = vector.shape_cast %swap3A_156 : vector<1x32x512xf32> to vector<32x512xf32>
    %swap3A_158 = vector.shape_cast %slice3A_152 : vector<32x512xf32> to vector<1x32x512xf32>
    tpu.vector_store %arg5[%swap3A_153, %swap3A_154, %swap3A_155], %swap3A_158 {strides = array<i32>} : memref<32x32x512xf32, #tpu.memory_space<vmem>>, vector<1x32x512xf32>,
    %slice3A_159 = vector.extract_strided_slice %get3A_1 {offsets = [5120, 0], sizes = [512, 64], strides = [1, 1]} : vector<16384x128xf32> to vector<512x64xf32>
    %transpose3A_160 = tpu.transpose %slice3A_159, [1, 0] : vector<512x64xf32> -> vector<64x512xf32>
    %slice3A_161 = vector.extract_strided_slice %transpose3A_160 {offsets = [0, 0], sizes = [32, 512], strides = [1, 1]} : vector<64x512xf32> to vector<32x512xf32>
    %swap3A_162 = arith.constant 10 : index
    %swap3A_163 = arith.constant 0 : index
    %swap3A_164 = arith.constant 0 : index
    %swap3A_165 = vector.load %arg4[%swap3A_162, %swap3A_163, %swap3A_164] : memref<32x32x512xf32, #tpu.memory_space<vmem>>, vector<1x32x512xf32>
    %swap3A_166 = vector.shape_cast %swap3A_165 : vector<1x32x512xf32> to vector<32x512xf32>
    %swap3A_167 = vector.shape_cast %slice3A_161 : vector<32x512xf32> to vector<1x32x512xf32>
    tpu.vector_store %arg4[%swap3A_162, %swap3A_163, %swap3A_164], %swap3A_167 {strides = array<i32>} : memref<32x32x512xf32, #tpu.memory_space<vmem>>, vector<1x32x512xf32>,
    %slice3A_168 = vector.extract_strided_slice %transpose3A_160 {offsets = [32, 0], sizes = [32, 512], strides = [1, 1]} : vector<64x512xf32> to vector<32x512xf32>
    %swap3A_169 = arith.constant 10 : index
    %swap3A_170 = arith.constant 0 : index
    %swap3A_171 = arith.constant 0 : index
    %swap3A_172 = vector.load %arg5[%swap3A_169, %swap3A_170, %swap3A_171] : memref<32x32x512xf32, #tpu.memory_space<vmem>>, vector<1x32x512xf32>
    %swap3A_173 = vector.shape_cast %swap3A_172 : vector<1x32x512xf32> to vector<32x512xf32>
    %swap3A_174 = vector.shape_cast %slice3A_168 : vector<32x512xf32> to vector<1x32x512xf32>
    tpu.vector_store %arg5[%swap3A_169, %swap3A_170, %swap3A_171], %swap3A_174 {strides = array<i32>} : memref<32x32x512xf32, #tpu.memory_space<vmem>>, vector<1x32x512xf32>,
    %slice3A_175 = vector.extract_strided_slice %get3A_1 {offsets = [5632, 0], sizes = [512, 64], strides = [1, 1]} : vector<16384x128xf32> to vector<512x64xf32>
    %transpose3A_176 = tpu.transpose %slice3A_175, [1, 0] : vector<512x64xf32> -> vector<64x512xf32>
    %slice3A_177 = vector.extract_strided_slice %transpose3A_176 {offsets = [0, 0], sizes = [32, 512], strides = [1, 1]} : vector<64x512xf32> to vector<32x512xf32>
    %swap3A_178 = arith.constant 11 : index
    %swap3A_179 = arith.constant 0 : index
    %swap3A_180 = arith.constant 0 : index
    %swap3A_181 = vector.load %arg4[%swap3A_178, %swap3A_179, %swap3A_180] : memref<32x32x512xf32, #tpu.memory_space<vmem>>, vector<1x32x512xf32>
    %swap3A_182 = vector.shape_cast %swap3A_181 : vector<1x32x512xf32> to vector<32x512xf32>
    %swap3A_183 = vector.shape_cast %slice3A_177 : vector<32x512xf32> to vector<1x32x512xf32>
    tpu.vector_store %arg4[%swap3A_178, %swap3A_179, %swap3A_180], %swap3A_183 {strides = array<i32>} : memref<32x32x512xf32, #tpu.memory_space<vmem>>, vector<1x32x512xf32>,
    %slice3A_184 = vector.extract_strided_slice %transpose3A_176 {offsets = [32, 0], sizes = [32, 512], strides = [1, 1]} : vector<64x512xf32> to vector<32x512xf32>
    %swap3A_185 = arith.constant 11 : index
    %swap3A_186 = arith.constant 0 : index
    %swap3A_187 = arith.constant 0 : index
    %swap3A_188 = vector.load %arg5[%swap3A_185, %swap3A_186, %swap3A_187] : memref<32x32x512xf32, #tpu.memory_space<vmem>>, vector<1x32x512xf32>
    %swap3A_189 = vector.shape_cast %swap3A_188 : vector<1x32x512xf32> to vector<32x512xf32>
    %swap3A_190 = vector.shape_cast %slice3A_184 : vector<32x512xf32> to vector<1x32x512xf32>
    tpu.vector_store %arg5[%swap3A_185, %swap3A_186, %swap3A_187], %swap3A_190 {strides = array<i32>} : memref<32x32x512xf32, #tpu.memory_space<vmem>>, vector<1x32x512xf32>,
    %slice3A_191 = vector.extract_strided_slice %get3A_1 {offsets = [6144, 0], sizes = [512, 64], strides = [1, 1]} : vector<16384x128xf32> to vector<512x64xf32>
    %transpose3A_192 = tpu.transpose %slice3A_191, [1, 0] : vector<512x64xf32> -> vector<64x512xf32>
    %slice3A_193 = vector.extract_strided_slice %transpose3A_192 {offsets = [0, 0], sizes = [32, 512], strides = [1, 1]} : vector<64x512xf32> to vector<32x512xf32>
    %swap3A_194 = arith.constant 12 : index
    %swap3A_195 = arith.constant 0 : index
    %swap3A_196 = arith.constant 0 : index
    %swap3A_197 = vector.load %arg4[%swap3A_194, %swap3A_195, %swap3A_196] : memref<32x32x512xf32, #tpu.memory_space<vmem>>, vector<1x32x512xf32>
    %swap3A_198 = vector.shape_cast %swap3A_197 : vector<1x32x512xf32> to vector<32x512xf32>
    %swap3A_199 = vector.shape_cast %slice3A_193 : vector<32x512xf32> to vector<1x32x512xf32>
    tpu.vector_store %arg4[%swap3A_194, %swap3A_195, %swap3A_196], %swap3A_199 {strides = array<i32>} : memref<32x32x512xf32, #tpu.memory_space<vmem>>, vector<1x32x512xf32>,
    %slice3A_200 = vector.extract_strided_slice %transpose3A_192 {offsets = [32, 0], sizes = [32, 512], strides = [1, 1]} : vector<64x512xf32> to vector<32x512xf32>
    %swap3A_201 = arith.constant 12 : index
    %swap3A_202 = arith.constant 0 : index
    %swap3A_203 = arith.constant 0 : index
    %swap3A_204 = vector.load %arg5[%swap3A_201, %swap3A_202, %swap3A_203] : memref<32x32x512xf32, #tpu.memory_space<vmem>>, vector<1x32x512xf32>
    %swap3A_205 = vector.shape_cast %swap3A_204 : vector<1x32x512xf32> to vector<32x512xf32>
    %swap3A_206 = vector.shape_cast %slice3A_200 : vector<32x512xf32> to vector<1x32x512xf32>
    tpu.vector_store %arg5[%swap3A_201, %swap3A_202, %swap3A_203], %swap3A_206 {strides = array<i32>} : memref<32x32x512xf32, #tpu.memory_space<vmem>>, vector<1x32x512xf32>,
    %slice3A_207 = vector.extract_strided_slice %get3A_1 {offsets = [6656, 0], sizes = [512, 64], strides = [1, 1]} : vector<16384x128xf32> to vector<512x64xf32>
    %transpose3A_208 = tpu.transpose %slice3A_207, [1, 0] : vector<512x64xf32> -> vector<64x512xf32>
    %slice3A_209 = vector.extract_strided_slice %transpose3A_208 {offsets = [0, 0], sizes = [32, 512], strides = [1, 1]} : vector<64x512xf32> to vector<32x512xf32>
    %swap3A_210 = arith.constant 13 : index
    %swap3A_211 = arith.constant 0 : index
    %swap3A_212 = arith.constant 0 : index
    %swap3A_213 = vector.load %arg4[%swap3A_210, %swap3A_211, %swap3A_212] : memref<32x32x512xf32, #tpu.memory_space<vmem>>, vector<1x32x512xf32>
    %swap3A_214 = vector.shape_cast %swap3A_213 : vector<1x32x512xf32> to vector<32x512xf32>
    %swap3A_215 = vector.shape_cast %slice3A_209 : vector<32x512xf32> to vector<1x32x512xf32>
    tpu.vector_store %arg4[%swap3A_210, %swap3A_211, %swap3A_212], %swap3A_215 {strides = array<i32>} : memref<32x32x512xf32, #tpu.memory_space<vmem>>, vector<1x32x512xf32>,
    %slice3A_216 = vector.extract_strided_slice %transpose3A_208 {offsets = [32, 0], sizes = [32, 512], strides = [1, 1]} : vector<64x512xf32> to vector<32x512xf32>
    %swap3A_217 = arith.constant 13 : index
    %swap3A_218 = arith.constant 0 : index
    %swap3A_219 = arith.constant 0 : index
    %swap3A_220 = vector.load %arg5[%swap3A_217, %swap3A_218, %swap3A_219] : memref<32x32x512xf32, #tpu.memory_space<vmem>>, vector<1x32x512xf32>
    %swap3A_221 = vector.shape_cast %swap3A_220 : vector<1x32x512xf32> to vector<32x512xf32>
    %swap3A_222 = vector.shape_cast %slice3A_216 : vector<32x512xf32> to vector<1x32x512xf32>
    tpu.vector_store %arg5[%swap3A_217, %swap3A_218, %swap3A_219], %swap3A_222 {strides = array<i32>} : memref<32x32x512xf32, #tpu.memory_space<vmem>>, vector<1x32x512xf32>,
    %slice3A_223 = vector.extract_strided_slice %get3A_1 {offsets = [7168, 0], sizes = [512, 64], strides = [1, 1]} : vector<16384x128xf32> to vector<512x64xf32>
    %transpose3A_224 = tpu.transpose %slice3A_223, [1, 0] : vector<512x64xf32> -> vector<64x512xf32>
    %slice3A_225 = vector.extract_strided_slice %transpose3A_224 {offsets = [0, 0], sizes = [32, 512], strides = [1, 1]} : vector<64x512xf32> to vector<32x512xf32>
    %swap3A_226 = arith.constant 14 : index
    %swap3A_227 = arith.constant 0 : index
    %swap3A_228 = arith.constant 0 : index
    %swap3A_229 = vector.load %arg4[%swap3A_226, %swap3A_227, %swap3A_228] : memref<32x32x512xf32, #tpu.memory_space<vmem>>, vector<1x32x512xf32>
    %swap3A_230 = vector.shape_cast %swap3A_229 : vector<1x32x512xf32> to vector<32x512xf32>
    %swap3A_231 = vector.shape_cast %slice3A_225 : vector<32x512xf32> to vector<1x32x512xf32>
    tpu.vector_store %arg4[%swap3A_226, %swap3A_227, %swap3A_228], %swap3A_231 {strides = array<i32>} : memref<32x32x512xf32, #tpu.memory_space<vmem>>, vector<1x32x512xf32>,
    %slice3A_232 = vector.extract_strided_slice %transpose3A_224 {offsets = [32, 0], sizes = [32, 512], strides = [1, 1]} : vector<64x512xf32> to vector<32x512xf32>
    %swap3A_233 = arith.constant 14 : index
    %swap3A_234 = arith.constant 0 : index
    %swap3A_235 = arith.constant 0 : index
    %swap3A_236 = vector.load %arg5[%swap3A_233, %swap3A_234, %swap3A_235] : memref<32x32x512xf32, #tpu.memory_space<vmem>>, vector<1x32x512xf32>
    %swap3A_237 = vector.shape_cast %swap3A_236 : vector<1x32x512xf32> to vector<32x512xf32>
    %swap3A_238 = vector.shape_cast %slice3A_232 : vector<32x512xf32> to vector<1x32x512xf32>
    tpu.vector_store %arg5[%swap3A_233, %swap3A_234, %swap3A_235], %swap3A_238 {strides = array<i32>} : memref<32x32x512xf32, #tpu.memory_space<vmem>>, vector<1x32x512xf32>,
    %slice3A_239 = vector.extract_strided_slice %get3A_1 {offsets = [7680, 0], sizes = [512, 64], strides = [1, 1]} : vector<16384x128xf32> to vector<512x64xf32>
    %transpose3A_240 = tpu.transpose %slice3A_239, [1, 0] : vector<512x64xf32> -> vector<64x512xf32>
    %slice3A_241 = vector.extract_strided_slice %transpose3A_240 {offsets = [0, 0], sizes = [32, 512], strides = [1, 1]} : vector<64x512xf32> to vector<32x512xf32>
    %swap3A_242 = arith.constant 15 : index
    %swap3A_243 = arith.constant 0 : index
    %swap3A_244 = arith.constant 0 : index
    %swap3A_245 = vector.load %arg4[%swap3A_242, %swap3A_243, %swap3A_244] : memref<32x32x512xf32, #tpu.memory_space<vmem>>, vector<1x32x512xf32>
    %swap3A_246 = vector.shape_cast %swap3A_245 : vector<1x32x512xf32> to vector<32x512xf32>
    %swap3A_247 = vector.shape_cast %slice3A_241 : vector<32x512xf32> to vector<1x32x512xf32>
    tpu.vector_store %arg4[%swap3A_242, %swap3A_243, %swap3A_244], %swap3A_247 {strides = array<i32>} : memref<32x32x512xf32, #tpu.memory_space<vmem>>, vector<1x32x512xf32>,
    %slice3A_248 = vector.extract_strided_slice %transpose3A_240 {offsets = [32, 0], sizes = [32, 512], strides = [1, 1]} : vector<64x512xf32> to vector<32x512xf32>
    %swap3A_249 = arith.constant 15 : index
    %swap3A_250 = arith.constant 0 : index
    %swap3A_251 = arith.constant 0 : index
    %swap3A_252 = vector.load %arg5[%swap3A_249, %swap3A_250, %swap3A_251] : memref<32x32x512xf32, #tpu.memory_space<vmem>>, vector<1x32x512xf32>
    %swap3A_253 = vector.shape_cast %swap3A_252 : vector<1x32x512xf32> to vector<32x512xf32>
    %swap3A_254 = vector.shape_cast %slice3A_248 : vector<32x512xf32> to vector<1x32x512xf32>
    tpu.vector_store %arg5[%swap3A_249, %swap3A_250, %swap3A_251], %swap3A_254 {strides = array<i32>} : memref<32x32x512xf32, #tpu.memory_space<vmem>>, vector<1x32x512xf32>,
    %slice3A_255 = vector.extract_strided_slice %get3A_1 {offsets = [8192, 0], sizes = [512, 64], strides = [1, 1]} : vector<16384x128xf32> to vector<512x64xf32>
    %transpose3A_256 = tpu.transpose %slice3A_255, [1, 0] : vector<512x64xf32> -> vector<64x512xf32>
    %slice3A_257 = vector.extract_strided_slice %transpose3A_256 {offsets = [0, 0], sizes = [32, 512], strides = [1, 1]} : vector<64x512xf32> to vector<32x512xf32>
    %swap3A_258 = arith.constant 16 : index
    %swap3A_259 = arith.constant 0 : index
    %swap3A_260 = arith.constant 0 : index
    %swap3A_261 = vector.load %arg4[%swap3A_258, %swap3A_259, %swap3A_260] : memref<32x32x512xf32, #tpu.memory_space<vmem>>, vector<1x32x512xf32>
    %swap3A_262 = vector.shape_cast %swap3A_261 : vector<1x32x512xf32> to vector<32x512xf32>
    %swap3A_263 = vector.shape_cast %slice3A_257 : vector<32x512xf32> to vector<1x32x512xf32>
    tpu.vector_store %arg4[%swap3A_258, %swap3A_259, %swap3A_260], %swap3A_263 {strides = array<i32>} : memref<32x32x512xf32, #tpu.memory_space<vmem>>, vector<1x32x512xf32>,
    %slice3A_264 = vector.extract_strided_slice %transpose3A_256 {offsets = [32, 0], sizes = [32, 512], strides = [1, 1]} : vector<64x512xf32> to vector<32x512xf32>
    %swap3A_265 = arith.constant 16 : index
    %swap3A_266 = arith.constant 0 : index
    %swap3A_267 = arith.constant 0 : index
    %swap3A_268 = vector.load %arg5[%swap3A_265, %swap3A_266, %swap3A_267] : memref<32x32x512xf32, #tpu.memory_space<vmem>>, vector<1x32x512xf32>
    %swap3A_269 = vector.shape_cast %swap3A_268 : vector<1x32x512xf32> to vector<32x512xf32>
    %swap3A_270 = vector.shape_cast %slice3A_264 : vector<32x512xf32> to vector<1x32x512xf32>
    tpu.vector_store %arg5[%swap3A_265, %swap3A_266, %swap3A_267], %swap3A_270 {strides = array<i32>} : memref<32x32x512xf32, #tpu.memory_space<vmem>>, vector<1x32x512xf32>,
    %slice3A_271 = vector.extract_strided_slice %get3A_1 {offsets = [8704, 0], sizes = [512, 64], strides = [1, 1]} : vector<16384x128xf32> to vector<512x64xf32>
    %transpose3A_272 = tpu.transpose %slice3A_271, [1, 0] : vector<512x64xf32> -> vector<64x512xf32>
    %slice3A_273 = vector.extract_strided_slice %transpose3A_272 {offsets = [0, 0], sizes = [32, 512], strides = [1, 1]} : vector<64x512xf32> to vector<32x512xf32>
    %swap3A_274 = arith.constant 17 : index
    %swap3A_275 = arith.constant 0 : index
    %swap3A_276 = arith.constant 0 : index
    %swap3A_277 = vector.load %arg4[%swap3A_274, %swap3A_275, %swap3A_276] : memref<32x32x512xf32, #tpu.memory_space<vmem>>, vector<1x32x512xf32>
    %swap3A_278 = vector.shape_cast %swap3A_277 : vector<1x32x512xf32> to vector<32x512xf32>
    %swap3A_279 = vector.shape_cast %slice3A_273 : vector<32x512xf32> to vector<1x32x512xf32>
    tpu.vector_store %arg4[%swap3A_274, %swap3A_275, %swap3A_276], %swap3A_279 {strides = array<i32>} : memref<32x32x512xf32, #tpu.memory_space<vmem>>, vector<1x32x512xf32>,
    %slice3A_280 = vector.extract_strided_slice %transpose3A_272 {offsets = [32, 0], sizes = [32, 512], strides = [1, 1]} : vector<64x512xf32> to vector<32x512xf32>
    %swap3A_281 = arith.constant 17 : index
    %swap3A_282 = arith.constant 0 : index
    %swap3A_283 = arith.constant 0 : index
    %swap3A_284 = vector.load %arg5[%swap3A_281, %swap3A_282, %swap3A_283] : memref<32x32x512xf32, #tpu.memory_space<vmem>>, vector<1x32x512xf32>
    %swap3A_285 = vector.shape_cast %swap3A_284 : vector<1x32x512xf32> to vector<32x512xf32>
    %swap3A_286 = vector.shape_cast %slice3A_280 : vector<32x512xf32> to vector<1x32x512xf32>
    tpu.vector_store %arg5[%swap3A_281, %swap3A_282, %swap3A_283], %swap3A_286 {strides = array<i32>} : memref<32x32x512xf32, #tpu.memory_space<vmem>>, vector<1x32x512xf32>,
    %slice3A_287 = vector.extract_strided_slice %get3A_1 {offsets = [9216, 0], sizes = [512, 64], strides = [1, 1]} : vector<16384x128xf32> to vector<512x64xf32>
    %transpose3A_288 = tpu.transpose %slice3A_287, [1, 0] : vector<512x64xf32> -> vector<64x512xf32>
    %slice3A_289 = vector.extract_strided_slice %transpose3A_288 {offsets = [0, 0], sizes = [32, 512], strides = [1, 1]} : vector<64x512xf32> to vector<32x512xf32>
    %swap3A_290 = arith.constant 18 : index
    %swap3A_291 = arith.constant 0 : index
    %swap3A_292 = arith.constant 0 : index
    %swap3A_293 = vector.load %arg4[%swap3A_290, %swap3A_291, %swap3A_292] : memref<32x32x512xf32, #tpu.memory_space<vmem>>, vector<1x32x512xf32>
    %swap3A_294 = vector.shape_cast %swap3A_293 : vector<1x32x512xf32> to vector<32x512xf32>
    %swap3A_295 = vector.shape_cast %slice3A_289 : vector<32x512xf32> to vector<1x32x512xf32>
    tpu.vector_store %arg4[%swap3A_290, %swap3A_291, %swap3A_292], %swap3A_295 {strides = array<i32>} : memref<32x32x512xf32, #tpu.memory_space<vmem>>, vector<1x32x512xf32>,
    %slice3A_296 = vector.extract_strided_slice %transpose3A_288 {offsets = [32, 0], sizes = [32, 512], strides = [1, 1]} : vector<64x512xf32> to vector<32x512xf32>
    %swap3A_297 = arith.constant 18 : index
    %swap3A_298 = arith.constant 0 : index
    %swap3A_299 = arith.constant 0 : index
    %swap3A_300 = vector.load %arg5[%swap3A_297, %swap3A_298, %swap3A_299] : memref<32x32x512xf32, #tpu.memory_space<vmem>>, vector<1x32x512xf32>
    %swap3A_301 = vector.shape_cast %swap3A_300 : vector<1x32x512xf32> to vector<32x512xf32>
    %swap3A_302 = vector.shape_cast %slice3A_296 : vector<32x512xf32> to vector<1x32x512xf32>
    tpu.vector_store %arg5[%swap3A_297, %swap3A_298, %swap3A_299], %swap3A_302 {strides = array<i32>} : memref<32x32x512xf32, #tpu.memory_space<vmem>>, vector<1x32x512xf32>,
    %slice3A_303 = vector.extract_strided_slice %get3A_1 {offsets = [9728, 0], sizes = [512, 64], strides = [1, 1]} : vector<16384x128xf32> to vector<512x64xf32>
    %transpose3A_304 = tpu.transpose %slice3A_303, [1, 0] : vector<512x64xf32> -> vector<64x512xf32>
    %slice3A_305 = vector.extract_strided_slice %transpose3A_304 {offsets = [0, 0], sizes = [32, 512], strides = [1, 1]} : vector<64x512xf32> to vector<32x512xf32>
    %swap3A_306 = arith.constant 19 : index
    %swap3A_307 = arith.constant 0 : index
    %swap3A_308 = arith.constant 0 : index
    %swap3A_309 = vector.load %arg4[%swap3A_306, %swap3A_307, %swap3A_308] : memref<32x32x512xf32, #tpu.memory_space<vmem>>, vector<1x32x512xf32>
    %swap3A_310 = vector.shape_cast %swap3A_309 : vector<1x32x512xf32> to vector<32x512xf32>
    %swap3A_311 = vector.shape_cast %slice3A_305 : vector<32x512xf32> to vector<1x32x512xf32>
    tpu.vector_store %arg4[%swap3A_306, %swap3A_307, %swap3A_308], %swap3A_311 {strides = array<i32>} : memref<32x32x512xf32, #tpu.memory_space<vmem>>, vector<1x32x512xf32>,
    %slice3A_312 = vector.extract_strided_slice %transpose3A_304 {offsets = [32, 0], sizes = [32, 512], strides = [1, 1]} : vector<64x512xf32> to vector<32x512xf32>
    %swap3A_313 = arith.constant 19 : index
    %swap3A_314 = arith.constant 0 : index
    %swap3A_315 = arith.constant 0 : index
    %swap3A_316 = vector.load %arg5[%swap3A_313, %swap3A_314, %swap3A_315] : memref<32x32x512xf32, #tpu.memory_space<vmem>>, vector<1x32x512xf32>
    %swap3A_317 = vector.shape_cast %swap3A_316 : vector<1x32x512xf32> to vector<32x512xf32>
    %swap3A_318 = vector.shape_cast %slice3A_312 : vector<32x512xf32> to vector<1x32x512xf32>
    tpu.vector_store %arg5[%swap3A_313, %swap3A_314, %swap3A_315], %swap3A_318 {strides = array<i32>} : memref<32x32x512xf32, #tpu.memory_space<vmem>>, vector<1x32x512xf32>,
    %slice3A_319 = vector.extract_strided_slice %get3A_1 {offsets = [10240, 0], sizes = [512, 64], strides = [1, 1]} : vector<16384x128xf32> to vector<512x64xf32>
    %transpose3A_320 = tpu.transpose %slice3A_319, [1, 0] : vector<512x64xf32> -> vector<64x512xf32>
    %slice3A_321 = vector.extract_strided_slice %transpose3A_320 {offsets = [0, 0], sizes = [32, 512], strides = [1, 1]} : vector<64x512xf32> to vector<32x512xf32>
    %swap3A_322 = arith.constant 20 : index
    %swap3A_323 = arith.constant 0 : index
    %swap3A_324 = arith.constant 0 : index
    %swap3A_325 = vector.load %arg4[%swap3A_322, %swap3A_323, %swap3A_324] : memref<32x32x512xf32, #tpu.memory_space<vmem>>, vector<1x32x512xf32>
    %swap3A_326 = vector.shape_cast %swap3A_325 : vector<1x32x512xf32> to vector<32x512xf32>
    %swap3A_327 = vector.shape_cast %slice3A_321 : vector<32x512xf32> to vector<1x32x512xf32>
    tpu.vector_store %arg4[%swap3A_322, %swap3A_323, %swap3A_324], %swap3A_327 {strides = array<i32>} : memref<32x32x512xf32, #tpu.memory_space<vmem>>, vector<1x32x512xf32>,
    %slice3A_328 = vector.extract_strided_slice %transpose3A_320 {offsets = [32, 0], sizes = [32, 512], strides = [1, 1]} : vector<64x512xf32> to vector<32x512xf32>
    %swap3A_329 = arith.constant 20 : index
    %swap3A_330 = arith.constant 0 : index
    %swap3A_331 = arith.constant 0 : index
    %swap3A_332 = vector.load %arg5[%swap3A_329, %swap3A_330, %swap3A_331] : memref<32x32x512xf32, #tpu.memory_space<vmem>>, vector<1x32x512xf32>
    %swap3A_333 = vector.shape_cast %swap3A_332 : vector<1x32x512xf32> to vector<32x512xf32>
    %swap3A_334 = vector.shape_cast %slice3A_328 : vector<32x512xf32> to vector<1x32x512xf32>
    tpu.vector_store %arg5[%swap3A_329, %swap3A_330, %swap3A_331], %swap3A_334 {strides = array<i32>} : memref<32x32x512xf32, #tpu.memory_space<vmem>>, vector<1x32x512xf32>,
    %slice3A_335 = vector.extract_strided_slice %get3A_1 {offsets = [10752, 0], sizes = [512, 64], strides = [1, 1]} : vector<16384x128xf32> to vector<512x64xf32>
    %transpose3A_336 = tpu.transpose %slice3A_335, [1, 0] : vector<512x64xf32> -> vector<64x512xf32>
    %slice3A_337 = vector.extract_strided_slice %transpose3A_336 {offsets = [0, 0], sizes = [32, 512], strides = [1, 1]} : vector<64x512xf32> to vector<32x512xf32>
    %swap3A_338 = arith.constant 21 : index
    %swap3A_339 = arith.constant 0 : index
    %swap3A_340 = arith.constant 0 : index
    %swap3A_341 = vector.load %arg4[%swap3A_338, %swap3A_339, %swap3A_340] : memref<32x32x512xf32, #tpu.memory_space<vmem>>, vector<1x32x512xf32>
    %swap3A_342 = vector.shape_cast %swap3A_341 : vector<1x32x512xf32> to vector<32x512xf32>
    %swap3A_343 = vector.shape_cast %slice3A_337 : vector<32x512xf32> to vector<1x32x512xf32>
    tpu.vector_store %arg4[%swap3A_338, %swap3A_339, %swap3A_340], %swap3A_343 {strides = array<i32>} : memref<32x32x512xf32, #tpu.memory_space<vmem>>, vector<1x32x512xf32>,
    %slice3A_344 = vector.extract_strided_slice %transpose3A_336 {offsets = [32, 0], sizes = [32, 512], strides = [1, 1]} : vector<64x512xf32> to vector<32x512xf32>
    %swap3A_345 = arith.constant 21 : index
    %swap3A_346 = arith.constant 0 : index
    %swap3A_347 = arith.constant 0 : index
    %swap3A_348 = vector.load %arg5[%swap3A_345, %swap3A_346, %swap3A_347] : memref<32x32x512xf32, #tpu.memory_space<vmem>>, vector<1x32x512xf32>
    %swap3A_349 = vector.shape_cast %swap3A_348 : vector<1x32x512xf32> to vector<32x512xf32>
    %swap3A_350 = vector.shape_cast %slice3A_344 : vector<32x512xf32> to vector<1x32x512xf32>
    tpu.vector_store %arg5[%swap3A_345, %swap3A_346, %swap3A_347], %swap3A_350 {strides = array<i32>} : memref<32x32x512xf32, #tpu.memory_space<vmem>>, vector<1x32x512xf32>,
    %slice3A_351 = vector.extract_strided_slice %get3A_1 {offsets = [11264, 0], sizes = [512, 64], strides = [1, 1]} : vector<16384x128xf32> to vector<512x64xf32>
    %transpose3A_352 = tpu.transpose %slice3A_351, [1, 0] : vector<512x64xf32> -> vector<64x512xf32>
    %slice3A_353 = vector.extract_strided_slice %transpose3A_352 {offsets = [0, 0], sizes = [32, 512], strides = [1, 1]} : vector<64x512xf32> to vector<32x512xf32>
    %swap3A_354 = arith.constant 22 : index
    %swap3A_355 = arith.constant 0 : index
    %swap3A_356 = arith.constant 0 : index
    %swap3A_357 = vector.load %arg4[%swap3A_354, %swap3A_355, %swap3A_356] : memref<32x32x512xf32, #tpu.memory_space<vmem>>, vector<1x32x512xf32>
    %swap3A_358 = vector.shape_cast %swap3A_357 : vector<1x32x512xf32> to vector<32x512xf32>
    %swap3A_359 = vector.shape_cast %slice3A_353 : vector<32x512xf32> to vector<1x32x512xf32>
    tpu.vector_store %arg4[%swap3A_354, %swap3A_355, %swap3A_356], %swap3A_359 {strides = array<i32>} : memref<32x32x512xf32, #tpu.memory_space<vmem>>, vector<1x32x512xf32>,
    %slice3A_360 = vector.extract_strided_slice %transpose3A_352 {offsets = [32, 0], sizes = [32, 512], strides = [1, 1]} : vector<64x512xf32> to vector<32x512xf32>
    %swap3A_361 = arith.constant 22 : index
    %swap3A_362 = arith.constant 0 : index
    %swap3A_363 = arith.constant 0 : index
    %swap3A_364 = vector.load %arg5[%swap3A_361, %swap3A_362, %swap3A_363] : memref<32x32x512xf32, #tpu.memory_space<vmem>>, vector<1x32x512xf32>
    %swap3A_365 = vector.shape_cast %swap3A_364 : vector<1x32x512xf32> to vector<32x512xf32>
    %swap3A_366 = vector.shape_cast %slice3A_360 : vector<32x512xf32> to vector<1x32x512xf32>
    tpu.vector_store %arg5[%swap3A_361, %swap3A_362, %swap3A_363], %swap3A_366 {strides = array<i32>} : memref<32x32x512xf32, #tpu.memory_space<vmem>>, vector<1x32x512xf32>,
    %slice3A_367 = vector.extract_strided_slice %get3A_1 {offsets = [11776, 0], sizes = [512, 64], strides = [1, 1]} : vector<16384x128xf32> to vector<512x64xf32>
    %transpose3A_368 = tpu.transpose %slice3A_367, [1, 0] : vector<512x64xf32> -> vector<64x512xf32>
    %slice3A_369 = vector.extract_strided_slice %transpose3A_368 {offsets = [0, 0], sizes = [32, 512], strides = [1, 1]} : vector<64x512xf32> to vector<32x512xf32>
    %swap3A_370 = arith.constant 23 : index
    %swap3A_371 = arith.constant 0 : index
    %swap3A_372 = arith.constant 0 : index
    %swap3A_373 = vector.load %arg4[%swap3A_370, %swap3A_371, %swap3A_372] : memref<32x32x512xf32, #tpu.memory_space<vmem>>, vector<1x32x512xf32>
    %swap3A_374 = vector.shape_cast %swap3A_373 : vector<1x32x512xf32> to vector<32x512xf32>
    %swap3A_375 = vector.shape_cast %slice3A_369 : vector<32x512xf32> to vector<1x32x512xf32>
    tpu.vector_store %arg4[%swap3A_370, %swap3A_371, %swap3A_372], %swap3A_375 {strides = array<i32>} : memref<32x32x512xf32, #tpu.memory_space<vmem>>, vector<1x32x512xf32>,
    %slice3A_376 = vector.extract_strided_slice %transpose3A_368 {offsets = [32, 0], sizes = [32, 512], strides = [1, 1]} : vector<64x512xf32> to vector<32x512xf32>
    %swap3A_377 = arith.constant 23 : index
    %swap3A_378 = arith.constant 0 : index
    %swap3A_379 = arith.constant 0 : index
    %swap3A_380 = vector.load %arg5[%swap3A_377, %swap3A_378, %swap3A_379] : memref<32x32x512xf32, #tpu.memory_space<vmem>>, vector<1x32x512xf32>
    %swap3A_381 = vector.shape_cast %swap3A_380 : vector<1x32x512xf32> to vector<32x512xf32>
    %swap3A_382 = vector.shape_cast %slice3A_376 : vector<32x512xf32> to vector<1x32x512xf32>
    tpu.vector_store %arg5[%swap3A_377, %swap3A_378, %swap3A_379], %swap3A_382 {strides = array<i32>} : memref<32x32x512xf32, #tpu.memory_space<vmem>>, vector<1x32x512xf32>,
    %slice3A_383 = vector.extract_strided_slice %get3A_1 {offsets = [12288, 0], sizes = [512, 64], strides = [1, 1]} : vector<16384x128xf32> to vector<512x64xf32>
    %transpose3A_384 = tpu.transpose %slice3A_383, [1, 0] : vector<512x64xf32> -> vector<64x512xf32>
    %slice3A_385 = vector.extract_strided_slice %transpose3A_384 {offsets = [0, 0], sizes = [32, 512], strides = [1, 1]} : vector<64x512xf32> to vector<32x512xf32>
    %swap3A_386 = arith.constant 24 : index
    %swap3A_387 = arith.constant 0 : index
    %swap3A_388 = arith.constant 0 : index
    %swap3A_389 = vector.load %arg4[%swap3A_386, %swap3A_387, %swap3A_388] : memref<32x32x512xf32, #tpu.memory_space<vmem>>, vector<1x32x512xf32>
    %swap3A_390 = vector.shape_cast %swap3A_389 : vector<1x32x512xf32> to vector<32x512xf32>
    %swap3A_391 = vector.shape_cast %slice3A_385 : vector<32x512xf32> to vector<1x32x512xf32>
    tpu.vector_store %arg4[%swap3A_386, %swap3A_387, %swap3A_388], %swap3A_391 {strides = array<i32>} : memref<32x32x512xf32, #tpu.memory_space<vmem>>, vector<1x32x512xf32>,
    %slice3A_392 = vector.extract_strided_slice %transpose3A_384 {offsets = [32, 0], sizes = [32, 512], strides = [1, 1]} : vector<64x512xf32> to vector<32x512xf32>
    %swap3A_393 = arith.constant 24 : index
    %swap3A_394 = arith.constant 0 : index
    %swap3A_395 = arith.constant 0 : index
    %swap3A_396 = vector.load %arg5[%swap3A_393, %swap3A_394, %swap3A_395] : memref<32x32x512xf32, #tpu.memory_space<vmem>>, vector<1x32x512xf32>
    %swap3A_397 = vector.shape_cast %swap3A_396 : vector<1x32x512xf32> to vector<32x512xf32>
    %swap3A_398 = vector.shape_cast %slice3A_392 : vector<32x512xf32> to vector<1x32x512xf32>
    tpu.vector_store %arg5[%swap3A_393, %swap3A_394, %swap3A_395], %swap3A_398 {strides = array<i32>} : memref<32x32x512xf32, #tpu.memory_space<vmem>>, vector<1x32x512xf32>,
    %slice3A_399 = vector.extract_strided_slice %get3A_1 {offsets = [12800, 0], sizes = [512, 64], strides = [1, 1]} : vector<16384x128xf32> to vector<512x64xf32>
    %transpose3A_400 = tpu.transpose %slice3A_399, [1, 0] : vector<512x64xf32> -> vector<64x512xf32>
    %slice3A_401 = vector.extract_strided_slice %transpose3A_400 {offsets = [0, 0], sizes = [32, 512], strides = [1, 1]} : vector<64x512xf32> to vector<32x512xf32>
    %swap3A_402 = arith.constant 25 : index
    %swap3A_403 = arith.constant 0 : index
    %swap3A_404 = arith.constant 0 : index
    %swap3A_405 = vector.load %arg4[%swap3A_402, %swap3A_403, %swap3A_404] : memref<32x32x512xf32, #tpu.memory_space<vmem>>, vector<1x32x512xf32>
    %swap3A_406 = vector.shape_cast %swap3A_405 : vector<1x32x512xf32> to vector<32x512xf32>
    %swap3A_407 = vector.shape_cast %slice3A_401 : vector<32x512xf32> to vector<1x32x512xf32>
    tpu.vector_store %arg4[%swap3A_402, %swap3A_403, %swap3A_404], %swap3A_407 {strides = array<i32>} : memref<32x32x512xf32, #tpu.memory_space<vmem>>, vector<1x32x512xf32>,
    %slice3A_408 = vector.extract_strided_slice %transpose3A_400 {offsets = [32, 0], sizes = [32, 512], strides = [1, 1]} : vector<64x512xf32> to vector<32x512xf32>
    %swap3A_409 = arith.constant 25 : index
    %swap3A_410 = arith.constant 0 : index
    %swap3A_411 = arith.constant 0 : index
    %swap3A_412 = vector.load %arg5[%swap3A_409, %swap3A_410, %swap3A_411] : memref<32x32x512xf32, #tpu.memory_space<vmem>>, vector<1x32x512xf32>
    %swap3A_413 = vector.shape_cast %swap3A_412 : vector<1x32x512xf32> to vector<32x512xf32>
    %swap3A_414 = vector.shape_cast %slice3A_408 : vector<32x512xf32> to vector<1x32x512xf32>
    tpu.vector_store %arg5[%swap3A_409, %swap3A_410, %swap3A_411], %swap3A_414 {strides = array<i32>} : memref<32x32x512xf32, #tpu.memory_space<vmem>>, vector<1x32x512xf32>,
    %slice3A_415 = vector.extract_strided_slice %get3A_1 {offsets = [13312, 0], sizes = [512, 64], strides = [1, 1]} : vector<16384x128xf32> to vector<512x64xf32>
    %transpose3A_416 = tpu.transpose %slice3A_415, [1, 0] : vector<512x64xf32> -> vector<64x512xf32>
    %slice3A_417 = vector.extract_strided_slice %transpose3A_416 {offsets = [0, 0], sizes = [32, 512], strides = [1, 1]} : vector<64x512xf32> to vector<32x512xf32>
    %swap3A_418 = arith.constant 26 : index
    %swap3A_419 = arith.constant 0 : index
    %swap3A_420 = arith.constant 0 : index
    %swap3A_421 = vector.load %arg4[%swap3A_418, %swap3A_419, %swap3A_420] : memref<32x32x512xf32, #tpu.memory_space<vmem>>, vector<1x32x512xf32>
    %swap3A_422 = vector.shape_cast %swap3A_421 : vector<1x32x512xf32> to vector<32x512xf32>
    %swap3A_423 = vector.shape_cast %slice3A_417 : vector<32x512xf32> to vector<1x32x512xf32>
    tpu.vector_store %arg4[%swap3A_418, %swap3A_419, %swap3A_420], %swap3A_423 {strides = array<i32>} : memref<32x32x512xf32, #tpu.memory_space<vmem>>, vector<1x32x512xf32>,
    %slice3A_424 = vector.extract_strided_slice %transpose3A_416 {offsets = [32, 0], sizes = [32, 512], strides = [1, 1]} : vector<64x512xf32> to vector<32x512xf32>
    %swap3A_425 = arith.constant 26 : index
    %swap3A_426 = arith.constant 0 : index
    %swap3A_427 = arith.constant 0 : index
    %swap3A_428 = vector.load %arg5[%swap3A_425, %swap3A_426, %swap3A_427] : memref<32x32x512xf32, #tpu.memory_space<vmem>>, vector<1x32x512xf32>
    %swap3A_429 = vector.shape_cast %swap3A_428 : vector<1x32x512xf32> to vector<32x512xf32>
    %swap3A_430 = vector.shape_cast %slice3A_424 : vector<32x512xf32> to vector<1x32x512xf32>
    tpu.vector_store %arg5[%swap3A_425, %swap3A_426, %swap3A_427], %swap3A_430 {strides = array<i32>} : memref<32x32x512xf32, #tpu.memory_space<vmem>>, vector<1x32x512xf32>,
    %slice3A_431 = vector.extract_strided_slice %get3A_1 {offsets = [13824, 0], sizes = [512, 64], strides = [1, 1]} : vector<16384x128xf32> to vector<512x64xf32>
    %transpose3A_432 = tpu.transpose %slice3A_431, [1, 0] : vector<512x64xf32> -> vector<64x512xf32>
    %slice3A_433 = vector.extract_strided_slice %transpose3A_432 {offsets = [0, 0], sizes = [32, 512], strides = [1, 1]} : vector<64x512xf32> to vector<32x512xf32>
    %swap3A_434 = arith.constant 27 : index
    %swap3A_435 = arith.constant 0 : index
    %swap3A_436 = arith.constant 0 : index
    %swap3A_437 = vector.load %arg4[%swap3A_434, %swap3A_435, %swap3A_436] : memref<32x32x512xf32, #tpu.memory_space<vmem>>, vector<1x32x512xf32>
    %swap3A_438 = vector.shape_cast %swap3A_437 : vector<1x32x512xf32> to vector<32x512xf32>
    %swap3A_439 = vector.shape_cast %slice3A_433 : vector<32x512xf32> to vector<1x32x512xf32>
    tpu.vector_store %arg4[%swap3A_434, %swap3A_435, %swap3A_436], %swap3A_439 {strides = array<i32>} : memref<32x32x512xf32, #tpu.memory_space<vmem>>, vector<1x32x512xf32>,
    %slice3A_440 = vector.extract_strided_slice %transpose3A_432 {offsets = [32, 0], sizes = [32, 512], strides = [1, 1]} : vector<64x512xf32> to vector<32x512xf32>
    %swap3A_441 = arith.constant 27 : index
    %swap3A_442 = arith.constant 0 : index
    %swap3A_443 = arith.constant 0 : index
    %swap3A_444 = vector.load %arg5[%swap3A_441, %swap3A_442, %swap3A_443] : memref<32x32x512xf32, #tpu.memory_space<vmem>>, vector<1x32x512xf32>
    %swap3A_445 = vector.shape_cast %swap3A_444 : vector<1x32x512xf32> to vector<32x512xf32>
    %swap3A_446 = vector.shape_cast %slice3A_440 : vector<32x512xf32> to vector<1x32x512xf32>
    tpu.vector_store %arg5[%swap3A_441, %swap3A_442, %swap3A_443], %swap3A_446 {strides = array<i32>} : memref<32x32x512xf32, #tpu.memory_space<vmem>>, vector<1x32x512xf32>,
    %slice3A_447 = vector.extract_strided_slice %get3A_1 {offsets = [14336, 0], sizes = [512, 64], strides = [1, 1]} : vector<16384x128xf32> to vector<512x64xf32>
    %transpose3A_448 = tpu.transpose %slice3A_447, [1, 0] : vector<512x64xf32> -> vector<64x512xf32>
    %slice3A_449 = vector.extract_strided_slice %transpose3A_448 {offsets = [0, 0], sizes = [32, 512], strides = [1, 1]} : vector<64x512xf32> to vector<32x512xf32>
    %swap3A_450 = arith.constant 28 : index
    %swap3A_451 = arith.constant 0 : index
    %swap3A_452 = arith.constant 0 : index
    %swap3A_453 = vector.load %arg4[%swap3A_450, %swap3A_451, %swap3A_452] : memref<32x32x512xf32, #tpu.memory_space<vmem>>, vector<1x32x512xf32>
    %swap3A_454 = vector.shape_cast %swap3A_453 : vector<1x32x512xf32> to vector<32x512xf32>
    %swap3A_455 = vector.shape_cast %slice3A_449 : vector<32x512xf32> to vector<1x32x512xf32>
    tpu.vector_store %arg4[%swap3A_450, %swap3A_451, %swap3A_452], %swap3A_455 {strides = array<i32>} : memref<32x32x512xf32, #tpu.memory_space<vmem>>, vector<1x32x512xf32>,
    %slice3A_456 = vector.extract_strided_slice %transpose3A_448 {offsets = [32, 0], sizes = [32, 512], strides = [1, 1]} : vector<64x512xf32> to vector<32x512xf32>
    %swap3A_457 = arith.constant 28 : index
    %swap3A_458 = arith.constant 0 : index
    %swap3A_459 = arith.constant 0 : index
    %swap3A_460 = vector.load %arg5[%swap3A_457, %swap3A_458, %swap3A_459] : memref<32x32x512xf32, #tpu.memory_space<vmem>>, vector<1x32x512xf32>
    %swap3A_461 = vector.shape_cast %swap3A_460 : vector<1x32x512xf32> to vector<32x512xf32>
    %swap3A_462 = vector.shape_cast %slice3A_456 : vector<32x512xf32> to vector<1x32x512xf32>
    tpu.vector_store %arg5[%swap3A_457, %swap3A_458, %swap3A_459], %swap3A_462 {strides = array<i32>} : memref<32x32x512xf32, #tpu.memory_space<vmem>>, vector<1x32x512xf32>,
    %slice3A_463 = vector.extract_strided_slice %get3A_1 {offsets = [14848, 0], sizes = [512, 64], strides = [1, 1]} : vector<16384x128xf32> to vector<512x64xf32>
    %transpose3A_464 = tpu.transpose %slice3A_463, [1, 0] : vector<512x64xf32> -> vector<64x512xf32>
    %slice3A_465 = vector.extract_strided_slice %transpose3A_464 {offsets = [0, 0], sizes = [32, 512], strides = [1, 1]} : vector<64x512xf32> to vector<32x512xf32>
    %swap3A_466 = arith.constant 29 : index
    %swap3A_467 = arith.constant 0 : index
    %swap3A_468 = arith.constant 0 : index
    %swap3A_469 = vector.load %arg4[%swap3A_466, %swap3A_467, %swap3A_468] : memref<32x32x512xf32, #tpu.memory_space<vmem>>, vector<1x32x512xf32>
    %swap3A_470 = vector.shape_cast %swap3A_469 : vector<1x32x512xf32> to vector<32x512xf32>
    %swap3A_471 = vector.shape_cast %slice3A_465 : vector<32x512xf32> to vector<1x32x512xf32>
    tpu.vector_store %arg4[%swap3A_466, %swap3A_467, %swap3A_468], %swap3A_471 {strides = array<i32>} : memref<32x32x512xf32, #tpu.memory_space<vmem>>, vector<1x32x512xf32>,
    %slice3A_472 = vector.extract_strided_slice %transpose3A_464 {offsets = [32, 0], sizes = [32, 512], strides = [1, 1]} : vector<64x512xf32> to vector<32x512xf32>
    %swap3A_473 = arith.constant 29 : index
    %swap3A_474 = arith.constant 0 : index
    %swap3A_475 = arith.constant 0 : index
    %swap3A_476 = vector.load %arg5[%swap3A_473, %swap3A_474, %swap3A_475] : memref<32x32x512xf32, #tpu.memory_space<vmem>>, vector<1x32x512xf32>
    %swap3A_477 = vector.shape_cast %swap3A_476 : vector<1x32x512xf32> to vector<32x512xf32>
    %swap3A_478 = vector.shape_cast %slice3A_472 : vector<32x512xf32> to vector<1x32x512xf32>
    tpu.vector_store %arg5[%swap3A_473, %swap3A_474, %swap3A_475], %swap3A_478 {strides = array<i32>} : memref<32x32x512xf32, #tpu.memory_space<vmem>>, vector<1x32x512xf32>,
    %slice3A_479 = vector.extract_strided_slice %get3A_1 {offsets = [15360, 0], sizes = [512, 64], strides = [1, 1]} : vector<16384x128xf32> to vector<512x64xf32>
    %transpose3A_480 = tpu.transpose %slice3A_479, [1, 0] : vector<512x64xf32> -> vector<64x512xf32>
    %slice3A_481 = vector.extract_strided_slice %transpose3A_480 {offsets = [0, 0], sizes = [32, 512], strides = [1, 1]} : vector<64x512xf32> to vector<32x512xf32>
    %swap3A_482 = arith.constant 30 : index
    %swap3A_483 = arith.constant 0 : index
    %swap3A_484 = arith.constant 0 : index
    %swap3A_485 = vector.load %arg4[%swap3A_482, %swap3A_483, %swap3A_484] : memref<32x32x512xf32, #tpu.memory_space<vmem>>, vector<1x32x512xf32>
    %swap3A_486 = vector.shape_cast %swap3A_485 : vector<1x32x512xf32> to vector<32x512xf32>
    %swap3A_487 = vector.shape_cast %slice3A_481 : vector<32x512xf32> to vector<1x32x512xf32>
    tpu.vector_store %arg4[%swap3A_482, %swap3A_483, %swap3A_484], %swap3A_487 {strides = array<i32>} : memref<32x32x512xf32, #tpu.memory_space<vmem>>, vector<1x32x512xf32>,
    %slice3A_488 = vector.extract_strided_slice %transpose3A_480 {offsets = [32, 0], sizes = [32, 512], strides = [1, 1]} : vector<64x512xf32> to vector<32x512xf32>
    %swap3A_489 = arith.constant 30 : index
    %swap3A_490 = arith.constant 0 : index
    %swap3A_491 = arith.constant 0 : index
    %swap3A_492 = vector.load %arg5[%swap3A_489, %swap3A_490, %swap3A_491] : memref<32x32x512xf32, #tpu.memory_space<vmem>>, vector<1x32x512xf32>
    %swap3A_493 = vector.shape_cast %swap3A_492 : vector<1x32x512xf32> to vector<32x512xf32>
    %swap3A_494 = vector.shape_cast %slice3A_488 : vector<32x512xf32> to vector<1x32x512xf32>
    tpu.vector_store %arg5[%swap3A_489, %swap3A_490, %swap3A_491], %swap3A_494 {strides = array<i32>} : memref<32x32x512xf32, #tpu.memory_space<vmem>>, vector<1x32x512xf32>,
    %slice3A_495 = vector.extract_strided_slice %get3A_1 {offsets = [15872, 0], sizes = [512, 64], strides = [1, 1]} : vector<16384x128xf32> to vector<512x64xf32>
    %transpose3A_496 = tpu.transpose %slice3A_495, [1, 0] : vector<512x64xf32> -> vector<64x512xf32>
    %slice3A_497 = vector.extract_strided_slice %transpose3A_496 {offsets = [0, 0], sizes = [32, 512], strides = [1, 1]} : vector<64x512xf32> to vector<32x512xf32>
    %swap3A_498 = arith.constant 31 : index
    %swap3A_499 = arith.constant 0 : index
    %swap3A_500 = arith.constant 0 : index
    %swap3A_501 = vector.load %arg4[%swap3A_498, %swap3A_499, %swap3A_500] : memref<32x32x512xf32, #tpu.memory_space<vmem>>, vector<1x32x512xf32>
    %swap3A_502 = vector.shape_cast %swap3A_501 : vector<1x32x512xf32> to vector<32x512xf32>
    %swap3A_503 = vector.shape_cast %slice3A_497 : vector<32x512xf32> to vector<1x32x512xf32>
    tpu.vector_store %arg4[%swap3A_498, %swap3A_499, %swap3A_500], %swap3A_503 {strides = array<i32>} : memref<32x32x512xf32, #tpu.memory_space<vmem>>, vector<1x32x512xf32>,
    %slice3A_504 = vector.extract_strided_slice %transpose3A_496 {offsets = [32, 0], sizes = [32, 512], strides = [1, 1]} : vector<64x512xf32> to vector<32x512xf32>
    %swap3A_505 = arith.constant 31 : index
    %swap3A_506 = arith.constant 0 : index
    %swap3A_507 = arith.constant 0 : index
    %swap3A_508 = vector.load %arg5[%swap3A_505, %swap3A_506, %swap3A_507] : memref<32x32x512xf32, #tpu.memory_space<vmem>>, vector<1x32x512xf32>
    %swap3A_509 = vector.shape_cast %swap3A_508 : vector<1x32x512xf32> to vector<32x512xf32>
    %swap3A_510 = vector.shape_cast %slice3A_504 : vector<32x512xf32> to vector<1x32x512xf32>
    tpu.vector_store %arg5[%swap3A_505, %swap3A_506, %swap3A_507], %swap3A_510 {strides = array<i32>} : memref<32x32x512xf32, #tpu.memory_space<vmem>>, vector<1x32x512xf32>,
    return
  }
  func.func @transform_0(%arg0: i32) -> (i32, i32) {
    %c0_i32 = arith.constant 0 : i32
    %c0_i32_0 = arith.constant 0 : i32
    return %arg0, %c0_i32 : i32, i32
  }
  func.func @transform_1(%arg0: i32) -> (i32, i32, i32) {
    %c0_i32 = arith.constant 0 : i32
    %c0_i32_0 = arith.constant 0 : i32
    %c0_i32_1 = arith.constant 0 : i32
    %c0_i32_2 = arith.constant 0 : i32
    return %c0_i32, %c0_i32_0, %c0_i32_1 : i32, i32, i32
  }
  func.func @transform_2(%arg0: i32) -> (i32, i32, i32) {
    %c0_i32 = arith.constant 0 : i32
    %c0_i32_0 = arith.constant 0 : i32
    %c0_i32_1 = arith.constant 0 : i32
    %c0_i32_2 = arith.constant 0 : i32
    return %c0_i32, %c0_i32_0, %c0_i32_1 : i32, i32, i32
  }
  func.func @transform_3(%arg0: i32) -> (i32, i32, i32) {
    %add3A = arith.constant 30 : i32
    %add3A_0 = arith.addi %add3A, %arg0 : i32
    %c0_i32 = arith.constant 0 : i32
    %c0_i32_1 = arith.constant 0 : i32
    %c0_i32_2 = arith.constant 0 : i32
    return %add3A_0, %c0_i32, %c0_i32_1 : i32, i32, i32
  }
  func.func @transform_4(%arg0: i32) -> (i32, i32, i32) {
    %add3A = arith.constant 30 : i32
    %add3A_0 = arith.addi %add3A, %arg0 : i32
    %c0_i32 = arith.constant 0 : i32
    %c0_i32_1 = arith.constant 0 : i32
    %c0_i32_2 = arith.constant 0 : i32
    return %add3A_0, %c0_i32, %c0_i32_1 : i32, i32, i32
  }
}

</mosaic_0001>

<sc_bundles>
// kernel: kernel.11.cloned.1.call-start
scs
__scs_entry_jumppad:
0x0: {  	(pc) =	sbr.rel $0x88, $3  }
0x1: {  	(tag) =	ssettag $0x0;
	lr =	simm.s32 $0x1  }
0x2: {  	[smem:$0x3F97] =	sst lr;
	_ =	strace $0xD0000000  }
0x3: {  	_ = 	snop  }
0x4: {  	_ = 	snop  }
0x5: {  	_ = 	snop  }
0x6: {  	_ = 	snop  }
0x7: {  	_ = 	snop  }
__scs_overlays_trampoline_lowered:
0x8: {  	[smem:$0x3FA6] =	sst s0  }
0x9: {  	[smem:$0x3FA7] =	sst s1  }
0xa: {  	[smem:$0x3FA8] =	sst s2  }
0xb: {  	[smem:$0x3FA9] =	sst s3  }
0xc: {  	[smem:$0x3FAA] =	sst s4  }
0xd: {  	[smem:$0x3FAB] =	sst s5  }
0xe: {  	[smem:$0x3FAC] =	sst s6  }
0xf: {  	[smem:$0x3FAD] =	sst s7  }
0x10: {  	[smem:$0x3FAE] =	sst s8  }
0x11: {  	[smem:$0x3FAF] =	sst s9;
	s0 =	simm.s32 @!p0 $0x0  }
0x12: {  	s1 =	sld [smem:$0x3F95];
	s0 =	simm.s32 @p0 $0x1  }
0x13: {  	[smem:$0x3FB0] =	sst s0;
	s0 =	simm.s32 @!p1 $0x0  }
0x14: {  	s2 =	sld [smem:$0x3F94];
	s0 =	simm.s32 @p1 $0x1  }
0x15: {  	[smem:$0x3FB1] =	sst s0;
	s0 =	simm.s32 @!p2 $0x0  }
0x16: {  	s3 =	sld [smem:$0x3FDB];
	s0 =	simm.s32 @p2 $0x1  }
0x17: {  	s4 =	simm.s32 $0x1BF5;
	[smem:$0x3FB3] =	sst s0  }
0x18: {  	s0 =	sld [smem:$0x3F96];
	_ =	swait.ge [sflag:s4], $0x0  }
0x19: {  	s7 =	sld [smem:$0x3F97]  }
0x1a: {  	s8 =	sadd.s32 $0xFFFFE003, lr  }
0x1b: {  	s9 =	sadd.s32 $0xFFFFFEF7, lr;
	s5 =	simm.s32 $0xFFFFFFFF;
	p2 =	slt.u32 s8, $0xFFFFF086  }
0x1c: {  	p1 =	slt.u32 s9, $0xF7A;
	s5 =	simm.s32 @!p2 $0x0  }
0x1d: {  	s5 =	simm.s32 @p1 $0x1;
	p0 =	seq.s32 s7, s2  }
0x1e: {  	s7 =	smul.u32 @!p0 $0xF7A, s2;
	p2 =	seq.s32 @!p0 s5, $0x0  }
0x1f: {  	s9 =	smul.u32 $0xF7A, s1;
	s8 =	simm.s32 @!p0 $0x1BF5;
	p2 =	por !p2, p0  }
0x20: {  	[sflag:s8] =	ssyncset.s32 @!p0 $0xFFFFF086;
	s6 =	sadd.s32 @!p0 s3, s7;
	s7 =	simm.s32 @!p0 $0x108  }
0x21: {  	s3 =	sadd.s32 s3, s9;
	s6 =	sadd.s32 @!p0 $0x88, s6;
	s7 =	simm.s32 @p2 $0x1082  }
0x22: {  	[simem:s7], [sflag:s8] =	dma.local @!p0 [hbm:s6], $0xF7A  }
0x23: {  	s9 =	sor.u32 $0xD0000000, s2;
	s6 =	simm.s32 $0x108;
	_ =	swait.ge @!p0 [sflag:s8], $0x0  }
0x24: {  	s3 =	sadd.s32 $0x88, s3;
	s6 =	simm.s32 @!p1 $0x1082;
	[sflag:s4] =	ssyncset.s32 $0xFFFFF086  }
0x25: {  	[simem:s6], [sflag:s4] =	dma.local [hbm:s3], $0xF7A  }
0x26: {  	[smem:$0x3F97] =	sst s1;
	(tag) =	ssettag s2;
	_ =	strace s9  }
0x27: {  	s1 =	sld [smem:$0x3FA7]  }
0x28: {  	s2 =	sld [smem:$0x3FA8]  }
0x29: {  	s4 =	sld [smem:$0x3FAA]  }
0x2a: {  	p0 =	seq.s32 s5, $0x0;
	s5 =	sld [smem:$0x3FAB]  }
0x2b: {  	s6 =	sld [smem:$0x3FAC]  }
0x2c: {  	s7 =	sld [smem:$0x3FAD]  }
0x2d: {  	s3 =	simm.s32 $0x108;
	s8 =	sld [smem:$0x3FAE]  }
0x2e: {  	s3 =	simm.s32 @!p0 $0x1082;
	s9 =	sld [smem:$0x3FAF]  }
0x2f: {  	lr =	sadd.s32 s0, s3;
	s0 =	sld [smem:$0x3FA6]  }
0x30: {  	s3 =	sld [smem:$0x3FA9]  }
0x31: {  	[smem:$0x3FB2] =	sst s10  }
0x32: {  	s10 =	sld [smem:$0x3FB0];
	_ =	sdelay $0x3  }
0x33: {  	p0 =	seq.s32 s10, $0x1;
	s10 =	sld [smem:$0x3FB2];
	_ =	sdelay $0x3  }
0x34: {  	[smem:$0x3FB2] =	sst s10  }
0x35: {  	s10 =	sld [smem:$0x3FB1];
	_ =	sdelay $0x3  }
0x36: {  	p1 =	seq.s32 s10, $0x1;
	s10 =	sld [smem:$0x3FB2];
	_ =	sdelay $0x3  }
0x37: {  	[smem:$0x3FB2] =	sst s10  }
0x38: {  	s10 =	sld [smem:$0x3FB3]  }
0x39: {  	_ = 	snop;
	(pc) =	sbr.ind lr, $3  }
0x3a: {  	_ = 	snop  }
0x3b: {  	_ = 	snop  }
0x3c: {  	p2 =	seq.s32 s10, $0x1;
	s10 =	sld [smem:$0x3FB2]  }
0x3d: {  	_ =	shalt  }
0x3e: {  	_ =	shalt  }
0x3f: {  	_ =	shalt  }
0x40: {  	_ =	shalt  }
0x41: {  	_ =	shalt  }
0x42: {  	_ =	shalt  }
0x43: {  	_ =	shalt  }
0x44: {  	_ =	shalt  }
0x45: {  	_ =	shalt  }
0x46: {  	_ =	shalt  }
0x47: {  	_ =	shalt  }
0x48: {  	_ =	shalt  }
0x49: {  	_ =	shalt  }
0x4a: {  	_ =	shalt  }
0x4b: {  	_ =	shalt  }
0x4c: {  	_ =	shalt  }
0x4d: {  	_ =	shalt  }
0x4e: {  	_ =	shalt  }
0x4f: {  	_ =	shalt  }
0x50: {  	_ =	shalt  }
0x51: {  	_ =	shalt  }
0x52: {  	_ =	shalt  }
0x53: {  	_ =	shalt  }
0x54: {  	_ =	shalt  }
0x55: {  	_ =	shalt  }
0x56: {  	_ =	shalt  }
0x57: {  	_ =	shalt  }
0x58: {  	_ =	shalt  }
0x59: {  	_ =	shalt  }
0x5a: {  	_ =	shalt  }
0x5b: {  	_ =	shalt  }
0x5c: {  	_ =	shalt  }
0x5d: {  	_ =	shalt  }
0x5e: {  	_ =	shalt  }
0x5f: {  	_ =	shalt  }
0x60: {  	_ =	shalt  }
0x61: {  	_ =	shalt  }
0x62: {  	_ =	shalt  }
0x63: {  	_ =	shalt  }
0x64: {  	_ =	shalt  }
0x65: {  	_ =	shalt  }
0x66: {  	_ =	shalt  }
0x67: {  	_ =	shalt  }
0x68: {  	_ =	shalt  }
0x69: {  	_ =	shalt  }
0x6a: {  	_ =	shalt  }
0x6b: {  	_ =	shalt  }
0x6c: {  	_ =	shalt  }
0x6d: {  	_ =	shalt  }
0x6e: {  	_ =	shalt  }
0x6f: {  	_ =	shalt  }
0x70: {  	_ =	shalt  }
0x71: {  	_ =	shalt  }
0x72: {  	_ =	shalt  }
0x73: {  	_ =	shalt  }
0x74: {  	_ =	shalt  }
0x75: {  	_ =	shalt  }
0x76: {  	_ =	shalt  }
0x77: {  	_ =	shalt  }
0x78: {  	_ =	shalt  }
0x79: {  	_ =	shalt  }
0x7a: {  	_ =	shalt  }
0x7b: {  	_ =	shalt  }
0x7c: {  	_ =	shalt  }
0x7d: {  	_ =	shalt  }
0x7e: {  	_ =	shalt  }
0x7f: {  	_ =	shalt  }
0x80: {  	_ =	shalt  }
0x81: {  	_ =	shalt  }
0x82: {  	_ =	shalt  }
0x83: {  	_ =	shalt  }
0x84: {  	_ =	shalt  }
0x85: {  	_ =	shalt  }
0x86: {  	_ =	shalt  }
0x87: {  	_ =	shalt  }
.Lfunc_end0:
.L_simem_size_0:
called_computation_lowered:
.L_overlay_start_0:
0x88: {  	s2 =	sld [smem:$0x3FD9]  }
0x89: {  	s3 =	sld [smem:$0x3FFE];
	_ =	sdelay $0x1  }
0x8a: {  	s1 =	srdreg.scid  }
0x8b: {  	s0 =	sand.u32 $0x1, s1  }
0x8c: {  	s14 =	sshll.u32 s0, $0xA;
	s2 =	sadd.s32 s3, s2  }
0x8d: {  	s2 =	sadd.s32 s2, s14  }
0x8e: {  	[smem:$0x3FBE] =	sst s2  }
0x8f: {  	_ = 	snop  }
0x90: {  	s2 =	sld [smem:$0x3FD0];
	_ =	sdelay $0x2  }
0x91: {  	s15 =	simm.s32 $0xD;
	s4 =	simm.s32 $0x10  }
0x92: {  	[smem:s4], [sflag:s15] =	dma.local [hbm:s2], $0x1  }
0x93: {  	_ =	swait.eq [sflag:s15], $0x1  }
0x94: {  	[sflag:s15] =	ssyncset.done $0x0  }
0x95: {  	[sflag:s15] =	ssyncadd.s32 $0xFFFFFFFF  }
0x96: {  	s16 =	sld [smem:$0x10];
	(tm) =	ssettm $0x1  }
0x97: {  	s17 =	sld [smem:$0x3FFB];
	_ =	sdelay $0x3  }
0x98: {  	_ =	strace s17  }
0x99: {  	s3 =	sld [smem:$0x3FFC];
	_ =	sdelay $0x3  }
0x9a: {  	_ =	strace s3  }
0x9b: {  	s3 =	sld [smem:$0x3FFD];
	_ =	sdelay $0x3  }
0x9c: {  	_ =	strace s3  }
0x9d: {  	_ =	strace $0x8FFFFFFF  }
0x9e: {  	s18 =	sld [smem:$0x3FDB];
	_ =	sdelay $0x1  }
0x9f: {  	s19 =	simm.s32 $_scs_section_size  }
0xa0: {  	s5 =	simm.s32 $_size__tile_overlayer_lowered;
	s6 =	simm.s32 $_tile_overlayer_lowered  }
0xa1: {  	s22 =	simm.s32 $0x1BFF;
	s21 =	sshll.u32 s6, $0x1;
	s3 =	sadd.s32 s19, s18  }
0xa2: {  	s7 =	simm.s32 $0x0;
	s20 =	sshll.u32 s5, $0x1;
	s5 =	sadd.s32 s21, s3  }
0xa3: {  	[timem:s7], [sflag:s22] =	dma.local [hbm:s5], s20  }
0xa4: {  	_ =	swait.ge [sflag:s22], s20  }
0xa5: {  	s4 =	ssub.s32 $0x0, s20;
	[sflag:s22] =	ssyncset.done $0x0  }
0xa6: {  	[sflag:s22] =	ssyncadd.s32 s4;
	_ =	sdelay $0x1  }
0xa7: {  	s23 =	simm.s32 $0x1B8B  }
0xa8: {  	_ =	swait.ge [sflag:s23], $0x1  }
0xa9: {  	[sflag:s23] =	ssyncset.done $0x0  }
0xaa: {  	s25 =	simm.s32 $0x1B8E;
	s24 =	sld [smem:$0x3FFE];
	[sflag:s23] =	ssyncadd.s32 $0xFFFFFFFF  }
0xab: {  	s26 =	simm.s32 $execute0_lowered;
	[smem:$0x3FD2] =	sst s25  }
0xac: {  	s5 =	sshll.u32 s26, $0x1;
	_ =	strace $0x80000046;
	[dreg:$0x1] =	wrdreg $0xFFFFFFFF  }
0xad: {  	s28 =	simm.s32 $_size_execute0_lowered;
	s3 =	sadd.s32 s3, s5;
	[dreg:$0x0] =	wrdreg $0x0  }
0xae: {  	s5 =	sshll.u32 s28, $0x1;
	[dreg:$0x2] =	wrdreg s3  }
0xaf: {  	[dreg:$0x3] =	wrdreg s5  }
0xb0: {  	[dreg:$0x4] =	wrdreg $0xC0  }
0xb1: {  	_ =	task [dreg:s7], $0x5FFFF  }
0xb2: {  	[dreg:$0x1] =	wrdreg $0xFFFFFFFF  }
0xb3: {  	[dreg:$0x0] =	wrdreg $0x60  }
0xb4: {  	[dreg:$0x2] =	wrdreg s24  }
0xb5: {  	[dreg:$0x3] =	wrdreg s16  }
0xb6: {  	[dreg:$0x4] =	wrdreg $0x9  }
0xb7: {  	_ =	task.clear_ibuf [dreg:s7], $0x5FFFF;
	_ =	strace $0x90000046  }
0xb8: {  	s29 =	simm.s32 $0x9;
	_ =	strace $0x80000048  }
0xb9: {  	_ =	swait.ge [sflag:s29], $0x1  }
0xba: {  	[sflag:s29] =	ssyncadd.s32 $0xFFFFFFFF  }
0xbb: {  	_ =	strace $0x90000048  }
0xbc: {  	_ =	sfence  }
0xbd: {  	s30 =	sld [smem:$0x0];
	_ =	sdelay $0x2  }
0xbe: {  	s31 =	sshll.u32 s1, $0xD;
	s1 =	sshrl.u32 s1, $0x2  }
0xbf: {  	s3 =	sand.u32 $0x4000, s31;
	s1 =	sadd.s32 s1, s30  }
0xc0: {  	s0 =	sor.u32 s3, s0;
	s1 =	sshll.u32 s1, $0x11  }
0xc1: {  	s0 =	sor.u32 s1, s0  }
0xc2: {  	s0 =	sadd.s32 $0x8F2B, s0  }
0xc3: {  	[sflag:s0] =	ssyncadd.remote.s32 $0x1  }
0xc4: {  	_ =	sfence.sel $0xFFFF  }
0xc5: {  	[dreg:$0x0] =	wrdreg $0xFFFFFFFF;
	(pc) =	sbr.abs _section_cstart, $3  }
0xc6: {  	[dreg:$0x1] =	wrdreg $0xFFFFFFFF  }
0xc7: {  	_ =	task.clear_ibuf [dreg:s7], $0x2FFFF;
	_ =	strace $0x9FFFFFFF  }
0xc8: {  	(tm) =	ssettm $0x7FFFFFFF  }
0xc9: {  	_ =	shalt  }
tec
execute0_lowered:
.L_overlay_start_1:
0x0: {  	(tag) =	ssettag $0x1  }
0x1: {  	s4 =	rddreg [dreg:$0x0]  }
0x2: {  	s5 =	rddreg [dreg:$0x1]  }
0x3: {  	s1 =	stileid.u32;
	s2 =	srdreg.scid  }
0x4: {  	s0 =	rddreg [dreg:$0x2];
	s11 =	simm.s32 $0x9400;
	s12 =	simm.s32 $0xD400  }
0x5: {  	s13 =	simm.s32 $0x1;
	s14 =	simm.s32 $0x0;
	s3 =	sand.u32 $0x1, s2  }
0x6: {  	s6 =	sshll.u32 s1, $0x1;
	s2 =	simm.s32 $0x0;
	s7 =	smul.u32 $0x28000, s1  }
0x7: {  	s6 =	sor.u32 s3, s6;
	[smem:$0x7FF] =	sst s2;
	s10 =	smul.u32 $0x14000, s3  }
0x8: {  	s8 =	ssub.s32 $0x2, s3;
	s3 =	sadd.s32 $0x2000, s4;
	s6 =	smul.u32 $0x280, s6  }
0x9: {  	_ =	strace $0x80000047;
	s9 =	sshrl.u32 s8, $0x1;
	s7 =	sadd.s32 s7, s4  }
0xa: {  	s8 =	ssub.s32 s8, s9;
	s31 =	sadd.s32 s10, s7;
	s7 =	simm.s32 $0x2  }
0xb: {  	s9 =	simm.s32 $0x1400;
	s10 =	simm.s32 $0x5400;
	s4 =	sadd.s32 s5, s6  }
0xc: {  	s5 =	smax.u32 s8, $0x1;
	s6 =	sadd.s32 $0x402000, s31;
	s8 =	simm.s32 $0x80  }
.LBB2_1:
0xd: {  	[tilespmem:s2], [sflag:$0x2] =	stream.linear.gather [hbm4b:s4+s2], $0x1400, $0x38;
	[tilespmem:$0x11400] =	vst v63  }
0xe: {  	_ =	swait.ge [sflag:s7], $0x1400  }
0xf: {  	[sflag:s7] =	ssyncset.done $0x0  }
0x10: {  	[sflag:s7] =	ssyncadd.s32 $0xFFFFEC00  }
0x11: {  	[tilespmem:s9], [sflag:$0x1] =	stream.indirect.gather [hbm4b:s3+s8], $0x80, s2, s8, $0xb8;
	[tilespmem:$0x11400] =	vst v63  }
0x12: {  	s15 =	simm.s32 $0x80  }
0x13: {  	[tilespmem:s10], [sflag:$0x1] =	stream.indirect.gather [hbm4b:s3+s8], $0x80, s15, s8, $0xb8;
	[tilespmem:$0x11400] =	vst v63  }
0x14: {  	s29 =	simm.s32 $0x100  }
0x15: {  	[tilespmem:s11], [sflag:$0x1] =	stream.indirect.gather [hbm4b:s3+s8], $0x80, s29, s8, $0xb8;
	[tilespmem:$0x11400] =	vst v63  }
0x16: {  	s30 =	simm.s32 $0x180  }
0x17: {  	[tilespmem:s12], [sflag:$0x1] =	stream.indirect.gather [hbm4b:s3+s8], $0x80, s30, s8, $0xb8;
	[tilespmem:$0x11400] =	vst v63  }
0x18: {  	_ =	swait.ge [sflag:s13], $0x4000  }
0x19: {  	[sflag:s13] =	ssyncset.done $0x0  }
0x1a: {  	[sflag:s13] =	ssyncadd.s32 $0xFFFFC000  }
0x1b: {  	_ =	swait.ge [sflag:s13], $0x4000  }
0x1c: {  	[sflag:s13] =	ssyncset.done $0x0  }
0x1d: {  	[sflag:s13] =	ssyncadd.s32 $0xFFFFC000  }
0x1e: {  	_ =	swait.ge [sflag:s13], $0x4000  }
0x1f: {  	[sflag:s13] =	ssyncset.done $0x0  }
0x20: {  	[sflag:s13] =	ssyncadd.s32 $0xFFFFC000  }
0x21: {  	_ =	swait.ge [sflag:s13], $0x4000  }
0x22: {  	[sflag:s13] =	ssyncset.done $0x0  }
0x23: {  	s31 =	sadd.s32 $0x0, s6;
	[sflag:s13] =	ssyncadd.s32 $0xFFFFC000  }
0x24: {  	[hbm4b:s31+s2] =	stream.linear.scatter [tilespmem:s9], [sflag:$0x2], $0x10000, $0x38;
	[tilespmem:$0x11400] =	vst v63  }
0x25: {  	_ =	swait.ge [sflag:s7], $0x10000  }
0x26: {  	s16 =	simm.s32 $0x0;
	s15 =	simm.s32 $0x2000;
	[sflag:s7] =	ssyncset.done $0x0  }
.LBB2_2:
0x27: {  	p0 =	sne.s32 s15, $0x12000;
	[sflag:s7] =	ssyncadd.s32 $0xFFFF0000;
	s16 =	sadd.s32 $0x200, s16  }
0x28: {  	[tilespmem:s9], [sflag:$0x1] =	stream.indirect.gather [hbm4b:s3+s8], $0x80, s16, s8, $0xb8;
	[tilespmem:$0x11400] =	vst v63  }
0x29: {  	s18 =	smov.u32 s15;
	s15 =	sadd.s32 $0x2000, s15;
	s17 =	sadd.s32 $0x80, s16  }
0x2a: {  	[tilespmem:s10], [sflag:$0x1] =	stream.indirect.gather [hbm4b:s3+s8], $0x80, s17, s8, $0xb8;
	[tilespmem:$0x11400] =	vst v63  }
0x2b: {  	s17 =	sadd.s32 $0x100, s16  }
0x2c: {  	[tilespmem:s11], [sflag:$0x1] =	stream.indirect.gather [hbm4b:s3+s8], $0x80, s17, s8, $0xb8;
	[tilespmem:$0x11400] =	vst v63  }
0x2d: {  	s17 =	sadd.s32 $0x180, s16  }
0x2e: {  	[tilespmem:s12], [sflag:$0x1] =	stream.indirect.gather [hbm4b:s3+s8], $0x80, s17, s8, $0xb8;
	[tilespmem:$0x11400] =	vst v63  }
0x2f: {  	_ =	swait.ge [sflag:s13], $0x4000  }
0x30: {  	[sflag:s13] =	ssyncset.done $0x0  }
0x31: {  	[sflag:s13] =	ssyncadd.s32 $0xFFFFC000  }
0x32: {  	_ =	swait.ge [sflag:s13], $0x4000  }
0x33: {  	[sflag:s13] =	ssyncset.done $0x0  }
0x34: {  	[sflag:s13] =	ssyncadd.s32 $0xFFFFC000  }
0x35: {  	_ =	swait.ge [sflag:s13], $0x4000  }
0x36: {  	[sflag:s13] =	ssyncset.done $0x0  }
0x37: {  	[sflag:s13] =	ssyncadd.s32 $0xFFFFC000  }
0x38: {  	_ =	swait.ge [sflag:s13], $0x4000  }
.Ltmp0:
0x39: {  	[sflag:s13] =	ssyncset.done $0x0;
	(pc) =	sbr.rel @p0 .LBB2_2-.Ltmp0, $4  }
0x3a: {  	s17 =	sadd.s32 s18, s6;
	[sflag:s13] =	ssyncadd.s32 $0xFFFFC000  }
0x3b: {  	[hbm4b:s17+s2] =	stream.linear.scatter [tilespmem:s9], [sflag:$0x2], $0x10000, $0x38;
	[tilespmem:$0x11400] =	vst v63  }
0x3c: {  	_ =	swait.ge [sflag:s7], $0x10000  }
0x3d: {  	[sflag:s7] =	ssyncset.done $0x0  }
0x3e: {  	s14 =	sadd.s32 $0x1, s14  }
0x3f: {  	p0 =	sne.s32 s14, s5  }
.Ltmp1:
0x40: {  	_ = 	snop;
	(pc) =	sbr.rel @p0 .LBB2_1-.Ltmp1, $2  }
0x41: {  	_ =	sdelay $0x2  }
0x42: {  	[sflag:s7] =	ssyncadd.s32 $0xFFFF0000  }
0x43: {  	_ =	sfence.sel $0x180000  }
0x44: {  	[bflag:$0x0] =	sbarrier.arrive $0xFFFF  }
0x45: {  	p0 =	sne.s32 s1, $0x0;
	_ =	strace $0x90000047  }
0x46: {  	s0 =	sadd.s32 @!p0 $0x100000, s0;
	[bflag:$0x2] =	sbarrier.arrive $0xFFFF  }
0x47: {  	[sflag:s0] =	ssyncadd.tile.s32 @!p0 $0x1;
	_ =	shalt  }
.Lfunc_end2:
_tile_overlayer_lowered:
.L_overlay_start_2:
0x48: {  	(tag) =	ssettag $0x2  }
0x49: {  	s0 =	rddreg [dreg:$0x0];
	s2 =	stileid.u32  }
0x4a: {  	s1 =	rddreg [dreg:$0x1];
	p0 =	sne.s32 s2, $0x0  }
0x4b: {  	s3 =	rddreg [dreg:$0x2];
	[bflag:$0x3] =	sbarrier.arrive $0xFFFF;
	s2 =	simm.s32 @!p0 $0x1C02  }
0x4c: {  	[timem:s3], [sflag:s2] =	dma.local @!p0 [hbm:s0], s1  }
0x4d: {  	s0 =	simm.s32 @!p0 $0x2  }
0x4e: {  	_ =	swait.ge @!p0 [sflag:s0], s1  }
0x4f: {  	s1 =	ssub.s32 @!p0 $0x0, s1;
	[sflag:s0] =	ssyncset.done @!p0 $0x0  }
0x50: {  	[sflag:s0] =	ssyncadd.s32 @!p0 s1  }
0x51: {  	[bflag:$0x3] =	sbarrier.arrive $0xFFFF  }
0x52: {  	_ =	shalt  }

// kernel: kernel.14.cloned.1.call-start
scs
__scs_entry_jumppad:
0x0: {  	(pc) =	sbr.rel $0x88, $3  }
0x1: {  	(tag) =	ssettag $0x0;
	lr =	simm.s32 $0x1  }
0x2: {  	[smem:$0x3F97] =	sst lr;
	_ =	strace $0xD0000000  }
0x3: {  	_ = 	snop  }
0x4: {  	_ = 	snop  }
0x5: {  	_ = 	snop  }
0x6: {  	_ = 	snop  }
0x7: {  	_ = 	snop  }
__scs_overlays_trampoline_lowered:
0x8: {  	[smem:$0x3FA6] =	sst s0  }
0x9: {  	[smem:$0x3FA7] =	sst s1  }
0xa: {  	[smem:$0x3FA8] =	sst s2  }
0xb: {  	[smem:$0x3FA9] =	sst s3  }
0xc: {  	[smem:$0x3FAA] =	sst s4  }
0xd: {  	[smem:$0x3FAB] =	sst s5  }
0xe: {  	[smem:$0x3FAC] =	sst s6  }
0xf: {  	[smem:$0x3FAD] =	sst s7  }
0x10: {  	[smem:$0x3FAE] =	sst s8  }
0x11: {  	[smem:$0x3FAF] =	sst s9;
	s0 =	simm.s32 @!p0 $0x0  }
0x12: {  	s1 =	sld [smem:$0x3F95];
	s0 =	simm.s32 @p0 $0x1  }
0x13: {  	[smem:$0x3FB0] =	sst s0;
	s0 =	simm.s32 @!p1 $0x0  }
0x14: {  	s2 =	sld [smem:$0x3F94];
	s0 =	simm.s32 @p1 $0x1  }
0x15: {  	[smem:$0x3FB1] =	sst s0;
	s0 =	simm.s32 @!p2 $0x0  }
0x16: {  	s3 =	sld [smem:$0x3FDB];
	s0 =	simm.s32 @p2 $0x1  }
0x17: {  	s4 =	simm.s32 $0x1BF5;
	[smem:$0x3FB3] =	sst s0  }
0x18: {  	s0 =	sld [smem:$0x3F96];
	_ =	swait.ge [sflag:s4], $0x0  }
0x19: {  	s7 =	sld [smem:$0x3F97]  }
0x1a: {  	s8 =	sadd.s32 $0xFFFFE003, lr  }
0x1b: {  	s9 =	sadd.s32 $0xFFFFFEF7, lr;
	s5 =	simm.s32 $0xFFFFFFFF;
	p2 =	slt.u32 s8, $0xFFFFF086  }
0x1c: {  	p1 =	slt.u32 s9, $0xF7A;
	s5 =	simm.s32 @!p2 $0x0  }
0x1d: {  	s5 =	simm.s32 @p1 $0x1;
	p0 =	seq.s32 s7, s2  }
0x1e: {  	s7 =	smul.u32 @!p0 $0xF7A, s2;
	p2 =	seq.s32 @!p0 s5, $0x0  }
0x1f: {  	s9 =	smul.u32 $0xF7A, s1;
	s8 =	simm.s32 @!p0 $0x1BF5;
	p2 =	por !p2, p0  }
0x20: {  	[sflag:s8] =	ssyncset.s32 @!p0 $0xFFFFF086;
	s6 =	sadd.s32 @!p0 s3, s7;
	s7 =	simm.s32 @!p0 $0x108  }
0x21: {  	s3 =	sadd.s32 s3, s9;
	s6 =	sadd.s32 @!p0 $0x88, s6;
	s7 =	simm.s32 @p2 $0x1082  }
0x22: {  	[simem:s7], [sflag:s8] =	dma.local @!p0 [hbm:s6], $0xF7A  }
0x23: {  	s9 =	sor.u32 $0xD0000000, s2;
	s6 =	simm.s32 $0x108;
	_ =	swait.ge @!p0 [sflag:s8], $0x0  }
0x24: {  	s3 =	sadd.s32 $0x88, s3;
	s6 =	simm.s32 @!p1 $0x1082;
	[sflag:s4] =	ssyncset.s32 $0xFFFFF086  }
0x25: {  	[simem:s6], [sflag:s4] =	dma.local [hbm:s3], $0xF7A  }
0x26: {  	[smem:$0x3F97] =	sst s1;
	(tag) =	ssettag s2;
	_ =	strace s9  }
0x27: {  	s1 =	sld [smem:$0x3FA7]  }
0x28: {  	s2 =	sld [smem:$0x3FA8]  }
0x29: {  	s4 =	sld [smem:$0x3FAA]  }
0x2a: {  	p0 =	seq.s32 s5, $0x0;
	s5 =	sld [smem:$0x3FAB]  }
0x2b: {  	s6 =	sld [smem:$0x3FAC]  }
0x2c: {  	s7 =	sld [smem:$0x3FAD]  }
0x2d: {  	s3 =	simm.s32 $0x108;
	s8 =	sld [smem:$0x3FAE]  }
0x2e: {  	s3 =	simm.s32 @!p0 $0x1082;
	s9 =	sld [smem:$0x3FAF]  }
0x2f: {  	lr =	sadd.s32 s0, s3;
	s0 =	sld [smem:$0x3FA6]  }
0x30: {  	s3 =	sld [smem:$0x3FA9]  }
0x31: {  	[smem:$0x3FB2] =	sst s10  }
0x32: {  	s10 =	sld [smem:$0x3FB0];
	_ =	sdelay $0x3  }
0x33: {  	p0 =	seq.s32 s10, $0x1;
	s10 =	sld [smem:$0x3FB2];
	_ =	sdelay $0x3  }
0x34: {  	[smem:$0x3FB2] =	sst s10  }
0x35: {  	s10 =	sld [smem:$0x3FB1];
	_ =	sdelay $0x3  }
0x36: {  	p1 =	seq.s32 s10, $0x1;
	s10 =	sld [smem:$0x3FB2];
	_ =	sdelay $0x3  }
0x37: {  	[smem:$0x3FB2] =	sst s10  }
0x38: {  	s10 =	sld [smem:$0x3FB3]  }
0x39: {  	_ = 	snop;
	(pc) =	sbr.ind lr, $3  }
0x3a: {  	_ = 	snop  }
0x3b: {  	_ = 	snop  }
0x3c: {  	p2 =	seq.s32 s10, $0x1;
	s10 =	sld [smem:$0x3FB2]  }
0x3d: {  	_ =	shalt  }
0x3e: {  	_ =	shalt  }
0x3f: {  	_ =	shalt  }
0x40: {  	_ =	shalt  }
0x41: {  	_ =	shalt  }
0x42: {  	_ =	shalt  }
0x43: {  	_ =	shalt  }
0x44: {  	_ =	shalt  }
0x45: {  	_ =	shalt  }
0x46: {  	_ =	shalt  }
0x47: {  	_ =	shalt  }
0x48: {  	_ =	shalt  }
0x49: {  	_ =	shalt  }
0x4a: {  	_ =	shalt  }
0x4b: {  	_ =	shalt  }
0x4c: {  	_ =	shalt  }
0x4d: {  	_ =	shalt  }
0x4e: {  	_ =	shalt  }
0x4f: {  	_ =	shalt  }
0x50: {  	_ =	shalt  }
0x51: {  	_ =	shalt  }
0x52: {  	_ =	shalt  }
0x53: {  	_ =	shalt  }
0x54: {  	_ =	shalt  }
0x55: {  	_ =	shalt  }
0x56: {  	_ =	shalt  }
0x57: {  	_ =	shalt  }
0x58: {  	_ =	shalt  }
0x59: {  	_ =	shalt  }
0x5a: {  	_ =	shalt  }
0x5b: {  	_ =	shalt  }
0x5c: {  	_ =	shalt  }
0x5d: {  	_ =	shalt  }
0x5e: {  	_ =	shalt  }
0x5f: {  	_ =	shalt  }
0x60: {  	_ =	shalt  }
0x61: {  	_ =	shalt  }
0x62: {  	_ =	shalt  }
0x63: {  	_ =	shalt  }
0x64: {  	_ =	shalt  }
0x65: {  	_ =	shalt  }
0x66: {  	_ =	shalt  }
0x67: {  	_ =	shalt  }
0x68: {  	_ =	shalt  }
0x69: {  	_ =	shalt  }
0x6a: {  	_ =	shalt  }
0x6b: {  	_ =	shalt  }
0x6c: {  	_ =	shalt  }
0x6d: {  	_ =	shalt  }
0x6e: {  	_ =	shalt  }
0x6f: {  	_ =	shalt  }
0x70: {  	_ =	shalt  }
0x71: {  	_ =	shalt  }
0x72: {  	_ =	shalt  }
0x73: {  	_ =	shalt  }
0x74: {  	_ =	shalt  }
0x75: {  	_ =	shalt  }
0x76: {  	_ =	shalt  }
0x77: {  	_ =	shalt  }
0x78: {  	_ =	shalt  }
0x79: {  	_ =	shalt  }
0x7a: {  	_ =	shalt  }
0x7b: {  	_ =	shalt  }
0x7c: {  	_ =	shalt  }
0x7d: {  	_ =	shalt  }
0x7e: {  	_ =	shalt  }
0x7f: {  	_ =	shalt  }
0x80: {  	_ =	shalt  }
0x81: {  	_ =	shalt  }
0x82: {  	_ =	shalt  }
0x83: {  	_ =	shalt  }
0x84: {  	_ =	shalt  }
0x85: {  	_ =	shalt  }
0x86: {  	_ =	shalt  }
0x87: {  	_ =	shalt  }
.Lfunc_end0:
.L_simem_size_0:
called_computation.1_lowered:
.L_overlay_start_0:
0x88: {  	s2 =	sld [smem:$0x3FD9]  }
0x89: {  	s3 =	sld [smem:$0x3FFE];
	_ =	sdelay $0x1  }
0x8a: {  	s1 =	srdreg.scid  }
0x8b: {  	s0 =	sand.u32 $0x1, s1  }
0x8c: {  	s17 =	sshll.u32 s0, $0xA;
	s2 =	sadd.s32 s3, s2  }
0x8d: {  	s2 =	sadd.s32 s2, s17  }
0x8e: {  	[smem:$0x3FBE] =	sst s2  }
0x8f: {  	_ = 	snop  }
0x90: {  	(tm) =	ssettm $0x1  }
0x91: {  	s18 =	sld [smem:$0x3FFB];
	_ =	sdelay $0x3  }
0x92: {  	_ =	strace s18  }
0x93: {  	s2 =	sld [smem:$0x3FFC];
	_ =	sdelay $0x3  }
0x94: {  	_ =	strace s2  }
0x95: {  	s2 =	sld [smem:$0x3FFD];
	_ =	sdelay $0x3  }
0x96: {  	_ =	strace s2  }
0x97: {  	_ =	strace $0x8FFFFFFF  }
0x98: {  	s19 =	sld [smem:$0x3FDB];
	_ =	sdelay $0x1  }
0x99: {  	s20 =	simm.s32 $_scs_section_size  }
0x9a: {  	s4 =	simm.s32 $_size__tile_overlayer_lowered;
	s5 =	simm.s32 $_tile_overlayer_lowered  }
0x9b: {  	s6 =	simm.s32 $0x1BFF;
	s21 =	sshll.u32 s5, $0x1;
	s3 =	sadd.s32 s20, s19  }
0x9c: {  	s22 =	simm.s32 $0x0;
	s4 =	sshll.u32 s4, $0x1;
	s5 =	sadd.s32 s21, s3  }
0x9d: {  	[timem:s22], [sflag:s6] =	dma.local [hbm:s5], s4  }
0x9e: {  	_ =	swait.ge [sflag:s6], s4  }
0x9f: {  	s4 =	ssub.s32 $0x0, s4;
	[sflag:s6] =	ssyncset.done $0x0  }
0xa0: {  	[sflag:s6] =	ssyncadd.s32 s4;
	_ =	sdelay $0x1  }
0xa1: {  	s23 =	simm.s32 $0x1B8B  }
0xa2: {  	_ =	swait.ge [sflag:s23], $0x1  }
0xa3: {  	[sflag:s23] =	ssyncset.done $0x0  }
0xa4: {  	[sflag:s23] =	ssyncadd.s32 $0xFFFFFFFF  }
0xa5: {  	s4 =	sld [smem:$0x0]  }
0xa6: {  	s5 =	sand.u32 $0xFFFFFFFE, s1  }
0xa7: {  	p0 =	sne.s32 s1, s5  }
0xa8: {  	s5 =	sshll.u32 @p0 s5, $0xE  }
0xa9: {  	s5 =	sadd.s32 @p0 $0x11B8D, s5;
	s6 =	sshll.u32 @p0 s4, $0x11  }
0xaa: {  	s5 =	sor.u32 @p0 s6, s5  }
0xab: {  	[sflag:s5] =	ssyncadd.remote.s32 @p0 $0x1;
	_ =	sdelay $0x1  }
0xac: {  	s5 =	simm.s32 @p0 $0x1B8D  }
0xad: {  	_ =	swait.eq @p0 [sflag:s5], $0x1  }
0xae: {  	[sflag:s5] =	ssyncadd.s32 @p0 $0xFFFFFFFF  }
0xaf: {  	s6 =	sshll.u32 @!p0 s1, $0xE  }
0xb0: {  	s6 =	sor.u32 @!p0 $0x4000, s6;
	s5 =	simm.s32 @!p0 $0x1B8D  }
0xb1: {  	s4 =	sshll.u32 @!p0 s4, $0x11;
	s6 =	sadd.s32 @!p0 $0x11B8D, s6;
	_ =	swait.eq @!p0 [sflag:s5], $0x1  }
0xb2: {  	s4 =	sor.u32 @!p0 s4, s6;
	[sflag:s5] =	ssyncadd.s32 @!p0 $0xFFFFFFFF  }
0xb3: {  	s25 =	simm.s32 $0x1B8E;
	s24 =	sld [smem:$0x3FFE];
	[sflag:s4] =	ssyncadd.remote.s32 @!p0 $0x1  }
0xb4: {  	s26 =	simm.s32 $execute0_lowered;
	[smem:$0x3FD2] =	sst s25  }
0xb5: {  	s5 =	sshll.u32 s26, $0x1;
	_ =	strace $0x80000049;
	[dreg:$0x1] =	wrdreg $0xFFFFFFFF  }
0xb6: {  	s28 =	simm.s32 $_size_execute0_lowered;
	s3 =	sadd.s32 s3, s5;
	[dreg:$0x0] =	wrdreg $0x0  }
0xb7: {  	s5 =	sshll.u32 s28, $0x1;
	[dreg:$0x2] =	wrdreg s3  }
0xb8: {  	[dreg:$0x3] =	wrdreg s5  }
0xb9: {  	[dreg:$0x4] =	wrdreg $0xC0  }
0xba: {  	_ =	task [dreg:s22], $0x5FFFF  }
0xbb: {  	[dreg:$0x1] =	wrdreg $0xFFFFFFFF  }
0xbc: {  	[dreg:$0x0] =	wrdreg $0x60  }
0xbd: {  	[dreg:$0x2] =	wrdreg s24  }
0xbe: {  	[dreg:$0x3] =	wrdreg $0xA  }
0xbf: {  	_ =	task.clear_ibuf [dreg:s22], $0x4FFFF;
	_ =	strace $0x90000049  }
0xc0: {  	s29 =	simm.s32 $0xA;
	_ =	strace $0x8000004B  }
0xc1: {  	_ =	swait.ge [sflag:s29], $0x1  }
0xc2: {  	[sflag:s29] =	ssyncadd.s32 $0xFFFFFFFF  }
0xc3: {  	_ =	strace $0x9000004B  }
0xc4: {  	_ =	sfence  }
0xc5: {  	s30 =	sld [smem:$0x0];
	_ =	sdelay $0x2  }
0xc6: {  	s31 =	sshll.u32 s1, $0xD;
	s1 =	sshrl.u32 s1, $0x2  }
0xc7: {  	s4 =	sand.u32 $0x4000, s31;
	s1 =	sadd.s32 s1, s30  }
0xc8: {  	s0 =	sor.u32 s4, s0;
	s1 =	sshll.u32 s1, $0x11  }
0xc9: {  	s0 =	sor.u32 s1, s0  }
0xca: {  	s0 =	sadd.s32 $0x8F2B, s0  }
0xcb: {  	[sflag:s0] =	ssyncadd.remote.s32 $0x1  }
0xcc: {  	_ =	sfence.sel $0xFFFF  }
0xcd: {  	[dreg:$0x0] =	wrdreg $0xFFFFFFFF;
	(pc) =	sbr.abs _section_cstart, $3  }
0xce: {  	[dreg:$0x1] =	wrdreg $0xFFFFFFFF  }
0xcf: {  	_ =	task.clear_ibuf [dreg:s22], $0x2FFFF;
	_ =	strace $0x9FFFFFFF  }
0xd0: {  	(tm) =	ssettm $0x7FFFFFFF  }
0xd1: {  	_ =	shalt  }
tec
execute0_lowered:
.L_overlay_start_1:
0x0: {  	(tag) =	ssettag $0x1  }
0x1: {  	s1 =	srdreg.scid  }
0x2: {  	s0 =	stileid.u32;
	s4 =	rddreg [dreg:$0x0];
	s2 =	simm.s32 $0x0  }
0x3: {  	s11 =	simm.s32 $0x9400;
	s12 =	simm.s32 $0xD400;
	s13 =	simm.s32 $0x1  }
0x4: {  	s14 =	simm.s32 $0x0;
	s5 =	sand.u32 $0x1, s1;
	s1 =	rddreg [dreg:$0x1]  }
0x5: {  	s3 =	sshll.u32 s0, $0x1;
	[smem:$0x7FF] =	sst s2;
	s7 =	smul.u32 $0x28000, s0  }
0x6: {  	s3 =	sor.u32 s5, s3;
	_ =	strace $0x8000004A;
	s10 =	smul.u32 $0x14000, s5  }
0x7: {  	s8 =	ssub.s32 $0x2, s5;
	s6 =	smul.u32 $0x280, s3;
	s3 =	sadd.s32 $0x2000, s4  }
0x8: {  	s9 =	sshrl.u32 s8, $0x1;
	s30 =	sadd.s32 s7, s4;
	s7 =	simm.s32 $0x2  }
0x9: {  	s31 =	ssub.s32 s8, s9;
	s8 =	simm.s32 $0x80;
	s9 =	simm.s32 $0x1400  }
0xa: {  	s29 =	sadd.s32 s6, s4;
	s5 =	smax.u32 s31, $0x1;
	s6 =	sadd.s32 s10, s30  }
0xb: {  	s10 =	simm.s32 $0x5400;
	s4 =	sadd.s32 $0x682000, s29;
	s6 =	sadd.s32 $0x68C000, s6  }
.LBB2_1:
0xc: {  	[tilespmem:s2], [sflag:$0x2] =	stream.linear.gather [hbm4b:s4+s2], $0x1400, $0x38;
	[tilespmem:$0x11400] =	vst v63  }
0xd: {  	_ =	swait.ge [sflag:s7], $0x1400  }
0xe: {  	[sflag:s7] =	ssyncset.done $0x0  }
0xf: {  	[sflag:s7] =	ssyncadd.s32 $0xFFFFEC00  }
0x10: {  	[tilespmem:s9], [sflag:$0x1] =	stream.indirect.gather [hbm4b:s3+s8], $0x80, s2, s8, $0xb8;
	[tilespmem:$0x11400] =	vst v63  }
0x11: {  	s15 =	simm.s32 $0x80  }
0x12: {  	[tilespmem:s10], [sflag:$0x1] =	stream.indirect.gather [hbm4b:s3+s8], $0x80, s15, s8, $0xb8;
	[tilespmem:$0x11400] =	vst v63  }
0x13: {  	s29 =	simm.s32 $0x100  }
0x14: {  	[tilespmem:s11], [sflag:$0x1] =	stream.indirect.gather [hbm4b:s3+s8], $0x80, s29, s8, $0xb8;
	[tilespmem:$0x11400] =	vst v63  }
0x15: {  	s30 =	simm.s32 $0x180  }
0x16: {  	[tilespmem:s12], [sflag:$0x1] =	stream.indirect.gather [hbm4b:s3+s8], $0x80, s30, s8, $0xb8;
	[tilespmem:$0x11400] =	vst v63  }
0x17: {  	_ =	swait.ge [sflag:s13], $0x4000  }
0x18: {  	[sflag:s13] =	ssyncset.done $0x0  }
0x19: {  	[sflag:s13] =	ssyncadd.s32 $0xFFFFC000  }
0x1a: {  	_ =	swait.ge [sflag:s13], $0x4000  }
0x1b: {  	[sflag:s13] =	ssyncset.done $0x0  }
0x1c: {  	[sflag:s13] =	ssyncadd.s32 $0xFFFFC000  }
0x1d: {  	_ =	swait.ge [sflag:s13], $0x4000  }
0x1e: {  	[sflag:s13] =	ssyncset.done $0x0  }
0x1f: {  	[sflag:s13] =	ssyncadd.s32 $0xFFFFC000  }
0x20: {  	_ =	swait.ge [sflag:s13], $0x4000  }
0x21: {  	[sflag:s13] =	ssyncset.done $0x0  }
0x22: {  	s31 =	sadd.s32 $0x0, s6;
	[sflag:s13] =	ssyncadd.s32 $0xFFFFC000  }
0x23: {  	[hbm4b:s31+s2] =	stream.linear.scatter [tilespmem:s9], [sflag:$0x2], $0x10000, $0x38;
	[tilespmem:$0x11400] =	vst v63  }
0x24: {  	_ =	swait.ge [sflag:s7], $0x10000  }
0x25: {  	s16 =	simm.s32 $0x0;
	s15 =	simm.s32 $0x2000;
	[sflag:s7] =	ssyncset.done $0x0  }
.LBB2_2:
0x26: {  	p0 =	sne.s32 s15, $0x12000;
	[sflag:s7] =	ssyncadd.s32 $0xFFFF0000;
	s16 =	sadd.s32 $0x200, s16  }
0x27: {  	[tilespmem:s9], [sflag:$0x1] =	stream.indirect.gather [hbm4b:s3+s8], $0x80, s16, s8, $0xb8;
	[tilespmem:$0x11400] =	vst v63  }
0x28: {  	s18 =	smov.u32 s15;
	s15 =	sadd.s32 $0x2000, s15;
	s17 =	sadd.s32 $0x80, s16  }
0x29: {  	[tilespmem:s10], [sflag:$0x1] =	stream.indirect.gather [hbm4b:s3+s8], $0x80, s17, s8, $0xb8;
	[tilespmem:$0x11400] =	vst v63  }
0x2a: {  	s17 =	sadd.s32 $0x100, s16  }
0x2b: {  	[tilespmem:s11], [sflag:$0x1] =	stream.indirect.gather [hbm4b:s3+s8], $0x80, s17, s8, $0xb8;
	[tilespmem:$0x11400] =	vst v63  }
0x2c: {  	s17 =	sadd.s32 $0x180, s16  }
0x2d: {  	[tilespmem:s12], [sflag:$0x1] =	stream.indirect.gather [hbm4b:s3+s8], $0x80, s17, s8, $0xb8;
	[tilespmem:$0x11400] =	vst v63  }
0x2e: {  	_ =	swait.ge [sflag:s13], $0x4000  }
0x2f: {  	[sflag:s13] =	ssyncset.done $0x0  }
0x30: {  	[sflag:s13] =	ssyncadd.s32 $0xFFFFC000  }
0x31: {  	_ =	swait.ge [sflag:s13], $0x4000  }
0x32: {  	[sflag:s13] =	ssyncset.done $0x0  }
0x33: {  	[sflag:s13] =	ssyncadd.s32 $0xFFFFC000  }
0x34: {  	_ =	swait.ge [sflag:s13], $0x4000  }
0x35: {  	[sflag:s13] =	ssyncset.done $0x0  }
0x36: {  	[sflag:s13] =	ssyncadd.s32 $0xFFFFC000  }
0x37: {  	_ =	swait.ge [sflag:s13], $0x4000  }
.Ltmp0:
0x38: {  	[sflag:s13] =	ssyncset.done $0x0;
	(pc) =	sbr.rel @p0 .LBB2_2-.Ltmp0, $4  }
0x39: {  	s17 =	sadd.s32 s18, s6;
	[sflag:s13] =	ssyncadd.s32 $0xFFFFC000  }
0x3a: {  	[hbm4b:s17+s2] =	stream.linear.scatter [tilespmem:s9], [sflag:$0x2], $0x10000, $0x38;
	[tilespmem:$0x11400] =	vst v63  }
0x3b: {  	_ =	swait.ge [sflag:s7], $0x10000  }
0x3c: {  	[sflag:s7] =	ssyncset.done $0x0  }
0x3d: {  	s14 =	sadd.s32 $0x1, s14  }
0x3e: {  	p0 =	sne.s32 s14, s5  }
.Ltmp1:
0x3f: {  	_ = 	snop;
	(pc) =	sbr.rel @p0 .LBB2_1-.Ltmp1, $2  }
0x40: {  	_ =	sdelay $0x2  }
0x41: {  	[sflag:s7] =	ssyncadd.s32 $0xFFFF0000  }
0x42: {  	_ =	sfence.sel $0x180000  }
0x43: {  	[bflag:$0x0] =	sbarrier.arrive $0xFFFF  }
0x44: {  	p0 =	sne.s32 s0, $0x0;
	_ =	strace $0x9000004A  }
0x45: {  	s0 =	sadd.s32 @!p0 $0x100000, s1;
	[bflag:$0x2] =	sbarrier.arrive $0xFFFF  }
0x46: {  	[sflag:s0] =	ssyncadd.tile.s32 @!p0 $0x1;
	_ =	shalt  }
.Lfunc_end2:
_tile_overlayer_lowered:
.L_overlay_start_2:
0x47: {  	(tag) =	ssettag $0x2  }
0x48: {  	s0 =	rddreg [dreg:$0x0];
	s2 =	stileid.u32  }
0x49: {  	s1 =	rddreg [dreg:$0x1];
	p0 =	sne.s32 s2, $0x0  }
0x4a: {  	s3 =	rddreg [dreg:$0x2];
	[bflag:$0x3] =	sbarrier.arrive $0xFFFF;
	s2 =	simm.s32 @!p0 $0x1C02  }
0x4b: {  	[timem:s3], [sflag:s2] =	dma.local @!p0 [hbm:s0], s1  }
0x4c: {  	s0 =	simm.s32 @!p0 $0x2  }
0x4d: {  	_ =	swait.ge @!p0 [sflag:s0], s1  }
0x4e: {  	s1 =	ssub.s32 @!p0 $0x0, s1;
	[sflag:s0] =	ssyncset.done @!p0 $0x0  }
0x4f: {  	[sflag:s0] =	ssyncadd.s32 @!p0 s1  }
0x50: {  	[bflag:$0x3] =	sbarrier.arrive $0xFFFF  }
0x51: {  	_ =	shalt  }

// kernel: kernel.17.cloned.1.call-start
scs
__scs_entry_jumppad:
0x0: {  	(pc) =	sbr.rel $0x88, $3  }
0x1: {  	(tag) =	ssettag $0x0;
	lr =	simm.s32 $0x1  }
0x2: {  	[smem:$0x3F97] =	sst lr;
	_ =	strace $0xD0000000  }
0x3: {  	_ = 	snop  }
0x4: {  	_ = 	snop  }
0x5: {  	_ = 	snop  }
0x6: {  	_ = 	snop  }
0x7: {  	_ = 	snop  }
__scs_overlays_trampoline_lowered:
0x8: {  	[smem:$0x3FA6] =	sst s0  }
0x9: {  	[smem:$0x3FA7] =	sst s1  }
0xa: {  	[smem:$0x3FA8] =	sst s2  }
0xb: {  	[smem:$0x3FA9] =	sst s3  }
0xc: {  	[smem:$0x3FAA] =	sst s4  }
0xd: {  	[smem:$0x3FAB] =	sst s5  }
0xe: {  	[smem:$0x3FAC] =	sst s6  }
0xf: {  	[smem:$0x3FAD] =	sst s7  }
0x10: {  	[smem:$0x3FAE] =	sst s8  }
0x11: {  	[smem:$0x3FAF] =	sst s9;
	s0 =	simm.s32 @!p0 $0x0  }
0x12: {  	s1 =	sld [smem:$0x3F95];
	s0 =	simm.s32 @p0 $0x1  }
0x13: {  	[smem:$0x3FB0] =	sst s0;
	s0 =	simm.s32 @!p1 $0x0  }
0x14: {  	s2 =	sld [smem:$0x3F94];
	s0 =	simm.s32 @p1 $0x1  }
0x15: {  	[smem:$0x3FB1] =	sst s0;
	s0 =	simm.s32 @!p2 $0x0  }
0x16: {  	s3 =	sld [smem:$0x3FDB];
	s0 =	simm.s32 @p2 $0x1  }
0x17: {  	s4 =	simm.s32 $0x1BF5;
	[smem:$0x3FB3] =	sst s0  }
0x18: {  	s0 =	sld [smem:$0x3F96];
	_ =	swait.ge [sflag:s4], $0x0  }
0x19: {  	s7 =	sld [smem:$0x3F97]  }
0x1a: {  	s8 =	sadd.s32 $0xFFFFE003, lr  }
0x1b: {  	s9 =	sadd.s32 $0xFFFFFEF7, lr;
	s5 =	simm.s32 $0xFFFFFFFF;
	p2 =	slt.u32 s8, $0xFFFFF086  }
0x1c: {  	p1 =	slt.u32 s9, $0xF7A;
	s5 =	simm.s32 @!p2 $0x0  }
0x1d: {  	s5 =	simm.s32 @p1 $0x1;
	p0 =	seq.s32 s7, s2  }
0x1e: {  	s7 =	smul.u32 @!p0 $0xF7A, s2;
	p2 =	seq.s32 @!p0 s5, $0x0  }
0x1f: {  	s9 =	smul.u32 $0xF7A, s1;
	s8 =	simm.s32 @!p0 $0x1BF5;
	p2 =	por !p2, p0  }
0x20: {  	[sflag:s8] =	ssyncset.s32 @!p0 $0xFFFFF086;
	s6 =	sadd.s32 @!p0 s3, s7;
	s7 =	simm.s32 @!p0 $0x108  }
0x21: {  	s3 =	sadd.s32 s3, s9;
	s6 =	sadd.s32 @!p0 $0x88, s6;
	s7 =	simm.s32 @p2 $0x1082  }
0x22: {  	[simem:s7], [sflag:s8] =	dma.local @!p0 [hbm:s6], $0xF7A  }
0x23: {  	s9 =	sor.u32 $0xD0000000, s2;
	s6 =	simm.s32 $0x108;
	_ =	swait.ge @!p0 [sflag:s8], $0x0  }
0x24: {  	s3 =	sadd.s32 $0x88, s3;
	s6 =	simm.s32 @!p1 $0x1082;
	[sflag:s4] =	ssyncset.s32 $0xFFFFF086  }
0x25: {  	[simem:s6], [sflag:s4] =	dma.local [hbm:s3], $0xF7A  }
0x26: {  	[smem:$0x3F97] =	sst s1;
	(tag) =	ssettag s2;
	_ =	strace s9  }
0x27: {  	s1 =	sld [smem:$0x3FA7]  }
0x28: {  	s2 =	sld [smem:$0x3FA8]  }
0x29: {  	s4 =	sld [smem:$0x3FAA]  }
0x2a: {  	p0 =	seq.s32 s5, $0x0;
	s5 =	sld [smem:$0x3FAB]  }
0x2b: {  	s6 =	sld [smem:$0x3FAC]  }
0x2c: {  	s7 =	sld [smem:$0x3FAD]  }
0x2d: {  	s3 =	simm.s32 $0x108;
	s8 =	sld [smem:$0x3FAE]  }
0x2e: {  	s3 =	simm.s32 @!p0 $0x1082;
	s9 =	sld [smem:$0x3FAF]  }
0x2f: {  	lr =	sadd.s32 s0, s3;
	s0 =	sld [smem:$0x3FA6]  }
0x30: {  	s3 =	sld [smem:$0x3FA9]  }
0x31: {  	[smem:$0x3FB2] =	sst s10  }
0x32: {  	s10 =	sld [smem:$0x3FB0];
	_ =	sdelay $0x3  }
0x33: {  	p0 =	seq.s32 s10, $0x1;
	s10 =	sld [smem:$0x3FB2];
	_ =	sdelay $0x3  }
0x34: {  	[smem:$0x3FB2] =	sst s10  }
0x35: {  	s10 =	sld [smem:$0x3FB1];
	_ =	sdelay $0x3  }
0x36: {  	p1 =	seq.s32 s10, $0x1;
	s10 =	sld [smem:$0x3FB2];
	_ =	sdelay $0x3  }
0x37: {  	[smem:$0x3FB2] =	sst s10  }
0x38: {  	s10 =	sld [smem:$0x3FB3]  }
0x39: {  	_ = 	snop;
	(pc) =	sbr.ind lr, $3  }
0x3a: {  	_ = 	snop  }
0x3b: {  	_ = 	snop  }
0x3c: {  	p2 =	seq.s32 s10, $0x1;
	s10 =	sld [smem:$0x3FB2]  }
0x3d: {  	_ =	shalt  }
0x3e: {  	_ =	shalt  }
0x3f: {  	_ =	shalt  }
0x40: {  	_ =	shalt  }
0x41: {  	_ =	shalt  }
0x42: {  	_ =	shalt  }
0x43: {  	_ =	shalt  }
0x44: {  	_ =	shalt  }
0x45: {  	_ =	shalt  }
0x46: {  	_ =	shalt  }
0x47: {  	_ =	shalt  }
0x48: {  	_ =	shalt  }
0x49: {  	_ =	shalt  }
0x4a: {  	_ =	shalt  }
0x4b: {  	_ =	shalt  }
0x4c: {  	_ =	shalt  }
0x4d: {  	_ =	shalt  }
0x4e: {  	_ =	shalt  }
0x4f: {  	_ =	shalt  }
0x50: {  	_ =	shalt  }
0x51: {  	_ =	shalt  }
0x52: {  	_ =	shalt  }
0x53: {  	_ =	shalt  }
0x54: {  	_ =	shalt  }
0x55: {  	_ =	shalt  }
0x56: {  	_ =	shalt  }
0x57: {  	_ =	shalt  }
0x58: {  	_ =	shalt  }
0x59: {  	_ =	shalt  }
0x5a: {  	_ =	shalt  }
0x5b: {  	_ =	shalt  }
0x5c: {  	_ =	shalt  }
0x5d: {  	_ =	shalt  }
0x5e: {  	_ =	shalt  }
0x5f: {  	_ =	shalt  }
0x60: {  	_ =	shalt  }
0x61: {  	_ =	shalt  }
0x62: {  	_ =	shalt  }
0x63: {  	_ =	shalt  }
0x64: {  	_ =	shalt  }
0x65: {  	_ =	shalt  }
0x66: {  	_ =	shalt  }
0x67: {  	_ =	shalt  }
0x68: {  	_ =	shalt  }
0x69: {  	_ =	shalt  }
0x6a: {  	_ =	shalt  }
0x6b: {  	_ =	shalt  }
0x6c: {  	_ =	shalt  }
0x6d: {  	_ =	shalt  }
0x6e: {  	_ =	shalt  }
0x6f: {  	_ =	shalt  }
0x70: {  	_ =	shalt  }
0x71: {  	_ =	shalt  }
0x72: {  	_ =	shalt  }
0x73: {  	_ =	shalt  }
0x74: {  	_ =	shalt  }
0x75: {  	_ =	shalt  }
0x76: {  	_ =	shalt  }
0x77: {  	_ =	shalt  }
0x78: {  	_ =	shalt  }
0x79: {  	_ =	shalt  }
0x7a: {  	_ =	shalt  }
0x7b: {  	_ =	shalt  }
0x7c: {  	_ =	shalt  }
0x7d: {  	_ =	shalt  }
0x7e: {  	_ =	shalt  }
0x7f: {  	_ =	shalt  }
0x80: {  	_ =	shalt  }
0x81: {  	_ =	shalt  }
0x82: {  	_ =	shalt  }
0x83: {  	_ =	shalt  }
0x84: {  	_ =	shalt  }
0x85: {  	_ =	shalt  }
0x86: {  	_ =	shalt  }
0x87: {  	_ =	shalt  }
.Lfunc_end0:
.L_simem_size_0:
called_computation.2_lowered:
.L_overlay_start_0:
0x88: {  	s2 =	sld [smem:$0x3FD9]  }
0x89: {  	s3 =	sld [smem:$0x3FFE];
	_ =	sdelay $0x1  }
0x8a: {  	s1 =	srdreg.scid  }
0x8b: {  	s0 =	sand.u32 $0x1, s1  }
0x8c: {  	s17 =	sshll.u32 s0, $0xA;
	s2 =	sadd.s32 s3, s2  }
0x8d: {  	s2 =	sadd.s32 s2, s17  }
0x8e: {  	[smem:$0x3FBE] =	sst s2  }
0x8f: {  	_ = 	snop  }
0x90: {  	(tm) =	ssettm $0x1  }
0x91: {  	s18 =	sld [smem:$0x3FFB];
	_ =	sdelay $0x3  }
0x92: {  	_ =	strace s18  }
0x93: {  	s2 =	sld [smem:$0x3FFC];
	_ =	sdelay $0x3  }
0x94: {  	_ =	strace s2  }
0x95: {  	s2 =	sld [smem:$0x3FFD];
	_ =	sdelay $0x3  }
0x96: {  	_ =	strace s2  }
0x97: {  	_ =	strace $0x8FFFFFFF  }
0x98: {  	s19 =	sld [smem:$0x3FDB];
	_ =	sdelay $0x1  }
0x99: {  	s20 =	simm.s32 $_scs_section_size  }
0x9a: {  	s4 =	simm.s32 $_size__tile_overlayer_lowered;
	s5 =	simm.s32 $_tile_overlayer_lowered  }
0x9b: {  	s6 =	simm.s32 $0x1BFF;
	s21 =	sshll.u32 s5, $0x1;
	s3 =	sadd.s32 s20, s19  }
0x9c: {  	s22 =	simm.s32 $0x0;
	s4 =	sshll.u32 s4, $0x1;
	s5 =	sadd.s32 s21, s3  }
0x9d: {  	[timem:s22], [sflag:s6] =	dma.local [hbm:s5], s4  }
0x9e: {  	_ =	swait.ge [sflag:s6], s4  }
0x9f: {  	s4 =	ssub.s32 $0x0, s4;
	[sflag:s6] =	ssyncset.done $0x0  }
0xa0: {  	[sflag:s6] =	ssyncadd.s32 s4;
	_ =	sdelay $0x1  }
0xa1: {  	s23 =	simm.s32 $0x1B8B  }
0xa2: {  	_ =	swait.ge [sflag:s23], $0x1  }
0xa3: {  	[sflag:s23] =	ssyncset.done $0x0  }
0xa4: {  	[sflag:s23] =	ssyncadd.s32 $0xFFFFFFFF  }
0xa5: {  	s4 =	sld [smem:$0x0]  }
0xa6: {  	s5 =	sand.u32 $0xFFFFFFFE, s1  }
0xa7: {  	p0 =	sne.s32 s1, s5  }
0xa8: {  	s5 =	sshll.u32 @p0 s5, $0xE  }
0xa9: {  	s5 =	sadd.s32 @p0 $0x11B8D, s5;
	s6 =	sshll.u32 @p0 s4, $0x11  }
0xaa: {  	s5 =	sor.u32 @p0 s6, s5  }
0xab: {  	[sflag:s5] =	ssyncadd.remote.s32 @p0 $0x1;
	_ =	sdelay $0x1  }
0xac: {  	s5 =	simm.s32 @p0 $0x1B8D  }
0xad: {  	_ =	swait.eq @p0 [sflag:s5], $0x1  }
0xae: {  	[sflag:s5] =	ssyncadd.s32 @p0 $0xFFFFFFFF  }
0xaf: {  	s6 =	sshll.u32 @!p0 s1, $0xE  }
0xb0: {  	s6 =	sor.u32 @!p0 $0x4000, s6;
	s5 =	simm.s32 @!p0 $0x1B8D  }
0xb1: {  	s4 =	sshll.u32 @!p0 s4, $0x11;
	s6 =	sadd.s32 @!p0 $0x11B8D, s6;
	_ =	swait.eq @!p0 [sflag:s5], $0x1  }
0xb2: {  	s4 =	sor.u32 @!p0 s4, s6;
	[sflag:s5] =	ssyncadd.s32 @!p0 $0xFFFFFFFF  }
0xb3: {  	s25 =	simm.s32 $0x1B8E;
	s24 =	sld [smem:$0x3FFE];
	[sflag:s4] =	ssyncadd.remote.s32 @!p0 $0x1  }
0xb4: {  	s26 =	simm.s32 $execute0_lowered;
	[smem:$0x3FD2] =	sst s25  }
0xb5: {  	s5 =	sshll.u32 s26, $0x1;
	_ =	strace $0x8000004C;
	[dreg:$0x1] =	wrdreg $0xFFFFFFFF  }
0xb6: {  	s28 =	simm.s32 $_size_execute0_lowered;
	s3 =	sadd.s32 s3, s5;
	[dreg:$0x0] =	wrdreg $0x0  }
0xb7: {  	s5 =	sshll.u32 s28, $0x1;
	[dreg:$0x2] =	wrdreg s3  }
0xb8: {  	[dreg:$0x3] =	wrdreg s5  }
0xb9: {  	[dreg:$0x4] =	wrdreg $0xC0  }
0xba: {  	_ =	task [dreg:s22], $0x5FFFF  }
0xbb: {  	[dreg:$0x1] =	wrdreg $0xFFFFFFFF  }
0xbc: {  	[dreg:$0x0] =	wrdreg $0x60  }
0xbd: {  	[dreg:$0x2] =	wrdreg s24  }
0xbe: {  	[dreg:$0x3] =	wrdreg $0xB  }
0xbf: {  	_ =	task.clear_ibuf [dreg:s22], $0x4FFFF;
	_ =	strace $0x9000004C  }
0xc0: {  	s29 =	simm.s32 $0xB;
	_ =	strace $0x8000004E  }
0xc1: {  	_ =	swait.ge [sflag:s29], $0x1  }
0xc2: {  	[sflag:s29] =	ssyncadd.s32 $0xFFFFFFFF  }
0xc3: {  	_ =	strace $0x9000004E  }
0xc4: {  	_ =	sfence  }
0xc5: {  	s30 =	sld [smem:$0x0];
	_ =	sdelay $0x2  }
0xc6: {  	s31 =	sshll.u32 s1, $0xD;
	s1 =	sshrl.u32 s1, $0x2  }
0xc7: {  	s4 =	sand.u32 $0x4000, s31;
	s1 =	sadd.s32 s1, s30  }
0xc8: {  	s0 =	sor.u32 s4, s0;
	s1 =	sshll.u32 s1, $0x11  }
0xc9: {  	s0 =	sor.u32 s1, s0  }
0xca: {  	s0 =	sadd.s32 $0x8F2B, s0  }
0xcb: {  	[sflag:s0] =	ssyncadd.remote.s32 $0x1  }
0xcc: {  	_ =	sfence.sel $0xFFFF  }
0xcd: {  	[dreg:$0x0] =	wrdreg $0xFFFFFFFF;
	(pc) =	sbr.abs _section_cstart, $3  }
0xce: {  	[dreg:$0x1] =	wrdreg $0xFFFFFFFF  }
0xcf: {  	_ =	task.clear_ibuf [dreg:s22], $0x2FFFF;
	_ =	strace $0x9FFFFFFF  }
0xd0: {  	(tm) =	ssettm $0x7FFFFFFF  }
0xd1: {  	_ =	shalt  }
tec
execute0_lowered:
.L_overlay_start_1:
0x0: {  	(tag) =	ssettag $0x1  }
0x1: {  	s1 =	srdreg.scid  }
0x2: {  	s0 =	stileid.u32;
	s4 =	rddreg [dreg:$0x0];
	s2 =	simm.s32 $0x0  }
0x3: {  	s11 =	simm.s32 $0x9400;
	s12 =	simm.s32 $0xD400;
	s13 =	simm.s32 $0x1  }
0x4: {  	s14 =	simm.s32 $0x0;
	s5 =	sand.u32 $0x1, s1;
	s1 =	rddreg [dreg:$0x1]  }
0x5: {  	s3 =	sshll.u32 s0, $0x1;
	[smem:$0x7FF] =	sst s2;
	s7 =	smul.u32 $0x28000, s0  }
0x6: {  	s3 =	sor.u32 s5, s3;
	_ =	strace $0x8000004D;
	s10 =	smul.u32 $0x14000, s5  }
0x7: {  	s8 =	ssub.s32 $0x2, s5;
	s6 =	smul.u32 $0x280, s3;
	s3 =	sadd.s32 $0x2000, s4  }
0x8: {  	s9 =	sshrl.u32 s8, $0x1;
	s30 =	sadd.s32 s7, s4;
	s7 =	simm.s32 $0x2  }
0x9: {  	s31 =	ssub.s32 s8, s9;
	s8 =	simm.s32 $0x80;
	s9 =	simm.s32 $0x1400  }
0xa: {  	s29 =	sadd.s32 s6, s4;
	s5 =	smax.u32 s31, $0x1;
	s6 =	sadd.s32 s10, s30  }
0xb: {  	s10 =	simm.s32 $0x5400;
	s4 =	sadd.s32 $0x687000, s29;
	s6 =	sadd.s32 $0x90C000, s6  }
.LBB2_1:
0xc: {  	[tilespmem:s2], [sflag:$0x2] =	stream.linear.gather [hbm4b:s4+s2], $0x1400, $0x38;
	[tilespmem:$0x11400] =	vst v63  }
0xd: {  	_ =	swait.ge [sflag:s7], $0x1400  }
0xe: {  	[sflag:s7] =	ssyncset.done $0x0  }
0xf: {  	[sflag:s7] =	ssyncadd.s32 $0xFFFFEC00  }
0x10: {  	[tilespmem:s9], [sflag:$0x1] =	stream.indirect.gather [hbm4b:s3+s8], $0x80, s2, s8, $0xb8;
	[tilespmem:$0x11400] =	vst v63  }
0x11: {  	s15 =	simm.s32 $0x80  }
0x12: {  	[tilespmem:s10], [sflag:$0x1] =	stream.indirect.gather [hbm4b:s3+s8], $0x80, s15, s8, $0xb8;
	[tilespmem:$0x11400] =	vst v63  }
0x13: {  	s29 =	simm.s32 $0x100  }
0x14: {  	[tilespmem:s11], [sflag:$0x1] =	stream.indirect.gather [hbm4b:s3+s8], $0x80, s29, s8, $0xb8;
	[tilespmem:$0x11400] =	vst v63  }
0x15: {  	s30 =	simm.s32 $0x180  }
0x16: {  	[tilespmem:s12], [sflag:$0x1] =	stream.indirect.gather [hbm4b:s3+s8], $0x80, s30, s8, $0xb8;
	[tilespmem:$0x11400] =	vst v63  }
0x17: {  	_ =	swait.ge [sflag:s13], $0x4000  }
0x18: {  	[sflag:s13] =	ssyncset.done $0x0  }
0x19: {  	[sflag:s13] =	ssyncadd.s32 $0xFFFFC000  }
0x1a: {  	_ =	swait.ge [sflag:s13], $0x4000  }
0x1b: {  	[sflag:s13] =	ssyncset.done $0x0  }
0x1c: {  	[sflag:s13] =	ssyncadd.s32 $0xFFFFC000  }
0x1d: {  	_ =	swait.ge [sflag:s13], $0x4000  }
0x1e: {  	[sflag:s13] =	ssyncset.done $0x0  }
0x1f: {  	[sflag:s13] =	ssyncadd.s32 $0xFFFFC000  }
0x20: {  	_ =	swait.ge [sflag:s13], $0x4000  }
0x21: {  	[sflag:s13] =	ssyncset.done $0x0  }
0x22: {  	s31 =	sadd.s32 $0x0, s6;
	[sflag:s13] =	ssyncadd.s32 $0xFFFFC000  }
0x23: {  	[hbm4b:s31+s2] =	stream.linear.scatter [tilespmem:s9], [sflag:$0x2], $0x10000, $0x38;
	[tilespmem:$0x11400] =	vst v63  }
0x24: {  	_ =	swait.ge [sflag:s7], $0x10000  }
0x25: {  	s16 =	simm.s32 $0x0;
	s15 =	simm.s32 $0x2000;
	[sflag:s7] =	ssyncset.done $0x0  }
.LBB2_2:
0x26: {  	p0 =	sne.s32 s15, $0x12000;
	[sflag:s7] =	ssyncadd.s32 $0xFFFF0000;
	s16 =	sadd.s32 $0x200, s16  }
0x27: {  	[tilespmem:s9], [sflag:$0x1] =	stream.indirect.gather [hbm4b:s3+s8], $0x80, s16, s8, $0xb8;
	[tilespmem:$0x11400] =	vst v63  }
0x28: {  	s18 =	smov.u32 s15;
	s15 =	sadd.s32 $0x2000, s15;
	s17 =	sadd.s32 $0x80, s16  }
0x29: {  	[tilespmem:s10], [sflag:$0x1] =	stream.indirect.gather [hbm4b:s3+s8], $0x80, s17, s8, $0xb8;
	[tilespmem:$0x11400] =	vst v63  }
0x2a: {  	s17 =	sadd.s32 $0x100, s16  }
0x2b: {  	[tilespmem:s11], [sflag:$0x1] =	stream.indirect.gather [hbm4b:s3+s8], $0x80, s17, s8, $0xb8;
	[tilespmem:$0x11400] =	vst v63  }
0x2c: {  	s17 =	sadd.s32 $0x180, s16  }
0x2d: {  	[tilespmem:s12], [sflag:$0x1] =	stream.indirect.gather [hbm4b:s3+s8], $0x80, s17, s8, $0xb8;
	[tilespmem:$0x11400] =	vst v63  }
0x2e: {  	_ =	swait.ge [sflag:s13], $0x4000  }
0x2f: {  	[sflag:s13] =	ssyncset.done $0x0  }
0x30: {  	[sflag:s13] =	ssyncadd.s32 $0xFFFFC000  }
0x31: {  	_ =	swait.ge [sflag:s13], $0x4000  }
0x32: {  	[sflag:s13] =	ssyncset.done $0x0  }
0x33: {  	[sflag:s13] =	ssyncadd.s32 $0xFFFFC000  }
0x34: {  	_ =	swait.ge [sflag:s13], $0x4000  }
0x35: {  	[sflag:s13] =	ssyncset.done $0x0  }
0x36: {  	[sflag:s13] =	ssyncadd.s32 $0xFFFFC000  }
0x37: {  	_ =	swait.ge [sflag:s13], $0x4000  }
.Ltmp0:
0x38: {  	[sflag:s13] =	ssyncset.done $0x0;
	(pc) =	sbr.rel @p0 .LBB2_2-.Ltmp0, $4  }
0x39: {  	s17 =	sadd.s32 s18, s6;
	[sflag:s13] =	ssyncadd.s32 $0xFFFFC000  }
0x3a: {  	[hbm4b:s17+s2] =	stream.linear.scatter [tilespmem:s9], [sflag:$0x2], $0x10000, $0x38;
	[tilespmem:$0x11400] =	vst v63  }
0x3b: {  	_ =	swait.ge [sflag:s7], $0x10000  }
0x3c: {  	[sflag:s7] =	ssyncset.done $0x0  }
0x3d: {  	s14 =	sadd.s32 $0x1, s14  }
0x3e: {  	p0 =	sne.s32 s14, s5  }
.Ltmp1:
0x3f: {  	_ = 	snop;
	(pc) =	sbr.rel @p0 .LBB2_1-.Ltmp1, $2  }
0x40: {  	_ =	sdelay $0x2  }
0x41: {  	[sflag:s7] =	ssyncadd.s32 $0xFFFF0000  }
0x42: {  	_ =	sfence.sel $0x180000  }
0x43: {  	[bflag:$0x0] =	sbarrier.arrive $0xFFFF  }
0x44: {  	p0 =	sne.s32 s0, $0x0;
	_ =	strace $0x9000004D  }
0x45: {  	s0 =	sadd.s32 @!p0 $0x100000, s1;
	[bflag:$0x2] =	sbarrier.arrive $0xFFFF  }
0x46: {  	[sflag:s0] =	ssyncadd.tile.s32 @!p0 $0x1;
	_ =	shalt  }
.Lfunc_end2:
_tile_overlayer_lowered:
.L_overlay_start_2:
0x47: {  	(tag) =	ssettag $0x2  }
0x48: {  	s0 =	rddreg [dreg:$0x0];
	s2 =	stileid.u32  }
0x49: {  	s1 =	rddreg [dreg:$0x1];
	p0 =	sne.s32 s2, $0x0  }
0x4a: {  	s3 =	rddreg [dreg:$0x2];
	[bflag:$0x3] =	sbarrier.arrive $0xFFFF;
	s2 =	simm.s32 @!p0 $0x1C02  }
0x4b: {  	[timem:s3], [sflag:s2] =	dma.local @!p0 [hbm:s0], s1  }
0x4c: {  	s0 =	simm.s32 @!p0 $0x2  }
0x4d: {  	_ =	swait.ge @!p0 [sflag:s0], s1  }
0x4e: {  	s1 =	ssub.s32 @!p0 $0x0, s1;
	[sflag:s0] =	ssyncset.done @!p0 $0x0  }
0x4f: {  	[sflag:s0] =	ssyncadd.s32 @!p0 s1  }
0x50: {  	[bflag:$0x3] =	sbarrier.arrive $0xFFFF  }
0x51: {  	_ =	shalt  }

// kernel: kernel.20.cloned.1.call-start
scs
__scs_entry_jumppad:
0x0: {  	(pc) =	sbr.rel $0x88, $3  }
0x1: {  	(tag) =	ssettag $0x0;
	lr =	simm.s32 $0x1  }
0x2: {  	[smem:$0x3F97] =	sst lr;
	_ =	strace $0xD0000000  }
0x3: {  	_ = 	snop  }
0x4: {  	_ = 	snop  }
0x5: {  	_ = 	snop  }
0x6: {  	_ = 	snop  }
0x7: {  	_ = 	snop  }
__scs_overlays_trampoline_lowered:
0x8: {  	[smem:$0x3FA6] =	sst s0  }
0x9: {  	[smem:$0x3FA7] =	sst s1  }
0xa: {  	[smem:$0x3FA8] =	sst s2  }
0xb: {  	[smem:$0x3FA9] =	sst s3  }
0xc: {  	[smem:$0x3FAA] =	sst s4  }
0xd: {  	[smem:$0x3FAB] =	sst s5  }
0xe: {  	[smem:$0x3FAC] =	sst s6  }
0xf: {  	[smem:$0x3FAD] =	sst s7  }
0x10: {  	[smem:$0x3FAE] =	sst s8  }
0x11: {  	[smem:$0x3FAF] =	sst s9;
	s0 =	simm.s32 @!p0 $0x0  }
0x12: {  	s1 =	sld [smem:$0x3F95];
	s0 =	simm.s32 @p0 $0x1  }
0x13: {  	[smem:$0x3FB0] =	sst s0;
	s0 =	simm.s32 @!p1 $0x0  }
0x14: {  	s2 =	sld [smem:$0x3F94];
	s0 =	simm.s32 @p1 $0x1  }
0x15: {  	[smem:$0x3FB1] =	sst s0;
	s0 =	simm.s32 @!p2 $0x0  }
0x16: {  	s3 =	sld [smem:$0x3FDB];
	s0 =	simm.s32 @p2 $0x1  }
0x17: {  	s4 =	simm.s32 $0x1BF5;
	[smem:$0x3FB3] =	sst s0  }
0x18: {  	s0 =	sld [smem:$0x3F96];
	_ =	swait.ge [sflag:s4], $0x0  }
0x19: {  	s7 =	sld [smem:$0x3F97]  }
0x1a: {  	s8 =	sadd.s32 $0xFFFFE003, lr  }
0x1b: {  	s9 =	sadd.s32 $0xFFFFFEF7, lr;
	s5 =	simm.s32 $0xFFFFFFFF;
	p2 =	slt.u32 s8, $0xFFFFF086  }
0x1c: {  	p1 =	slt.u32 s9, $0xF7A;
	s5 =	simm.s32 @!p2 $0x0  }
0x1d: {  	s5 =	simm.s32 @p1 $0x1;
	p0 =	seq.s32 s7, s2  }
0x1e: {  	s7 =	smul.u32 @!p0 $0xF7A, s2;
	p2 =	seq.s32 @!p0 s5, $0x0  }
0x1f: {  	s9 =	smul.u32 $0xF7A, s1;
	s8 =	simm.s32 @!p0 $0x1BF5;
	p2 =	por !p2, p0  }
0x20: {  	[sflag:s8] =	ssyncset.s32 @!p0 $0xFFFFF086;
	s6 =	sadd.s32 @!p0 s3, s7;
	s7 =	simm.s32 @!p0 $0x108  }
0x21: {  	s3 =	sadd.s32 s3, s9;
	s6 =	sadd.s32 @!p0 $0x88, s6;
	s7 =	simm.s32 @p2 $0x1082  }
0x22: {  	[simem:s7], [sflag:s8] =	dma.local @!p0 [hbm:s6], $0xF7A  }
0x23: {  	s9 =	sor.u32 $0xD0000000, s2;
	s6 =	simm.s32 $0x108;
	_ =	swait.ge @!p0 [sflag:s8], $0x0  }
0x24: {  	s3 =	sadd.s32 $0x88, s3;
	s6 =	simm.s32 @!p1 $0x1082;
	[sflag:s4] =	ssyncset.s32 $0xFFFFF086  }
0x25: {  	[simem:s6], [sflag:s4] =	dma.local [hbm:s3], $0xF7A  }
0x26: {  	[smem:$0x3F97] =	sst s1;
	(tag) =	ssettag s2;
	_ =	strace s9  }
0x27: {  	s1 =	sld [smem:$0x3FA7]  }
0x28: {  	s2 =	sld [smem:$0x3FA8]  }
0x29: {  	s4 =	sld [smem:$0x3FAA]  }
0x2a: {  	p0 =	seq.s32 s5, $0x0;
	s5 =	sld [smem:$0x3FAB]  }
0x2b: {  	s6 =	sld [smem:$0x3FAC]  }
0x2c: {  	s7 =	sld [smem:$0x3FAD]  }
0x2d: {  	s3 =	simm.s32 $0x108;
	s8 =	sld [smem:$0x3FAE]  }
0x2e: {  	s3 =	simm.s32 @!p0 $0x1082;
	s9 =	sld [smem:$0x3FAF]  }
0x2f: {  	lr =	sadd.s32 s0, s3;
	s0 =	sld [smem:$0x3FA6]  }
0x30: {  	s3 =	sld [smem:$0x3FA9]  }
0x31: {  	[smem:$0x3FB2] =	sst s10  }
0x32: {  	s10 =	sld [smem:$0x3FB0];
	_ =	sdelay $0x3  }
0x33: {  	p0 =	seq.s32 s10, $0x1;
	s10 =	sld [smem:$0x3FB2];
	_ =	sdelay $0x3  }
0x34: {  	[smem:$0x3FB2] =	sst s10  }
0x35: {  	s10 =	sld [smem:$0x3FB1];
	_ =	sdelay $0x3  }
0x36: {  	p1 =	seq.s32 s10, $0x1;
	s10 =	sld [smem:$0x3FB2];
	_ =	sdelay $0x3  }
0x37: {  	[smem:$0x3FB2] =	sst s10  }
0x38: {  	s10 =	sld [smem:$0x3FB3]  }
0x39: {  	_ = 	snop;
	(pc) =	sbr.ind lr, $3  }
0x3a: {  	_ = 	snop  }
0x3b: {  	_ = 	snop  }
0x3c: {  	p2 =	seq.s32 s10, $0x1;
	s10 =	sld [smem:$0x3FB2]  }
0x3d: {  	_ =	shalt  }
0x3e: {  	_ =	shalt  }
0x3f: {  	_ =	shalt  }
0x40: {  	_ =	shalt  }
0x41: {  	_ =	shalt  }
0x42: {  	_ =	shalt  }
0x43: {  	_ =	shalt  }
0x44: {  	_ =	shalt  }
0x45: {  	_ =	shalt  }
0x46: {  	_ =	shalt  }
0x47: {  	_ =	shalt  }
0x48: {  	_ =	shalt  }
0x49: {  	_ =	shalt  }
0x4a: {  	_ =	shalt  }
0x4b: {  	_ =	shalt  }
0x4c: {  	_ =	shalt  }
0x4d: {  	_ =	shalt  }
0x4e: {  	_ =	shalt  }
0x4f: {  	_ =	shalt  }
0x50: {  	_ =	shalt  }
0x51: {  	_ =	shalt  }
0x52: {  	_ =	shalt  }
0x53: {  	_ =	shalt  }
0x54: {  	_ =	shalt  }
0x55: {  	_ =	shalt  }
0x56: {  	_ =	shalt  }
0x57: {  	_ =	shalt  }
0x58: {  	_ =	shalt  }
0x59: {  	_ =	shalt  }
0x5a: {  	_ =	shalt  }
0x5b: {  	_ =	shalt  }
0x5c: {  	_ =	shalt  }
0x5d: {  	_ =	shalt  }
0x5e: {  	_ =	shalt  }
0x5f: {  	_ =	shalt  }
0x60: {  	_ =	shalt  }
0x61: {  	_ =	shalt  }
0x62: {  	_ =	shalt  }
0x63: {  	_ =	shalt  }
0x64: {  	_ =	shalt  }
0x65: {  	_ =	shalt  }
0x66: {  	_ =	shalt  }
0x67: {  	_ =	shalt  }
0x68: {  	_ =	shalt  }
0x69: {  	_ =	shalt  }
0x6a: {  	_ =	shalt  }
0x6b: {  	_ =	shalt  }
0x6c: {  	_ =	shalt  }
0x6d: {  	_ =	shalt  }
0x6e: {  	_ =	shalt  }
0x6f: {  	_ =	shalt  }
0x70: {  	_ =	shalt  }
0x71: {  	_ =	shalt  }
0x72: {  	_ =	shalt  }
0x73: {  	_ =	shalt  }
0x74: {  	_ =	shalt  }
0x75: {  	_ =	shalt  }
0x76: {  	_ =	shalt  }
0x77: {  	_ =	shalt  }
0x78: {  	_ =	shalt  }
0x79: {  	_ =	shalt  }
0x7a: {  	_ =	shalt  }
0x7b: {  	_ =	shalt  }
0x7c: {  	_ =	shalt  }
0x7d: {  	_ =	shalt  }
0x7e: {  	_ =	shalt  }
0x7f: {  	_ =	shalt  }
0x80: {  	_ =	shalt  }
0x81: {  	_ =	shalt  }
0x82: {  	_ =	shalt  }
0x83: {  	_ =	shalt  }
0x84: {  	_ =	shalt  }
0x85: {  	_ =	shalt  }
0x86: {  	_ =	shalt  }
0x87: {  	_ =	shalt  }
.Lfunc_end0:
.L_simem_size_0:
called_computation.3_lowered:
.L_overlay_start_0:
0x88: {  	s2 =	sld [smem:$0x3FD9]  }
0x89: {  	s3 =	sld [smem:$0x3FFE];
	_ =	sdelay $0x1  }
0x8a: {  	s1 =	srdreg.scid  }
0x8b: {  	s0 =	sand.u32 $0x1, s1  }
0x8c: {  	s17 =	sshll.u32 s0, $0xA;
	s2 =	sadd.s32 s3, s2  }
0x8d: {  	s2 =	sadd.s32 s2, s17  }
0x8e: {  	[smem:$0x3FBE] =	sst s2  }
0x8f: {  	_ = 	snop  }
0x90: {  	(tm) =	ssettm $0x1  }
0x91: {  	s18 =	sld [smem:$0x3FFB];
	_ =	sdelay $0x3  }
0x92: {  	_ =	strace s18  }
0x93: {  	s2 =	sld [smem:$0x3FFC];
	_ =	sdelay $0x3  }
0x94: {  	_ =	strace s2  }
0x95: {  	s2 =	sld [smem:$0x3FFD];
	_ =	sdelay $0x3  }
0x96: {  	_ =	strace s2  }
0x97: {  	_ =	strace $0x8FFFFFFF  }
0x98: {  	s19 =	sld [smem:$0x3FDB];
	_ =	sdelay $0x1  }
0x99: {  	s20 =	simm.s32 $_scs_section_size  }
0x9a: {  	s4 =	simm.s32 $_size__tile_overlayer_lowered;
	s5 =	simm.s32 $_tile_overlayer_lowered  }
0x9b: {  	s6 =	simm.s32 $0x1BFF;
	s21 =	sshll.u32 s5, $0x1;
	s3 =	sadd.s32 s20, s19  }
0x9c: {  	s22 =	simm.s32 $0x0;
	s4 =	sshll.u32 s4, $0x1;
	s5 =	sadd.s32 s21, s3  }
0x9d: {  	[timem:s22], [sflag:s6] =	dma.local [hbm:s5], s4  }
0x9e: {  	_ =	swait.ge [sflag:s6], s4  }
0x9f: {  	s4 =	ssub.s32 $0x0, s4;
	[sflag:s6] =	ssyncset.done $0x0  }
0xa0: {  	[sflag:s6] =	ssyncadd.s32 s4;
	_ =	sdelay $0x1  }
0xa1: {  	s23 =	simm.s32 $0x1B8B  }
0xa2: {  	_ =	swait.ge [sflag:s23], $0x1  }
0xa3: {  	[sflag:s23] =	ssyncset.done $0x0  }
0xa4: {  	[sflag:s23] =	ssyncadd.s32 $0xFFFFFFFF  }
0xa5: {  	s4 =	sld [smem:$0x0]  }
0xa6: {  	s5 =	sand.u32 $0xFFFFFFFE, s1  }
0xa7: {  	p0 =	sne.s32 s1, s5  }
0xa8: {  	s5 =	sshll.u32 @p0 s5, $0xE  }
0xa9: {  	s5 =	sadd.s32 @p0 $0x11B8D, s5;
	s6 =	sshll.u32 @p0 s4, $0x11  }
0xaa: {  	s5 =	sor.u32 @p0 s6, s5  }
0xab: {  	[sflag:s5] =	ssyncadd.remote.s32 @p0 $0x1;
	_ =	sdelay $0x1  }
0xac: {  	s5 =	simm.s32 @p0 $0x1B8D  }
0xad: {  	_ =	swait.eq @p0 [sflag:s5], $0x1  }
0xae: {  	[sflag:s5] =	ssyncadd.s32 @p0 $0xFFFFFFFF  }
0xaf: {  	s6 =	sshll.u32 @!p0 s1, $0xE  }
0xb0: {  	s6 =	sor.u32 @!p0 $0x4000, s6;
	s5 =	simm.s32 @!p0 $0x1B8D  }
0xb1: {  	s4 =	sshll.u32 @!p0 s4, $0x11;
	s6 =	sadd.s32 @!p0 $0x11B8D, s6;
	_ =	swait.eq @!p0 [sflag:s5], $0x1  }
0xb2: {  	s4 =	sor.u32 @!p0 s4, s6;
	[sflag:s5] =	ssyncadd.s32 @!p0 $0xFFFFFFFF  }
0xb3: {  	s25 =	simm.s32 $0x1B8E;
	s24 =	sld [smem:$0x3FFE];
	[sflag:s4] =	ssyncadd.remote.s32 @!p0 $0x1  }
0xb4: {  	s26 =	simm.s32 $execute0_lowered;
	[smem:$0x3FD2] =	sst s25  }
0xb5: {  	s5 =	sshll.u32 s26, $0x1;
	_ =	strace $0x8000004F;
	[dreg:$0x1] =	wrdreg $0xFFFFFFFF  }
0xb6: {  	s28 =	simm.s32 $_size_execute0_lowered;
	s3 =	sadd.s32 s3, s5;
	[dreg:$0x0] =	wrdreg $0x0  }
0xb7: {  	s5 =	sshll.u32 s28, $0x1;
	[dreg:$0x2] =	wrdreg s3  }
0xb8: {  	[dreg:$0x3] =	wrdreg s5  }
0xb9: {  	[dreg:$0x4] =	wrdreg $0xC0  }
0xba: {  	_ =	task [dreg:s22], $0x5FFFF  }
0xbb: {  	[dreg:$0x1] =	wrdreg $0xFFFFFFFF  }
0xbc: {  	[dreg:$0x0] =	wrdreg $0x60  }
0xbd: {  	[dreg:$0x2] =	wrdreg s24  }
0xbe: {  	[dreg:$0x3] =	wrdreg $0xC  }
0xbf: {  	_ =	task.clear_ibuf [dreg:s22], $0x4FFFF;
	_ =	strace $0x9000004F  }
0xc0: {  	s29 =	simm.s32 $0xC;
	_ =	strace $0x80000051  }
0xc1: {  	_ =	swait.ge [sflag:s29], $0x1  }
0xc2: {  	[sflag:s29] =	ssyncadd.s32 $0xFFFFFFFF  }
0xc3: {  	_ =	strace $0x90000051  }
0xc4: {  	_ =	sfence  }
0xc5: {  	s30 =	sld [smem:$0x0];
	_ =	sdelay $0x2  }
0xc6: {  	s31 =	sshll.u32 s1, $0xD;
	s1 =	sshrl.u32 s1, $0x2  }
0xc7: {  	s4 =	sand.u32 $0x4000, s31;
	s1 =	sadd.s32 s1, s30  }
0xc8: {  	s0 =	sor.u32 s4, s0;
	s1 =	sshll.u32 s1, $0x11  }
0xc9: {  	s0 =	sor.u32 s1, s0  }
0xca: {  	s0 =	sadd.s32 $0x8F2B, s0  }
0xcb: {  	[sflag:s0] =	ssyncadd.remote.s32 $0x1  }
0xcc: {  	_ =	sfence.sel $0xFFFF  }
0xcd: {  	[dreg:$0x0] =	wrdreg $0xFFFFFFFF;
	(pc) =	sbr.abs _section_cstart, $3  }
0xce: {  	[dreg:$0x1] =	wrdreg $0xFFFFFFFF  }
0xcf: {  	_ =	task.clear_ibuf [dreg:s22], $0x2FFFF;
	_ =	strace $0x9FFFFFFF  }
0xd0: {  	(tm) =	ssettm $0x7FFFFFFF  }
0xd1: {  	_ =	shalt  }
tec
execute0_lowered:
.L_overlay_start_1:
0x0: {  	(tag) =	ssettag $0x1  }
0x1: {  	s1 =	srdreg.scid  }
0x2: {  	s0 =	stileid.u32;
	s19 =	sand.u32 $0x1, s1  }
0x3: {  	s31 =	sshll.u32 s0, $0x2;
	s2 =	sshll.u32 s19, $0x1  }
0x4: {  	s14 =	rddreg [dreg:$0x0];
	s15 =	sor.u32 s2, s31  }
0x5: {  	s1 =	rddreg [dreg:$0x1];
	s2 =	simm.s32 $0x0;
	s3 =	sshll.u32 s15, $0x6  }
0x6: {  	[smem:$0x7FF] =	sst s2;
	s3 =	sadd.s32 s3, s14  }
0x7: {  	_ =	strace $0x80000050;
	s4 =	sadd.s32 $0xB8C000, s3;
	s3 =	simm.s32 $0x2  }
0x8: {  	[tilespmem:s2], [sflag:$0x2] =	stream.linear.gather [hbm4b:s4+s2], $0x400, $0x38;
	[tilespmem:$0x10400] =	vst v63  }
0x9: {  	_ =	swait.ge [sflag:s3], $0x400  }
0xa: {  	s6 =	simm.s32 $0x80;
	[sflag:s3] =	ssyncset.done $0x0  }
0xb: {  	s7 =	simm.s32 $0x400;
	s5 =	sadd.s32 $0x2000, s14;
	[sflag:s3] =	ssyncadd.s32 $0xFFFFFC00  }
0xc: {  	[tilespmem:s7], [sflag:$0x1] =	stream.indirect.gather [hbm4b:s5+s6], $0x80, s2, s6, $0xb8;
	[tilespmem:$0x10400] =	vst v63  }
0xd: {  	s8 =	simm.s32 $0x4400  }
0xe: {  	[tilespmem:s8], [sflag:$0x1] =	stream.indirect.gather [hbm4b:s5+s6], $0x80, s6, s6, $0xb8;
	[tilespmem:$0x10400] =	vst v63  }
0xf: {  	s9 =	simm.s32 $0x100;
	s10 =	simm.s32 $0x8400  }
0x10: {  	[tilespmem:s10], [sflag:$0x1] =	stream.indirect.gather [hbm4b:s5+s6], $0x80, s9, s6, $0xb8;
	[tilespmem:$0x10400] =	vst v63  }
0x11: {  	s11 =	simm.s32 $0x180;
	s12 =	simm.s32 $0xC400;
	s13 =	simm.s32 $0x1  }
0x12: {  	[tilespmem:s12], [sflag:$0x1] =	stream.indirect.gather [hbm4b:s5+s6], $0x80, s11, s6, $0xb8;
	[tilespmem:$0x10400] =	vst v63  }
0x13: {  	_ =	swait.ge [sflag:s13], $0x4000  }
0x14: {  	[sflag:s13] =	ssyncset.done $0x0  }
0x15: {  	[sflag:s13] =	ssyncadd.s32 $0xFFFFC000  }
0x16: {  	_ =	swait.ge [sflag:s13], $0x4000  }
0x17: {  	[sflag:s13] =	ssyncset.done $0x0  }
0x18: {  	[sflag:s13] =	ssyncadd.s32 $0xFFFFC000  }
0x19: {  	_ =	swait.ge [sflag:s13], $0x4000  }
0x1a: {  	[sflag:s13] =	ssyncset.done $0x0  }
0x1b: {  	[sflag:s13] =	ssyncadd.s32 $0xFFFFC000  }
0x1c: {  	s15 =	sshll.u32 s15, $0xD;
	_ =	swait.ge [sflag:s13], $0x4000  }
0x1d: {  	s20 =	sadd.s32 s15, s14;
	[sflag:s13] =	ssyncset.done $0x0  }
0x1e: {  	s14 =	sadd.s32 $0xB8D000, s20;
	[sflag:s13] =	ssyncadd.s32 $0xFFFFC000  }
0x1f: {  	[hbm4b:s14+s2] =	stream.linear.scatter [tilespmem:s7], [sflag:$0x2], $0x10000, $0x38;
	[tilespmem:$0x10400] =	vst v63  }
0x20: {  	_ =	swait.ge [sflag:s3], $0x10000  }
0x21: {  	[sflag:s3] =	ssyncset.done $0x0  }
0x22: {  	s15 =	simm.s32 $0x200;
	[sflag:s3] =	ssyncadd.s32 $0xFFFF0000  }
0x23: {  	[tilespmem:s7], [sflag:$0x1] =	stream.indirect.gather [hbm4b:s5+s6], $0x80, s15, s6, $0xb8;
	[tilespmem:$0x10400] =	vst v63  }
0x24: {  	s16 =	simm.s32 $0x280  }
0x25: {  	[tilespmem:s8], [sflag:$0x1] =	stream.indirect.gather [hbm4b:s5+s6], $0x80, s16, s6, $0xb8;
	[tilespmem:$0x10400] =	vst v63  }
0x26: {  	s17 =	simm.s32 $0x300  }
0x27: {  	[tilespmem:s10], [sflag:$0x1] =	stream.indirect.gather [hbm4b:s5+s6], $0x80, s17, s6, $0xb8;
	[tilespmem:$0x10400] =	vst v63  }
0x28: {  	s18 =	simm.s32 $0x380  }
0x29: {  	[tilespmem:s12], [sflag:$0x1] =	stream.indirect.gather [hbm4b:s5+s6], $0x80, s18, s6, $0xb8;
	[tilespmem:$0x10400] =	vst v63  }
0x2a: {  	_ =	swait.ge [sflag:s13], $0x4000  }
0x2b: {  	[sflag:s13] =	ssyncset.done $0x0  }
0x2c: {  	[sflag:s13] =	ssyncadd.s32 $0xFFFFC000  }
0x2d: {  	_ =	swait.ge [sflag:s13], $0x4000  }
0x2e: {  	[sflag:s13] =	ssyncset.done $0x0  }
0x2f: {  	s19 =	ssub.s32 $0x2, s19;
	[sflag:s13] =	ssyncadd.s32 $0xFFFFC000  }
0x30: {  	s21 =	sshrl.u32 s19, $0x1;
	_ =	swait.ge [sflag:s13], $0x4000  }
0x31: {  	s19 =	ssub.s32 s19, s21;
	[sflag:s13] =	ssyncset.done $0x0  }
0x32: {  	s21 =	smax.u32 s19, $0x1;
	[sflag:s13] =	ssyncadd.s32 $0xFFFFC000  }
0x33: {  	p0 =	sne.s32 s21, $0x1;
	_ =	swait.ge [sflag:s13], $0x4000  }
.Ltmp0:
0x34: {  	[sflag:s13] =	ssyncset.done $0x0;
	(pc) =	sbr.rel @!p0 .LBB2_2-.Ltmp0, $4  }
0x35: {  	s19 =	sadd.s32 $0xB8F000, s20;
	[sflag:s13] =	ssyncadd.s32 $0xFFFFC000  }
0x36: {  	[hbm4b:s19+s2] =	stream.linear.scatter [tilespmem:s7], [sflag:$0x2], $0x10000, $0x38;
	[tilespmem:$0x10400] =	vst v63  }
0x37: {  	_ =	swait.ge [sflag:s3], $0x10000  }
0x38: {  	s20 =	sadd.s32 $0xFFFFFFFF, s21;
	[sflag:s3] =	ssyncset.done $0x0  }
.LBB2_1:
0x39: {  	p0 =	sne.s32 s20, $0x1;
	s20 =	sadd.s32 $0xFFFFFFFF, s20;
	[sflag:s3] =	ssyncadd.s32 $0xFFFF0000  }
0x3a: {  	[tilespmem:s2], [sflag:$0x2] =	stream.linear.gather [hbm4b:s4+s2], $0x400, $0x38;
	[tilespmem:$0x10400] =	vst v63  }
0x3b: {  	_ =	swait.ge [sflag:s3], $0x400  }
0x3c: {  	[sflag:s3] =	ssyncset.done $0x0  }
0x3d: {  	[sflag:s3] =	ssyncadd.s32 $0xFFFFFC00  }
0x3e: {  	[tilespmem:s7], [sflag:$0x1] =	stream.indirect.gather [hbm4b:s5+s6], $0x80, s2, s6, $0xb8;
	[tilespmem:$0x10400] =	vst v63  }
0x3f: {  	_ = 	snop  }
0x40: {  	[tilespmem:s8], [sflag:$0x1] =	stream.indirect.gather [hbm4b:s5+s6], $0x80, s6, s6, $0xb8;
	[tilespmem:$0x10400] =	vst v63  }
0x41: {  	_ = 	snop  }
0x42: {  	[tilespmem:s10], [sflag:$0x1] =	stream.indirect.gather [hbm4b:s5+s6], $0x80, s9, s6, $0xb8;
	[tilespmem:$0x10400] =	vst v63  }
0x43: {  	_ = 	snop  }
0x44: {  	[tilespmem:s12], [sflag:$0x1] =	stream.indirect.gather [hbm4b:s5+s6], $0x80, s11, s6, $0xb8;
	[tilespmem:$0x10400] =	vst v63  }
0x45: {  	_ =	swait.ge [sflag:s13], $0x4000  }
0x46: {  	[sflag:s13] =	ssyncset.done $0x0  }
0x47: {  	[sflag:s13] =	ssyncadd.s32 $0xFFFFC000  }
0x48: {  	_ =	swait.ge [sflag:s13], $0x4000  }
0x49: {  	[sflag:s13] =	ssyncset.done $0x0  }
0x4a: {  	[sflag:s13] =	ssyncadd.s32 $0xFFFFC000  }
0x4b: {  	_ =	swait.ge [sflag:s13], $0x4000  }
0x4c: {  	[sflag:s13] =	ssyncset.done $0x0  }
0x4d: {  	[sflag:s13] =	ssyncadd.s32 $0xFFFFC000  }
0x4e: {  	_ =	swait.ge [sflag:s13], $0x4000  }
0x4f: {  	[sflag:s13] =	ssyncset.done $0x0  }
0x50: {  	[sflag:s13] =	ssyncadd.s32 $0xFFFFC000  }
0x51: {  	[hbm4b:s14+s2] =	stream.linear.scatter [tilespmem:s7], [sflag:$0x2], $0x10000, $0x38;
	[tilespmem:$0x10400] =	vst v63  }
0x52: {  	_ =	swait.ge [sflag:s3], $0x10000  }
0x53: {  	[sflag:s3] =	ssyncset.done $0x0  }
0x54: {  	[sflag:s3] =	ssyncadd.s32 $0xFFFF0000  }
0x55: {  	[tilespmem:s7], [sflag:$0x1] =	stream.indirect.gather [hbm4b:s5+s6], $0x80, s15, s6, $0xb8;
	[tilespmem:$0x10400] =	vst v63  }
0x56: {  	_ = 	snop  }
0x57: {  	[tilespmem:s8], [sflag:$0x1] =	stream.indirect.gather [hbm4b:s5+s6], $0x80, s16, s6, $0xb8;
	[tilespmem:$0x10400] =	vst v63  }
0x58: {  	_ = 	snop  }
0x59: {  	[tilespmem:s10], [sflag:$0x1] =	stream.indirect.gather [hbm4b:s5+s6], $0x80, s17, s6, $0xb8;
	[tilespmem:$0x10400] =	vst v63  }
0x5a: {  	_ = 	snop  }
0x5b: {  	[tilespmem:s12], [sflag:$0x1] =	stream.indirect.gather [hbm4b:s5+s6], $0x80, s18, s6, $0xb8;
	[tilespmem:$0x10400] =	vst v63  }
0x5c: {  	_ =	swait.ge [sflag:s13], $0x4000  }
0x5d: {  	[sflag:s13] =	ssyncset.done $0x0  }
0x5e: {  	[sflag:s13] =	ssyncadd.s32 $0xFFFFC000  }
0x5f: {  	_ =	swait.ge [sflag:s13], $0x4000  }
0x60: {  	[sflag:s13] =	ssyncset.done $0x0  }
0x61: {  	[sflag:s13] =	ssyncadd.s32 $0xFFFFC000  }
0x62: {  	_ =	swait.ge [sflag:s13], $0x4000  }
0x63: {  	[sflag:s13] =	ssyncset.done $0x0  }
0x64: {  	[sflag:s13] =	ssyncadd.s32 $0xFFFFC000  }
0x65: {  	_ =	swait.ge [sflag:s13], $0x4000  }
.Ltmp1:
0x66: {  	[sflag:s13] =	ssyncset.done $0x0;
	(pc) =	sbr.rel @p0 .LBB2_1-.Ltmp1, $4  }
0x67: {  	[sflag:s13] =	ssyncadd.s32 $0xFFFFC000  }
0x68: {  	[hbm4b:s19+s2] =	stream.linear.scatter [tilespmem:s7], [sflag:$0x2], $0x10000, $0x38;
	[tilespmem:$0x10400] =	vst v63  }
0x69: {  	_ =	swait.ge [sflag:s3], $0x10000  }
0x6a: {  	[sflag:s3] =	ssyncset.done $0x0  }
.LBB2_2:
0x6b: {  	[sflag:s3] =	ssyncadd.s32 $0xFFFF0000  }
0x6c: {  	_ =	sfence.sel $0x180000  }
0x6d: {  	[bflag:$0x0] =	sbarrier.arrive $0xFFFF  }
0x6e: {  	p0 =	sne.s32 s0, $0x0;
	_ =	strace $0x90000050  }
0x6f: {  	s0 =	sadd.s32 @!p0 $0x100000, s1;
	[bflag:$0x2] =	sbarrier.arrive $0xFFFF  }
0x70: {  	[sflag:s0] =	ssyncadd.tile.s32 @!p0 $0x1;
	_ =	shalt  }
.Lfunc_end2:
_tile_overlayer_lowered:
.L_overlay_start_2:
0x71: {  	(tag) =	ssettag $0x2  }
0x72: {  	s0 =	rddreg [dreg:$0x0];
	s2 =	stileid.u32  }
0x73: {  	s1 =	rddreg [dreg:$0x1];
	p0 =	sne.s32 s2, $0x0  }
0x74: {  	s3 =	rddreg [dreg:$0x2];
	[bflag:$0x3] =	sbarrier.arrive $0xFFFF;
	s2 =	simm.s32 @!p0 $0x1C02  }
0x75: {  	[timem:s3], [sflag:s2] =	dma.local @!p0 [hbm:s0], s1  }
0x76: {  	s0 =	simm.s32 @!p0 $0x2  }
0x77: {  	_ =	swait.ge @!p0 [sflag:s0], s1  }
0x78: {  	s1 =	ssub.s32 @!p0 $0x0, s1;
	[sflag:s0] =	ssyncset.done @!p0 $0x0  }
0x79: {  	[sflag:s0] =	ssyncadd.s32 @!p0 s1  }
0x7a: {  	[bflag:$0x3] =	sbarrier.arrive $0xFFFF  }
0x7b: {  	_ =	shalt  }

</sc_bundles>
